<compile_context>
chip_gen: v7x
topology: tpu7x:2x2x1
jax: 0.10.2.dev20260603
libtpu: 0.0.44.dev20260713+nightly
codegen_flags: <defaults>
</compile_context>

<pallas_src>
import functools

import jax
import jax.numpy as jnp
from jax import lax
from jax.experimental import pallas as pl
from jax.experimental.pallas import tpu as pltpu
from jax.experimental.pallas import tpu_sc as plsc

EMB = 64
EMB_PAD = 128
ROWS = 16384
COLS = 50
COLS_PAD = 56
B_TOTAL = ROWS * COLS
NUM_WORKERS = 32
PER_W = B_TOTAL // NUM_WORKERS
XR_PER_W = ROWS // NUM_WORKERS
CHUNK_XR = 16
CHUNK = CHUNK_XR * COLS
NCHUNK = XR_PER_W // CHUNK_XR


def _emb_body(x_hbm, tab_hbm, out_hbm,
              idx_all, rows0, rows1, gsem0, gsem1, wsem0, wsem1):
    wid = lax.axis_index("s") * 2 + lax.axis_index("c")
    base = wid * PER_W
    xr_base = wid * XR_PER_W
    rows = (rows0, rows1)
    gsem = (gsem0, gsem1)
    wsem = (wsem0, wsem1)

    pltpu.sync_copy(x_hbm.at[pl.ds(base, PER_W)], idx_all)

    def gather(i, b):
        pltpu.async_copy(
            tab_hbm.at[idx_all.at[pl.ds(i * CHUNK, CHUNK)]], rows[b], gsem[b])

    def wait_gather(i, b):
        pltpu.make_async_copy(
            tab_hbm.at[idx_all.at[pl.ds(i * CHUNK, CHUNK)]], rows[b],
            gsem[b]).wait()

    def writeout(i, b):
        for j in range(CHUNK_XR):
            pltpu.async_copy(
                rows[b].at[pl.ds(j * COLS, COLS)],
                out_hbm.at[xr_base + i * CHUNK_XR + j,
                           pl.ds(0, COLS), pl.ds(0, EMB)],
                wsem[b])

    def wait_writeout(i, b):
        for j in range(CHUNK_XR):
            pltpu.make_async_copy(
                rows[b].at[pl.ds(j * COLS, COLS)],
                out_hbm.at[xr_base + i * CHUNK_XR + j,
                           pl.ds(0, COLS), pl.ds(0, EMB)],
                wsem[b]).wait()

    gather(0, 0)
    gather(1, 1)

    def outer(g, carry):
        for b in range(2):
            i = 2 * g + b
            wait_gather(i, b)
            writeout(i, b)
            wait_writeout(i, b)
            gather(i + 2, b)
        return carry

    lax.fori_loop(0, NCHUNK // 2 - 1, outer, 0)

    for b in range(2):
        i = NCHUNK - 2 + b
        wait_gather(i, b)
        writeout(i, b)
    for b in range(2):
        wait_writeout(NCHUNK - 2 + b, b)


_emb = functools.partial(
    pl.kernel,
    out_type=jax.ShapeDtypeStruct((ROWS, COLS_PAD, EMB_PAD), jnp.float32),
    mesh=plsc.VectorSubcoreMesh(core_axis_name="c", subcore_axis_name="s"),
    scratch_types=[
        pltpu.VMEM((PER_W,), jnp.int32),
        pltpu.VMEM((CHUNK, EMB), jnp.float32),
        pltpu.VMEM((CHUNK, EMB), jnp.float32),
        pltpu.SemaphoreType.DMA,
        pltpu.SemaphoreType.DMA,
        pltpu.SemaphoreType.DMA,
        pltpu.SemaphoreType.DMA,
    ],
    compiler_params=pltpu.CompilerParams(use_tc_tiling_on_sc=False),
)(_emb_body)


def kernel(x, input_weight):
    flat = x.reshape(-1).astype(jnp.int32)
    out_big = _emb(flat, input_weight)
    return out_big[:, :COLS, :EMB]

# --- scband reference (transcript-rebuilt; emitter-appended) ---
"""Pipeline reference for scband-word2-vec-60636348284938 (READ-ONLY COPY).

The authoritative reference and input builder live on the scoring server;
editing this copy changes nothing except your own understanding.
"""

import jax, jax.numpy as jnp
import numpy as np

VOCAB = 100000
EMB = 64

def setup_inputs(seed: int = 0) -> dict:
    key = jax.random.key(seed)
    k1, k2 = jax.random.split(key)
    x = jax.random.randint(k1, (16384, 50), 0, VOCAB, dtype=jnp.int64) if jax.config.jax_enable_x64 else jax.random.randint(k1, (16384, 50), 0, VOCAB, dtype=jnp.int32)
    # input embedding table: row 0 (padding_idx) zeros, rest uniform(-0.5/emb, 0.5/emb)
    lim = 0.5 / EMB
    body = jax.random.uniform(k2, (VOCAB - 1, EMB), dtype=jnp.float32, minval=-lim, maxval=lim)
    input_weight = jnp.concatenate([jnp.zeros((1, EMB), dtype=jnp.float32), body], axis=0)
    return {"x": x, "input_weight": input_weight}

def reference(x, input_weight):
    # Word2Vec.forward -> input_forward: embedding lookup on the input table
    return jnp.take(input_weight, x, axis=0)

if __name__ == "__main__":
    import jax
    _d = setup_inputs()
    print(jax.jit(kernel)(*tuple(_d.values())))

</pallas_src>

<mosaic_0001>
#map = affine_map<(d0, d1) -> (0)>
#map1 = affine_map<(d0, d1) -> (0, 0)>
#map2 = affine_map<(d0, d1) -> (0, 0, 0)>
module attributes {stable_mosaic.version = 14 : i64} {
  func.func @_emb_body(%arg0: i32, %arg1: i32, %arg2: memref<819200xi32, #tpu.memory_space<hbm>>, %arg3: memref<100000x64xf32, #tpu.memory_space<hbm>>, %arg4: memref<16384x56x128xf32, #tpu.memory_space<hbm>>, %arg5: memref<25600xi32, #tpu.memory_space<vmem>>, %arg6: memref<800x64xf32, #tpu.memory_space<vmem>>, %arg7: memref<800x64xf32, #tpu.memory_space<vmem>>, %arg8: memref<!tpu.dma_semaphore, #tpu.memory_space<semaphore_mem>>, %arg9: memref<!tpu.dma_semaphore, #tpu.memory_space<semaphore_mem>>, %arg10: memref<!tpu.dma_semaphore, #tpu.memory_space<semaphore_mem>>, %arg11: memref<!tpu.dma_semaphore, #tpu.memory_space<semaphore_mem>>) attributes {dimension_semantics = [#tpu.dimension_semantics<core_parallel>, #tpu.dimension_semantics<subcore_parallel>], iteration_bounds = array<i64: 2, 16>, scalar_prefetch = 0 : i64, scratch_operands = 7 : i64, tpu.core_type = #tpu.core_type<sc_vector_subcore>, window_params = [{transform_indices = #map}, {transform_indices = #map1}, {transform_indices = #map2}]} {
    %mul3A = arith.constant 2 : i32
    %mul3A_0 = arith.muli %arg1, %mul3A : i32
    %add3A = arith.addi %mul3A_0, %arg0 : i32
    %mul3A_1 = arith.constant 25600 : i32
    %mul3A_2 = arith.muli %add3A, %mul3A_1 : i32
    %mul3A_3 = arith.constant 512 : i32
    %mul3A_4 = arith.muli %add3A, %mul3A_3 : i32
    "tpu.region"() ({
      %run_scoped3A = tpu.sem_alloc : memref<!tpu.dma_semaphore, #tpu.memory_space<semaphore_mem>>
      %dma_start3A_1180 = tpu.memref_slice %arg2[%mul3A_2] : memref<819200xi32, #tpu.memory_space<hbm>> -> memref<25600xi32, #tpu.memory_space<hbm>>
      %dma_start3A_1181 = tpu.memref_slice %arg2[%mul3A_2] : memref<819200xi32, #tpu.memory_space<hbm>> -> memref<25600xi32, #tpu.memory_space<hbm>>
      tpu.enqueue_dma source(%dma_start3A_1181 : memref<25600xi32, #tpu.memory_space<hbm>>) target(%arg5 : memref<25600xi32, #tpu.memory_space<vmem>>) target_semaphore(%run_scoped3A : memref<!tpu.dma_semaphore, #tpu.memory_space<semaphore_mem>>)
      %dma_wait3A_1182 = tpu.memref_slice %arg2[%mul3A_2] : memref<819200xi32, #tpu.memory_space<hbm>> -> memref<25600xi32, #tpu.memory_space<hbm>>
      %dma_wait3A_1183 = tpu.memref_slice %arg2[%mul3A_2] : memref<819200xi32, #tpu.memory_space<hbm>> -> memref<25600xi32, #tpu.memory_space<hbm>>
      tpu.wait_dma2 semaphore(%run_scoped3A : memref<!tpu.dma_semaphore, #tpu.memory_space<semaphore_mem>>) src(%dma_wait3A_1183 : memref<25600xi32, #tpu.memory_space<hbm>>) dst(%arg5 : memref<25600xi32, #tpu.memory_space<vmem>>)
      tpu.yield
    }) : () -> ()
    %dma_start3A = arith.constant 0 : i32
    %dma_start3A_5 = tpu.memref_slice %arg5[%dma_start3A] : memref<25600xi32, #tpu.memory_space<vmem>> -> memref<800xi32, #tpu.memory_space<vmem>>
    %dma_start3A_6 = arith.constant 0 : i32
    %dma_start3A_7 = arith.constant 0 : i32
    %dma_start3A_8 = tpu.memref_slice %arg3[%dma_start3A_6, %dma_start3A_7] : memref<100000x64xf32, #tpu.memory_space<hbm>> -> memref<100000x64xf32, #tpu.memory_space<hbm>>
    tpu.enqueue_indirect_dma source(%dma_start3A_8 : memref<100000x64xf32, #tpu.memory_space<hbm>>) target(%arg6 : memref<800x64xf32, #tpu.memory_space<vmem>>) offsets(%dma_start3A_5 : memref<800xi32, #tpu.memory_space<vmem>>) semaphore(%arg8 : memref<!tpu.dma_semaphore, #tpu.memory_space<semaphore_mem>>)
    %dma_start3A_9 = arith.constant 800 : i32
    %dma_start3A_10 = tpu.memref_slice %arg5[%dma_start3A_9] : memref<25600xi32, #tpu.memory_space<vmem>> -> memref<800xi32, #tpu.memory_space<vmem>>
    %dma_start3A_11 = arith.constant 0 : i32
    %dma_start3A_12 = arith.constant 0 : i32
    %dma_start3A_13 = tpu.memref_slice %arg3[%dma_start3A_11, %dma_start3A_12] : memref<100000x64xf32, #tpu.memory_space<hbm>> -> memref<100000x64xf32, #tpu.memory_space<hbm>>
    tpu.enqueue_indirect_dma source(%dma_start3A_13 : memref<100000x64xf32, #tpu.memory_space<hbm>>) target(%arg7 : memref<800x64xf32, #tpu.memory_space<vmem>>) offsets(%dma_start3A_10 : memref<800xi32, #tpu.memory_space<vmem>>) semaphore(%arg9 : memref<!tpu.dma_semaphore, #tpu.memory_space<semaphore_mem>>)
    %scan3A = arith.constant 0 : i32
    %scan3A_14 = arith.constant 0 : i32
    %scan3A_15 = arith.constant 15 : i32
    %scan3A_16 = arith.addi %scan3A_14, %scan3A_15 : i32
    %scan3A_17 = arith.constant 1 : i32
    scf.for %scan3A_1180 = %scan3A_14 to %scan3A_16 step %scan3A_17  : i32 {
      %mul3A_1181 = arith.constant 2 : i32
      %mul3A_1182 = arith.muli %mul3A_1181, %scan3A_1180 : i32
      %add3A_1183 = arith.constant 0 : i32
      %add3A_1184 = arith.addi %mul3A_1182, %add3A_1183 : i32
      %mul3A_1185 = arith.constant 800 : i32
      %mul3A_1186 = arith.muli %add3A_1184, %mul3A_1185 : i32
      %dma_wait3A_1187 = tpu.memref_slice %arg5[%mul3A_1186] : memref<25600xi32, #tpu.memory_space<vmem>> -> memref<800xi32, #tpu.memory_space<vmem>>
      %dma_wait3A_1188 = arith.constant 0 : i32
      %dma_wait3A_1189 = arith.constant 0 : i32
      %dma_wait3A_1190 = tpu.memref_slice %arg3[%dma_wait3A_1188, %dma_wait3A_1189] : memref<100000x64xf32, #tpu.memory_space<hbm>> -> memref<100000x64xf32, #tpu.memory_space<hbm>>
      tpu.wait_indirect_dma semaphore(%arg8 : memref<!tpu.dma_semaphore, #tpu.memory_space<semaphore_mem>>) src(%dma_wait3A_1190 : memref<100000x64xf32, #tpu.memory_space<hbm>>) dst(%arg6 : memref<800x64xf32, #tpu.memory_space<vmem>>)
      %mul3A_1191 = arith.constant 16 : i32
      %mul3A_1192 = arith.muli %add3A_1184, %mul3A_1191 : i32
      %add3A_1193 = arith.addi %mul3A_4, %mul3A_1192 : i32
      %add3A_1194 = arith.constant 0 : i32
      %add3A_1195 = arith.addi %add3A_1193, %add3A_1194 : i32
      %dma_start3A_1196 = arith.constant 0 : i32
      %dma_start3A_1197 = arith.constant 0 : i32
      %dma_start3A_1198 = tpu.memref_slice %arg6[%dma_start3A_1196, %dma_start3A_1197] : memref<800x64xf32, #tpu.memory_space<vmem>> -> memref<50x64xf32, #tpu.memory_space<vmem>>
      %dma_start3A_1199 = arith.constant 0 : i32
      %dma_start3A_1200 = arith.constant 0 : i32
      %dma_start3A_1201 = tpu.memref_slice %arg4[%add3A_1195, %dma_start3A_1199, %dma_start3A_1200] : memref<16384x56x128xf32, #tpu.memory_space<hbm>> -> memref<1x50x64xf32, #tpu.memory_space<hbm>>
      %dma_start3A_1202 = tpu.memref_squeeze %dma_start3A_1201 : memref<1x50x64xf32, #tpu.memory_space<hbm>> -> memref<50x64xf32, #tpu.memory_space<hbm>>
      %dma_start3A_1203 = arith.constant 0 : i32
      %dma_start3A_1204 = arith.constant 0 : i32
      %dma_start3A_1205 = tpu.memref_slice %arg4[%add3A_1195, %dma_start3A_1203, %dma_start3A_1204] : memref<16384x56x128xf32, #tpu.memory_space<hbm>> -> memref<1x50x64xf32, #tpu.memory_space<hbm>>
      %dma_start3A_1206 = tpu.memref_squeeze %dma_start3A_1205 : memref<1x50x64xf32, #tpu.memory_space<hbm>> -> memref<50x64xf32, #tpu.memory_space<hbm>>
      %dma_start3A_1207 = arith.constant 0 : i32
      %dma_start3A_1208 = arith.constant 0 : i32
      %dma_start3A_1209 = tpu.memref_slice %arg6[%dma_start3A_1207, %dma_start3A_1208] : memref<800x64xf32, #tpu.memory_space<vmem>> -> memref<50x64xf32, #tpu.memory_space<vmem>>
      tpu.enqueue_dma source(%dma_start3A_1209 : memref<50x64xf32, #tpu.memory_space<vmem>>) target(%dma_start3A_1206 : memref<50x64xf32, #tpu.memory_space<hbm>>) target_semaphore(%arg10 : memref<!tpu.dma_semaphore, #tpu.memory_space<semaphore_mem>>)
      %mul3A_1210 = arith.constant 16 : i32
      %mul3A_1211 = arith.muli %add3A_1184, %mul3A_1210 : i32
      %add3A_1212 = arith.addi %mul3A_4, %mul3A_1211 : i32
      %add3A_1213 = arith.constant 1 : i32
      %add3A_1214 = arith.addi %add3A_1212, %add3A_1213 : i32
      %dma_start3A_1215 = arith.constant 50 : i32
      %dma_start3A_1216 = arith.constant 0 : i32
      %dma_start3A_1217 = tpu.memref_slice %arg6[%dma_start3A_1215, %dma_start3A_1216] : memref<800x64xf32, #tpu.memory_space<vmem>> -> memref<50x64xf32, #tpu.memory_space<vmem>>
      %dma_start3A_1218 = arith.constant 0 : i32
      %dma_start3A_1219 = arith.constant 0 : i32
      %dma_start3A_1220 = tpu.memref_slice %arg4[%add3A_1214, %dma_start3A_1218, %dma_start3A_1219] : memref<16384x56x128xf32, #tpu.memory_space<hbm>> -> memref<1x50x64xf32, #tpu.memory_space<hbm>>
      %dma_start3A_1221 = tpu.memref_squeeze %dma_start3A_1220 : memref<1x50x64xf32, #tpu.memory_space<hbm>> -> memref<50x64xf32, #tpu.memory_space<hbm>>
      %dma_start3A_1222 = arith.constant 0 : i32
      %dma_start3A_1223 = arith.constant 0 : i32
      %dma_start3A_1224 = tpu.memref_slice %arg4[%add3A_1214, %dma_start3A_1222, %dma_start3A_1223] : memref<16384x56x128xf32, #tpu.memory_space<hbm>> -> memref<1x50x64xf32, #tpu.memory_space<hbm>>
      %dma_start3A_1225 = tpu.memref_squeeze %dma_start3A_1224 : memref<1x50x64xf32, #tpu.memory_space<hbm>> -> memref<50x64xf32, #tpu.memory_space<hbm>>
      %dma_start3A_1226 = arith.constant 50 : i32
      %dma_start3A_1227 = arith.constant 0 : i32
      %dma_start3A_1228 = tpu.memref_slice %arg6[%dma_start3A_1226, %dma_start3A_1227] : memref<800x64xf32, #tpu.memory_space<vmem>> -> memref<50x64xf32, #tpu.memory_space<vmem>>
      tpu.enqueue_dma source(%dma_start3A_1228 : memref<50x64xf32, #tpu.memory_space<vmem>>) target(%dma_start3A_1225 : memref<50x64xf32, #tpu.memory_space<hbm>>) target_semaphore(%arg10 : memref<!tpu.dma_semaphore, #tpu.memory_space<semaphore_mem>>)
      %mul3A_1229 = arith.constant 16 : i32
      %mul3A_1230 = arith.muli %add3A_1184, %mul3A_1229 : i32
      %add3A_1231 = arith.addi %mul3A_4, %mul3A_1230 : i32
      %add3A_1232 = arith.constant 2 : i32
      %add3A_1233 = arith.addi %add3A_1231, %add3A_1232 : i32
      %dma_start3A_1234 = arith.constant 100 : i32
      %dma_start3A_1235 = arith.constant 0 : i32
      %dma_start3A_1236 = tpu.memref_slice %arg6[%dma_start3A_1234, %dma_start3A_1235] : memref<800x64xf32, #tpu.memory_space<vmem>> -> memref<50x64xf32, #tpu.memory_space<vmem>>
      %dma_start3A_1237 = arith.constant 0 : i32
      %dma_start3A_1238 = arith.constant 0 : i32
      %dma_start3A_1239 = tpu.memref_slice %arg4[%add3A_1233, %dma_start3A_1237, %dma_start3A_1238] : memref<16384x56x128xf32, #tpu.memory_space<hbm>> -> memref<1x50x64xf32, #tpu.memory_space<hbm>>
      %dma_start3A_1240 = tpu.memref_squeeze %dma_start3A_1239 : memref<1x50x64xf32, #tpu.memory_space<hbm>> -> memref<50x64xf32, #tpu.memory_space<hbm>>
      %dma_start3A_1241 = arith.constant 0 : i32
      %dma_start3A_1242 = arith.constant 0 : i32
      %dma_start3A_1243 = tpu.memref_slice %arg4[%add3A_1233, %dma_start3A_1241, %dma_start3A_1242] : memref<16384x56x128xf32, #tpu.memory_space<hbm>> -> memref<1x50x64xf32, #tpu.memory_space<hbm>>
      %dma_start3A_1244 = tpu.memref_squeeze %dma_start3A_1243 : memref<1x50x64xf32, #tpu.memory_space<hbm>> -> memref<50x64xf32, #tpu.memory_space<hbm>>
      %dma_start3A_1245 = arith.constant 100 : i32
      %dma_start3A_1246 = arith.constant 0 : i32
      %dma_start3A_1247 = tpu.memref_slice %arg6[%dma_start3A_1245, %dma_start3A_1246] : memref<800x64xf32, #tpu.memory_space<vmem>> -> memref<50x64xf32, #tpu.memory_space<vmem>>
      tpu.enqueue_dma source(%dma_start3A_1247 : memref<50x64xf32, #tpu.memory_space<vmem>>) target(%dma_start3A_1244 : memref<50x64xf32, #tpu.memory_space<hbm>>) target_semaphore(%arg10 : memref<!tpu.dma_semaphore, #tpu.memory_space<semaphore_mem>>)
      %mul3A_1248 = arith.constant 16 : i32
      %mul3A_1249 = arith.muli %add3A_1184, %mul3A_1248 : i32
      %add3A_1250 = arith.addi %mul3A_4, %mul3A_1249 : i32
      %add3A_1251 = arith.constant 3 : i32
      %add3A_1252 = arith.addi %add3A_1250, %add3A_1251 : i32
      %dma_start3A_1253 = arith.constant 150 : i32
      %dma_start3A_1254 = arith.constant 0 : i32
      %dma_start3A_1255 = tpu.memref_slice %arg6[%dma_start3A_1253, %dma_start3A_1254] : memref<800x64xf32, #tpu.memory_space<vmem>> -> memref<50x64xf32, #tpu.memory_space<vmem>>
      %dma_start3A_1256 = arith.constant 0 : i32
      %dma_start3A_1257 = arith.constant 0 : i32
      %dma_start3A_1258 = tpu.memref_slice %arg4[%add3A_1252, %dma_start3A_1256, %dma_start3A_1257] : memref<16384x56x128xf32, #tpu.memory_space<hbm>> -> memref<1x50x64xf32, #tpu.memory_space<hbm>>
      %dma_start3A_1259 = tpu.memref_squeeze %dma_start3A_1258 : memref<1x50x64xf32, #tpu.memory_space<hbm>> -> memref<50x64xf32, #tpu.memory_space<hbm>>
      %dma_start3A_1260 = arith.constant 0 : i32
      %dma_start3A_1261 = arith.constant 0 : i32
      %dma_start3A_1262 = tpu.memref_slice %arg4[%add3A_1252, %dma_start3A_1260, %dma_start3A_1261] : memref<16384x56x128xf32, #tpu.memory_space<hbm>> -> memref<1x50x64xf32, #tpu.memory_space<hbm>>
      %dma_start3A_1263 = tpu.memref_squeeze %dma_start3A_1262 : memref<1x50x64xf32, #tpu.memory_space<hbm>> -> memref<50x64xf32, #tpu.memory_space<hbm>>
      %dma_start3A_1264 = arith.constant 150 : i32
      %dma_start3A_1265 = arith.constant 0 : i32
      %dma_start3A_1266 = tpu.memref_slice %arg6[%dma_start3A_1264, %dma_start3A_1265] : memref<800x64xf32, #tpu.memory_space<vmem>> -> memref<50x64xf32, #tpu.memory_space<vmem>>
      tpu.enqueue_dma source(%dma_start3A_1266 : memref<50x64xf32, #tpu.memory_space<vmem>>) target(%dma_start3A_1263 : memref<50x64xf32, #tpu.memory_space<hbm>>) target_semaphore(%arg10 : memref<!tpu.dma_semaphore, #tpu.memory_space<semaphore_mem>>)
      %mul3A_1267 = arith.constant 16 : i32
      %mul3A_1268 = arith.muli %add3A_1184, %mul3A_1267 : i32
      %add3A_1269 = arith.addi %mul3A_4, %mul3A_1268 : i32
      %add3A_1270 = arith.constant 4 : i32
      %add3A_1271 = arith.addi %add3A_1269, %add3A_1270 : i32
      %dma_start3A_1272 = arith.constant 200 : i32
      %dma_start3A_1273 = arith.constant 0 : i32
      %dma_start3A_1274 = tpu.memref_slice %arg6[%dma_start3A_1272, %dma_start3A_1273] : memref<800x64xf32, #tpu.memory_space<vmem>> -> memref<50x64xf32, #tpu.memory_space<vmem>>
      %dma_start3A_1275 = arith.constant 0 : i32
      %dma_start3A_1276 = arith.constant 0 : i32
      %dma_start3A_1277 = tpu.memref_slice %arg4[%add3A_1271, %dma_start3A_1275, %dma_start3A_1276] : memref<16384x56x128xf32, #tpu.memory_space<hbm>> -> memref<1x50x64xf32, #tpu.memory_space<hbm>>
      %dma_start3A_1278 = tpu.memref_squeeze %dma_start3A_1277 : memref<1x50x64xf32, #tpu.memory_space<hbm>> -> memref<50x64xf32, #tpu.memory_space<hbm>>
      %dma_start3A_1279 = arith.constant 0 : i32
      %dma_start3A_1280 = arith.constant 0 : i32
      %dma_start3A_1281 = tpu.memref_slice %arg4[%add3A_1271, %dma_start3A_1279, %dma_start3A_1280] : memref<16384x56x128xf32, #tpu.memory_space<hbm>> -> memref<1x50x64xf32, #tpu.memory_space<hbm>>
      %dma_start3A_1282 = tpu.memref_squeeze %dma_start3A_1281 : memref<1x50x64xf32, #tpu.memory_space<hbm>> -> memref<50x64xf32, #tpu.memory_space<hbm>>
      %dma_start3A_1283 = arith.constant 200 : i32
      %dma_start3A_1284 = arith.constant 0 : i32
      %dma_start3A_1285 = tpu.memref_slice %arg6[%dma_start3A_1283, %dma_start3A_1284] : memref<800x64xf32, #tpu.memory_space<vmem>> -> memref<50x64xf32, #tpu.memory_space<vmem>>
      tpu.enqueue_dma source(%dma_start3A_1285 : memref<50x64xf32, #tpu.memory_space<vmem>>) target(%dma_start3A_1282 : memref<50x64xf32, #tpu.memory_space<hbm>>) target_semaphore(%arg10 : memref<!tpu.dma_semaphore, #tpu.memory_space<semaphore_mem>>)
      %mul3A_1286 = arith.constant 16 : i32
      %mul3A_1287 = arith.muli %add3A_1184, %mul3A_1286 : i32
      %add3A_1288 = arith.addi %mul3A_4, %mul3A_1287 : i32
      %add3A_1289 = arith.constant 5 : i32
      %add3A_1290 = arith.addi %add3A_1288, %add3A_1289 : i32
      %dma_start3A_1291 = arith.constant 250 : i32
      %dma_start3A_1292 = arith.constant 0 : i32
      %dma_start3A_1293 = tpu.memref_slice %arg6[%dma_start3A_1291, %dma_start3A_1292] : memref<800x64xf32, #tpu.memory_space<vmem>> -> memref<50x64xf32, #tpu.memory_space<vmem>>
      %dma_start3A_1294 = arith.constant 0 : i32
      %dma_start3A_1295 = arith.constant 0 : i32
      %dma_start3A_1296 = tpu.memref_slice %arg4[%add3A_1290, %dma_start3A_1294, %dma_start3A_1295] : memref<16384x56x128xf32, #tpu.memory_space<hbm>> -> memref<1x50x64xf32, #tpu.memory_space<hbm>>
      %dma_start3A_1297 = tpu.memref_squeeze %dma_start3A_1296 : memref<1x50x64xf32, #tpu.memory_space<hbm>> -> memref<50x64xf32, #tpu.memory_space<hbm>>
      %dma_start3A_1298 = arith.constant 0 : i32
      %dma_start3A_1299 = arith.constant 0 : i32
      %dma_start3A_1300 = tpu.memref_slice %arg4[%add3A_1290, %dma_start3A_1298, %dma_start3A_1299] : memref<16384x56x128xf32, #tpu.memory_space<hbm>> -> memref<1x50x64xf32, #tpu.memory_space<hbm>>
      %dma_start3A_1301 = tpu.memref_squeeze %dma_start3A_1300 : memref<1x50x64xf32, #tpu.memory_space<hbm>> -> memref<50x64xf32, #tpu.memory_space<hbm>>
      %dma_start3A_1302 = arith.constant 250 : i32
      %dma_start3A_1303 = arith.constant 0 : i32
      %dma_start3A_1304 = tpu.memref_slice %arg6[%dma_start3A_1302, %dma_start3A_1303] : memref<800x64xf32, #tpu.memory_space<vmem>> -> memref<50x64xf32, #tpu.memory_space<vmem>>
      tpu.enqueue_dma source(%dma_start3A_1304 : memref<50x64xf32, #tpu.memory_space<vmem>>) target(%dma_start3A_1301 : memref<50x64xf32, #tpu.memory_space<hbm>>) target_semaphore(%arg10 : memref<!tpu.dma_semaphore, #tpu.memory_space<semaphore_mem>>)
      %mul3A_1305 = arith.constant 16 : i32
      %mul3A_1306 = arith.muli %add3A_1184, %mul3A_1305 : i32
      %add3A_1307 = arith.addi %mul3A_4, %mul3A_1306 : i32
      %add3A_1308 = arith.constant 6 : i32
      %add3A_1309 = arith.addi %add3A_1307, %add3A_1308 : i32
      %dma_start3A_1310 = arith.constant 300 : i32
      %dma_start3A_1311 = arith.constant 0 : i32
      %dma_start3A_1312 = tpu.memref_slice %arg6[%dma_start3A_1310, %dma_start3A_1311] : memref<800x64xf32, #tpu.memory_space<vmem>> -> memref<50x64xf32, #tpu.memory_space<vmem>>
      %dma_start3A_1313 = arith.constant 0 : i32
      %dma_start3A_1314 = arith.constant 0 : i32
      %dma_start3A_1315 = tpu.memref_slice %arg4[%add3A_1309, %dma_start3A_1313, %dma_start3A_1314] : memref<16384x56x128xf32, #tpu.memory_space<hbm>> -> memref<1x50x64xf32, #tpu.memory_space<hbm>>
      %dma_start3A_1316 = tpu.memref_squeeze %dma_start3A_1315 : memref<1x50x64xf32, #tpu.memory_space<hbm>> -> memref<50x64xf32, #tpu.memory_space<hbm>>
      %dma_start3A_1317 = arith.constant 0 : i32
      %dma_start3A_1318 = arith.constant 0 : i32
      %dma_start3A_1319 = tpu.memref_slice %arg4[%add3A_1309, %dma_start3A_1317, %dma_start3A_1318] : memref<16384x56x128xf32, #tpu.memory_space<hbm>> -> memref<1x50x64xf32, #tpu.memory_space<hbm>>
      %dma_start3A_1320 = tpu.memref_squeeze %dma_start3A_1319 : memref<1x50x64xf32, #tpu.memory_space<hbm>> -> memref<50x64xf32, #tpu.memory_space<hbm>>
      %dma_start3A_1321 = arith.constant 300 : i32
      %dma_start3A_1322 = arith.constant 0 : i32
      %dma_start3A_1323 = tpu.memref_slice %arg6[%dma_start3A_1321, %dma_start3A_1322] : memref<800x64xf32, #tpu.memory_space<vmem>> -> memref<50x64xf32, #tpu.memory_space<vmem>>
      tpu.enqueue_dma source(%dma_start3A_1323 : memref<50x64xf32, #tpu.memory_space<vmem>>) target(%dma_start3A_1320 : memref<50x64xf32, #tpu.memory_space<hbm>>) target_semaphore(%arg10 : memref<!tpu.dma_semaphore, #tpu.memory_space<semaphore_mem>>)
      %mul3A_1324 = arith.constant 16 : i32
      %mul3A_1325 = arith.muli %add3A_1184, %mul3A_1324 : i32
      %add3A_1326 = arith.addi %mul3A_4, %mul3A_1325 : i32
      %add3A_1327 = arith.constant 7 : i32
      %add3A_1328 = arith.addi %add3A_1326, %add3A_1327 : i32
      %dma_start3A_1329 = arith.constant 350 : i32
      %dma_start3A_1330 = arith.constant 0 : i32
      %dma_start3A_1331 = tpu.memref_slice %arg6[%dma_start3A_1329, %dma_start3A_1330] : memref<800x64xf32, #tpu.memory_space<vmem>> -> memref<50x64xf32, #tpu.memory_space<vmem>>
      %dma_start3A_1332 = arith.constant 0 : i32
      %dma_start3A_1333 = arith.constant 0 : i32
      %dma_start3A_1334 = tpu.memref_slice %arg4[%add3A_1328, %dma_start3A_1332, %dma_start3A_1333] : memref<16384x56x128xf32, #tpu.memory_space<hbm>> -> memref<1x50x64xf32, #tpu.memory_space<hbm>>
      %dma_start3A_1335 = tpu.memref_squeeze %dma_start3A_1334 : memref<1x50x64xf32, #tpu.memory_space<hbm>> -> memref<50x64xf32, #tpu.memory_space<hbm>>
      %dma_start3A_1336 = arith.constant 0 : i32
      %dma_start3A_1337 = arith.constant 0 : i32
      %dma_start3A_1338 = tpu.memref_slice %arg4[%add3A_1328, %dma_start3A_1336, %dma_start3A_1337] : memref<16384x56x128xf32, #tpu.memory_space<hbm>> -> memref<1x50x64xf32, #tpu.memory_space<hbm>>
      %dma_start3A_1339 = tpu.memref_squeeze %dma_start3A_1338 : memref<1x50x64xf32, #tpu.memory_space<hbm>> -> memref<50x64xf32, #tpu.memory_space<hbm>>
      %dma_start3A_1340 = arith.constant 350 : i32
      %dma_start3A_1341 = arith.constant 0 : i32
      %dma_start3A_1342 = tpu.memref_slice %arg6[%dma_start3A_1340, %dma_start3A_1341] : memref<800x64xf32, #tpu.memory_space<vmem>> -> memref<50x64xf32, #tpu.memory_space<vmem>>
      tpu.enqueue_dma source(%dma_start3A_1342 : memref<50x64xf32, #tpu.memory_space<vmem>>) target(%dma_start3A_1339 : memref<50x64xf32, #tpu.memory_space<hbm>>) target_semaphore(%arg10 : memref<!tpu.dma_semaphore, #tpu.memory_space<semaphore_mem>>)
      %mul3A_1343 = arith.constant 16 : i32
      %mul3A_1344 = arith.muli %add3A_1184, %mul3A_1343 : i32
      %add3A_1345 = arith.addi %mul3A_4, %mul3A_1344 : i32
      %add3A_1346 = arith.constant 8 : i32
      %add3A_1347 = arith.addi %add3A_1345, %add3A_1346 : i32
      %dma_start3A_1348 = arith.constant 400 : i32
      %dma_start3A_1349 = arith.constant 0 : i32
      %dma_start3A_1350 = tpu.memref_slice %arg6[%dma_start3A_1348, %dma_start3A_1349] : memref<800x64xf32, #tpu.memory_space<vmem>> -> memref<50x64xf32, #tpu.memory_space<vmem>>
      %dma_start3A_1351 = arith.constant 0 : i32
      %dma_start3A_1352 = arith.constant 0 : i32
      %dma_start3A_1353 = tpu.memref_slice %arg4[%add3A_1347, %dma_start3A_1351, %dma_start3A_1352] : memref<16384x56x128xf32, #tpu.memory_space<hbm>> -> memref<1x50x64xf32, #tpu.memory_space<hbm>>
      %dma_start3A_1354 = tpu.memref_squeeze %dma_start3A_1353 : memref<1x50x64xf32, #tpu.memory_space<hbm>> -> memref<50x64xf32, #tpu.memory_space<hbm>>
      %dma_start3A_1355 = arith.constant 0 : i32
      %dma_start3A_1356 = arith.constant 0 : i32
      %dma_start3A_1357 = tpu.memref_slice %arg4[%add3A_1347, %dma_start3A_1355, %dma_start3A_1356] : memref<16384x56x128xf32, #tpu.memory_space<hbm>> -> memref<1x50x64xf32, #tpu.memory_space<hbm>>
      %dma_start3A_1358 = tpu.memref_squeeze %dma_start3A_1357 : memref<1x50x64xf32, #tpu.memory_space<hbm>> -> memref<50x64xf32, #tpu.memory_space<hbm>>
      %dma_start3A_1359 = arith.constant 400 : i32
      %dma_start3A_1360 = arith.constant 0 : i32
      %dma_start3A_1361 = tpu.memref_slice %arg6[%dma_start3A_1359, %dma_start3A_1360] : memref<800x64xf32, #tpu.memory_space<vmem>> -> memref<50x64xf32, #tpu.memory_space<vmem>>
      tpu.enqueue_dma source(%dma_start3A_1361 : memref<50x64xf32, #tpu.memory_space<vmem>>) target(%dma_start3A_1358 : memref<50x64xf32, #tpu.memory_space<hbm>>) target_semaphore(%arg10 : memref<!tpu.dma_semaphore, #tpu.memory_space<semaphore_mem>>)
      %mul3A_1362 = arith.constant 16 : i32
      %mul3A_1363 = arith.muli %add3A_1184, %mul3A_1362 : i32
      %add3A_1364 = arith.addi %mul3A_4, %mul3A_1363 : i32
      %add3A_1365 = arith.constant 9 : i32
      %add3A_1366 = arith.addi %add3A_1364, %add3A_1365 : i32
      %dma_start3A_1367 = arith.constant 450 : i32
      %dma_start3A_1368 = arith.constant 0 : i32
      %dma_start3A_1369 = tpu.memref_slice %arg6[%dma_start3A_1367, %dma_start3A_1368] : memref<800x64xf32, #tpu.memory_space<vmem>> -> memref<50x64xf32, #tpu.memory_space<vmem>>
      %dma_start3A_1370 = arith.constant 0 : i32
      %dma_start3A_1371 = arith.constant 0 : i32
      %dma_start3A_1372 = tpu.memref_slice %arg4[%add3A_1366, %dma_start3A_1370, %dma_start3A_1371] : memref<16384x56x128xf32, #tpu.memory_space<hbm>> -> memref<1x50x64xf32, #tpu.memory_space<hbm>>
      %dma_start3A_1373 = tpu.memref_squeeze %dma_start3A_1372 : memref<1x50x64xf32, #tpu.memory_space<hbm>> -> memref<50x64xf32, #tpu.memory_space<hbm>>
      %dma_start3A_1374 = arith.constant 0 : i32
      %dma_start3A_1375 = arith.constant 0 : i32
      %dma_start3A_1376 = tpu.memref_slice %arg4[%add3A_1366, %dma_start3A_1374, %dma_start3A_1375] : memref<16384x56x128xf32, #tpu.memory_space<hbm>> -> memref<1x50x64xf32, #tpu.memory_space<hbm>>
      %dma_start3A_1377 = tpu.memref_squeeze %dma_start3A_1376 : memref<1x50x64xf32, #tpu.memory_space<hbm>> -> memref<50x64xf32, #tpu.memory_space<hbm>>
      %dma_start3A_1378 = arith.constant 450 : i32
      %dma_start3A_1379 = arith.constant 0 : i32
      %dma_start3A_1380 = tpu.memref_slice %arg6[%dma_start3A_1378, %dma_start3A_1379] : memref<800x64xf32, #tpu.memory_space<vmem>> -> memref<50x64xf32, #tpu.memory_space<vmem>>
      tpu.enqueue_dma source(%dma_start3A_1380 : memref<50x64xf32, #tpu.memory_space<vmem>>) target(%dma_start3A_1377 : memref<50x64xf32, #tpu.memory_space<hbm>>) target_semaphore(%arg10 : memref<!tpu.dma_semaphore, #tpu.memory_space<semaphore_mem>>)
      %mul3A_1381 = arith.constant 16 : i32
      %mul3A_1382 = arith.muli %add3A_1184, %mul3A_1381 : i32
      %add3A_1383 = arith.addi %mul3A_4, %mul3A_1382 : i32
      %add3A_1384 = arith.constant 10 : i32
      %add3A_1385 = arith.addi %add3A_1383, %add3A_1384 : i32
      %dma_start3A_1386 = arith.constant 500 : i32
      %dma_start3A_1387 = arith.constant 0 : i32
      %dma_start3A_1388 = tpu.memref_slice %arg6[%dma_start3A_1386, %dma_start3A_1387] : memref<800x64xf32, #tpu.memory_space<vmem>> -> memref<50x64xf32, #tpu.memory_space<vmem>>
      %dma_start3A_1389 = arith.constant 0 : i32
      %dma_start3A_1390 = arith.constant 0 : i32
      %dma_start3A_1391 = tpu.memref_slice %arg4[%add3A_1385, %dma_start3A_1389, %dma_start3A_1390] : memref<16384x56x128xf32, #tpu.memory_space<hbm>> -> memref<1x50x64xf32, #tpu.memory_space<hbm>>
      %dma_start3A_1392 = tpu.memref_squeeze %dma_start3A_1391 : memref<1x50x64xf32, #tpu.memory_space<hbm>> -> memref<50x64xf32, #tpu.memory_space<hbm>>
      %dma_start3A_1393 = arith.constant 0 : i32
      %dma_start3A_1394 = arith.constant 0 : i32
      %dma_start3A_1395 = tpu.memref_slice %arg4[%add3A_1385, %dma_start3A_1393, %dma_start3A_1394] : memref<16384x56x128xf32, #tpu.memory_space<hbm>> -> memref<1x50x64xf32, #tpu.memory_space<hbm>>
      %dma_start3A_1396 = tpu.memref_squeeze %dma_start3A_1395 : memref<1x50x64xf32, #tpu.memory_space<hbm>> -> memref<50x64xf32, #tpu.memory_space<hbm>>
      %dma_start3A_1397 = arith.constant 500 : i32
      %dma_start3A_1398 = arith.constant 0 : i32
      %dma_start3A_1399 = tpu.memref_slice %arg6[%dma_start3A_1397, %dma_start3A_1398] : memref<800x64xf32, #tpu.memory_space<vmem>> -> memref<50x64xf32, #tpu.memory_space<vmem>>
      tpu.enqueue_dma source(%dma_start3A_1399 : memref<50x64xf32, #tpu.memory_space<vmem>>) target(%dma_start3A_1396 : memref<50x64xf32, #tpu.memory_space<hbm>>) target_semaphore(%arg10 : memref<!tpu.dma_semaphore, #tpu.memory_space<semaphore_mem>>)
      %mul3A_1400 = arith.constant 16 : i32
      %mul3A_1401 = arith.muli %add3A_1184, %mul3A_1400 : i32
      %add3A_1402 = arith.addi %mul3A_4, %mul3A_1401 : i32
      %add3A_1403 = arith.constant 11 : i32
      %add3A_1404 = arith.addi %add3A_1402, %add3A_1403 : i32
      %dma_start3A_1405 = arith.constant 550 : i32
      %dma_start3A_1406 = arith.constant 0 : i32
      %dma_start3A_1407 = tpu.memref_slice %arg6[%dma_start3A_1405, %dma_start3A_1406] : memref<800x64xf32, #tpu.memory_space<vmem>> -> memref<50x64xf32, #tpu.memory_space<vmem>>
      %dma_start3A_1408 = arith.constant 0 : i32
      %dma_start3A_1409 = arith.constant 0 : i32
      %dma_start3A_1410 = tpu.memref_slice %arg4[%add3A_1404, %dma_start3A_1408, %dma_start3A_1409] : memref<16384x56x128xf32, #tpu.memory_space<hbm>> -> memref<1x50x64xf32, #tpu.memory_space<hbm>>
      %dma_start3A_1411 = tpu.memref_squeeze %dma_start3A_1410 : memref<1x50x64xf32, #tpu.memory_space<hbm>> -> memref<50x64xf32, #tpu.memory_space<hbm>>
      %dma_start3A_1412 = arith.constant 0 : i32
      %dma_start3A_1413 = arith.constant 0 : i32
      %dma_start3A_1414 = tpu.memref_slice %arg4[%add3A_1404, %dma_start3A_1412, %dma_start3A_1413] : memref<16384x56x128xf32, #tpu.memory_space<hbm>> -> memref<1x50x64xf32, #tpu.memory_space<hbm>>
      %dma_start3A_1415 = tpu.memref_squeeze %dma_start3A_1414 : memref<1x50x64xf32, #tpu.memory_space<hbm>> -> memref<50x64xf32, #tpu.memory_space<hbm>>
      %dma_start3A_1416 = arith.constant 550 : i32
      %dma_start3A_1417 = arith.constant 0 : i32
      %dma_start3A_1418 = tpu.memref_slice %arg6[%dma_start3A_1416, %dma_start3A_1417] : memref<800x64xf32, #tpu.memory_space<vmem>> -> memref<50x64xf32, #tpu.memory_space<vmem>>
      tpu.enqueue_dma source(%dma_start3A_1418 : memref<50x64xf32, #tpu.memory_space<vmem>>) target(%dma_start3A_1415 : memref<50x64xf32, #tpu.memory_space<hbm>>) target_semaphore(%arg10 : memref<!tpu.dma_semaphore, #tpu.memory_space<semaphore_mem>>)
      %mul3A_1419 = arith.constant 16 : i32
      %mul3A_1420 = arith.muli %add3A_1184, %mul3A_1419 : i32
      %add3A_1421 = arith.addi %mul3A_4, %mul3A_1420 : i32
      %add3A_1422 = arith.constant 12 : i32
      %add3A_1423 = arith.addi %add3A_1421, %add3A_1422 : i32
      %dma_start3A_1424 = arith.constant 600 : i32
      %dma_start3A_1425 = arith.constant 0 : i32
      %dma_start3A_1426 = tpu.memref_slice %arg6[%dma_start3A_1424, %dma_start3A_1425] : memref<800x64xf32, #tpu.memory_space<vmem>> -> memref<50x64xf32, #tpu.memory_space<vmem>>
      %dma_start3A_1427 = arith.constant 0 : i32
      %dma_start3A_1428 = arith.constant 0 : i32
      %dma_start3A_1429 = tpu.memref_slice %arg4[%add3A_1423, %dma_start3A_1427, %dma_start3A_1428] : memref<16384x56x128xf32, #tpu.memory_space<hbm>> -> memref<1x50x64xf32, #tpu.memory_space<hbm>>
      %dma_start3A_1430 = tpu.memref_squeeze %dma_start3A_1429 : memref<1x50x64xf32, #tpu.memory_space<hbm>> -> memref<50x64xf32, #tpu.memory_space<hbm>>
      %dma_start3A_1431 = arith.constant 0 : i32
      %dma_start3A_1432 = arith.constant 0 : i32
      %dma_start3A_1433 = tpu.memref_slice %arg4[%add3A_1423, %dma_start3A_1431, %dma_start3A_1432] : memref<16384x56x128xf32, #tpu.memory_space<hbm>> -> memref<1x50x64xf32, #tpu.memory_space<hbm>>
      %dma_start3A_1434 = tpu.memref_squeeze %dma_start3A_1433 : memref<1x50x64xf32, #tpu.memory_space<hbm>> -> memref<50x64xf32, #tpu.memory_space<hbm>>
      %dma_start3A_1435 = arith.constant 600 : i32
      %dma_start3A_1436 = arith.constant 0 : i32
      %dma_start3A_1437 = tpu.memref_slice %arg6[%dma_start3A_1435, %dma_start3A_1436] : memref<800x64xf32, #tpu.memory_space<vmem>> -> memref<50x64xf32, #tpu.memory_space<vmem>>
      tpu.enqueue_dma source(%dma_start3A_1437 : memref<50x64xf32, #tpu.memory_space<vmem>>) target(%dma_start3A_1434 : memref<50x64xf32, #tpu.memory_space<hbm>>) target_semaphore(%arg10 : memref<!tpu.dma_semaphore, #tpu.memory_space<semaphore_mem>>)
      %mul3A_1438 = arith.constant 16 : i32
      %mul3A_1439 = arith.muli %add3A_1184, %mul3A_1438 : i32
      %add3A_1440 = arith.addi %mul3A_4, %mul3A_1439 : i32
      %add3A_1441 = arith.constant 13 : i32
      %add3A_1442 = arith.addi %add3A_1440, %add3A_1441 : i32
      %dma_start3A_1443 = arith.constant 650 : i32
      %dma_start3A_1444 = arith.constant 0 : i32
      %dma_start3A_1445 = tpu.memref_slice %arg6[%dma_start3A_1443, %dma_start3A_1444] : memref<800x64xf32, #tpu.memory_space<vmem>> -> memref<50x64xf32, #tpu.memory_space<vmem>>
      %dma_start3A_1446 = arith.constant 0 : i32
      %dma_start3A_1447 = arith.constant 0 : i32
      %dma_start3A_1448 = tpu.memref_slice %arg4[%add3A_1442, %dma_start3A_1446, %dma_start3A_1447] : memref<16384x56x128xf32, #tpu.memory_space<hbm>> -> memref<1x50x64xf32, #tpu.memory_space<hbm>>
      %dma_start3A_1449 = tpu.memref_squeeze %dma_start3A_1448 : memref<1x50x64xf32, #tpu.memory_space<hbm>> -> memref<50x64xf32, #tpu.memory_space<hbm>>
      %dma_start3A_1450 = arith.constant 0 : i32
      %dma_start3A_1451 = arith.constant 0 : i32
      %dma_start3A_1452 = tpu.memref_slice %arg4[%add3A_1442, %dma_start3A_1450, %dma_start3A_1451] : memref<16384x56x128xf32, #tpu.memory_space<hbm>> -> memref<1x50x64xf32, #tpu.memory_space<hbm>>
      %dma_start3A_1453 = tpu.memref_squeeze %dma_start3A_1452 : memref<1x50x64xf32, #tpu.memory_space<hbm>> -> memref<50x64xf32, #tpu.memory_space<hbm>>
      %dma_start3A_1454 = arith.constant 650 : i32
      %dma_start3A_1455 = arith.constant 0 : i32
      %dma_start3A_1456 = tpu.memref_slice %arg6[%dma_start3A_1454, %dma_start3A_1455] : memref<800x64xf32, #tpu.memory_space<vmem>> -> memref<50x64xf32, #tpu.memory_space<vmem>>
      tpu.enqueue_dma source(%dma_start3A_1456 : memref<50x64xf32, #tpu.memory_space<vmem>>) target(%dma_start3A_1453 : memref<50x64xf32, #tpu.memory_space<hbm>>) target_semaphore(%arg10 : memref<!tpu.dma_semaphore, #tpu.memory_space<semaphore_mem>>)
      %mul3A_1457 = arith.constant 16 : i32
      %mul3A_1458 = arith.muli %add3A_1184, %mul3A_1457 : i32
      %add3A_1459 = arith.addi %mul3A_4, %mul3A_1458 : i32
      %add3A_1460 = arith.constant 14 : i32
      %add3A_1461 = arith.addi %add3A_1459, %add3A_1460 : i32
      %dma_start3A_1462 = arith.constant 700 : i32
      %dma_start3A_1463 = arith.constant 0 : i32
      %dma_start3A_1464 = tpu.memref_slice %arg6[%dma_start3A_1462, %dma_start3A_1463] : memref<800x64xf32, #tpu.memory_space<vmem>> -> memref<50x64xf32, #tpu.memory_space<vmem>>
      %dma_start3A_1465 = arith.constant 0 : i32
      %dma_start3A_1466 = arith.constant 0 : i32
      %dma_start3A_1467 = tpu.memref_slice %arg4[%add3A_1461, %dma_start3A_1465, %dma_start3A_1466] : memref<16384x56x128xf32, #tpu.memory_space<hbm>> -> memref<1x50x64xf32, #tpu.memory_space<hbm>>
      %dma_start3A_1468 = tpu.memref_squeeze %dma_start3A_1467 : memref<1x50x64xf32, #tpu.memory_space<hbm>> -> memref<50x64xf32, #tpu.memory_space<hbm>>
      %dma_start3A_1469 = arith.constant 0 : i32
      %dma_start3A_1470 = arith.constant 0 : i32
      %dma_start3A_1471 = tpu.memref_slice %arg4[%add3A_1461, %dma_start3A_1469, %dma_start3A_1470] : memref<16384x56x128xf32, #tpu.memory_space<hbm>> -> memref<1x50x64xf32, #tpu.memory_space<hbm>>
      %dma_start3A_1472 = tpu.memref_squeeze %dma_start3A_1471 : memref<1x50x64xf32, #tpu.memory_space<hbm>> -> memref<50x64xf32, #tpu.memory_space<hbm>>
      %dma_start3A_1473 = arith.constant 700 : i32
      %dma_start3A_1474 = arith.constant 0 : i32
      %dma_start3A_1475 = tpu.memref_slice %arg6[%dma_start3A_1473, %dma_start3A_1474] : memref<800x64xf32, #tpu.memory_space<vmem>> -> memref<50x64xf32, #tpu.memory_space<vmem>>
      tpu.enqueue_dma source(%dma_start3A_1475 : memref<50x64xf32, #tpu.memory_space<vmem>>) target(%dma_start3A_1472 : memref<50x64xf32, #tpu.memory_space<hbm>>) target_semaphore(%arg10 : memref<!tpu.dma_semaphore, #tpu.memory_space<semaphore_mem>>)
      %mul3A_1476 = arith.constant 16 : i32
      %mul3A_1477 = arith.muli %add3A_1184, %mul3A_1476 : i32
      %add3A_1478 = arith.addi %mul3A_4, %mul3A_1477 : i32
      %add3A_1479 = arith.constant 15 : i32
      %add3A_1480 = arith.addi %add3A_1478, %add3A_1479 : i32
      %dma_start3A_1481 = arith.constant 750 : i32
      %dma_start3A_1482 = arith.constant 0 : i32
      %dma_start3A_1483 = tpu.memref_slice %arg6[%dma_start3A_1481, %dma_start3A_1482] : memref<800x64xf32, #tpu.memory_space<vmem>> -> memref<50x64xf32, #tpu.memory_space<vmem>>
      %dma_start3A_1484 = arith.constant 0 : i32
      %dma_start3A_1485 = arith.constant 0 : i32
      %dma_start3A_1486 = tpu.memref_slice %arg4[%add3A_1480, %dma_start3A_1484, %dma_start3A_1485] : memref<16384x56x128xf32, #tpu.memory_space<hbm>> -> memref<1x50x64xf32, #tpu.memory_space<hbm>>
      %dma_start3A_1487 = tpu.memref_squeeze %dma_start3A_1486 : memref<1x50x64xf32, #tpu.memory_space<hbm>> -> memref<50x64xf32, #tpu.memory_space<hbm>>
      %dma_start3A_1488 = arith.constant 0 : i32
      %dma_start3A_1489 = arith.constant 0 : i32
      %dma_start3A_1490 = tpu.memref_slice %arg4[%add3A_1480, %dma_start3A_1488, %dma_start3A_1489] : memref<16384x56x128xf32, #tpu.memory_space<hbm>> -> memref<1x50x64xf32, #tpu.memory_space<hbm>>
      %dma_start3A_1491 = tpu.memref_squeeze %dma_start3A_1490 : memref<1x50x64xf32, #tpu.memory_space<hbm>> -> memref<50x64xf32, #tpu.memory_space<hbm>>
      %dma_start3A_1492 = arith.constant 750 : i32
      %dma_start3A_1493 = arith.constant 0 : i32
      %dma_start3A_1494 = tpu.memref_slice %arg6[%dma_start3A_1492, %dma_start3A_1493] : memref<800x64xf32, #tpu.memory_space<vmem>> -> memref<50x64xf32, #tpu.memory_space<vmem>>
      tpu.enqueue_dma source(%dma_start3A_1494 : memref<50x64xf32, #tpu.memory_space<vmem>>) target(%dma_start3A_1491 : memref<50x64xf32, #tpu.memory_space<hbm>>) target_semaphore(%arg10 : memref<!tpu.dma_semaphore, #tpu.memory_space<semaphore_mem>>)
      %mul3A_1495 = arith.constant 16 : i32
      %mul3A_1496 = arith.muli %add3A_1184, %mul3A_1495 : i32
      %add3A_1497 = arith.addi %mul3A_4, %mul3A_1496 : i32
      %add3A_1498 = arith.constant 0 : i32
      %add3A_1499 = arith.addi %add3A_1497, %add3A_1498 : i32
      %dma_wait3A_1500 = arith.constant 0 : i32
      %dma_wait3A_1501 = arith.constant 0 : i32
      %dma_wait3A_1502 = tpu.memref_slice %arg6[%dma_wait3A_1500, %dma_wait3A_1501] : memref<800x64xf32, #tpu.memory_space<vmem>> -> memref<50x64xf32, #tpu.memory_space<vmem>>
      %dma_wait3A_1503 = arith.constant 0 : i32
      %dma_wait3A_1504 = arith.constant 0 : i32
      %dma_wait3A_1505 = tpu.memref_slice %arg4[%add3A_1499, %dma_wait3A_1503, %dma_wait3A_1504] : memref<16384x56x128xf32, #tpu.memory_space<hbm>> -> memref<1x50x64xf32, #tpu.memory_space<hbm>>
      %dma_wait3A_1506 = tpu.memref_squeeze %dma_wait3A_1505 : memref<1x50x64xf32, #tpu.memory_space<hbm>> -> memref<50x64xf32, #tpu.memory_space<hbm>>
      %dma_wait3A_1507 = arith.constant 0 : i32
      %dma_wait3A_1508 = arith.constant 0 : i32
      %dma_wait3A_1509 = tpu.memref_slice %arg4[%add3A_1499, %dma_wait3A_1507, %dma_wait3A_1508] : memref<16384x56x128xf32, #tpu.memory_space<hbm>> -> memref<1x50x64xf32, #tpu.memory_space<hbm>>
      %dma_wait3A_1510 = tpu.memref_squeeze %dma_wait3A_1509 : memref<1x50x64xf32, #tpu.memory_space<hbm>> -> memref<50x64xf32, #tpu.memory_space<hbm>>
      %dma_wait3A_1511 = arith.constant 0 : i32
      %dma_wait3A_1512 = arith.constant 0 : i32
      %dma_wait3A_1513 = tpu.memref_slice %arg6[%dma_wait3A_1511, %dma_wait3A_1512] : memref<800x64xf32, #tpu.memory_space<vmem>> -> memref<50x64xf32, #tpu.memory_space<vmem>>
      tpu.wait_dma2 semaphore(%arg10 : memref<!tpu.dma_semaphore, #tpu.memory_space<semaphore_mem>>) src(%dma_wait3A_1513 : memref<50x64xf32, #tpu.memory_space<vmem>>) dst(%dma_wait3A_1510 : memref<50x64xf32, #tpu.memory_space<hbm>>)
      %mul3A_1514 = arith.constant 16 : i32
      %mul3A_1515 = arith.muli %add3A_1184, %mul3A_1514 : i32
      %add3A_1516 = arith.addi %mul3A_4, %mul3A_1515 : i32
      %add3A_1517 = arith.constant 1 : i32
      %add3A_1518 = arith.addi %add3A_1516, %add3A_1517 : i32
      %dma_wait3A_1519 = arith.constant 50 : i32
      %dma_wait3A_1520 = arith.constant 0 : i32
      %dma_wait3A_1521 = tpu.memref_slice %arg6[%dma_wait3A_1519, %dma_wait3A_1520] : memref<800x64xf32, #tpu.memory_space<vmem>> -> memref<50x64xf32, #tpu.memory_space<vmem>>
      %dma_wait3A_1522 = arith.constant 0 : i32
      %dma_wait3A_1523 = arith.constant 0 : i32
      %dma_wait3A_1524 = tpu.memref_slice %arg4[%add3A_1518, %dma_wait3A_1522, %dma_wait3A_1523] : memref<16384x56x128xf32, #tpu.memory_space<hbm>> -> memref<1x50x64xf32, #tpu.memory_space<hbm>>
      %dma_wait3A_1525 = tpu.memref_squeeze %dma_wait3A_1524 : memref<1x50x64xf32, #tpu.memory_space<hbm>> -> memref<50x64xf32, #tpu.memory_space<hbm>>
      %dma_wait3A_1526 = arith.constant 0 : i32
      %dma_wait3A_1527 = arith.constant 0 : i32
      %dma_wait3A_1528 = tpu.memref_slice %arg4[%add3A_1518, %dma_wait3A_1526, %dma_wait3A_1527] : memref<16384x56x128xf32, #tpu.memory_space<hbm>> -> memref<1x50x64xf32, #tpu.memory_space<hbm>>
      %dma_wait3A_1529 = tpu.memref_squeeze %dma_wait3A_1528 : memref<1x50x64xf32, #tpu.memory_space<hbm>> -> memref<50x64xf32, #tpu.memory_space<hbm>>
      %dma_wait3A_1530 = arith.constant 50 : i32
      %dma_wait3A_1531 = arith.constant 0 : i32
      %dma_wait3A_1532 = tpu.memref_slice %arg6[%dma_wait3A_1530, %dma_wait3A_1531] : memref<800x64xf32, #tpu.memory_space<vmem>> -> memref<50x64xf32, #tpu.memory_space<vmem>>
      tpu.wait_dma2 semaphore(%arg10 : memref<!tpu.dma_semaphore, #tpu.memory_space<semaphore_mem>>) src(%dma_wait3A_1532 : memref<50x64xf32, #tpu.memory_space<vmem>>) dst(%dma_wait3A_1529 : memref<50x64xf32, #tpu.memory_space<hbm>>)
      %mul3A_1533 = arith.constant 16 : i32
      %mul3A_1534 = arith.muli %add3A_1184, %mul3A_1533 : i32
      %add3A_1535 = arith.addi %mul3A_4, %mul3A_1534 : i32
      %add3A_1536 = arith.constant 2 : i32
      %add3A_1537 = arith.addi %add3A_1535, %add3A_1536 : i32
      %dma_wait3A_1538 = arith.constant 100 : i32
      %dma_wait3A_1539 = arith.constant 0 : i32
      %dma_wait3A_1540 = tpu.memref_slice %arg6[%dma_wait3A_1538, %dma_wait3A_1539] : memref<800x64xf32, #tpu.memory_space<vmem>> -> memref<50x64xf32, #tpu.memory_space<vmem>>
      %dma_wait3A_1541 = arith.constant 0 : i32
      %dma_wait3A_1542 = arith.constant 0 : i32
      %dma_wait3A_1543 = tpu.memref_slice %arg4[%add3A_1537, %dma_wait3A_1541, %dma_wait3A_1542] : memref<16384x56x128xf32, #tpu.memory_space<hbm>> -> memref<1x50x64xf32, #tpu.memory_space<hbm>>
      %dma_wait3A_1544 = tpu.memref_squeeze %dma_wait3A_1543 : memref<1x50x64xf32, #tpu.memory_space<hbm>> -> memref<50x64xf32, #tpu.memory_space<hbm>>
      %dma_wait3A_1545 = arith.constant 0 : i32
      %dma_wait3A_1546 = arith.constant 0 : i32
      %dma_wait3A_1547 = tpu.memref_slice %arg4[%add3A_1537, %dma_wait3A_1545, %dma_wait3A_1546] : memref<16384x56x128xf32, #tpu.memory_space<hbm>> -> memref<1x50x64xf32, #tpu.memory_space<hbm>>
      %dma_wait3A_1548 = tpu.memref_squeeze %dma_wait3A_1547 : memref<1x50x64xf32, #tpu.memory_space<hbm>> -> memref<50x64xf32, #tpu.memory_space<hbm>>
      %dma_wait3A_1549 = arith.constant 100 : i32
      %dma_wait3A_1550 = arith.constant 0 : i32
      %dma_wait3A_1551 = tpu.memref_slice %arg6[%dma_wait3A_1549, %dma_wait3A_1550] : memref<800x64xf32, #tpu.memory_space<vmem>> -> memref<50x64xf32, #tpu.memory_space<vmem>>
      tpu.wait_dma2 semaphore(%arg10 : memref<!tpu.dma_semaphore, #tpu.memory_space<semaphore_mem>>) src(%dma_wait3A_1551 : memref<50x64xf32, #tpu.memory_space<vmem>>) dst(%dma_wait3A_1548 : memref<50x64xf32, #tpu.memory_space<hbm>>)
      %mul3A_1552 = arith.constant 16 : i32
      %mul3A_1553 = arith.muli %add3A_1184, %mul3A_1552 : i32
      %add3A_1554 = arith.addi %mul3A_4, %mul3A_1553 : i32
      %add3A_1555 = arith.constant 3 : i32
      %add3A_1556 = arith.addi %add3A_1554, %add3A_1555 : i32
      %dma_wait3A_1557 = arith.constant 150 : i32
      %dma_wait3A_1558 = arith.constant 0 : i32
      %dma_wait3A_1559 = tpu.memref_slice %arg6[%dma_wait3A_1557, %dma_wait3A_1558] : memref<800x64xf32, #tpu.memory_space<vmem>> -> memref<50x64xf32, #tpu.memory_space<vmem>>
      %dma_wait3A_1560 = arith.constant 0 : i32
      %dma_wait3A_1561 = arith.constant 0 : i32
      %dma_wait3A_1562 = tpu.memref_slice %arg4[%add3A_1556, %dma_wait3A_1560, %dma_wait3A_1561] : memref<16384x56x128xf32, #tpu.memory_space<hbm>> -> memref<1x50x64xf32, #tpu.memory_space<hbm>>
      %dma_wait3A_1563 = tpu.memref_squeeze %dma_wait3A_1562 : memref<1x50x64xf32, #tpu.memory_space<hbm>> -> memref<50x64xf32, #tpu.memory_space<hbm>>
      %dma_wait3A_1564 = arith.constant 0 : i32
      %dma_wait3A_1565 = arith.constant 0 : i32
      %dma_wait3A_1566 = tpu.memref_slice %arg4[%add3A_1556, %dma_wait3A_1564, %dma_wait3A_1565] : memref<16384x56x128xf32, #tpu.memory_space<hbm>> -> memref<1x50x64xf32, #tpu.memory_space<hbm>>
      %dma_wait3A_1567 = tpu.memref_squeeze %dma_wait3A_1566 : memref<1x50x64xf32, #tpu.memory_space<hbm>> -> memref<50x64xf32, #tpu.memory_space<hbm>>
      %dma_wait3A_1568 = arith.constant 150 : i32
      %dma_wait3A_1569 = arith.constant 0 : i32
      %dma_wait3A_1570 = tpu.memref_slice %arg6[%dma_wait3A_1568, %dma_wait3A_1569] : memref<800x64xf32, #tpu.memory_space<vmem>> -> memref<50x64xf32, #tpu.memory_space<vmem>>
      tpu.wait_dma2 semaphore(%arg10 : memref<!tpu.dma_semaphore, #tpu.memory_space<semaphore_mem>>) src(%dma_wait3A_1570 : memref<50x64xf32, #tpu.memory_space<vmem>>) dst(%dma_wait3A_1567 : memref<50x64xf32, #tpu.memory_space<hbm>>)
      %mul3A_1571 = arith.constant 16 : i32
      %mul3A_1572 = arith.muli %add3A_1184, %mul3A_1571 : i32
      %add3A_1573 = arith.addi %mul3A_4, %mul3A_1572 : i32
      %add3A_1574 = arith.constant 4 : i32
      %add3A_1575 = arith.addi %add3A_1573, %add3A_1574 : i32
      %dma_wait3A_1576 = arith.constant 200 : i32
      %dma_wait3A_1577 = arith.constant 0 : i32
      %dma_wait3A_1578 = tpu.memref_slice %arg6[%dma_wait3A_1576, %dma_wait3A_1577] : memref<800x64xf32, #tpu.memory_space<vmem>> -> memref<50x64xf32, #tpu.memory_space<vmem>>
      %dma_wait3A_1579 = arith.constant 0 : i32
      %dma_wait3A_1580 = arith.constant 0 : i32
      %dma_wait3A_1581 = tpu.memref_slice %arg4[%add3A_1575, %dma_wait3A_1579, %dma_wait3A_1580] : memref<16384x56x128xf32, #tpu.memory_space<hbm>> -> memref<1x50x64xf32, #tpu.memory_space<hbm>>
      %dma_wait3A_1582 = tpu.memref_squeeze %dma_wait3A_1581 : memref<1x50x64xf32, #tpu.memory_space<hbm>> -> memref<50x64xf32, #tpu.memory_space<hbm>>
      %dma_wait3A_1583 = arith.constant 0 : i32
      %dma_wait3A_1584 = arith.constant 0 : i32
      %dma_wait3A_1585 = tpu.memref_slice %arg4[%add3A_1575, %dma_wait3A_1583, %dma_wait3A_1584] : memref<16384x56x128xf32, #tpu.memory_space<hbm>> -> memref<1x50x64xf32, #tpu.memory_space<hbm>>
      %dma_wait3A_1586 = tpu.memref_squeeze %dma_wait3A_1585 : memref<1x50x64xf32, #tpu.memory_space<hbm>> -> memref<50x64xf32, #tpu.memory_space<hbm>>
      %dma_wait3A_1587 = arith.constant 200 : i32
      %dma_wait3A_1588 = arith.constant 0 : i32
      %dma_wait3A_1589 = tpu.memref_slice %arg6[%dma_wait3A_1587, %dma_wait3A_1588] : memref<800x64xf32, #tpu.memory_space<vmem>> -> memref<50x64xf32, #tpu.memory_space<vmem>>
      tpu.wait_dma2 semaphore(%arg10 : memref<!tpu.dma_semaphore, #tpu.memory_space<semaphore_mem>>) src(%dma_wait3A_1589 : memref<50x64xf32, #tpu.memory_space<vmem>>) dst(%dma_wait3A_1586 : memref<50x64xf32, #tpu.memory_space<hbm>>)
      %mul3A_1590 = arith.constant 16 : i32
      %mul3A_1591 = arith.muli %add3A_1184, %mul3A_1590 : i32
      %add3A_1592 = arith.addi %mul3A_4, %mul3A_1591 : i32
      %add3A_1593 = arith.constant 5 : i32
      %add3A_1594 = arith.addi %add3A_1592, %add3A_1593 : i32
      %dma_wait3A_1595 = arith.constant 250 : i32
      %dma_wait3A_1596 = arith.constant 0 : i32
      %dma_wait3A_1597 = tpu.memref_slice %arg6[%dma_wait3A_1595, %dma_wait3A_1596] : memref<800x64xf32, #tpu.memory_space<vmem>> -> memref<50x64xf32, #tpu.memory_space<vmem>>
      %dma_wait3A_1598 = arith.constant 0 : i32
      %dma_wait3A_1599 = arith.constant 0 : i32
      %dma_wait3A_1600 = tpu.memref_slice %arg4[%add3A_1594, %dma_wait3A_1598, %dma_wait3A_1599] : memref<16384x56x128xf32, #tpu.memory_space<hbm>> -> memref<1x50x64xf32, #tpu.memory_space<hbm>>
      %dma_wait3A_1601 = tpu.memref_squeeze %dma_wait3A_1600 : memref<1x50x64xf32, #tpu.memory_space<hbm>> -> memref<50x64xf32, #tpu.memory_space<hbm>>
      %dma_wait3A_1602 = arith.constant 0 : i32
      %dma_wait3A_1603 = arith.constant 0 : i32
      %dma_wait3A_1604 = tpu.memref_slice %arg4[%add3A_1594, %dma_wait3A_1602, %dma_wait3A_1603] : memref<16384x56x128xf32, #tpu.memory_space<hbm>> -> memref<1x50x64xf32, #tpu.memory_space<hbm>>
      %dma_wait3A_1605 = tpu.memref_squeeze %dma_wait3A_1604 : memref<1x50x64xf32, #tpu.memory_space<hbm>> -> memref<50x64xf32, #tpu.memory_space<hbm>>
      %dma_wait3A_1606 = arith.constant 250 : i32
      %dma_wait3A_1607 = arith.constant 0 : i32
      %dma_wait3A_1608 = tpu.memref_slice %arg6[%dma_wait3A_1606, %dma_wait3A_1607] : memref<800x64xf32, #tpu.memory_space<vmem>> -> memref<50x64xf32, #tpu.memory_space<vmem>>
      tpu.wait_dma2 semaphore(%arg10 : memref<!tpu.dma_semaphore, #tpu.memory_space<semaphore_mem>>) src(%dma_wait3A_1608 : memref<50x64xf32, #tpu.memory_space<vmem>>) dst(%dma_wait3A_1605 : memref<50x64xf32, #tpu.memory_space<hbm>>)
      %mul3A_1609 = arith.constant 16 : i32
      %mul3A_1610 = arith.muli %add3A_1184, %mul3A_1609 : i32
      %add3A_1611 = arith.addi %mul3A_4, %mul3A_1610 : i32
      %add3A_1612 = arith.constant 6 : i32
      %add3A_1613 = arith.addi %add3A_1611, %add3A_1612 : i32
      %dma_wait3A_1614 = arith.constant 300 : i32
      %dma_wait3A_1615 = arith.constant 0 : i32
      %dma_wait3A_1616 = tpu.memref_slice %arg6[%dma_wait3A_1614, %dma_wait3A_1615] : memref<800x64xf32, #tpu.memory_space<vmem>> -> memref<50x64xf32, #tpu.memory_space<vmem>>
      %dma_wait3A_1617 = arith.constant 0 : i32
      %dma_wait3A_1618 = arith.constant 0 : i32
      %dma_wait3A_1619 = tpu.memref_slice %arg4[%add3A_1613, %dma_wait3A_1617, %dma_wait3A_1618] : memref<16384x56x128xf32, #tpu.memory_space<hbm>> -> memref<1x50x64xf32, #tpu.memory_space<hbm>>
      %dma_wait3A_1620 = tpu.memref_squeeze %dma_wait3A_1619 : memref<1x50x64xf32, #tpu.memory_space<hbm>> -> memref<50x64xf32, #tpu.memory_space<hbm>>
      %dma_wait3A_1621 = arith.constant 0 : i32
      %dma_wait3A_1622 = arith.constant 0 : i32
      %dma_wait3A_1623 = tpu.memref_slice %arg4[%add3A_1613, %dma_wait3A_1621, %dma_wait3A_1622] : memref<16384x56x128xf32, #tpu.memory_space<hbm>> -> memref<1x50x64xf32, #tpu.memory_space<hbm>>
      %dma_wait3A_1624 = tpu.memref_squeeze %dma_wait3A_1623 : memref<1x50x64xf32, #tpu.memory_space<hbm>> -> memref<50x64xf32, #tpu.memory_space<hbm>>
      %dma_wait3A_1625 = arith.constant 300 : i32
      %dma_wait3A_1626 = arith.constant 0 : i32
      %dma_wait3A_1627 = tpu.memref_slice %arg6[%dma_wait3A_1625, %dma_wait3A_1626] : memref<800x64xf32, #tpu.memory_space<vmem>> -> memref<50x64xf32, #tpu.memory_space<vmem>>
      tpu.wait_dma2 semaphore(%arg10 : memref<!tpu.dma_semaphore, #tpu.memory_space<semaphore_mem>>) src(%dma_wait3A_1627 : memref<50x64xf32, #tpu.memory_space<vmem>>) dst(%dma_wait3A_1624 : memref<50x64xf32, #tpu.memory_space<hbm>>)
      %mul3A_1628 = arith.constant 16 : i32
      %mul3A_1629 = arith.muli %add3A_1184, %mul3A_1628 : i32
      %add3A_1630 = arith.addi %mul3A_4, %mul3A_1629 : i32
      %add3A_1631 = arith.constant 7 : i32
      %add3A_1632 = arith.addi %add3A_1630, %add3A_1631 : i32
      %dma_wait3A_1633 = arith.constant 350 : i32
      %dma_wait3A_1634 = arith.constant 0 : i32
      %dma_wait3A_1635 = tpu.memref_slice %arg6[%dma_wait3A_1633, %dma_wait3A_1634] : memref<800x64xf32, #tpu.memory_space<vmem>> -> memref<50x64xf32, #tpu.memory_space<vmem>>
      %dma_wait3A_1636 = arith.constant 0 : i32
      %dma_wait3A_1637 = arith.constant 0 : i32
      %dma_wait3A_1638 = tpu.memref_slice %arg4[%add3A_1632, %dma_wait3A_1636, %dma_wait3A_1637] : memref<16384x56x128xf32, #tpu.memory_space<hbm>> -> memref<1x50x64xf32, #tpu.memory_space<hbm>>
      %dma_wait3A_1639 = tpu.memref_squeeze %dma_wait3A_1638 : memref<1x50x64xf32, #tpu.memory_space<hbm>> -> memref<50x64xf32, #tpu.memory_space<hbm>>
      %dma_wait3A_1640 = arith.constant 0 : i32
      %dma_wait3A_1641 = arith.constant 0 : i32
      %dma_wait3A_1642 = tpu.memref_slice %arg4[%add3A_1632, %dma_wait3A_1640, %dma_wait3A_1641] : memref<16384x56x128xf32, #tpu.memory_space<hbm>> -> memref<1x50x64xf32, #tpu.memory_space<hbm>>
      %dma_wait3A_1643 = tpu.memref_squeeze %dma_wait3A_1642 : memref<1x50x64xf32, #tpu.memory_space<hbm>> -> memref<50x64xf32, #tpu.memory_space<hbm>>
      %dma_wait3A_1644 = arith.constant 350 : i32
      %dma_wait3A_1645 = arith.constant 0 : i32
      %dma_wait3A_1646 = tpu.memref_slice %arg6[%dma_wait3A_1644, %dma_wait3A_1645] : memref<800x64xf32, #tpu.memory_space<vmem>> -> memref<50x64xf32, #tpu.memory_space<vmem>>
      tpu.wait_dma2 semaphore(%arg10 : memref<!tpu.dma_semaphore, #tpu.memory_space<semaphore_mem>>) src(%dma_wait3A_1646 : memref<50x64xf32, #tpu.memory_space<vmem>>) dst(%dma_wait3A_1643 : memref<50x64xf32, #tpu.memory_space<hbm>>)
      %mul3A_1647 = arith.constant 16 : i32
      %mul3A_1648 = arith.muli %add3A_1184, %mul3A_1647 : i32
      %add3A_1649 = arith.addi %mul3A_4, %mul3A_1648 : i32
      %add3A_1650 = arith.constant 8 : i32
      %add3A_1651 = arith.addi %add3A_1649, %add3A_1650 : i32
      %dma_wait3A_1652 = arith.constant 400 : i32
      %dma_wait3A_1653 = arith.constant 0 : i32
      %dma_wait3A_1654 = tpu.memref_slice %arg6[%dma_wait3A_1652, %dma_wait3A_1653] : memref<800x64xf32, #tpu.memory_space<vmem>> -> memref<50x64xf32, #tpu.memory_space<vmem>>
      %dma_wait3A_1655 = arith.constant 0 : i32
      %dma_wait3A_1656 = arith.constant 0 : i32
      %dma_wait3A_1657 = tpu.memref_slice %arg4[%add3A_1651, %dma_wait3A_1655, %dma_wait3A_1656] : memref<16384x56x128xf32, #tpu.memory_space<hbm>> -> memref<1x50x64xf32, #tpu.memory_space<hbm>>
      %dma_wait3A_1658 = tpu.memref_squeeze %dma_wait3A_1657 : memref<1x50x64xf32, #tpu.memory_space<hbm>> -> memref<50x64xf32, #tpu.memory_space<hbm>>
      %dma_wait3A_1659 = arith.constant 0 : i32
      %dma_wait3A_1660 = arith.constant 0 : i32
      %dma_wait3A_1661 = tpu.memref_slice %arg4[%add3A_1651, %dma_wait3A_1659, %dma_wait3A_1660] : memref<16384x56x128xf32, #tpu.memory_space<hbm>> -> memref<1x50x64xf32, #tpu.memory_space<hbm>>
      %dma_wait3A_1662 = tpu.memref_squeeze %dma_wait3A_1661 : memref<1x50x64xf32, #tpu.memory_space<hbm>> -> memref<50x64xf32, #tpu.memory_space<hbm>>
      %dma_wait3A_1663 = arith.constant 400 : i32
      %dma_wait3A_1664 = arith.constant 0 : i32
      %dma_wait3A_1665 = tpu.memref_slice %arg6[%dma_wait3A_1663, %dma_wait3A_1664] : memref<800x64xf32, #tpu.memory_space<vmem>> -> memref<50x64xf32, #tpu.memory_space<vmem>>
      tpu.wait_dma2 semaphore(%arg10 : memref<!tpu.dma_semaphore, #tpu.memory_space<semaphore_mem>>) src(%dma_wait3A_1665 : memref<50x64xf32, #tpu.memory_space<vmem>>) dst(%dma_wait3A_1662 : memref<50x64xf32, #tpu.memory_space<hbm>>)
      %mul3A_1666 = arith.constant 16 : i32
      %mul3A_1667 = arith.muli %add3A_1184, %mul3A_1666 : i32
      %add3A_1668 = arith.addi %mul3A_4, %mul3A_1667 : i32
      %add3A_1669 = arith.constant 9 : i32
      %add3A_1670 = arith.addi %add3A_1668, %add3A_1669 : i32
      %dma_wait3A_1671 = arith.constant 450 : i32
      %dma_wait3A_1672 = arith.constant 0 : i32
      %dma_wait3A_1673 = tpu.memref_slice %arg6[%dma_wait3A_1671, %dma_wait3A_1672] : memref<800x64xf32, #tpu.memory_space<vmem>> -> memref<50x64xf32, #tpu.memory_space<vmem>>
      %dma_wait3A_1674 = arith.constant 0 : i32
      %dma_wait3A_1675 = arith.constant 0 : i32
      %dma_wait3A_1676 = tpu.memref_slice %arg4[%add3A_1670, %dma_wait3A_1674, %dma_wait3A_1675] : memref<16384x56x128xf32, #tpu.memory_space<hbm>> -> memref<1x50x64xf32, #tpu.memory_space<hbm>>
      %dma_wait3A_1677 = tpu.memref_squeeze %dma_wait3A_1676 : memref<1x50x64xf32, #tpu.memory_space<hbm>> -> memref<50x64xf32, #tpu.memory_space<hbm>>
      %dma_wait3A_1678 = arith.constant 0 : i32
      %dma_wait3A_1679 = arith.constant 0 : i32
      %dma_wait3A_1680 = tpu.memref_slice %arg4[%add3A_1670, %dma_wait3A_1678, %dma_wait3A_1679] : memref<16384x56x128xf32, #tpu.memory_space<hbm>> -> memref<1x50x64xf32, #tpu.memory_space<hbm>>
      %dma_wait3A_1681 = tpu.memref_squeeze %dma_wait3A_1680 : memref<1x50x64xf32, #tpu.memory_space<hbm>> -> memref<50x64xf32, #tpu.memory_space<hbm>>
      %dma_wait3A_1682 = arith.constant 450 : i32
      %dma_wait3A_1683 = arith.constant 0 : i32
      %dma_wait3A_1684 = tpu.memref_slice %arg6[%dma_wait3A_1682, %dma_wait3A_1683] : memref<800x64xf32, #tpu.memory_space<vmem>> -> memref<50x64xf32, #tpu.memory_space<vmem>>
      tpu.wait_dma2 semaphore(%arg10 : memref<!tpu.dma_semaphore, #tpu.memory_space<semaphore_mem>>) src(%dma_wait3A_1684 : memref<50x64xf32, #tpu.memory_space<vmem>>) dst(%dma_wait3A_1681 : memref<50x64xf32, #tpu.memory_space<hbm>>)
      %mul3A_1685 = arith.constant 16 : i32
      %mul3A_1686 = arith.muli %add3A_1184, %mul3A_1685 : i32
      %add3A_1687 = arith.addi %mul3A_4, %mul3A_1686 : i32
      %add3A_1688 = arith.constant 10 : i32
      %add3A_1689 = arith.addi %add3A_1687, %add3A_1688 : i32
      %dma_wait3A_1690 = arith.constant 500 : i32
      %dma_wait3A_1691 = arith.constant 0 : i32
      %dma_wait3A_1692 = tpu.memref_slice %arg6[%dma_wait3A_1690, %dma_wait3A_1691] : memref<800x64xf32, #tpu.memory_space<vmem>> -> memref<50x64xf32, #tpu.memory_space<vmem>>
      %dma_wait3A_1693 = arith.constant 0 : i32
      %dma_wait3A_1694 = arith.constant 0 : i32
      %dma_wait3A_1695 = tpu.memref_slice %arg4[%add3A_1689, %dma_wait3A_1693, %dma_wait3A_1694] : memref<16384x56x128xf32, #tpu.memory_space<hbm>> -> memref<1x50x64xf32, #tpu.memory_space<hbm>>
      %dma_wait3A_1696 = tpu.memref_squeeze %dma_wait3A_1695 : memref<1x50x64xf32, #tpu.memory_space<hbm>> -> memref<50x64xf32, #tpu.memory_space<hbm>>
      %dma_wait3A_1697 = arith.constant 0 : i32
      %dma_wait3A_1698 = arith.constant 0 : i32
      %dma_wait3A_1699 = tpu.memref_slice %arg4[%add3A_1689, %dma_wait3A_1697, %dma_wait3A_1698] : memref<16384x56x128xf32, #tpu.memory_space<hbm>> -> memref<1x50x64xf32, #tpu.memory_space<hbm>>
      %dma_wait3A_1700 = tpu.memref_squeeze %dma_wait3A_1699 : memref<1x50x64xf32, #tpu.memory_space<hbm>> -> memref<50x64xf32, #tpu.memory_space<hbm>>
      %dma_wait3A_1701 = arith.constant 500 : i32
      %dma_wait3A_1702 = arith.constant 0 : i32
      %dma_wait3A_1703 = tpu.memref_slice %arg6[%dma_wait3A_1701, %dma_wait3A_1702] : memref<800x64xf32, #tpu.memory_space<vmem>> -> memref<50x64xf32, #tpu.memory_space<vmem>>
      tpu.wait_dma2 semaphore(%arg10 : memref<!tpu.dma_semaphore, #tpu.memory_space<semaphore_mem>>) src(%dma_wait3A_1703 : memref<50x64xf32, #tpu.memory_space<vmem>>) dst(%dma_wait3A_1700 : memref<50x64xf32, #tpu.memory_space<hbm>>)
      %mul3A_1704 = arith.constant 16 : i32
      %mul3A_1705 = arith.muli %add3A_1184, %mul3A_1704 : i32
      %add3A_1706 = arith.addi %mul3A_4, %mul3A_1705 : i32
      %add3A_1707 = arith.constant 11 : i32
      %add3A_1708 = arith.addi %add3A_1706, %add3A_1707 : i32
      %dma_wait3A_1709 = arith.constant 550 : i32
      %dma_wait3A_1710 = arith.constant 0 : i32
      %dma_wait3A_1711 = tpu.memref_slice %arg6[%dma_wait3A_1709, %dma_wait3A_1710] : memref<800x64xf32, #tpu.memory_space<vmem>> -> memref<50x64xf32, #tpu.memory_space<vmem>>
      %dma_wait3A_1712 = arith.constant 0 : i32
      %dma_wait3A_1713 = arith.constant 0 : i32
      %dma_wait3A_1714 = tpu.memref_slice %arg4[%add3A_1708, %dma_wait3A_1712, %dma_wait3A_1713] : memref<16384x56x128xf32, #tpu.memory_space<hbm>> -> memref<1x50x64xf32, #tpu.memory_space<hbm>>
      %dma_wait3A_1715 = tpu.memref_squeeze %dma_wait3A_1714 : memref<1x50x64xf32, #tpu.memory_space<hbm>> -> memref<50x64xf32, #tpu.memory_space<hbm>>
      %dma_wait3A_1716 = arith.constant 0 : i32
      %dma_wait3A_1717 = arith.constant 0 : i32
      %dma_wait3A_1718 = tpu.memref_slice %arg4[%add3A_1708, %dma_wait3A_1716, %dma_wait3A_1717] : memref<16384x56x128xf32, #tpu.memory_space<hbm>> -> memref<1x50x64xf32, #tpu.memory_space<hbm>>
      %dma_wait3A_1719 = tpu.memref_squeeze %dma_wait3A_1718 : memref<1x50x64xf32, #tpu.memory_space<hbm>> -> memref<50x64xf32, #tpu.memory_space<hbm>>
      %dma_wait3A_1720 = arith.constant 550 : i32
      %dma_wait3A_1721 = arith.constant 0 : i32
      %dma_wait3A_1722 = tpu.memref_slice %arg6[%dma_wait3A_1720, %dma_wait3A_1721] : memref<800x64xf32, #tpu.memory_space<vmem>> -> memref<50x64xf32, #tpu.memory_space<vmem>>
      tpu.wait_dma2 semaphore(%arg10 : memref<!tpu.dma_semaphore, #tpu.memory_space<semaphore_mem>>) src(%dma_wait3A_1722 : memref<50x64xf32, #tpu.memory_space<vmem>>) dst(%dma_wait3A_1719 : memref<50x64xf32, #tpu.memory_space<hbm>>)
      %mul3A_1723 = arith.constant 16 : i32
      %mul3A_1724 = arith.muli %add3A_1184, %mul3A_1723 : i32
      %add3A_1725 = arith.addi %mul3A_4, %mul3A_1724 : i32
      %add3A_1726 = arith.constant 12 : i32
      %add3A_1727 = arith.addi %add3A_1725, %add3A_1726 : i32
      %dma_wait3A_1728 = arith.constant 600 : i32
      %dma_wait3A_1729 = arith.constant 0 : i32
      %dma_wait3A_1730 = tpu.memref_slice %arg6[%dma_wait3A_1728, %dma_wait3A_1729] : memref<800x64xf32, #tpu.memory_space<vmem>> -> memref<50x64xf32, #tpu.memory_space<vmem>>
      %dma_wait3A_1731 = arith.constant 0 : i32
      %dma_wait3A_1732 = arith.constant 0 : i32
      %dma_wait3A_1733 = tpu.memref_slice %arg4[%add3A_1727, %dma_wait3A_1731, %dma_wait3A_1732] : memref<16384x56x128xf32, #tpu.memory_space<hbm>> -> memref<1x50x64xf32, #tpu.memory_space<hbm>>
      %dma_wait3A_1734 = tpu.memref_squeeze %dma_wait3A_1733 : memref<1x50x64xf32, #tpu.memory_space<hbm>> -> memref<50x64xf32, #tpu.memory_space<hbm>>
      %dma_wait3A_1735 = arith.constant 0 : i32
      %dma_wait3A_1736 = arith.constant 0 : i32
      %dma_wait3A_1737 = tpu.memref_slice %arg4[%add3A_1727, %dma_wait3A_1735, %dma_wait3A_1736] : memref<16384x56x128xf32, #tpu.memory_space<hbm>> -> memref<1x50x64xf32, #tpu.memory_space<hbm>>
      %dma_wait3A_1738 = tpu.memref_squeeze %dma_wait3A_1737 : memref<1x50x64xf32, #tpu.memory_space<hbm>> -> memref<50x64xf32, #tpu.memory_space<hbm>>
      %dma_wait3A_1739 = arith.constant 600 : i32
      %dma_wait3A_1740 = arith.constant 0 : i32
      %dma_wait3A_1741 = tpu.memref_slice %arg6[%dma_wait3A_1739, %dma_wait3A_1740] : memref<800x64xf32, #tpu.memory_space<vmem>> -> memref<50x64xf32, #tpu.memory_space<vmem>>
      tpu.wait_dma2 semaphore(%arg10 : memref<!tpu.dma_semaphore, #tpu.memory_space<semaphore_mem>>) src(%dma_wait3A_1741 : memref<50x64xf32, #tpu.memory_space<vmem>>) dst(%dma_wait3A_1738 : memref<50x64xf32, #tpu.memory_space<hbm>>)
      %mul3A_1742 = arith.constant 16 : i32
      %mul3A_1743 = arith.muli %add3A_1184, %mul3A_1742 : i32
      %add3A_1744 = arith.addi %mul3A_4, %mul3A_1743 : i32
      %add3A_1745 = arith.constant 13 : i32
      %add3A_1746 = arith.addi %add3A_1744, %add3A_1745 : i32
      %dma_wait3A_1747 = arith.constant 650 : i32
      %dma_wait3A_1748 = arith.constant 0 : i32
      %dma_wait3A_1749 = tpu.memref_slice %arg6[%dma_wait3A_1747, %dma_wait3A_1748] : memref<800x64xf32, #tpu.memory_space<vmem>> -> memref<50x64xf32, #tpu.memory_space<vmem>>
      %dma_wait3A_1750 = arith.constant 0 : i32
      %dma_wait3A_1751 = arith.constant 0 : i32
      %dma_wait3A_1752 = tpu.memref_slice %arg4[%add3A_1746, %dma_wait3A_1750, %dma_wait3A_1751] : memref<16384x56x128xf32, #tpu.memory_space<hbm>> -> memref<1x50x64xf32, #tpu.memory_space<hbm>>
      %dma_wait3A_1753 = tpu.memref_squeeze %dma_wait3A_1752 : memref<1x50x64xf32, #tpu.memory_space<hbm>> -> memref<50x64xf32, #tpu.memory_space<hbm>>
      %dma_wait3A_1754 = arith.constant 0 : i32
      %dma_wait3A_1755 = arith.constant 0 : i32
      %dma_wait3A_1756 = tpu.memref_slice %arg4[%add3A_1746, %dma_wait3A_1754, %dma_wait3A_1755] : memref<16384x56x128xf32, #tpu.memory_space<hbm>> -> memref<1x50x64xf32, #tpu.memory_space<hbm>>
      %dma_wait3A_1757 = tpu.memref_squeeze %dma_wait3A_1756 : memref<1x50x64xf32, #tpu.memory_space<hbm>> -> memref<50x64xf32, #tpu.memory_space<hbm>>
      %dma_wait3A_1758 = arith.constant 650 : i32
      %dma_wait3A_1759 = arith.constant 0 : i32
      %dma_wait3A_1760 = tpu.memref_slice %arg6[%dma_wait3A_1758, %dma_wait3A_1759] : memref<800x64xf32, #tpu.memory_space<vmem>> -> memref<50x64xf32, #tpu.memory_space<vmem>>
      tpu.wait_dma2 semaphore(%arg10 : memref<!tpu.dma_semaphore, #tpu.memory_space<semaphore_mem>>) src(%dma_wait3A_1760 : memref<50x64xf32, #tpu.memory_space<vmem>>) dst(%dma_wait3A_1757 : memref<50x64xf32, #tpu.memory_space<hbm>>)
      %mul3A_1761 = arith.constant 16 : i32
      %mul3A_1762 = arith.muli %add3A_1184, %mul3A_1761 : i32
      %add3A_1763 = arith.addi %mul3A_4, %mul3A_1762 : i32
      %add3A_1764 = arith.constant 14 : i32
      %add3A_1765 = arith.addi %add3A_1763, %add3A_1764 : i32
      %dma_wait3A_1766 = arith.constant 700 : i32
      %dma_wait3A_1767 = arith.constant 0 : i32
      %dma_wait3A_1768 = tpu.memref_slice %arg6[%dma_wait3A_1766, %dma_wait3A_1767] : memref<800x64xf32, #tpu.memory_space<vmem>> -> memref<50x64xf32, #tpu.memory_space<vmem>>
      %dma_wait3A_1769 = arith.constant 0 : i32
      %dma_wait3A_1770 = arith.constant 0 : i32
      %dma_wait3A_1771 = tpu.memref_slice %arg4[%add3A_1765, %dma_wait3A_1769, %dma_wait3A_1770] : memref<16384x56x128xf32, #tpu.memory_space<hbm>> -> memref<1x50x64xf32, #tpu.memory_space<hbm>>
      %dma_wait3A_1772 = tpu.memref_squeeze %dma_wait3A_1771 : memref<1x50x64xf32, #tpu.memory_space<hbm>> -> memref<50x64xf32, #tpu.memory_space<hbm>>
      %dma_wait3A_1773 = arith.constant 0 : i32
      %dma_wait3A_1774 = arith.constant 0 : i32
      %dma_wait3A_1775 = tpu.memref_slice %arg4[%add3A_1765, %dma_wait3A_1773, %dma_wait3A_1774] : memref<16384x56x128xf32, #tpu.memory_space<hbm>> -> memref<1x50x64xf32, #tpu.memory_space<hbm>>
      %dma_wait3A_1776 = tpu.memref_squeeze %dma_wait3A_1775 : memref<1x50x64xf32, #tpu.memory_space<hbm>> -> memref<50x64xf32, #tpu.memory_space<hbm>>
      %dma_wait3A_1777 = arith.constant 700 : i32
      %dma_wait3A_1778 = arith.constant 0 : i32
      %dma_wait3A_1779 = tpu.memref_slice %arg6[%dma_wait3A_1777, %dma_wait3A_1778] : memref<800x64xf32, #tpu.memory_space<vmem>> -> memref<50x64xf32, #tpu.memory_space<vmem>>
      tpu.wait_dma2 semaphore(%arg10 : memref<!tpu.dma_semaphore, #tpu.memory_space<semaphore_mem>>) src(%dma_wait3A_1779 : memref<50x64xf32, #tpu.memory_space<vmem>>) dst(%dma_wait3A_1776 : memref<50x64xf32, #tpu.memory_space<hbm>>)
      %mul3A_1780 = arith.constant 16 : i32
      %mul3A_1781 = arith.muli %add3A_1184, %mul3A_1780 : i32
      %add3A_1782 = arith.addi %mul3A_4, %mul3A_1781 : i32
      %add3A_1783 = arith.constant 15 : i32
      %add3A_1784 = arith.addi %add3A_1782, %add3A_1783 : i32
      %dma_wait3A_1785 = arith.constant 750 : i32
      %dma_wait3A_1786 = arith.constant 0 : i32
      %dma_wait3A_1787 = tpu.memref_slice %arg6[%dma_wait3A_1785, %dma_wait3A_1786] : memref<800x64xf32, #tpu.memory_space<vmem>> -> memref<50x64xf32, #tpu.memory_space<vmem>>
      %dma_wait3A_1788 = arith.constant 0 : i32
      %dma_wait3A_1789 = arith.constant 0 : i32
      %dma_wait3A_1790 = tpu.memref_slice %arg4[%add3A_1784, %dma_wait3A_1788, %dma_wait3A_1789] : memref<16384x56x128xf32, #tpu.memory_space<hbm>> -> memref<1x50x64xf32, #tpu.memory_space<hbm>>
      %dma_wait3A_1791 = tpu.memref_squeeze %dma_wait3A_1790 : memref<1x50x64xf32, #tpu.memory_space<hbm>> -> memref<50x64xf32, #tpu.memory_space<hbm>>
      %dma_wait3A_1792 = arith.constant 0 : i32
      %dma_wait3A_1793 = arith.constant 0 : i32
      %dma_wait3A_1794 = tpu.memref_slice %arg4[%add3A_1784, %dma_wait3A_1792, %dma_wait3A_1793] : memref<16384x56x128xf32, #tpu.memory_space<hbm>> -> memref<1x50x64xf32, #tpu.memory_space<hbm>>
      %dma_wait3A_1795 = tpu.memref_squeeze %dma_wait3A_1794 : memref<1x50x64xf32, #tpu.memory_space<hbm>> -> memref<50x64xf32, #tpu.memory_space<hbm>>
      %dma_wait3A_1796 = arith.constant 750 : i32
      %dma_wait3A_1797 = arith.constant 0 : i32
      %dma_wait3A_1798 = tpu.memref_slice %arg6[%dma_wait3A_1796, %dma_wait3A_1797] : memref<800x64xf32, #tpu.memory_space<vmem>> -> memref<50x64xf32, #tpu.memory_space<vmem>>
      tpu.wait_dma2 semaphore(%arg10 : memref<!tpu.dma_semaphore, #tpu.memory_space<semaphore_mem>>) src(%dma_wait3A_1798 : memref<50x64xf32, #tpu.memory_space<vmem>>) dst(%dma_wait3A_1795 : memref<50x64xf32, #tpu.memory_space<hbm>>)
      %add3A_1799 = arith.constant 2 : i32
      %add3A_1800 = arith.addi %add3A_1184, %add3A_1799 : i32
      %mul3A_1801 = arith.constant 800 : i32
      %mul3A_1802 = arith.muli %add3A_1800, %mul3A_1801 : i32
      %dma_start3A_1803 = tpu.memref_slice %arg5[%mul3A_1802] : memref<25600xi32, #tpu.memory_space<vmem>> -> memref<800xi32, #tpu.memory_space<vmem>>
      %dma_start3A_1804 = arith.constant 0 : i32
      %dma_start3A_1805 = arith.constant 0 : i32
      %dma_start3A_1806 = tpu.memref_slice %arg3[%dma_start3A_1804, %dma_start3A_1805] : memref<100000x64xf32, #tpu.memory_space<hbm>> -> memref<100000x64xf32, #tpu.memory_space<hbm>>
      tpu.enqueue_indirect_dma source(%dma_start3A_1806 : memref<100000x64xf32, #tpu.memory_space<hbm>>) target(%arg6 : memref<800x64xf32, #tpu.memory_space<vmem>>) offsets(%dma_start3A_1803 : memref<800xi32, #tpu.memory_space<vmem>>) semaphore(%arg8 : memref<!tpu.dma_semaphore, #tpu.memory_space<semaphore_mem>>)
      %mul3A_1807 = arith.constant 2 : i32
      %mul3A_1808 = arith.muli %mul3A_1807, %scan3A_1180 : i32
      %add3A_1809 = arith.constant 1 : i32
      %add3A_1810 = arith.addi %mul3A_1808, %add3A_1809 : i32
      %mul3A_1811 = arith.constant 800 : i32
      %mul3A_1812 = arith.muli %add3A_1810, %mul3A_1811 : i32
      %dma_wait3A_1813 = tpu.memref_slice %arg5[%mul3A_1812] : memref<25600xi32, #tpu.memory_space<vmem>> -> memref<800xi32, #tpu.memory_space<vmem>>
      %dma_wait3A_1814 = arith.constant 0 : i32
      %dma_wait3A_1815 = arith.constant 0 : i32
      %dma_wait3A_1816 = tpu.memref_slice %arg3[%dma_wait3A_1814, %dma_wait3A_1815] : memref<100000x64xf32, #tpu.memory_space<hbm>> -> memref<100000x64xf32, #tpu.memory_space<hbm>>
      tpu.wait_indirect_dma semaphore(%arg9 : memref<!tpu.dma_semaphore, #tpu.memory_space<semaphore_mem>>) src(%dma_wait3A_1816 : memref<100000x64xf32, #tpu.memory_space<hbm>>) dst(%arg7 : memref<800x64xf32, #tpu.memory_space<vmem>>)
      %mul3A_1817 = arith.constant 16 : i32
      %mul3A_1818 = arith.muli %add3A_1810, %mul3A_1817 : i32
      %add3A_1819 = arith.addi %mul3A_4, %mul3A_1818 : i32
      %add3A_1820 = arith.constant 0 : i32
      %add3A_1821 = arith.addi %add3A_1819, %add3A_1820 : i32
      %dma_start3A_1822 = arith.constant 0 : i32
      %dma_start3A_1823 = arith.constant 0 : i32
      %dma_start3A_1824 = tpu.memref_slice %arg7[%dma_start3A_1822, %dma_start3A_1823] : memref<800x64xf32, #tpu.memory_space<vmem>> -> memref<50x64xf32, #tpu.memory_space<vmem>>
      %dma_start3A_1825 = arith.constant 0 : i32
      %dma_start3A_1826 = arith.constant 0 : i32
      %dma_start3A_1827 = tpu.memref_slice %arg4[%add3A_1821, %dma_start3A_1825, %dma_start3A_1826] : memref<16384x56x128xf32, #tpu.memory_space<hbm>> -> memref<1x50x64xf32, #tpu.memory_space<hbm>>
      %dma_start3A_1828 = tpu.memref_squeeze %dma_start3A_1827 : memref<1x50x64xf32, #tpu.memory_space<hbm>> -> memref<50x64xf32, #tpu.memory_space<hbm>>
      %dma_start3A_1829 = arith.constant 0 : i32
      %dma_start3A_1830 = arith.constant 0 : i32
      %dma_start3A_1831 = tpu.memref_slice %arg4[%add3A_1821, %dma_start3A_1829, %dma_start3A_1830] : memref<16384x56x128xf32, #tpu.memory_space<hbm>> -> memref<1x50x64xf32, #tpu.memory_space<hbm>>
      %dma_start3A_1832 = tpu.memref_squeeze %dma_start3A_1831 : memref<1x50x64xf32, #tpu.memory_space<hbm>> -> memref<50x64xf32, #tpu.memory_space<hbm>>
      %dma_start3A_1833 = arith.constant 0 : i32
      %dma_start3A_1834 = arith.constant 0 : i32
      %dma_start3A_1835 = tpu.memref_slice %arg7[%dma_start3A_1833, %dma_start3A_1834] : memref<800x64xf32, #tpu.memory_space<vmem>> -> memref<50x64xf32, #tpu.memory_space<vmem>>
      tpu.enqueue_dma source(%dma_start3A_1835 : memref<50x64xf32, #tpu.memory_space<vmem>>) target(%dma_start3A_1832 : memref<50x64xf32, #tpu.memory_space<hbm>>) target_semaphore(%arg11 : memref<!tpu.dma_semaphore, #tpu.memory_space<semaphore_mem>>)
      %mul3A_1836 = arith.constant 16 : i32
      %mul3A_1837 = arith.muli %add3A_1810, %mul3A_1836 : i32
      %add3A_1838 = arith.addi %mul3A_4, %mul3A_1837 : i32
      %add3A_1839 = arith.constant 1 : i32
      %add3A_1840 = arith.addi %add3A_1838, %add3A_1839 : i32
      %dma_start3A_1841 = arith.constant 50 : i32
      %dma_start3A_1842 = arith.constant 0 : i32
      %dma_start3A_1843 = tpu.memref_slice %arg7[%dma_start3A_1841, %dma_start3A_1842] : memref<800x64xf32, #tpu.memory_space<vmem>> -> memref<50x64xf32, #tpu.memory_space<vmem>>
      %dma_start3A_1844 = arith.constant 0 : i32
      %dma_start3A_1845 = arith.constant 0 : i32
      %dma_start3A_1846 = tpu.memref_slice %arg4[%add3A_1840, %dma_start3A_1844, %dma_start3A_1845] : memref<16384x56x128xf32, #tpu.memory_space<hbm>> -> memref<1x50x64xf32, #tpu.memory_space<hbm>>
      %dma_start3A_1847 = tpu.memref_squeeze %dma_start3A_1846 : memref<1x50x64xf32, #tpu.memory_space<hbm>> -> memref<50x64xf32, #tpu.memory_space<hbm>>
      %dma_start3A_1848 = arith.constant 0 : i32
      %dma_start3A_1849 = arith.constant 0 : i32
      %dma_start3A_1850 = tpu.memref_slice %arg4[%add3A_1840, %dma_start3A_1848, %dma_start3A_1849] : memref<16384x56x128xf32, #tpu.memory_space<hbm>> -> memref<1x50x64xf32, #tpu.memory_space<hbm>>
      %dma_start3A_1851 = tpu.memref_squeeze %dma_start3A_1850 : memref<1x50x64xf32, #tpu.memory_space<hbm>> -> memref<50x64xf32, #tpu.memory_space<hbm>>
      %dma_start3A_1852 = arith.constant 50 : i32
      %dma_start3A_1853 = arith.constant 0 : i32
      %dma_start3A_1854 = tpu.memref_slice %arg7[%dma_start3A_1852, %dma_start3A_1853] : memref<800x64xf32, #tpu.memory_space<vmem>> -> memref<50x64xf32, #tpu.memory_space<vmem>>
      tpu.enqueue_dma source(%dma_start3A_1854 : memref<50x64xf32, #tpu.memory_space<vmem>>) target(%dma_start3A_1851 : memref<50x64xf32, #tpu.memory_space<hbm>>) target_semaphore(%arg11 : memref<!tpu.dma_semaphore, #tpu.memory_space<semaphore_mem>>)
      %mul3A_1855 = arith.constant 16 : i32
      %mul3A_1856 = arith.muli %add3A_1810, %mul3A_1855 : i32
      %add3A_1857 = arith.addi %mul3A_4, %mul3A_1856 : i32
      %add3A_1858 = arith.constant 2 : i32
      %add3A_1859 = arith.addi %add3A_1857, %add3A_1858 : i32
      %dma_start3A_1860 = arith.constant 100 : i32
      %dma_start3A_1861 = arith.constant 0 : i32
      %dma_start3A_1862 = tpu.memref_slice %arg7[%dma_start3A_1860, %dma_start3A_1861] : memref<800x64xf32, #tpu.memory_space<vmem>> -> memref<50x64xf32, #tpu.memory_space<vmem>>
      %dma_start3A_1863 = arith.constant 0 : i32
      %dma_start3A_1864 = arith.constant 0 : i32
      %dma_start3A_1865 = tpu.memref_slice %arg4[%add3A_1859, %dma_start3A_1863, %dma_start3A_1864] : memref<16384x56x128xf32, #tpu.memory_space<hbm>> -> memref<1x50x64xf32, #tpu.memory_space<hbm>>
      %dma_start3A_1866 = tpu.memref_squeeze %dma_start3A_1865 : memref<1x50x64xf32, #tpu.memory_space<hbm>> -> memref<50x64xf32, #tpu.memory_space<hbm>>
      %dma_start3A_1867 = arith.constant 0 : i32
      %dma_start3A_1868 = arith.constant 0 : i32
      %dma_start3A_1869 = tpu.memref_slice %arg4[%add3A_1859, %dma_start3A_1867, %dma_start3A_1868] : memref<16384x56x128xf32, #tpu.memory_space<hbm>> -> memref<1x50x64xf32, #tpu.memory_space<hbm>>
      %dma_start3A_1870 = tpu.memref_squeeze %dma_start3A_1869 : memref<1x50x64xf32, #tpu.memory_space<hbm>> -> memref<50x64xf32, #tpu.memory_space<hbm>>
      %dma_start3A_1871 = arith.constant 100 : i32
      %dma_start3A_1872 = arith.constant 0 : i32
      %dma_start3A_1873 = tpu.memref_slice %arg7[%dma_start3A_1871, %dma_start3A_1872] : memref<800x64xf32, #tpu.memory_space<vmem>> -> memref<50x64xf32, #tpu.memory_space<vmem>>
      tpu.enqueue_dma source(%dma_start3A_1873 : memref<50x64xf32, #tpu.memory_space<vmem>>) target(%dma_start3A_1870 : memref<50x64xf32, #tpu.memory_space<hbm>>) target_semaphore(%arg11 : memref<!tpu.dma_semaphore, #tpu.memory_space<semaphore_mem>>)
      %mul3A_1874 = arith.constant 16 : i32
      %mul3A_1875 = arith.muli %add3A_1810, %mul3A_1874 : i32
      %add3A_1876 = arith.addi %mul3A_4, %mul3A_1875 : i32
      %add3A_1877 = arith.constant 3 : i32
      %add3A_1878 = arith.addi %add3A_1876, %add3A_1877 : i32
      %dma_start3A_1879 = arith.constant 150 : i32
      %dma_start3A_1880 = arith.constant 0 : i32
      %dma_start3A_1881 = tpu.memref_slice %arg7[%dma_start3A_1879, %dma_start3A_1880] : memref<800x64xf32, #tpu.memory_space<vmem>> -> memref<50x64xf32, #tpu.memory_space<vmem>>
      %dma_start3A_1882 = arith.constant 0 : i32
      %dma_start3A_1883 = arith.constant 0 : i32
      %dma_start3A_1884 = tpu.memref_slice %arg4[%add3A_1878, %dma_start3A_1882, %dma_start3A_1883] : memref<16384x56x128xf32, #tpu.memory_space<hbm>> -> memref<1x50x64xf32, #tpu.memory_space<hbm>>
      %dma_start3A_1885 = tpu.memref_squeeze %dma_start3A_1884 : memref<1x50x64xf32, #tpu.memory_space<hbm>> -> memref<50x64xf32, #tpu.memory_space<hbm>>
      %dma_start3A_1886 = arith.constant 0 : i32
      %dma_start3A_1887 = arith.constant 0 : i32
      %dma_start3A_1888 = tpu.memref_slice %arg4[%add3A_1878, %dma_start3A_1886, %dma_start3A_1887] : memref<16384x56x128xf32, #tpu.memory_space<hbm>> -> memref<1x50x64xf32, #tpu.memory_space<hbm>>
      %dma_start3A_1889 = tpu.memref_squeeze %dma_start3A_1888 : memref<1x50x64xf32, #tpu.memory_space<hbm>> -> memref<50x64xf32, #tpu.memory_space<hbm>>
      %dma_start3A_1890 = arith.constant 150 : i32
      %dma_start3A_1891 = arith.constant 0 : i32
      %dma_start3A_1892 = tpu.memref_slice %arg7[%dma_start3A_1890, %dma_start3A_1891] : memref<800x64xf32, #tpu.memory_space<vmem>> -> memref<50x64xf32, #tpu.memory_space<vmem>>
      tpu.enqueue_dma source(%dma_start3A_1892 : memref<50x64xf32, #tpu.memory_space<vmem>>) target(%dma_start3A_1889 : memref<50x64xf32, #tpu.memory_space<hbm>>) target_semaphore(%arg11 : memref<!tpu.dma_semaphore, #tpu.memory_space<semaphore_mem>>)
      %mul3A_1893 = arith.constant 16 : i32
      %mul3A_1894 = arith.muli %add3A_1810, %mul3A_1893 : i32
      %add3A_1895 = arith.addi %mul3A_4, %mul3A_1894 : i32
      %add3A_1896 = arith.constant 4 : i32
      %add3A_1897 = arith.addi %add3A_1895, %add3A_1896 : i32
      %dma_start3A_1898 = arith.constant 200 : i32
      %dma_start3A_1899 = arith.constant 0 : i32
      %dma_start3A_1900 = tpu.memref_slice %arg7[%dma_start3A_1898, %dma_start3A_1899] : memref<800x64xf32, #tpu.memory_space<vmem>> -> memref<50x64xf32, #tpu.memory_space<vmem>>
      %dma_start3A_1901 = arith.constant 0 : i32
      %dma_start3A_1902 = arith.constant 0 : i32
      %dma_start3A_1903 = tpu.memref_slice %arg4[%add3A_1897, %dma_start3A_1901, %dma_start3A_1902] : memref<16384x56x128xf32, #tpu.memory_space<hbm>> -> memref<1x50x64xf32, #tpu.memory_space<hbm>>
      %dma_start3A_1904 = tpu.memref_squeeze %dma_start3A_1903 : memref<1x50x64xf32, #tpu.memory_space<hbm>> -> memref<50x64xf32, #tpu.memory_space<hbm>>
      %dma_start3A_1905 = arith.constant 0 : i32
      %dma_start3A_1906 = arith.constant 0 : i32
      %dma_start3A_1907 = tpu.memref_slice %arg4[%add3A_1897, %dma_start3A_1905, %dma_start3A_1906] : memref<16384x56x128xf32, #tpu.memory_space<hbm>> -> memref<1x50x64xf32, #tpu.memory_space<hbm>>
      %dma_start3A_1908 = tpu.memref_squeeze %dma_start3A_1907 : memref<1x50x64xf32, #tpu.memory_space<hbm>> -> memref<50x64xf32, #tpu.memory_space<hbm>>
      %dma_start3A_1909 = arith.constant 200 : i32
      %dma_start3A_1910 = arith.constant 0 : i32
      %dma_start3A_1911 = tpu.memref_slice %arg7[%dma_start3A_1909, %dma_start3A_1910] : memref<800x64xf32, #tpu.memory_space<vmem>> -> memref<50x64xf32, #tpu.memory_space<vmem>>
      tpu.enqueue_dma source(%dma_start3A_1911 : memref<50x64xf32, #tpu.memory_space<vmem>>) target(%dma_start3A_1908 : memref<50x64xf32, #tpu.memory_space<hbm>>) target_semaphore(%arg11 : memref<!tpu.dma_semaphore, #tpu.memory_space<semaphore_mem>>)
      %mul3A_1912 = arith.constant 16 : i32
      %mul3A_1913 = arith.muli %add3A_1810, %mul3A_1912 : i32
      %add3A_1914 = arith.addi %mul3A_4, %mul3A_1913 : i32
      %add3A_1915 = arith.constant 5 : i32
      %add3A_1916 = arith.addi %add3A_1914, %add3A_1915 : i32
      %dma_start3A_1917 = arith.constant 250 : i32
      %dma_start3A_1918 = arith.constant 0 : i32
      %dma_start3A_1919 = tpu.memref_slice %arg7[%dma_start3A_1917, %dma_start3A_1918] : memref<800x64xf32, #tpu.memory_space<vmem>> -> memref<50x64xf32, #tpu.memory_space<vmem>>
      %dma_start3A_1920 = arith.constant 0 : i32
      %dma_start3A_1921 = arith.constant 0 : i32
      %dma_start3A_1922 = tpu.memref_slice %arg4[%add3A_1916, %dma_start3A_1920, %dma_start3A_1921] : memref<16384x56x128xf32, #tpu.memory_space<hbm>> -> memref<1x50x64xf32, #tpu.memory_space<hbm>>
      %dma_start3A_1923 = tpu.memref_squeeze %dma_start3A_1922 : memref<1x50x64xf32, #tpu.memory_space<hbm>> -> memref<50x64xf32, #tpu.memory_space<hbm>>
      %dma_start3A_1924 = arith.constant 0 : i32
      %dma_start3A_1925 = arith.constant 0 : i32
      %dma_start3A_1926 = tpu.memref_slice %arg4[%add3A_1916, %dma_start3A_1924, %dma_start3A_1925] : memref<16384x56x128xf32, #tpu.memory_space<hbm>> -> memref<1x50x64xf32, #tpu.memory_space<hbm>>
      %dma_start3A_1927 = tpu.memref_squeeze %dma_start3A_1926 : memref<1x50x64xf32, #tpu.memory_space<hbm>> -> memref<50x64xf32, #tpu.memory_space<hbm>>
      %dma_start3A_1928 = arith.constant 250 : i32
      %dma_start3A_1929 = arith.constant 0 : i32
      %dma_start3A_1930 = tpu.memref_slice %arg7[%dma_start3A_1928, %dma_start3A_1929] : memref<800x64xf32, #tpu.memory_space<vmem>> -> memref<50x64xf32, #tpu.memory_space<vmem>>
      tpu.enqueue_dma source(%dma_start3A_1930 : memref<50x64xf32, #tpu.memory_space<vmem>>) target(%dma_start3A_1927 : memref<50x64xf32, #tpu.memory_space<hbm>>) target_semaphore(%arg11 : memref<!tpu.dma_semaphore, #tpu.memory_space<semaphore_mem>>)
      %mul3A_1931 = arith.constant 16 : i32
      %mul3A_1932 = arith.muli %add3A_1810, %mul3A_1931 : i32
      %add3A_1933 = arith.addi %mul3A_4, %mul3A_1932 : i32
      %add3A_1934 = arith.constant 6 : i32
      %add3A_1935 = arith.addi %add3A_1933, %add3A_1934 : i32
      %dma_start3A_1936 = arith.constant 300 : i32
      %dma_start3A_1937 = arith.constant 0 : i32
      %dma_start3A_1938 = tpu.memref_slice %arg7[%dma_start3A_1936, %dma_start3A_1937] : memref<800x64xf32, #tpu.memory_space<vmem>> -> memref<50x64xf32, #tpu.memory_space<vmem>>
      %dma_start3A_1939 = arith.constant 0 : i32
      %dma_start3A_1940 = arith.constant 0 : i32
      %dma_start3A_1941 = tpu.memref_slice %arg4[%add3A_1935, %dma_start3A_1939, %dma_start3A_1940] : memref<16384x56x128xf32, #tpu.memory_space<hbm>> -> memref<1x50x64xf32, #tpu.memory_space<hbm>>
      %dma_start3A_1942 = tpu.memref_squeeze %dma_start3A_1941 : memref<1x50x64xf32, #tpu.memory_space<hbm>> -> memref<50x64xf32, #tpu.memory_space<hbm>>
      %dma_start3A_1943 = arith.constant 0 : i32
      %dma_start3A_1944 = arith.constant 0 : i32
      %dma_start3A_1945 = tpu.memref_slice %arg4[%add3A_1935, %dma_start3A_1943, %dma_start3A_1944] : memref<16384x56x128xf32, #tpu.memory_space<hbm>> -> memref<1x50x64xf32, #tpu.memory_space<hbm>>
      %dma_start3A_1946 = tpu.memref_squeeze %dma_start3A_1945 : memref<1x50x64xf32, #tpu.memory_space<hbm>> -> memref<50x64xf32, #tpu.memory_space<hbm>>
      %dma_start3A_1947 = arith.constant 300 : i32
      %dma_start3A_1948 = arith.constant 0 : i32
      %dma_start3A_1949 = tpu.memref_slice %arg7[%dma_start3A_1947, %dma_start3A_1948] : memref<800x64xf32, #tpu.memory_space<vmem>> -> memref<50x64xf32, #tpu.memory_space<vmem>>
      tpu.enqueue_dma source(%dma_start3A_1949 : memref<50x64xf32, #tpu.memory_space<vmem>>) target(%dma_start3A_1946 : memref<50x64xf32, #tpu.memory_space<hbm>>) target_semaphore(%arg11 : memref<!tpu.dma_semaphore, #tpu.memory_space<semaphore_mem>>)
      %mul3A_1950 = arith.constant 16 : i32
      %mul3A_1951 = arith.muli %add3A_1810, %mul3A_1950 : i32
      %add3A_1952 = arith.addi %mul3A_4, %mul3A_1951 : i32
      %add3A_1953 = arith.constant 7 : i32
      %add3A_1954 = arith.addi %add3A_1952, %add3A_1953 : i32
      %dma_start3A_1955 = arith.constant 350 : i32
      %dma_start3A_1956 = arith.constant 0 : i32
      %dma_start3A_1957 = tpu.memref_slice %arg7[%dma_start3A_1955, %dma_start3A_1956] : memref<800x64xf32, #tpu.memory_space<vmem>> -> memref<50x64xf32, #tpu.memory_space<vmem>>
      %dma_start3A_1958 = arith.constant 0 : i32
      %dma_start3A_1959 = arith.constant 0 : i32
      %dma_start3A_1960 = tpu.memref_slice %arg4[%add3A_1954, %dma_start3A_1958, %dma_start3A_1959] : memref<16384x56x128xf32, #tpu.memory_space<hbm>> -> memref<1x50x64xf32, #tpu.memory_space<hbm>>
      %dma_start3A_1961 = tpu.memref_squeeze %dma_start3A_1960 : memref<1x50x64xf32, #tpu.memory_space<hbm>> -> memref<50x64xf32, #tpu.memory_space<hbm>>
      %dma_start3A_1962 = arith.constant 0 : i32
      %dma_start3A_1963 = arith.constant 0 : i32
      %dma_start3A_1964 = tpu.memref_slice %arg4[%add3A_1954, %dma_start3A_1962, %dma_start3A_1963] : memref<16384x56x128xf32, #tpu.memory_space<hbm>> -> memref<1x50x64xf32, #tpu.memory_space<hbm>>
      %dma_start3A_1965 = tpu.memref_squeeze %dma_start3A_1964 : memref<1x50x64xf32, #tpu.memory_space<hbm>> -> memref<50x64xf32, #tpu.memory_space<hbm>>
      %dma_start3A_1966 = arith.constant 350 : i32
      %dma_start3A_1967 = arith.constant 0 : i32
      %dma_start3A_1968 = tpu.memref_slice %arg7[%dma_start3A_1966, %dma_start3A_1967] : memref<800x64xf32, #tpu.memory_space<vmem>> -> memref<50x64xf32, #tpu.memory_space<vmem>>
      tpu.enqueue_dma source(%dma_start3A_1968 : memref<50x64xf32, #tpu.memory_space<vmem>>) target(%dma_start3A_1965 : memref<50x64xf32, #tpu.memory_space<hbm>>) target_semaphore(%arg11 : memref<!tpu.dma_semaphore, #tpu.memory_space<semaphore_mem>>)
      %mul3A_1969 = arith.constant 16 : i32
      %mul3A_1970 = arith.muli %add3A_1810, %mul3A_1969 : i32
      %add3A_1971 = arith.addi %mul3A_4, %mul3A_1970 : i32
      %add3A_1972 = arith.constant 8 : i32
      %add3A_1973 = arith.addi %add3A_1971, %add3A_1972 : i32
      %dma_start3A_1974 = arith.constant 400 : i32
      %dma_start3A_1975 = arith.constant 0 : i32
      %dma_start3A_1976 = tpu.memref_slice %arg7[%dma_start3A_1974, %dma_start3A_1975] : memref<800x64xf32, #tpu.memory_space<vmem>> -> memref<50x64xf32, #tpu.memory_space<vmem>>
      %dma_start3A_1977 = arith.constant 0 : i32
      %dma_start3A_1978 = arith.constant 0 : i32
      %dma_start3A_1979 = tpu.memref_slice %arg4[%add3A_1973, %dma_start3A_1977, %dma_start3A_1978] : memref<16384x56x128xf32, #tpu.memory_space<hbm>> -> memref<1x50x64xf32, #tpu.memory_space<hbm>>
      %dma_start3A_1980 = tpu.memref_squeeze %dma_start3A_1979 : memref<1x50x64xf32, #tpu.memory_space<hbm>> -> memref<50x64xf32, #tpu.memory_space<hbm>>
      %dma_start3A_1981 = arith.constant 0 : i32
      %dma_start3A_1982 = arith.constant 0 : i32
      %dma_start3A_1983 = tpu.memref_slice %arg4[%add3A_1973, %dma_start3A_1981, %dma_start3A_1982] : memref<16384x56x128xf32, #tpu.memory_space<hbm>> -> memref<1x50x64xf32, #tpu.memory_space<hbm>>
      %dma_start3A_1984 = tpu.memref_squeeze %dma_start3A_1983 : memref<1x50x64xf32, #tpu.memory_space<hbm>> -> memref<50x64xf32, #tpu.memory_space<hbm>>
      %dma_start3A_1985 = arith.constant 400 : i32
      %dma_start3A_1986 = arith.constant 0 : i32
      %dma_start3A_1987 = tpu.memref_slice %arg7[%dma_start3A_1985, %dma_start3A_1986] : memref<800x64xf32, #tpu.memory_space<vmem>> -> memref<50x64xf32, #tpu.memory_space<vmem>>
      tpu.enqueue_dma source(%dma_start3A_1987 : memref<50x64xf32, #tpu.memory_space<vmem>>) target(%dma_start3A_1984 : memref<50x64xf32, #tpu.memory_space<hbm>>) target_semaphore(%arg11 : memref<!tpu.dma_semaphore, #tpu.memory_space<semaphore_mem>>)
      %mul3A_1988 = arith.constant 16 : i32
      %mul3A_1989 = arith.muli %add3A_1810, %mul3A_1988 : i32
      %add3A_1990 = arith.addi %mul3A_4, %mul3A_1989 : i32
      %add3A_1991 = arith.constant 9 : i32
      %add3A_1992 = arith.addi %add3A_1990, %add3A_1991 : i32
      %dma_start3A_1993 = arith.constant 450 : i32
      %dma_start3A_1994 = arith.constant 0 : i32
      %dma_start3A_1995 = tpu.memref_slice %arg7[%dma_start3A_1993, %dma_start3A_1994] : memref<800x64xf32, #tpu.memory_space<vmem>> -> memref<50x64xf32, #tpu.memory_space<vmem>>
      %dma_start3A_1996 = arith.constant 0 : i32
      %dma_start3A_1997 = arith.constant 0 : i32
      %dma_start3A_1998 = tpu.memref_slice %arg4[%add3A_1992, %dma_start3A_1996, %dma_start3A_1997] : memref<16384x56x128xf32, #tpu.memory_space<hbm>> -> memref<1x50x64xf32, #tpu.memory_space<hbm>>
      %dma_start3A_1999 = tpu.memref_squeeze %dma_start3A_1998 : memref<1x50x64xf32, #tpu.memory_space<hbm>> -> memref<50x64xf32, #tpu.memory_space<hbm>>
      %dma_start3A_2000 = arith.constant 0 : i32
      %dma_start3A_2001 = arith.constant 0 : i32
      %dma_start3A_2002 = tpu.memref_slice %arg4[%add3A_1992, %dma_start3A_2000, %dma_start3A_2001] : memref<16384x56x128xf32, #tpu.memory_space<hbm>> -> memref<1x50x64xf32, #tpu.memory_space<hbm>>
      %dma_start3A_2003 = tpu.memref_squeeze %dma_start3A_2002 : memref<1x50x64xf32, #tpu.memory_space<hbm>> -> memref<50x64xf32, #tpu.memory_space<hbm>>
      %dma_start3A_2004 = arith.constant 450 : i32
      %dma_start3A_2005 = arith.constant 0 : i32
      %dma_start3A_2006 = tpu.memref_slice %arg7[%dma_start3A_2004, %dma_start3A_2005] : memref<800x64xf32, #tpu.memory_space<vmem>> -> memref<50x64xf32, #tpu.memory_space<vmem>>
      tpu.enqueue_dma source(%dma_start3A_2006 : memref<50x64xf32, #tpu.memory_space<vmem>>) target(%dma_start3A_2003 : memref<50x64xf32, #tpu.memory_space<hbm>>) target_semaphore(%arg11 : memref<!tpu.dma_semaphore, #tpu.memory_space<semaphore_mem>>)
      %mul3A_2007 = arith.constant 16 : i32
      %mul3A_2008 = arith.muli %add3A_1810, %mul3A_2007 : i32
      %add3A_2009 = arith.addi %mul3A_4, %mul3A_2008 : i32
      %add3A_2010 = arith.constant 10 : i32
      %add3A_2011 = arith.addi %add3A_2009, %add3A_2010 : i32
      %dma_start3A_2012 = arith.constant 500 : i32
      %dma_start3A_2013 = arith.constant 0 : i32
      %dma_start3A_2014 = tpu.memref_slice %arg7[%dma_start3A_2012, %dma_start3A_2013] : memref<800x64xf32, #tpu.memory_space<vmem>> -> memref<50x64xf32, #tpu.memory_space<vmem>>
      %dma_start3A_2015 = arith.constant 0 : i32
      %dma_start3A_2016 = arith.constant 0 : i32
      %dma_start3A_2017 = tpu.memref_slice %arg4[%add3A_2011, %dma_start3A_2015, %dma_start3A_2016] : memref<16384x56x128xf32, #tpu.memory_space<hbm>> -> memref<1x50x64xf32, #tpu.memory_space<hbm>>
      %dma_start3A_2018 = tpu.memref_squeeze %dma_start3A_2017 : memref<1x50x64xf32, #tpu.memory_space<hbm>> -> memref<50x64xf32, #tpu.memory_space<hbm>>
      %dma_start3A_2019 = arith.constant 0 : i32
      %dma_start3A_2020 = arith.constant 0 : i32
      %dma_start3A_2021 = tpu.memref_slice %arg4[%add3A_2011, %dma_start3A_2019, %dma_start3A_2020] : memref<16384x56x128xf32, #tpu.memory_space<hbm>> -> memref<1x50x64xf32, #tpu.memory_space<hbm>>
      %dma_start3A_2022 = tpu.memref_squeeze %dma_start3A_2021 : memref<1x50x64xf32, #tpu.memory_space<hbm>> -> memref<50x64xf32, #tpu.memory_space<hbm>>
      %dma_start3A_2023 = arith.constant 500 : i32
      %dma_start3A_2024 = arith.constant 0 : i32
      %dma_start3A_2025 = tpu.memref_slice %arg7[%dma_start3A_2023, %dma_start3A_2024] : memref<800x64xf32, #tpu.memory_space<vmem>> -> memref<50x64xf32, #tpu.memory_space<vmem>>
      tpu.enqueue_dma source(%dma_start3A_2025 : memref<50x64xf32, #tpu.memory_space<vmem>>) target(%dma_start3A_2022 : memref<50x64xf32, #tpu.memory_space<hbm>>) target_semaphore(%arg11 : memref<!tpu.dma_semaphore, #tpu.memory_space<semaphore_mem>>)
      %mul3A_2026 = arith.constant 16 : i32
      %mul3A_2027 = arith.muli %add3A_1810, %mul3A_2026 : i32
      %add3A_2028 = arith.addi %mul3A_4, %mul3A_2027 : i32
      %add3A_2029 = arith.constant 11 : i32
      %add3A_2030 = arith.addi %add3A_2028, %add3A_2029 : i32
      %dma_start3A_2031 = arith.constant 550 : i32
      %dma_start3A_2032 = arith.constant 0 : i32
      %dma_start3A_2033 = tpu.memref_slice %arg7[%dma_start3A_2031, %dma_start3A_2032] : memref<800x64xf32, #tpu.memory_space<vmem>> -> memref<50x64xf32, #tpu.memory_space<vmem>>
      %dma_start3A_2034 = arith.constant 0 : i32
      %dma_start3A_2035 = arith.constant 0 : i32
      %dma_start3A_2036 = tpu.memref_slice %arg4[%add3A_2030, %dma_start3A_2034, %dma_start3A_2035] : memref<16384x56x128xf32, #tpu.memory_space<hbm>> -> memref<1x50x64xf32, #tpu.memory_space<hbm>>
      %dma_start3A_2037 = tpu.memref_squeeze %dma_start3A_2036 : memref<1x50x64xf32, #tpu.memory_space<hbm>> -> memref<50x64xf32, #tpu.memory_space<hbm>>
      %dma_start3A_2038 = arith.constant 0 : i32
      %dma_start3A_2039 = arith.constant 0 : i32
      %dma_start3A_2040 = tpu.memref_slice %arg4[%add3A_2030, %dma_start3A_2038, %dma_start3A_2039] : memref<16384x56x128xf32, #tpu.memory_space<hbm>> -> memref<1x50x64xf32, #tpu.memory_space<hbm>>
      %dma_start3A_2041 = tpu.memref_squeeze %dma_start3A_2040 : memref<1x50x64xf32, #tpu.memory_space<hbm>> -> memref<50x64xf32, #tpu.memory_space<hbm>>
      %dma_start3A_2042 = arith.constant 550 : i32
      %dma_start3A_2043 = arith.constant 0 : i32
      %dma_start3A_2044 = tpu.memref_slice %arg7[%dma_start3A_2042, %dma_start3A_2043] : memref<800x64xf32, #tpu.memory_space<vmem>> -> memref<50x64xf32, #tpu.memory_space<vmem>>
      tpu.enqueue_dma source(%dma_start3A_2044 : memref<50x64xf32, #tpu.memory_space<vmem>>) target(%dma_start3A_2041 : memref<50x64xf32, #tpu.memory_space<hbm>>) target_semaphore(%arg11 : memref<!tpu.dma_semaphore, #tpu.memory_space<semaphore_mem>>)
      %mul3A_2045 = arith.constant 16 : i32
      %mul3A_2046 = arith.muli %add3A_1810, %mul3A_2045 : i32
      %add3A_2047 = arith.addi %mul3A_4, %mul3A_2046 : i32
      %add3A_2048 = arith.constant 12 : i32
      %add3A_2049 = arith.addi %add3A_2047, %add3A_2048 : i32
      %dma_start3A_2050 = arith.constant 600 : i32
      %dma_start3A_2051 = arith.constant 0 : i32
      %dma_start3A_2052 = tpu.memref_slice %arg7[%dma_start3A_2050, %dma_start3A_2051] : memref<800x64xf32, #tpu.memory_space<vmem>> -> memref<50x64xf32, #tpu.memory_space<vmem>>
      %dma_start3A_2053 = arith.constant 0 : i32
      %dma_start3A_2054 = arith.constant 0 : i32
      %dma_start3A_2055 = tpu.memref_slice %arg4[%add3A_2049, %dma_start3A_2053, %dma_start3A_2054] : memref<16384x56x128xf32, #tpu.memory_space<hbm>> -> memref<1x50x64xf32, #tpu.memory_space<hbm>>
      %dma_start3A_2056 = tpu.memref_squeeze %dma_start3A_2055 : memref<1x50x64xf32, #tpu.memory_space<hbm>> -> memref<50x64xf32, #tpu.memory_space<hbm>>
      %dma_start3A_2057 = arith.constant 0 : i32
      %dma_start3A_2058 = arith.constant 0 : i32
      %dma_start3A_2059 = tpu.memref_slice %arg4[%add3A_2049, %dma_start3A_2057, %dma_start3A_2058] : memref<16384x56x128xf32, #tpu.memory_space<hbm>> -> memref<1x50x64xf32, #tpu.memory_space<hbm>>
      %dma_start3A_2060 = tpu.memref_squeeze %dma_start3A_2059 : memref<1x50x64xf32, #tpu.memory_space<hbm>> -> memref<50x64xf32, #tpu.memory_space<hbm>>
      %dma_start3A_2061 = arith.constant 600 : i32
      %dma_start3A_2062 = arith.constant 0 : i32
      %dma_start3A_2063 = tpu.memref_slice %arg7[%dma_start3A_2061, %dma_start3A_2062] : memref<800x64xf32, #tpu.memory_space<vmem>> -> memref<50x64xf32, #tpu.memory_space<vmem>>
      tpu.enqueue_dma source(%dma_start3A_2063 : memref<50x64xf32, #tpu.memory_space<vmem>>) target(%dma_start3A_2060 : memref<50x64xf32, #tpu.memory_space<hbm>>) target_semaphore(%arg11 : memref<!tpu.dma_semaphore, #tpu.memory_space<semaphore_mem>>)
      %mul3A_2064 = arith.constant 16 : i32
      %mul3A_2065 = arith.muli %add3A_1810, %mul3A_2064 : i32
      %add3A_2066 = arith.addi %mul3A_4, %mul3A_2065 : i32
      %add3A_2067 = arith.constant 13 : i32
      %add3A_2068 = arith.addi %add3A_2066, %add3A_2067 : i32
      %dma_start3A_2069 = arith.constant 650 : i32
      %dma_start3A_2070 = arith.constant 0 : i32
      %dma_start3A_2071 = tpu.memref_slice %arg7[%dma_start3A_2069, %dma_start3A_2070] : memref<800x64xf32, #tpu.memory_space<vmem>> -> memref<50x64xf32, #tpu.memory_space<vmem>>
      %dma_start3A_2072 = arith.constant 0 : i32
      %dma_start3A_2073 = arith.constant 0 : i32
      %dma_start3A_2074 = tpu.memref_slice %arg4[%add3A_2068, %dma_start3A_2072, %dma_start3A_2073] : memref<16384x56x128xf32, #tpu.memory_space<hbm>> -> memref<1x50x64xf32, #tpu.memory_space<hbm>>
      %dma_start3A_2075 = tpu.memref_squeeze %dma_start3A_2074 : memref<1x50x64xf32, #tpu.memory_space<hbm>> -> memref<50x64xf32, #tpu.memory_space<hbm>>
      %dma_start3A_2076 = arith.constant 0 : i32
      %dma_start3A_2077 = arith.constant 0 : i32
      %dma_start3A_2078 = tpu.memref_slice %arg4[%add3A_2068, %dma_start3A_2076, %dma_start3A_2077] : memref<16384x56x128xf32, #tpu.memory_space<hbm>> -> memref<1x50x64xf32, #tpu.memory_space<hbm>>
      %dma_start3A_2079 = tpu.memref_squeeze %dma_start3A_2078 : memref<1x50x64xf32, #tpu.memory_space<hbm>> -> memref<50x64xf32, #tpu.memory_space<hbm>>
      %dma_start3A_2080 = arith.constant 650 : i32
      %dma_start3A_2081 = arith.constant 0 : i32
      %dma_start3A_2082 = tpu.memref_slice %arg7[%dma_start3A_2080, %dma_start3A_2081] : memref<800x64xf32, #tpu.memory_space<vmem>> -> memref<50x64xf32, #tpu.memory_space<vmem>>
      tpu.enqueue_dma source(%dma_start3A_2082 : memref<50x64xf32, #tpu.memory_space<vmem>>) target(%dma_start3A_2079 : memref<50x64xf32, #tpu.memory_space<hbm>>) target_semaphore(%arg11 : memref<!tpu.dma_semaphore, #tpu.memory_space<semaphore_mem>>)
      %mul3A_2083 = arith.constant 16 : i32
      %mul3A_2084 = arith.muli %add3A_1810, %mul3A_2083 : i32
      %add3A_2085 = arith.addi %mul3A_4, %mul3A_2084 : i32
      %add3A_2086 = arith.constant 14 : i32
      %add3A_2087 = arith.addi %add3A_2085, %add3A_2086 : i32
      %dma_start3A_2088 = arith.constant 700 : i32
      %dma_start3A_2089 = arith.constant 0 : i32
      %dma_start3A_2090 = tpu.memref_slice %arg7[%dma_start3A_2088, %dma_start3A_2089] : memref<800x64xf32, #tpu.memory_space<vmem>> -> memref<50x64xf32, #tpu.memory_space<vmem>>
      %dma_start3A_2091 = arith.constant 0 : i32
      %dma_start3A_2092 = arith.constant 0 : i32
      %dma_start3A_2093 = tpu.memref_slice %arg4[%add3A_2087, %dma_start3A_2091, %dma_start3A_2092] : memref<16384x56x128xf32, #tpu.memory_space<hbm>> -> memref<1x50x64xf32, #tpu.memory_space<hbm>>
      %dma_start3A_2094 = tpu.memref_squeeze %dma_start3A_2093 : memref<1x50x64xf32, #tpu.memory_space<hbm>> -> memref<50x64xf32, #tpu.memory_space<hbm>>
      %dma_start3A_2095 = arith.constant 0 : i32
      %dma_start3A_2096 = arith.constant 0 : i32
      %dma_start3A_2097 = tpu.memref_slice %arg4[%add3A_2087, %dma_start3A_2095, %dma_start3A_2096] : memref<16384x56x128xf32, #tpu.memory_space<hbm>> -> memref<1x50x64xf32, #tpu.memory_space<hbm>>
      %dma_start3A_2098 = tpu.memref_squeeze %dma_start3A_2097 : memref<1x50x64xf32, #tpu.memory_space<hbm>> -> memref<50x64xf32, #tpu.memory_space<hbm>>
      %dma_start3A_2099 = arith.constant 700 : i32
      %dma_start3A_2100 = arith.constant 0 : i32
      %dma_start3A_2101 = tpu.memref_slice %arg7[%dma_start3A_2099, %dma_start3A_2100] : memref<800x64xf32, #tpu.memory_space<vmem>> -> memref<50x64xf32, #tpu.memory_space<vmem>>
      tpu.enqueue_dma source(%dma_start3A_2101 : memref<50x64xf32, #tpu.memory_space<vmem>>) target(%dma_start3A_2098 : memref<50x64xf32, #tpu.memory_space<hbm>>) target_semaphore(%arg11 : memref<!tpu.dma_semaphore, #tpu.memory_space<semaphore_mem>>)
      %mul3A_2102 = arith.constant 16 : i32
      %mul3A_2103 = arith.muli %add3A_1810, %mul3A_2102 : i32
      %add3A_2104 = arith.addi %mul3A_4, %mul3A_2103 : i32
      %add3A_2105 = arith.constant 15 : i32
      %add3A_2106 = arith.addi %add3A_2104, %add3A_2105 : i32
      %dma_start3A_2107 = arith.constant 750 : i32
      %dma_start3A_2108 = arith.constant 0 : i32
      %dma_start3A_2109 = tpu.memref_slice %arg7[%dma_start3A_2107, %dma_start3A_2108] : memref<800x64xf32, #tpu.memory_space<vmem>> -> memref<50x64xf32, #tpu.memory_space<vmem>>
      %dma_start3A_2110 = arith.constant 0 : i32
      %dma_start3A_2111 = arith.constant 0 : i32
      %dma_start3A_2112 = tpu.memref_slice %arg4[%add3A_2106, %dma_start3A_2110, %dma_start3A_2111] : memref<16384x56x128xf32, #tpu.memory_space<hbm>> -> memref<1x50x64xf32, #tpu.memory_space<hbm>>
      %dma_start3A_2113 = tpu.memref_squeeze %dma_start3A_2112 : memref<1x50x64xf32, #tpu.memory_space<hbm>> -> memref<50x64xf32, #tpu.memory_space<hbm>>
      %dma_start3A_2114 = arith.constant 0 : i32
      %dma_start3A_2115 = arith.constant 0 : i32
      %dma_start3A_2116 = tpu.memref_slice %arg4[%add3A_2106, %dma_start3A_2114, %dma_start3A_2115] : memref<16384x56x128xf32, #tpu.memory_space<hbm>> -> memref<1x50x64xf32, #tpu.memory_space<hbm>>
      %dma_start3A_2117 = tpu.memref_squeeze %dma_start3A_2116 : memref<1x50x64xf32, #tpu.memory_space<hbm>> -> memref<50x64xf32, #tpu.memory_space<hbm>>
      %dma_start3A_2118 = arith.constant 750 : i32
      %dma_start3A_2119 = arith.constant 0 : i32
      %dma_start3A_2120 = tpu.memref_slice %arg7[%dma_start3A_2118, %dma_start3A_2119] : memref<800x64xf32, #tpu.memory_space<vmem>> -> memref<50x64xf32, #tpu.memory_space<vmem>>
      tpu.enqueue_dma source(%dma_start3A_2120 : memref<50x64xf32, #tpu.memory_space<vmem>>) target(%dma_start3A_2117 : memref<50x64xf32, #tpu.memory_space<hbm>>) target_semaphore(%arg11 : memref<!tpu.dma_semaphore, #tpu.memory_space<semaphore_mem>>)
      %mul3A_2121 = arith.constant 16 : i32
      %mul3A_2122 = arith.muli %add3A_1810, %mul3A_2121 : i32
      %add3A_2123 = arith.addi %mul3A_4, %mul3A_2122 : i32
      %add3A_2124 = arith.constant 0 : i32
      %add3A_2125 = arith.addi %add3A_2123, %add3A_2124 : i32
      %dma_wait3A_2126 = arith.constant 0 : i32
      %dma_wait3A_2127 = arith.constant 0 : i32
      %dma_wait3A_2128 = tpu.memref_slice %arg7[%dma_wait3A_2126, %dma_wait3A_2127] : memref<800x64xf32, #tpu.memory_space<vmem>> -> memref<50x64xf32, #tpu.memory_space<vmem>>
      %dma_wait3A_2129 = arith.constant 0 : i32
      %dma_wait3A_2130 = arith.constant 0 : i32
      %dma_wait3A_2131 = tpu.memref_slice %arg4[%add3A_2125, %dma_wait3A_2129, %dma_wait3A_2130] : memref<16384x56x128xf32, #tpu.memory_space<hbm>> -> memref<1x50x64xf32, #tpu.memory_space<hbm>>
      %dma_wait3A_2132 = tpu.memref_squeeze %dma_wait3A_2131 : memref<1x50x64xf32, #tpu.memory_space<hbm>> -> memref<50x64xf32, #tpu.memory_space<hbm>>
      %dma_wait3A_2133 = arith.constant 0 : i32
      %dma_wait3A_2134 = arith.constant 0 : i32
      %dma_wait3A_2135 = tpu.memref_slice %arg4[%add3A_2125, %dma_wait3A_2133, %dma_wait3A_2134] : memref<16384x56x128xf32, #tpu.memory_space<hbm>> -> memref<1x50x64xf32, #tpu.memory_space<hbm>>
      %dma_wait3A_2136 = tpu.memref_squeeze %dma_wait3A_2135 : memref<1x50x64xf32, #tpu.memory_space<hbm>> -> memref<50x64xf32, #tpu.memory_space<hbm>>
      %dma_wait3A_2137 = arith.constant 0 : i32
      %dma_wait3A_2138 = arith.constant 0 : i32
      %dma_wait3A_2139 = tpu.memref_slice %arg7[%dma_wait3A_2137, %dma_wait3A_2138] : memref<800x64xf32, #tpu.memory_space<vmem>> -> memref<50x64xf32, #tpu.memory_space<vmem>>
      tpu.wait_dma2 semaphore(%arg11 : memref<!tpu.dma_semaphore, #tpu.memory_space<semaphore_mem>>) src(%dma_wait3A_2139 : memref<50x64xf32, #tpu.memory_space<vmem>>) dst(%dma_wait3A_2136 : memref<50x64xf32, #tpu.memory_space<hbm>>)
      %mul3A_2140 = arith.constant 16 : i32
      %mul3A_2141 = arith.muli %add3A_1810, %mul3A_2140 : i32
      %add3A_2142 = arith.addi %mul3A_4, %mul3A_2141 : i32
      %add3A_2143 = arith.constant 1 : i32
      %add3A_2144 = arith.addi %add3A_2142, %add3A_2143 : i32
      %dma_wait3A_2145 = arith.constant 50 : i32
      %dma_wait3A_2146 = arith.constant 0 : i32
      %dma_wait3A_2147 = tpu.memref_slice %arg7[%dma_wait3A_2145, %dma_wait3A_2146] : memref<800x64xf32, #tpu.memory_space<vmem>> -> memref<50x64xf32, #tpu.memory_space<vmem>>
      %dma_wait3A_2148 = arith.constant 0 : i32
      %dma_wait3A_2149 = arith.constant 0 : i32
      %dma_wait3A_2150 = tpu.memref_slice %arg4[%add3A_2144, %dma_wait3A_2148, %dma_wait3A_2149] : memref<16384x56x128xf32, #tpu.memory_space<hbm>> -> memref<1x50x64xf32, #tpu.memory_space<hbm>>
      %dma_wait3A_2151 = tpu.memref_squeeze %dma_wait3A_2150 : memref<1x50x64xf32, #tpu.memory_space<hbm>> -> memref<50x64xf32, #tpu.memory_space<hbm>>
      %dma_wait3A_2152 = arith.constant 0 : i32
      %dma_wait3A_2153 = arith.constant 0 : i32
      %dma_wait3A_2154 = tpu.memref_slice %arg4[%add3A_2144, %dma_wait3A_2152, %dma_wait3A_2153] : memref<16384x56x128xf32, #tpu.memory_space<hbm>> -> memref<1x50x64xf32, #tpu.memory_space<hbm>>
      %dma_wait3A_2155 = tpu.memref_squeeze %dma_wait3A_2154 : memref<1x50x64xf32, #tpu.memory_space<hbm>> -> memref<50x64xf32, #tpu.memory_space<hbm>>
      %dma_wait3A_2156 = arith.constant 50 : i32
      %dma_wait3A_2157 = arith.constant 0 : i32
      %dma_wait3A_2158 = tpu.memref_slice %arg7[%dma_wait3A_2156, %dma_wait3A_2157] : memref<800x64xf32, #tpu.memory_space<vmem>> -> memref<50x64xf32, #tpu.memory_space<vmem>>
      tpu.wait_dma2 semaphore(%arg11 : memref<!tpu.dma_semaphore, #tpu.memory_space<semaphore_mem>>) src(%dma_wait3A_2158 : memref<50x64xf32, #tpu.memory_space<vmem>>) dst(%dma_wait3A_2155 : memref<50x64xf32, #tpu.memory_space<hbm>>)
      %mul3A_2159 = arith.constant 16 : i32
      %mul3A_2160 = arith.muli %add3A_1810, %mul3A_2159 : i32
      %add3A_2161 = arith.addi %mul3A_4, %mul3A_2160 : i32
      %add3A_2162 = arith.constant 2 : i32
      %add3A_2163 = arith.addi %add3A_2161, %add3A_2162 : i32
      %dma_wait3A_2164 = arith.constant 100 : i32
      %dma_wait3A_2165 = arith.constant 0 : i32
      %dma_wait3A_2166 = tpu.memref_slice %arg7[%dma_wait3A_2164, %dma_wait3A_2165] : memref<800x64xf32, #tpu.memory_space<vmem>> -> memref<50x64xf32, #tpu.memory_space<vmem>>
      %dma_wait3A_2167 = arith.constant 0 : i32
      %dma_wait3A_2168 = arith.constant 0 : i32
      %dma_wait3A_2169 = tpu.memref_slice %arg4[%add3A_2163, %dma_wait3A_2167, %dma_wait3A_2168] : memref<16384x56x128xf32, #tpu.memory_space<hbm>> -> memref<1x50x64xf32, #tpu.memory_space<hbm>>
      %dma_wait3A_2170 = tpu.memref_squeeze %dma_wait3A_2169 : memref<1x50x64xf32, #tpu.memory_space<hbm>> -> memref<50x64xf32, #tpu.memory_space<hbm>>
      %dma_wait3A_2171 = arith.constant 0 : i32
      %dma_wait3A_2172 = arith.constant 0 : i32
      %dma_wait3A_2173 = tpu.memref_slice %arg4[%add3A_2163, %dma_wait3A_2171, %dma_wait3A_2172] : memref<16384x56x128xf32, #tpu.memory_space<hbm>> -> memref<1x50x64xf32, #tpu.memory_space<hbm>>
      %dma_wait3A_2174 = tpu.memref_squeeze %dma_wait3A_2173 : memref<1x50x64xf32, #tpu.memory_space<hbm>> -> memref<50x64xf32, #tpu.memory_space<hbm>>
      %dma_wait3A_2175 = arith.constant 100 : i32
      %dma_wait3A_2176 = arith.constant 0 : i32
      %dma_wait3A_2177 = tpu.memref_slice %arg7[%dma_wait3A_2175, %dma_wait3A_2176] : memref<800x64xf32, #tpu.memory_space<vmem>> -> memref<50x64xf32, #tpu.memory_space<vmem>>
      tpu.wait_dma2 semaphore(%arg11 : memref<!tpu.dma_semaphore, #tpu.memory_space<semaphore_mem>>) src(%dma_wait3A_2177 : memref<50x64xf32, #tpu.memory_space<vmem>>) dst(%dma_wait3A_2174 : memref<50x64xf32, #tpu.memory_space<hbm>>)
      %mul3A_2178 = arith.constant 16 : i32
      %mul3A_2179 = arith.muli %add3A_1810, %mul3A_2178 : i32
      %add3A_2180 = arith.addi %mul3A_4, %mul3A_2179 : i32
      %add3A_2181 = arith.constant 3 : i32
      %add3A_2182 = arith.addi %add3A_2180, %add3A_2181 : i32
      %dma_wait3A_2183 = arith.constant 150 : i32
      %dma_wait3A_2184 = arith.constant 0 : i32
      %dma_wait3A_2185 = tpu.memref_slice %arg7[%dma_wait3A_2183, %dma_wait3A_2184] : memref<800x64xf32, #tpu.memory_space<vmem>> -> memref<50x64xf32, #tpu.memory_space<vmem>>
      %dma_wait3A_2186 = arith.constant 0 : i32
      %dma_wait3A_2187 = arith.constant 0 : i32
      %dma_wait3A_2188 = tpu.memref_slice %arg4[%add3A_2182, %dma_wait3A_2186, %dma_wait3A_2187] : memref<16384x56x128xf32, #tpu.memory_space<hbm>> -> memref<1x50x64xf32, #tpu.memory_space<hbm>>
      %dma_wait3A_2189 = tpu.memref_squeeze %dma_wait3A_2188 : memref<1x50x64xf32, #tpu.memory_space<hbm>> -> memref<50x64xf32, #tpu.memory_space<hbm>>
      %dma_wait3A_2190 = arith.constant 0 : i32
      %dma_wait3A_2191 = arith.constant 0 : i32
      %dma_wait3A_2192 = tpu.memref_slice %arg4[%add3A_2182, %dma_wait3A_2190, %dma_wait3A_2191] : memref<16384x56x128xf32, #tpu.memory_space<hbm>> -> memref<1x50x64xf32, #tpu.memory_space<hbm>>
      %dma_wait3A_2193 = tpu.memref_squeeze %dma_wait3A_2192 : memref<1x50x64xf32, #tpu.memory_space<hbm>> -> memref<50x64xf32, #tpu.memory_space<hbm>>
      %dma_wait3A_2194 = arith.constant 150 : i32
      %dma_wait3A_2195 = arith.constant 0 : i32
      %dma_wait3A_2196 = tpu.memref_slice %arg7[%dma_wait3A_2194, %dma_wait3A_2195] : memref<800x64xf32, #tpu.memory_space<vmem>> -> memref<50x64xf32, #tpu.memory_space<vmem>>
      tpu.wait_dma2 semaphore(%arg11 : memref<!tpu.dma_semaphore, #tpu.memory_space<semaphore_mem>>) src(%dma_wait3A_2196 : memref<50x64xf32, #tpu.memory_space<vmem>>) dst(%dma_wait3A_2193 : memref<50x64xf32, #tpu.memory_space<hbm>>)
      %mul3A_2197 = arith.constant 16 : i32
      %mul3A_2198 = arith.muli %add3A_1810, %mul3A_2197 : i32
      %add3A_2199 = arith.addi %mul3A_4, %mul3A_2198 : i32
      %add3A_2200 = arith.constant 4 : i32
      %add3A_2201 = arith.addi %add3A_2199, %add3A_2200 : i32
      %dma_wait3A_2202 = arith.constant 200 : i32
      %dma_wait3A_2203 = arith.constant 0 : i32
      %dma_wait3A_2204 = tpu.memref_slice %arg7[%dma_wait3A_2202, %dma_wait3A_2203] : memref<800x64xf32, #tpu.memory_space<vmem>> -> memref<50x64xf32, #tpu.memory_space<vmem>>
      %dma_wait3A_2205 = arith.constant 0 : i32
      %dma_wait3A_2206 = arith.constant 0 : i32
      %dma_wait3A_2207 = tpu.memref_slice %arg4[%add3A_2201, %dma_wait3A_2205, %dma_wait3A_2206] : memref<16384x56x128xf32, #tpu.memory_space<hbm>> -> memref<1x50x64xf32, #tpu.memory_space<hbm>>
      %dma_wait3A_2208 = tpu.memref_squeeze %dma_wait3A_2207 : memref<1x50x64xf32, #tpu.memory_space<hbm>> -> memref<50x64xf32, #tpu.memory_space<hbm>>
      %dma_wait3A_2209 = arith.constant 0 : i32
      %dma_wait3A_2210 = arith.constant 0 : i32
      %dma_wait3A_2211 = tpu.memref_slice %arg4[%add3A_2201, %dma_wait3A_2209, %dma_wait3A_2210] : memref<16384x56x128xf32, #tpu.memory_space<hbm>> -> memref<1x50x64xf32, #tpu.memory_space<hbm>>
      %dma_wait3A_2212 = tpu.memref_squeeze %dma_wait3A_2211 : memref<1x50x64xf32, #tpu.memory_space<hbm>> -> memref<50x64xf32, #tpu.memory_space<hbm>>
      %dma_wait3A_2213 = arith.constant 200 : i32
      %dma_wait3A_2214 = arith.constant 0 : i32
      %dma_wait3A_2215 = tpu.memref_slice %arg7[%dma_wait3A_2213, %dma_wait3A_2214] : memref<800x64xf32, #tpu.memory_space<vmem>> -> memref<50x64xf32, #tpu.memory_space<vmem>>
      tpu.wait_dma2 semaphore(%arg11 : memref<!tpu.dma_semaphore, #tpu.memory_space<semaphore_mem>>) src(%dma_wait3A_2215 : memref<50x64xf32, #tpu.memory_space<vmem>>) dst(%dma_wait3A_2212 : memref<50x64xf32, #tpu.memory_space<hbm>>)
      %mul3A_2216 = arith.constant 16 : i32
      %mul3A_2217 = arith.muli %add3A_1810, %mul3A_2216 : i32
      %add3A_2218 = arith.addi %mul3A_4, %mul3A_2217 : i32
      %add3A_2219 = arith.constant 5 : i32
      %add3A_2220 = arith.addi %add3A_2218, %add3A_2219 : i32
      %dma_wait3A_2221 = arith.constant 250 : i32
      %dma_wait3A_2222 = arith.constant 0 : i32
      %dma_wait3A_2223 = tpu.memref_slice %arg7[%dma_wait3A_2221, %dma_wait3A_2222] : memref<800x64xf32, #tpu.memory_space<vmem>> -> memref<50x64xf32, #tpu.memory_space<vmem>>
      %dma_wait3A_2224 = arith.constant 0 : i32
      %dma_wait3A_2225 = arith.constant 0 : i32
      %dma_wait3A_2226 = tpu.memref_slice %arg4[%add3A_2220, %dma_wait3A_2224, %dma_wait3A_2225] : memref<16384x56x128xf32, #tpu.memory_space<hbm>> -> memref<1x50x64xf32, #tpu.memory_space<hbm>>
      %dma_wait3A_2227 = tpu.memref_squeeze %dma_wait3A_2226 : memref<1x50x64xf32, #tpu.memory_space<hbm>> -> memref<50x64xf32, #tpu.memory_space<hbm>>
      %dma_wait3A_2228 = arith.constant 0 : i32
      %dma_wait3A_2229 = arith.constant 0 : i32
      %dma_wait3A_2230 = tpu.memref_slice %arg4[%add3A_2220, %dma_wait3A_2228, %dma_wait3A_2229] : memref<16384x56x128xf32, #tpu.memory_space<hbm>> -> memref<1x50x64xf32, #tpu.memory_space<hbm>>
      %dma_wait3A_2231 = tpu.memref_squeeze %dma_wait3A_2230 : memref<1x50x64xf32, #tpu.memory_space<hbm>> -> memref<50x64xf32, #tpu.memory_space<hbm>>
      %dma_wait3A_2232 = arith.constant 250 : i32
      %dma_wait3A_2233 = arith.constant 0 : i32
      %dma_wait3A_2234 = tpu.memref_slice %arg7[%dma_wait3A_2232, %dma_wait3A_2233] : memref<800x64xf32, #tpu.memory_space<vmem>> -> memref<50x64xf32, #tpu.memory_space<vmem>>
      tpu.wait_dma2 semaphore(%arg11 : memref<!tpu.dma_semaphore, #tpu.memory_space<semaphore_mem>>) src(%dma_wait3A_2234 : memref<50x64xf32, #tpu.memory_space<vmem>>) dst(%dma_wait3A_2231 : memref<50x64xf32, #tpu.memory_space<hbm>>)
      %mul3A_2235 = arith.constant 16 : i32
      %mul3A_2236 = arith.muli %add3A_1810, %mul3A_2235 : i32
      %add3A_2237 = arith.addi %mul3A_4, %mul3A_2236 : i32
      %add3A_2238 = arith.constant 6 : i32
      %add3A_2239 = arith.addi %add3A_2237, %add3A_2238 : i32
      %dma_wait3A_2240 = arith.constant 300 : i32
      %dma_wait3A_2241 = arith.constant 0 : i32
      %dma_wait3A_2242 = tpu.memref_slice %arg7[%dma_wait3A_2240, %dma_wait3A_2241] : memref<800x64xf32, #tpu.memory_space<vmem>> -> memref<50x64xf32, #tpu.memory_space<vmem>>
      %dma_wait3A_2243 = arith.constant 0 : i32
      %dma_wait3A_2244 = arith.constant 0 : i32
      %dma_wait3A_2245 = tpu.memref_slice %arg4[%add3A_2239, %dma_wait3A_2243, %dma_wait3A_2244] : memref<16384x56x128xf32, #tpu.memory_space<hbm>> -> memref<1x50x64xf32, #tpu.memory_space<hbm>>
      %dma_wait3A_2246 = tpu.memref_squeeze %dma_wait3A_2245 : memref<1x50x64xf32, #tpu.memory_space<hbm>> -> memref<50x64xf32, #tpu.memory_space<hbm>>
      %dma_wait3A_2247 = arith.constant 0 : i32
      %dma_wait3A_2248 = arith.constant 0 : i32
      %dma_wait3A_2249 = tpu.memref_slice %arg4[%add3A_2239, %dma_wait3A_2247, %dma_wait3A_2248] : memref<16384x56x128xf32, #tpu.memory_space<hbm>> -> memref<1x50x64xf32, #tpu.memory_space<hbm>>
      %dma_wait3A_2250 = tpu.memref_squeeze %dma_wait3A_2249 : memref<1x50x64xf32, #tpu.memory_space<hbm>> -> memref<50x64xf32, #tpu.memory_space<hbm>>
      %dma_wait3A_2251 = arith.constant 300 : i32
      %dma_wait3A_2252 = arith.constant 0 : i32
      %dma_wait3A_2253 = tpu.memref_slice %arg7[%dma_wait3A_2251, %dma_wait3A_2252] : memref<800x64xf32, #tpu.memory_space<vmem>> -> memref<50x64xf32, #tpu.memory_space<vmem>>
      tpu.wait_dma2 semaphore(%arg11 : memref<!tpu.dma_semaphore, #tpu.memory_space<semaphore_mem>>) src(%dma_wait3A_2253 : memref<50x64xf32, #tpu.memory_space<vmem>>) dst(%dma_wait3A_2250 : memref<50x64xf32, #tpu.memory_space<hbm>>)
      %mul3A_2254 = arith.constant 16 : i32
      %mul3A_2255 = arith.muli %add3A_1810, %mul3A_2254 : i32
      %add3A_2256 = arith.addi %mul3A_4, %mul3A_2255 : i32
      %add3A_2257 = arith.constant 7 : i32
      %add3A_2258 = arith.addi %add3A_2256, %add3A_2257 : i32
      %dma_wait3A_2259 = arith.constant 350 : i32
      %dma_wait3A_2260 = arith.constant 0 : i32
      %dma_wait3A_2261 = tpu.memref_slice %arg7[%dma_wait3A_2259, %dma_wait3A_2260] : memref<800x64xf32, #tpu.memory_space<vmem>> -> memref<50x64xf32, #tpu.memory_space<vmem>>
      %dma_wait3A_2262 = arith.constant 0 : i32
      %dma_wait3A_2263 = arith.constant 0 : i32
      %dma_wait3A_2264 = tpu.memref_slice %arg4[%add3A_2258, %dma_wait3A_2262, %dma_wait3A_2263] : memref<16384x56x128xf32, #tpu.memory_space<hbm>> -> memref<1x50x64xf32, #tpu.memory_space<hbm>>
      %dma_wait3A_2265 = tpu.memref_squeeze %dma_wait3A_2264 : memref<1x50x64xf32, #tpu.memory_space<hbm>> -> memref<50x64xf32, #tpu.memory_space<hbm>>
      %dma_wait3A_2266 = arith.constant 0 : i32
      %dma_wait3A_2267 = arith.constant 0 : i32
      %dma_wait3A_2268 = tpu.memref_slice %arg4[%add3A_2258, %dma_wait3A_2266, %dma_wait3A_2267] : memref<16384x56x128xf32, #tpu.memory_space<hbm>> -> memref<1x50x64xf32, #tpu.memory_space<hbm>>
      %dma_wait3A_2269 = tpu.memref_squeeze %dma_wait3A_2268 : memref<1x50x64xf32, #tpu.memory_space<hbm>> -> memref<50x64xf32, #tpu.memory_space<hbm>>
      %dma_wait3A_2270 = arith.constant 350 : i32
      %dma_wait3A_2271 = arith.constant 0 : i32
      %dma_wait3A_2272 = tpu.memref_slice %arg7[%dma_wait3A_2270, %dma_wait3A_2271] : memref<800x64xf32, #tpu.memory_space<vmem>> -> memref<50x64xf32, #tpu.memory_space<vmem>>
      tpu.wait_dma2 semaphore(%arg11 : memref<!tpu.dma_semaphore, #tpu.memory_space<semaphore_mem>>) src(%dma_wait3A_2272 : memref<50x64xf32, #tpu.memory_space<vmem>>) dst(%dma_wait3A_2269 : memref<50x64xf32, #tpu.memory_space<hbm>>)
      %mul3A_2273 = arith.constant 16 : i32
      %mul3A_2274 = arith.muli %add3A_1810, %mul3A_2273 : i32
      %add3A_2275 = arith.addi %mul3A_4, %mul3A_2274 : i32
      %add3A_2276 = arith.constant 8 : i32
      %add3A_2277 = arith.addi %add3A_2275, %add3A_2276 : i32
      %dma_wait3A_2278 = arith.constant 400 : i32
      %dma_wait3A_2279 = arith.constant 0 : i32
      %dma_wait3A_2280 = tpu.memref_slice %arg7[%dma_wait3A_2278, %dma_wait3A_2279] : memref<800x64xf32, #tpu.memory_space<vmem>> -> memref<50x64xf32, #tpu.memory_space<vmem>>
      %dma_wait3A_2281 = arith.constant 0 : i32
      %dma_wait3A_2282 = arith.constant 0 : i32
      %dma_wait3A_2283 = tpu.memref_slice %arg4[%add3A_2277, %dma_wait3A_2281, %dma_wait3A_2282] : memref<16384x56x128xf32, #tpu.memory_space<hbm>> -> memref<1x50x64xf32, #tpu.memory_space<hbm>>
      %dma_wait3A_2284 = tpu.memref_squeeze %dma_wait3A_2283 : memref<1x50x64xf32, #tpu.memory_space<hbm>> -> memref<50x64xf32, #tpu.memory_space<hbm>>
      %dma_wait3A_2285 = arith.constant 0 : i32
      %dma_wait3A_2286 = arith.constant 0 : i32
      %dma_wait3A_2287 = tpu.memref_slice %arg4[%add3A_2277, %dma_wait3A_2285, %dma_wait3A_2286] : memref<16384x56x128xf32, #tpu.memory_space<hbm>> -> memref<1x50x64xf32, #tpu.memory_space<hbm>>
      %dma_wait3A_2288 = tpu.memref_squeeze %dma_wait3A_2287 : memref<1x50x64xf32, #tpu.memory_space<hbm>> -> memref<50x64xf32, #tpu.memory_space<hbm>>
      %dma_wait3A_2289 = arith.constant 400 : i32
      %dma_wait3A_2290 = arith.constant 0 : i32
      %dma_wait3A_2291 = tpu.memref_slice %arg7[%dma_wait3A_2289, %dma_wait3A_2290] : memref<800x64xf32, #tpu.memory_space<vmem>> -> memref<50x64xf32, #tpu.memory_space<vmem>>
      tpu.wait_dma2 semaphore(%arg11 : memref<!tpu.dma_semaphore, #tpu.memory_space<semaphore_mem>>) src(%dma_wait3A_2291 : memref<50x64xf32, #tpu.memory_space<vmem>>) dst(%dma_wait3A_2288 : memref<50x64xf32, #tpu.memory_space<hbm>>)
      %mul3A_2292 = arith.constant 16 : i32
      %mul3A_2293 = arith.muli %add3A_1810, %mul3A_2292 : i32
      %add3A_2294 = arith.addi %mul3A_4, %mul3A_2293 : i32
      %add3A_2295 = arith.constant 9 : i32
      %add3A_2296 = arith.addi %add3A_2294, %add3A_2295 : i32
      %dma_wait3A_2297 = arith.constant 450 : i32
      %dma_wait3A_2298 = arith.constant 0 : i32
      %dma_wait3A_2299 = tpu.memref_slice %arg7[%dma_wait3A_2297, %dma_wait3A_2298] : memref<800x64xf32, #tpu.memory_space<vmem>> -> memref<50x64xf32, #tpu.memory_space<vmem>>
      %dma_wait3A_2300 = arith.constant 0 : i32
      %dma_wait3A_2301 = arith.constant 0 : i32
      %dma_wait3A_2302 = tpu.memref_slice %arg4[%add3A_2296, %dma_wait3A_2300, %dma_wait3A_2301] : memref<16384x56x128xf32, #tpu.memory_space<hbm>> -> memref<1x50x64xf32, #tpu.memory_space<hbm>>
      %dma_wait3A_2303 = tpu.memref_squeeze %dma_wait3A_2302 : memref<1x50x64xf32, #tpu.memory_space<hbm>> -> memref<50x64xf32, #tpu.memory_space<hbm>>
      %dma_wait3A_2304 = arith.constant 0 : i32
      %dma_wait3A_2305 = arith.constant 0 : i32
      %dma_wait3A_2306 = tpu.memref_slice %arg4[%add3A_2296, %dma_wait3A_2304, %dma_wait3A_2305] : memref<16384x56x128xf32, #tpu.memory_space<hbm>> -> memref<1x50x64xf32, #tpu.memory_space<hbm>>
      %dma_wait3A_2307 = tpu.memref_squeeze %dma_wait3A_2306 : memref<1x50x64xf32, #tpu.memory_space<hbm>> -> memref<50x64xf32, #tpu.memory_space<hbm>>
      %dma_wait3A_2308 = arith.constant 450 : i32
      %dma_wait3A_2309 = arith.constant 0 : i32
      %dma_wait3A_2310 = tpu.memref_slice %arg7[%dma_wait3A_2308, %dma_wait3A_2309] : memref<800x64xf32, #tpu.memory_space<vmem>> -> memref<50x64xf32, #tpu.memory_space<vmem>>
      tpu.wait_dma2 semaphore(%arg11 : memref<!tpu.dma_semaphore, #tpu.memory_space<semaphore_mem>>) src(%dma_wait3A_2310 : memref<50x64xf32, #tpu.memory_space<vmem>>) dst(%dma_wait3A_2307 : memref<50x64xf32, #tpu.memory_space<hbm>>)
      %mul3A_2311 = arith.constant 16 : i32
      %mul3A_2312 = arith.muli %add3A_1810, %mul3A_2311 : i32
      %add3A_2313 = arith.addi %mul3A_4, %mul3A_2312 : i32
      %add3A_2314 = arith.constant 10 : i32
      %add3A_2315 = arith.addi %add3A_2313, %add3A_2314 : i32
      %dma_wait3A_2316 = arith.constant 500 : i32
      %dma_wait3A_2317 = arith.constant 0 : i32
      %dma_wait3A_2318 = tpu.memref_slice %arg7[%dma_wait3A_2316, %dma_wait3A_2317] : memref<800x64xf32, #tpu.memory_space<vmem>> -> memref<50x64xf32, #tpu.memory_space<vmem>>
      %dma_wait3A_2319 = arith.constant 0 : i32
      %dma_wait3A_2320 = arith.constant 0 : i32
      %dma_wait3A_2321 = tpu.memref_slice %arg4[%add3A_2315, %dma_wait3A_2319, %dma_wait3A_2320] : memref<16384x56x128xf32, #tpu.memory_space<hbm>> -> memref<1x50x64xf32, #tpu.memory_space<hbm>>
      %dma_wait3A_2322 = tpu.memref_squeeze %dma_wait3A_2321 : memref<1x50x64xf32, #tpu.memory_space<hbm>> -> memref<50x64xf32, #tpu.memory_space<hbm>>
      %dma_wait3A_2323 = arith.constant 0 : i32
      %dma_wait3A_2324 = arith.constant 0 : i32
      %dma_wait3A_2325 = tpu.memref_slice %arg4[%add3A_2315, %dma_wait3A_2323, %dma_wait3A_2324] : memref<16384x56x128xf32, #tpu.memory_space<hbm>> -> memref<1x50x64xf32, #tpu.memory_space<hbm>>
      %dma_wait3A_2326 = tpu.memref_squeeze %dma_wait3A_2325 : memref<1x50x64xf32, #tpu.memory_space<hbm>> -> memref<50x64xf32, #tpu.memory_space<hbm>>
      %dma_wait3A_2327 = arith.constant 500 : i32
      %dma_wait3A_2328 = arith.constant 0 : i32
      %dma_wait3A_2329 = tpu.memref_slice %arg7[%dma_wait3A_2327, %dma_wait3A_2328] : memref<800x64xf32, #tpu.memory_space<vmem>> -> memref<50x64xf32, #tpu.memory_space<vmem>>
      tpu.wait_dma2 semaphore(%arg11 : memref<!tpu.dma_semaphore, #tpu.memory_space<semaphore_mem>>) src(%dma_wait3A_2329 : memref<50x64xf32, #tpu.memory_space<vmem>>) dst(%dma_wait3A_2326 : memref<50x64xf32, #tpu.memory_space<hbm>>)
      %mul3A_2330 = arith.constant 16 : i32
      %mul3A_2331 = arith.muli %add3A_1810, %mul3A_2330 : i32
      %add3A_2332 = arith.addi %mul3A_4, %mul3A_2331 : i32
      %add3A_2333 = arith.constant 11 : i32
      %add3A_2334 = arith.addi %add3A_2332, %add3A_2333 : i32
      %dma_wait3A_2335 = arith.constant 550 : i32
      %dma_wait3A_2336 = arith.constant 0 : i32
      %dma_wait3A_2337 = tpu.memref_slice %arg7[%dma_wait3A_2335, %dma_wait3A_2336] : memref<800x64xf32, #tpu.memory_space<vmem>> -> memref<50x64xf32, #tpu.memory_space<vmem>>
      %dma_wait3A_2338 = arith.constant 0 : i32
      %dma_wait3A_2339 = arith.constant 0 : i32
      %dma_wait3A_2340 = tpu.memref_slice %arg4[%add3A_2334, %dma_wait3A_2338, %dma_wait3A_2339] : memref<16384x56x128xf32, #tpu.memory_space<hbm>> -> memref<1x50x64xf32, #tpu.memory_space<hbm>>
      %dma_wait3A_2341 = tpu.memref_squeeze %dma_wait3A_2340 : memref<1x50x64xf32, #tpu.memory_space<hbm>> -> memref<50x64xf32, #tpu.memory_space<hbm>>
      %dma_wait3A_2342 = arith.constant 0 : i32
      %dma_wait3A_2343 = arith.constant 0 : i32
      %dma_wait3A_2344 = tpu.memref_slice %arg4[%add3A_2334, %dma_wait3A_2342, %dma_wait3A_2343] : memref<16384x56x128xf32, #tpu.memory_space<hbm>> -> memref<1x50x64xf32, #tpu.memory_space<hbm>>
      %dma_wait3A_2345 = tpu.memref_squeeze %dma_wait3A_2344 : memref<1x50x64xf32, #tpu.memory_space<hbm>> -> memref<50x64xf32, #tpu.memory_space<hbm>>
      %dma_wait3A_2346 = arith.constant 550 : i32
      %dma_wait3A_2347 = arith.constant 0 : i32
      %dma_wait3A_2348 = tpu.memref_slice %arg7[%dma_wait3A_2346, %dma_wait3A_2347] : memref<800x64xf32, #tpu.memory_space<vmem>> -> memref<50x64xf32, #tpu.memory_space<vmem>>
      tpu.wait_dma2 semaphore(%arg11 : memref<!tpu.dma_semaphore, #tpu.memory_space<semaphore_mem>>) src(%dma_wait3A_2348 : memref<50x64xf32, #tpu.memory_space<vmem>>) dst(%dma_wait3A_2345 : memref<50x64xf32, #tpu.memory_space<hbm>>)
      %mul3A_2349 = arith.constant 16 : i32
      %mul3A_2350 = arith.muli %add3A_1810, %mul3A_2349 : i32
      %add3A_2351 = arith.addi %mul3A_4, %mul3A_2350 : i32
      %add3A_2352 = arith.constant 12 : i32
      %add3A_2353 = arith.addi %add3A_2351, %add3A_2352 : i32
      %dma_wait3A_2354 = arith.constant 600 : i32
      %dma_wait3A_2355 = arith.constant 0 : i32
      %dma_wait3A_2356 = tpu.memref_slice %arg7[%dma_wait3A_2354, %dma_wait3A_2355] : memref<800x64xf32, #tpu.memory_space<vmem>> -> memref<50x64xf32, #tpu.memory_space<vmem>>
      %dma_wait3A_2357 = arith.constant 0 : i32
      %dma_wait3A_2358 = arith.constant 0 : i32
      %dma_wait3A_2359 = tpu.memref_slice %arg4[%add3A_2353, %dma_wait3A_2357, %dma_wait3A_2358] : memref<16384x56x128xf32, #tpu.memory_space<hbm>> -> memref<1x50x64xf32, #tpu.memory_space<hbm>>
      %dma_wait3A_2360 = tpu.memref_squeeze %dma_wait3A_2359 : memref<1x50x64xf32, #tpu.memory_space<hbm>> -> memref<50x64xf32, #tpu.memory_space<hbm>>
      %dma_wait3A_2361 = arith.constant 0 : i32
      %dma_wait3A_2362 = arith.constant 0 : i32
      %dma_wait3A_2363 = tpu.memref_slice %arg4[%add3A_2353, %dma_wait3A_2361, %dma_wait3A_2362] : memref<16384x56x128xf32, #tpu.memory_space<hbm>> -> memref<1x50x64xf32, #tpu.memory_space<hbm>>
      %dma_wait3A_2364 = tpu.memref_squeeze %dma_wait3A_2363 : memref<1x50x64xf32, #tpu.memory_space<hbm>> -> memref<50x64xf32, #tpu.memory_space<hbm>>
      %dma_wait3A_2365 = arith.constant 600 : i32
      %dma_wait3A_2366 = arith.constant 0 : i32
      %dma_wait3A_2367 = tpu.memref_slice %arg7[%dma_wait3A_2365, %dma_wait3A_2366] : memref<800x64xf32, #tpu.memory_space<vmem>> -> memref<50x64xf32, #tpu.memory_space<vmem>>
      tpu.wait_dma2 semaphore(%arg11 : memref<!tpu.dma_semaphore, #tpu.memory_space<semaphore_mem>>) src(%dma_wait3A_2367 : memref<50x64xf32, #tpu.memory_space<vmem>>) dst(%dma_wait3A_2364 : memref<50x64xf32, #tpu.memory_space<hbm>>)
      %mul3A_2368 = arith.constant 16 : i32
      %mul3A_2369 = arith.muli %add3A_1810, %mul3A_2368 : i32
      %add3A_2370 = arith.addi %mul3A_4, %mul3A_2369 : i32
      %add3A_2371 = arith.constant 13 : i32
      %add3A_2372 = arith.addi %add3A_2370, %add3A_2371 : i32
      %dma_wait3A_2373 = arith.constant 650 : i32
      %dma_wait3A_2374 = arith.constant 0 : i32
      %dma_wait3A_2375 = tpu.memref_slice %arg7[%dma_wait3A_2373, %dma_wait3A_2374] : memref<800x64xf32, #tpu.memory_space<vmem>> -> memref<50x64xf32, #tpu.memory_space<vmem>>
      %dma_wait3A_2376 = arith.constant 0 : i32
      %dma_wait3A_2377 = arith.constant 0 : i32
      %dma_wait3A_2378 = tpu.memref_slice %arg4[%add3A_2372, %dma_wait3A_2376, %dma_wait3A_2377] : memref<16384x56x128xf32, #tpu.memory_space<hbm>> -> memref<1x50x64xf32, #tpu.memory_space<hbm>>
      %dma_wait3A_2379 = tpu.memref_squeeze %dma_wait3A_2378 : memref<1x50x64xf32, #tpu.memory_space<hbm>> -> memref<50x64xf32, #tpu.memory_space<hbm>>
      %dma_wait3A_2380 = arith.constant 0 : i32
      %dma_wait3A_2381 = arith.constant 0 : i32
      %dma_wait3A_2382 = tpu.memref_slice %arg4[%add3A_2372, %dma_wait3A_2380, %dma_wait3A_2381] : memref<16384x56x128xf32, #tpu.memory_space<hbm>> -> memref<1x50x64xf32, #tpu.memory_space<hbm>>
      %dma_wait3A_2383 = tpu.memref_squeeze %dma_wait3A_2382 : memref<1x50x64xf32, #tpu.memory_space<hbm>> -> memref<50x64xf32, #tpu.memory_space<hbm>>
      %dma_wait3A_2384 = arith.constant 650 : i32
      %dma_wait3A_2385 = arith.constant 0 : i32
      %dma_wait3A_2386 = tpu.memref_slice %arg7[%dma_wait3A_2384, %dma_wait3A_2385] : memref<800x64xf32, #tpu.memory_space<vmem>> -> memref<50x64xf32, #tpu.memory_space<vmem>>
      tpu.wait_dma2 semaphore(%arg11 : memref<!tpu.dma_semaphore, #tpu.memory_space<semaphore_mem>>) src(%dma_wait3A_2386 : memref<50x64xf32, #tpu.memory_space<vmem>>) dst(%dma_wait3A_2383 : memref<50x64xf32, #tpu.memory_space<hbm>>)
      %mul3A_2387 = arith.constant 16 : i32
      %mul3A_2388 = arith.muli %add3A_1810, %mul3A_2387 : i32
      %add3A_2389 = arith.addi %mul3A_4, %mul3A_2388 : i32
      %add3A_2390 = arith.constant 14 : i32
      %add3A_2391 = arith.addi %add3A_2389, %add3A_2390 : i32
      %dma_wait3A_2392 = arith.constant 700 : i32
      %dma_wait3A_2393 = arith.constant 0 : i32
      %dma_wait3A_2394 = tpu.memref_slice %arg7[%dma_wait3A_2392, %dma_wait3A_2393] : memref<800x64xf32, #tpu.memory_space<vmem>> -> memref<50x64xf32, #tpu.memory_space<vmem>>
      %dma_wait3A_2395 = arith.constant 0 : i32
      %dma_wait3A_2396 = arith.constant 0 : i32
      %dma_wait3A_2397 = tpu.memref_slice %arg4[%add3A_2391, %dma_wait3A_2395, %dma_wait3A_2396] : memref<16384x56x128xf32, #tpu.memory_space<hbm>> -> memref<1x50x64xf32, #tpu.memory_space<hbm>>
      %dma_wait3A_2398 = tpu.memref_squeeze %dma_wait3A_2397 : memref<1x50x64xf32, #tpu.memory_space<hbm>> -> memref<50x64xf32, #tpu.memory_space<hbm>>
      %dma_wait3A_2399 = arith.constant 0 : i32
      %dma_wait3A_2400 = arith.constant 0 : i32
      %dma_wait3A_2401 = tpu.memref_slice %arg4[%add3A_2391, %dma_wait3A_2399, %dma_wait3A_2400] : memref<16384x56x128xf32, #tpu.memory_space<hbm>> -> memref<1x50x64xf32, #tpu.memory_space<hbm>>
      %dma_wait3A_2402 = tpu.memref_squeeze %dma_wait3A_2401 : memref<1x50x64xf32, #tpu.memory_space<hbm>> -> memref<50x64xf32, #tpu.memory_space<hbm>>
      %dma_wait3A_2403 = arith.constant 700 : i32
      %dma_wait3A_2404 = arith.constant 0 : i32
      %dma_wait3A_2405 = tpu.memref_slice %arg7[%dma_wait3A_2403, %dma_wait3A_2404] : memref<800x64xf32, #tpu.memory_space<vmem>> -> memref<50x64xf32, #tpu.memory_space<vmem>>
      tpu.wait_dma2 semaphore(%arg11 : memref<!tpu.dma_semaphore, #tpu.memory_space<semaphore_mem>>) src(%dma_wait3A_2405 : memref<50x64xf32, #tpu.memory_space<vmem>>) dst(%dma_wait3A_2402 : memref<50x64xf32, #tpu.memory_space<hbm>>)
      %mul3A_2406 = arith.constant 16 : i32
      %mul3A_2407 = arith.muli %add3A_1810, %mul3A_2406 : i32
      %add3A_2408 = arith.addi %mul3A_4, %mul3A_2407 : i32
      %add3A_2409 = arith.constant 15 : i32
      %add3A_2410 = arith.addi %add3A_2408, %add3A_2409 : i32
      %dma_wait3A_2411 = arith.constant 750 : i32
      %dma_wait3A_2412 = arith.constant 0 : i32
      %dma_wait3A_2413 = tpu.memref_slice %arg7[%dma_wait3A_2411, %dma_wait3A_2412] : memref<800x64xf32, #tpu.memory_space<vmem>> -> memref<50x64xf32, #tpu.memory_space<vmem>>
      %dma_wait3A_2414 = arith.constant 0 : i32
      %dma_wait3A_2415 = arith.constant 0 : i32
      %dma_wait3A_2416 = tpu.memref_slice %arg4[%add3A_2410, %dma_wait3A_2414, %dma_wait3A_2415] : memref<16384x56x128xf32, #tpu.memory_space<hbm>> -> memref<1x50x64xf32, #tpu.memory_space<hbm>>
      %dma_wait3A_2417 = tpu.memref_squeeze %dma_wait3A_2416 : memref<1x50x64xf32, #tpu.memory_space<hbm>> -> memref<50x64xf32, #tpu.memory_space<hbm>>
      %dma_wait3A_2418 = arith.constant 0 : i32
      %dma_wait3A_2419 = arith.constant 0 : i32
      %dma_wait3A_2420 = tpu.memref_slice %arg4[%add3A_2410, %dma_wait3A_2418, %dma_wait3A_2419] : memref<16384x56x128xf32, #tpu.memory_space<hbm>> -> memref<1x50x64xf32, #tpu.memory_space<hbm>>
      %dma_wait3A_2421 = tpu.memref_squeeze %dma_wait3A_2420 : memref<1x50x64xf32, #tpu.memory_space<hbm>> -> memref<50x64xf32, #tpu.memory_space<hbm>>
      %dma_wait3A_2422 = arith.constant 750 : i32
      %dma_wait3A_2423 = arith.constant 0 : i32
      %dma_wait3A_2424 = tpu.memref_slice %arg7[%dma_wait3A_2422, %dma_wait3A_2423] : memref<800x64xf32, #tpu.memory_space<vmem>> -> memref<50x64xf32, #tpu.memory_space<vmem>>
      tpu.wait_dma2 semaphore(%arg11 : memref<!tpu.dma_semaphore, #tpu.memory_space<semaphore_mem>>) src(%dma_wait3A_2424 : memref<50x64xf32, #tpu.memory_space<vmem>>) dst(%dma_wait3A_2421 : memref<50x64xf32, #tpu.memory_space<hbm>>)
      %add3A_2425 = arith.constant 2 : i32
      %add3A_2426 = arith.addi %add3A_1810, %add3A_2425 : i32
      %mul3A_2427 = arith.constant 800 : i32
      %mul3A_2428 = arith.muli %add3A_2426, %mul3A_2427 : i32
      %dma_start3A_2429 = tpu.memref_slice %arg5[%mul3A_2428] : memref<25600xi32, #tpu.memory_space<vmem>> -> memref<800xi32, #tpu.memory_space<vmem>>
      %dma_start3A_2430 = arith.constant 0 : i32
      %dma_start3A_2431 = arith.constant 0 : i32
      %dma_start3A_2432 = tpu.memref_slice %arg3[%dma_start3A_2430, %dma_start3A_2431] : memref<100000x64xf32, #tpu.memory_space<hbm>> -> memref<100000x64xf32, #tpu.memory_space<hbm>>
      tpu.enqueue_indirect_dma source(%dma_start3A_2432 : memref<100000x64xf32, #tpu.memory_space<hbm>>) target(%arg7 : memref<800x64xf32, #tpu.memory_space<vmem>>) offsets(%dma_start3A_2429 : memref<800xi32, #tpu.memory_space<vmem>>) semaphore(%arg9 : memref<!tpu.dma_semaphore, #tpu.memory_space<semaphore_mem>>)
    }
    %scan3A_18 = arith.constant 15 : i32
    %dma_wait3A = arith.constant 24000 : i32
    %dma_wait3A_19 = tpu.memref_slice %arg5[%dma_wait3A] : memref<25600xi32, #tpu.memory_space<vmem>> -> memref<800xi32, #tpu.memory_space<vmem>>
    %dma_wait3A_20 = arith.constant 0 : i32
    %dma_wait3A_21 = arith.constant 0 : i32
    %dma_wait3A_22 = tpu.memref_slice %arg3[%dma_wait3A_20, %dma_wait3A_21] : memref<100000x64xf32, #tpu.memory_space<hbm>> -> memref<100000x64xf32, #tpu.memory_space<hbm>>
    tpu.wait_indirect_dma semaphore(%arg8 : memref<!tpu.dma_semaphore, #tpu.memory_space<semaphore_mem>>) src(%dma_wait3A_22 : memref<100000x64xf32, #tpu.memory_space<hbm>>) dst(%arg6 : memref<800x64xf32, #tpu.memory_space<vmem>>)
    %add3A_23 = arith.constant 480 : i32
    %add3A_24 = arith.addi %mul3A_4, %add3A_23 : i32
    %add3A_25 = arith.constant 0 : i32
    %add3A_26 = arith.addi %add3A_24, %add3A_25 : i32
    %dma_start3A_27 = arith.constant 0 : i32
    %dma_start3A_28 = arith.constant 0 : i32
    %dma_start3A_29 = tpu.memref_slice %arg6[%dma_start3A_27, %dma_start3A_28] : memref<800x64xf32, #tpu.memory_space<vmem>> -> memref<50x64xf32, #tpu.memory_space<vmem>>
    %dma_start3A_30 = arith.constant 0 : i32
    %dma_start3A_31 = arith.constant 0 : i32
    %dma_start3A_32 = tpu.memref_slice %arg4[%add3A_26, %dma_start3A_30, %dma_start3A_31] : memref<16384x56x128xf32, #tpu.memory_space<hbm>> -> memref<1x50x64xf32, #tpu.memory_space<hbm>>
    %dma_start3A_33 = tpu.memref_squeeze %dma_start3A_32 : memref<1x50x64xf32, #tpu.memory_space<hbm>> -> memref<50x64xf32, #tpu.memory_space<hbm>>
    %dma_start3A_34 = arith.constant 0 : i32
    %dma_start3A_35 = arith.constant 0 : i32
    %dma_start3A_36 = tpu.memref_slice %arg4[%add3A_26, %dma_start3A_34, %dma_start3A_35] : memref<16384x56x128xf32, #tpu.memory_space<hbm>> -> memref<1x50x64xf32, #tpu.memory_space<hbm>>
    %dma_start3A_37 = tpu.memref_squeeze %dma_start3A_36 : memref<1x50x64xf32, #tpu.memory_space<hbm>> -> memref<50x64xf32, #tpu.memory_space<hbm>>
    %dma_start3A_38 = arith.constant 0 : i32
    %dma_start3A_39 = arith.constant 0 : i32
    %dma_start3A_40 = tpu.memref_slice %arg6[%dma_start3A_38, %dma_start3A_39] : memref<800x64xf32, #tpu.memory_space<vmem>> -> memref<50x64xf32, #tpu.memory_space<vmem>>
    tpu.enqueue_dma source(%dma_start3A_40 : memref<50x64xf32, #tpu.memory_space<vmem>>) target(%dma_start3A_37 : memref<50x64xf32, #tpu.memory_space<hbm>>) target_semaphore(%arg10 : memref<!tpu.dma_semaphore, #tpu.memory_space<semaphore_mem>>)
    %add3A_41 = arith.constant 480 : i32
    %add3A_42 = arith.addi %mul3A_4, %add3A_41 : i32
    %add3A_43 = arith.constant 1 : i32
    %add3A_44 = arith.addi %add3A_42, %add3A_43 : i32
    %dma_start3A_45 = arith.constant 50 : i32
    %dma_start3A_46 = arith.constant 0 : i32
    %dma_start3A_47 = tpu.memref_slice %arg6[%dma_start3A_45, %dma_start3A_46] : memref<800x64xf32, #tpu.memory_space<vmem>> -> memref<50x64xf32, #tpu.memory_space<vmem>>
    %dma_start3A_48 = arith.constant 0 : i32
    %dma_start3A_49 = arith.constant 0 : i32
    %dma_start3A_50 = tpu.memref_slice %arg4[%add3A_44, %dma_start3A_48, %dma_start3A_49] : memref<16384x56x128xf32, #tpu.memory_space<hbm>> -> memref<1x50x64xf32, #tpu.memory_space<hbm>>
    %dma_start3A_51 = tpu.memref_squeeze %dma_start3A_50 : memref<1x50x64xf32, #tpu.memory_space<hbm>> -> memref<50x64xf32, #tpu.memory_space<hbm>>
    %dma_start3A_52 = arith.constant 0 : i32
    %dma_start3A_53 = arith.constant 0 : i32
    %dma_start3A_54 = tpu.memref_slice %arg4[%add3A_44, %dma_start3A_52, %dma_start3A_53] : memref<16384x56x128xf32, #tpu.memory_space<hbm>> -> memref<1x50x64xf32, #tpu.memory_space<hbm>>
    %dma_start3A_55 = tpu.memref_squeeze %dma_start3A_54 : memref<1x50x64xf32, #tpu.memory_space<hbm>> -> memref<50x64xf32, #tpu.memory_space<hbm>>
    %dma_start3A_56 = arith.constant 50 : i32
    %dma_start3A_57 = arith.constant 0 : i32
    %dma_start3A_58 = tpu.memref_slice %arg6[%dma_start3A_56, %dma_start3A_57] : memref<800x64xf32, #tpu.memory_space<vmem>> -> memref<50x64xf32, #tpu.memory_space<vmem>>
    tpu.enqueue_dma source(%dma_start3A_58 : memref<50x64xf32, #tpu.memory_space<vmem>>) target(%dma_start3A_55 : memref<50x64xf32, #tpu.memory_space<hbm>>) target_semaphore(%arg10 : memref<!tpu.dma_semaphore, #tpu.memory_space<semaphore_mem>>)
    %add3A_59 = arith.constant 480 : i32
    %add3A_60 = arith.addi %mul3A_4, %add3A_59 : i32
    %add3A_61 = arith.constant 2 : i32
    %add3A_62 = arith.addi %add3A_60, %add3A_61 : i32
    %dma_start3A_63 = arith.constant 100 : i32
    %dma_start3A_64 = arith.constant 0 : i32
    %dma_start3A_65 = tpu.memref_slice %arg6[%dma_start3A_63, %dma_start3A_64] : memref<800x64xf32, #tpu.memory_space<vmem>> -> memref<50x64xf32, #tpu.memory_space<vmem>>
    %dma_start3A_66 = arith.constant 0 : i32
    %dma_start3A_67 = arith.constant 0 : i32
    %dma_start3A_68 = tpu.memref_slice %arg4[%add3A_62, %dma_start3A_66, %dma_start3A_67] : memref<16384x56x128xf32, #tpu.memory_space<hbm>> -> memref<1x50x64xf32, #tpu.memory_space<hbm>>
    %dma_start3A_69 = tpu.memref_squeeze %dma_start3A_68 : memref<1x50x64xf32, #tpu.memory_space<hbm>> -> memref<50x64xf32, #tpu.memory_space<hbm>>
    %dma_start3A_70 = arith.constant 0 : i32
    %dma_start3A_71 = arith.constant 0 : i32
    %dma_start3A_72 = tpu.memref_slice %arg4[%add3A_62, %dma_start3A_70, %dma_start3A_71] : memref<16384x56x128xf32, #tpu.memory_space<hbm>> -> memref<1x50x64xf32, #tpu.memory_space<hbm>>
    %dma_start3A_73 = tpu.memref_squeeze %dma_start3A_72 : memref<1x50x64xf32, #tpu.memory_space<hbm>> -> memref<50x64xf32, #tpu.memory_space<hbm>>
    %dma_start3A_74 = arith.constant 100 : i32
    %dma_start3A_75 = arith.constant 0 : i32
    %dma_start3A_76 = tpu.memref_slice %arg6[%dma_start3A_74, %dma_start3A_75] : memref<800x64xf32, #tpu.memory_space<vmem>> -> memref<50x64xf32, #tpu.memory_space<vmem>>
    tpu.enqueue_dma source(%dma_start3A_76 : memref<50x64xf32, #tpu.memory_space<vmem>>) target(%dma_start3A_73 : memref<50x64xf32, #tpu.memory_space<hbm>>) target_semaphore(%arg10 : memref<!tpu.dma_semaphore, #tpu.memory_space<semaphore_mem>>)
    %add3A_77 = arith.constant 480 : i32
    %add3A_78 = arith.addi %mul3A_4, %add3A_77 : i32
    %add3A_79 = arith.constant 3 : i32
    %add3A_80 = arith.addi %add3A_78, %add3A_79 : i32
    %dma_start3A_81 = arith.constant 150 : i32
    %dma_start3A_82 = arith.constant 0 : i32
    %dma_start3A_83 = tpu.memref_slice %arg6[%dma_start3A_81, %dma_start3A_82] : memref<800x64xf32, #tpu.memory_space<vmem>> -> memref<50x64xf32, #tpu.memory_space<vmem>>
    %dma_start3A_84 = arith.constant 0 : i32
    %dma_start3A_85 = arith.constant 0 : i32
    %dma_start3A_86 = tpu.memref_slice %arg4[%add3A_80, %dma_start3A_84, %dma_start3A_85] : memref<16384x56x128xf32, #tpu.memory_space<hbm>> -> memref<1x50x64xf32, #tpu.memory_space<hbm>>
    %dma_start3A_87 = tpu.memref_squeeze %dma_start3A_86 : memref<1x50x64xf32, #tpu.memory_space<hbm>> -> memref<50x64xf32, #tpu.memory_space<hbm>>
    %dma_start3A_88 = arith.constant 0 : i32
    %dma_start3A_89 = arith.constant 0 : i32
    %dma_start3A_90 = tpu.memref_slice %arg4[%add3A_80, %dma_start3A_88, %dma_start3A_89] : memref<16384x56x128xf32, #tpu.memory_space<hbm>> -> memref<1x50x64xf32, #tpu.memory_space<hbm>>
    %dma_start3A_91 = tpu.memref_squeeze %dma_start3A_90 : memref<1x50x64xf32, #tpu.memory_space<hbm>> -> memref<50x64xf32, #tpu.memory_space<hbm>>
    %dma_start3A_92 = arith.constant 150 : i32
    %dma_start3A_93 = arith.constant 0 : i32
    %dma_start3A_94 = tpu.memref_slice %arg6[%dma_start3A_92, %dma_start3A_93] : memref<800x64xf32, #tpu.memory_space<vmem>> -> memref<50x64xf32, #tpu.memory_space<vmem>>
    tpu.enqueue_dma source(%dma_start3A_94 : memref<50x64xf32, #tpu.memory_space<vmem>>) target(%dma_start3A_91 : memref<50x64xf32, #tpu.memory_space<hbm>>) target_semaphore(%arg10 : memref<!tpu.dma_semaphore, #tpu.memory_space<semaphore_mem>>)
    %add3A_95 = arith.constant 480 : i32
    %add3A_96 = arith.addi %mul3A_4, %add3A_95 : i32
    %add3A_97 = arith.constant 4 : i32
    %add3A_98 = arith.addi %add3A_96, %add3A_97 : i32
    %dma_start3A_99 = arith.constant 200 : i32
    %dma_start3A_100 = arith.constant 0 : i32
    %dma_start3A_101 = tpu.memref_slice %arg6[%dma_start3A_99, %dma_start3A_100] : memref<800x64xf32, #tpu.memory_space<vmem>> -> memref<50x64xf32, #tpu.memory_space<vmem>>
    %dma_start3A_102 = arith.constant 0 : i32
    %dma_start3A_103 = arith.constant 0 : i32
    %dma_start3A_104 = tpu.memref_slice %arg4[%add3A_98, %dma_start3A_102, %dma_start3A_103] : memref<16384x56x128xf32, #tpu.memory_space<hbm>> -> memref<1x50x64xf32, #tpu.memory_space<hbm>>
    %dma_start3A_105 = tpu.memref_squeeze %dma_start3A_104 : memref<1x50x64xf32, #tpu.memory_space<hbm>> -> memref<50x64xf32, #tpu.memory_space<hbm>>
    %dma_start3A_106 = arith.constant 0 : i32
    %dma_start3A_107 = arith.constant 0 : i32
    %dma_start3A_108 = tpu.memref_slice %arg4[%add3A_98, %dma_start3A_106, %dma_start3A_107] : memref<16384x56x128xf32, #tpu.memory_space<hbm>> -> memref<1x50x64xf32, #tpu.memory_space<hbm>>
    %dma_start3A_109 = tpu.memref_squeeze %dma_start3A_108 : memref<1x50x64xf32, #tpu.memory_space<hbm>> -> memref<50x64xf32, #tpu.memory_space<hbm>>
    %dma_start3A_110 = arith.constant 200 : i32
    %dma_start3A_111 = arith.constant 0 : i32
    %dma_start3A_112 = tpu.memref_slice %arg6[%dma_start3A_110, %dma_start3A_111] : memref<800x64xf32, #tpu.memory_space<vmem>> -> memref<50x64xf32, #tpu.memory_space<vmem>>
    tpu.enqueue_dma source(%dma_start3A_112 : memref<50x64xf32, #tpu.memory_space<vmem>>) target(%dma_start3A_109 : memref<50x64xf32, #tpu.memory_space<hbm>>) target_semaphore(%arg10 : memref<!tpu.dma_semaphore, #tpu.memory_space<semaphore_mem>>)
    %add3A_113 = arith.constant 480 : i32
    %add3A_114 = arith.addi %mul3A_4, %add3A_113 : i32
    %add3A_115 = arith.constant 5 : i32
    %add3A_116 = arith.addi %add3A_114, %add3A_115 : i32
    %dma_start3A_117 = arith.constant 250 : i32
    %dma_start3A_118 = arith.constant 0 : i32
    %dma_start3A_119 = tpu.memref_slice %arg6[%dma_start3A_117, %dma_start3A_118] : memref<800x64xf32, #tpu.memory_space<vmem>> -> memref<50x64xf32, #tpu.memory_space<vmem>>
    %dma_start3A_120 = arith.constant 0 : i32
    %dma_start3A_121 = arith.constant 0 : i32
    %dma_start3A_122 = tpu.memref_slice %arg4[%add3A_116, %dma_start3A_120, %dma_start3A_121] : memref<16384x56x128xf32, #tpu.memory_space<hbm>> -> memref<1x50x64xf32, #tpu.memory_space<hbm>>
    %dma_start3A_123 = tpu.memref_squeeze %dma_start3A_122 : memref<1x50x64xf32, #tpu.memory_space<hbm>> -> memref<50x64xf32, #tpu.memory_space<hbm>>
    %dma_start3A_124 = arith.constant 0 : i32
    %dma_start3A_125 = arith.constant 0 : i32
    %dma_start3A_126 = tpu.memref_slice %arg4[%add3A_116, %dma_start3A_124, %dma_start3A_125] : memref<16384x56x128xf32, #tpu.memory_space<hbm>> -> memref<1x50x64xf32, #tpu.memory_space<hbm>>
    %dma_start3A_127 = tpu.memref_squeeze %dma_start3A_126 : memref<1x50x64xf32, #tpu.memory_space<hbm>> -> memref<50x64xf32, #tpu.memory_space<hbm>>
    %dma_start3A_128 = arith.constant 250 : i32
    %dma_start3A_129 = arith.constant 0 : i32
    %dma_start3A_130 = tpu.memref_slice %arg6[%dma_start3A_128, %dma_start3A_129] : memref<800x64xf32, #tpu.memory_space<vmem>> -> memref<50x64xf32, #tpu.memory_space<vmem>>
    tpu.enqueue_dma source(%dma_start3A_130 : memref<50x64xf32, #tpu.memory_space<vmem>>) target(%dma_start3A_127 : memref<50x64xf32, #tpu.memory_space<hbm>>) target_semaphore(%arg10 : memref<!tpu.dma_semaphore, #tpu.memory_space<semaphore_mem>>)
    %add3A_131 = arith.constant 480 : i32
    %add3A_132 = arith.addi %mul3A_4, %add3A_131 : i32
    %add3A_133 = arith.constant 6 : i32
    %add3A_134 = arith.addi %add3A_132, %add3A_133 : i32
    %dma_start3A_135 = arith.constant 300 : i32
    %dma_start3A_136 = arith.constant 0 : i32
    %dma_start3A_137 = tpu.memref_slice %arg6[%dma_start3A_135, %dma_start3A_136] : memref<800x64xf32, #tpu.memory_space<vmem>> -> memref<50x64xf32, #tpu.memory_space<vmem>>
    %dma_start3A_138 = arith.constant 0 : i32
    %dma_start3A_139 = arith.constant 0 : i32
    %dma_start3A_140 = tpu.memref_slice %arg4[%add3A_134, %dma_start3A_138, %dma_start3A_139] : memref<16384x56x128xf32, #tpu.memory_space<hbm>> -> memref<1x50x64xf32, #tpu.memory_space<hbm>>
    %dma_start3A_141 = tpu.memref_squeeze %dma_start3A_140 : memref<1x50x64xf32, #tpu.memory_space<hbm>> -> memref<50x64xf32, #tpu.memory_space<hbm>>
    %dma_start3A_142 = arith.constant 0 : i32
    %dma_start3A_143 = arith.constant 0 : i32
    %dma_start3A_144 = tpu.memref_slice %arg4[%add3A_134, %dma_start3A_142, %dma_start3A_143] : memref<16384x56x128xf32, #tpu.memory_space<hbm>> -> memref<1x50x64xf32, #tpu.memory_space<hbm>>
    %dma_start3A_145 = tpu.memref_squeeze %dma_start3A_144 : memref<1x50x64xf32, #tpu.memory_space<hbm>> -> memref<50x64xf32, #tpu.memory_space<hbm>>
    %dma_start3A_146 = arith.constant 300 : i32
    %dma_start3A_147 = arith.constant 0 : i32
    %dma_start3A_148 = tpu.memref_slice %arg6[%dma_start3A_146, %dma_start3A_147] : memref<800x64xf32, #tpu.memory_space<vmem>> -> memref<50x64xf32, #tpu.memory_space<vmem>>
    tpu.enqueue_dma source(%dma_start3A_148 : memref<50x64xf32, #tpu.memory_space<vmem>>) target(%dma_start3A_145 : memref<50x64xf32, #tpu.memory_space<hbm>>) target_semaphore(%arg10 : memref<!tpu.dma_semaphore, #tpu.memory_space<semaphore_mem>>)
    %add3A_149 = arith.constant 480 : i32
    %add3A_150 = arith.addi %mul3A_4, %add3A_149 : i32
    %add3A_151 = arith.constant 7 : i32
    %add3A_152 = arith.addi %add3A_150, %add3A_151 : i32
    %dma_start3A_153 = arith.constant 350 : i32
    %dma_start3A_154 = arith.constant 0 : i32
    %dma_start3A_155 = tpu.memref_slice %arg6[%dma_start3A_153, %dma_start3A_154] : memref<800x64xf32, #tpu.memory_space<vmem>> -> memref<50x64xf32, #tpu.memory_space<vmem>>
    %dma_start3A_156 = arith.constant 0 : i32
    %dma_start3A_157 = arith.constant 0 : i32
    %dma_start3A_158 = tpu.memref_slice %arg4[%add3A_152, %dma_start3A_156, %dma_start3A_157] : memref<16384x56x128xf32, #tpu.memory_space<hbm>> -> memref<1x50x64xf32, #tpu.memory_space<hbm>>
    %dma_start3A_159 = tpu.memref_squeeze %dma_start3A_158 : memref<1x50x64xf32, #tpu.memory_space<hbm>> -> memref<50x64xf32, #tpu.memory_space<hbm>>
    %dma_start3A_160 = arith.constant 0 : i32
    %dma_start3A_161 = arith.constant 0 : i32
    %dma_start3A_162 = tpu.memref_slice %arg4[%add3A_152, %dma_start3A_160, %dma_start3A_161] : memref<16384x56x128xf32, #tpu.memory_space<hbm>> -> memref<1x50x64xf32, #tpu.memory_space<hbm>>
    %dma_start3A_163 = tpu.memref_squeeze %dma_start3A_162 : memref<1x50x64xf32, #tpu.memory_space<hbm>> -> memref<50x64xf32, #tpu.memory_space<hbm>>
    %dma_start3A_164 = arith.constant 350 : i32
    %dma_start3A_165 = arith.constant 0 : i32
    %dma_start3A_166 = tpu.memref_slice %arg6[%dma_start3A_164, %dma_start3A_165] : memref<800x64xf32, #tpu.memory_space<vmem>> -> memref<50x64xf32, #tpu.memory_space<vmem>>
    tpu.enqueue_dma source(%dma_start3A_166 : memref<50x64xf32, #tpu.memory_space<vmem>>) target(%dma_start3A_163 : memref<50x64xf32, #tpu.memory_space<hbm>>) target_semaphore(%arg10 : memref<!tpu.dma_semaphore, #tpu.memory_space<semaphore_mem>>)
    %add3A_167 = arith.constant 480 : i32
    %add3A_168 = arith.addi %mul3A_4, %add3A_167 : i32
    %add3A_169 = arith.constant 8 : i32
    %add3A_170 = arith.addi %add3A_168, %add3A_169 : i32
    %dma_start3A_171 = arith.constant 400 : i32
    %dma_start3A_172 = arith.constant 0 : i32
    %dma_start3A_173 = tpu.memref_slice %arg6[%dma_start3A_171, %dma_start3A_172] : memref<800x64xf32, #tpu.memory_space<vmem>> -> memref<50x64xf32, #tpu.memory_space<vmem>>
    %dma_start3A_174 = arith.constant 0 : i32
    %dma_start3A_175 = arith.constant 0 : i32
    %dma_start3A_176 = tpu.memref_slice %arg4[%add3A_170, %dma_start3A_174, %dma_start3A_175] : memref<16384x56x128xf32, #tpu.memory_space<hbm>> -> memref<1x50x64xf32, #tpu.memory_space<hbm>>
    %dma_start3A_177 = tpu.memref_squeeze %dma_start3A_176 : memref<1x50x64xf32, #tpu.memory_space<hbm>> -> memref<50x64xf32, #tpu.memory_space<hbm>>
    %dma_start3A_178 = arith.constant 0 : i32
    %dma_start3A_179 = arith.constant 0 : i32
    %dma_start3A_180 = tpu.memref_slice %arg4[%add3A_170, %dma_start3A_178, %dma_start3A_179] : memref<16384x56x128xf32, #tpu.memory_space<hbm>> -> memref<1x50x64xf32, #tpu.memory_space<hbm>>
    %dma_start3A_181 = tpu.memref_squeeze %dma_start3A_180 : memref<1x50x64xf32, #tpu.memory_space<hbm>> -> memref<50x64xf32, #tpu.memory_space<hbm>>
    %dma_start3A_182 = arith.constant 400 : i32
    %dma_start3A_183 = arith.constant 0 : i32
    %dma_start3A_184 = tpu.memref_slice %arg6[%dma_start3A_182, %dma_start3A_183] : memref<800x64xf32, #tpu.memory_space<vmem>> -> memref<50x64xf32, #tpu.memory_space<vmem>>
    tpu.enqueue_dma source(%dma_start3A_184 : memref<50x64xf32, #tpu.memory_space<vmem>>) target(%dma_start3A_181 : memref<50x64xf32, #tpu.memory_space<hbm>>) target_semaphore(%arg10 : memref<!tpu.dma_semaphore, #tpu.memory_space<semaphore_mem>>)
    %add3A_185 = arith.constant 480 : i32
    %add3A_186 = arith.addi %mul3A_4, %add3A_185 : i32
    %add3A_187 = arith.constant 9 : i32
    %add3A_188 = arith.addi %add3A_186, %add3A_187 : i32
    %dma_start3A_189 = arith.constant 450 : i32
    %dma_start3A_190 = arith.constant 0 : i32
    %dma_start3A_191 = tpu.memref_slice %arg6[%dma_start3A_189, %dma_start3A_190] : memref<800x64xf32, #tpu.memory_space<vmem>> -> memref<50x64xf32, #tpu.memory_space<vmem>>
    %dma_start3A_192 = arith.constant 0 : i32
    %dma_start3A_193 = arith.constant 0 : i32
    %dma_start3A_194 = tpu.memref_slice %arg4[%add3A_188, %dma_start3A_192, %dma_start3A_193] : memref<16384x56x128xf32, #tpu.memory_space<hbm>> -> memref<1x50x64xf32, #tpu.memory_space<hbm>>
    %dma_start3A_195 = tpu.memref_squeeze %dma_start3A_194 : memref<1x50x64xf32, #tpu.memory_space<hbm>> -> memref<50x64xf32, #tpu.memory_space<hbm>>
    %dma_start3A_196 = arith.constant 0 : i32
    %dma_start3A_197 = arith.constant 0 : i32
    %dma_start3A_198 = tpu.memref_slice %arg4[%add3A_188, %dma_start3A_196, %dma_start3A_197] : memref<16384x56x128xf32, #tpu.memory_space<hbm>> -> memref<1x50x64xf32, #tpu.memory_space<hbm>>
    %dma_start3A_199 = tpu.memref_squeeze %dma_start3A_198 : memref<1x50x64xf32, #tpu.memory_space<hbm>> -> memref<50x64xf32, #tpu.memory_space<hbm>>
    %dma_start3A_200 = arith.constant 450 : i32
    %dma_start3A_201 = arith.constant 0 : i32
    %dma_start3A_202 = tpu.memref_slice %arg6[%dma_start3A_200, %dma_start3A_201] : memref<800x64xf32, #tpu.memory_space<vmem>> -> memref<50x64xf32, #tpu.memory_space<vmem>>
    tpu.enqueue_dma source(%dma_start3A_202 : memref<50x64xf32, #tpu.memory_space<vmem>>) target(%dma_start3A_199 : memref<50x64xf32, #tpu.memory_space<hbm>>) target_semaphore(%arg10 : memref<!tpu.dma_semaphore, #tpu.memory_space<semaphore_mem>>)
    %add3A_203 = arith.constant 480 : i32
    %add3A_204 = arith.addi %mul3A_4, %add3A_203 : i32
    %add3A_205 = arith.constant 10 : i32
    %add3A_206 = arith.addi %add3A_204, %add3A_205 : i32
    %dma_start3A_207 = arith.constant 500 : i32
    %dma_start3A_208 = arith.constant 0 : i32
    %dma_start3A_209 = tpu.memref_slice %arg6[%dma_start3A_207, %dma_start3A_208] : memref<800x64xf32, #tpu.memory_space<vmem>> -> memref<50x64xf32, #tpu.memory_space<vmem>>
    %dma_start3A_210 = arith.constant 0 : i32
    %dma_start3A_211 = arith.constant 0 : i32
    %dma_start3A_212 = tpu.memref_slice %arg4[%add3A_206, %dma_start3A_210, %dma_start3A_211] : memref<16384x56x128xf32, #tpu.memory_space<hbm>> -> memref<1x50x64xf32, #tpu.memory_space<hbm>>
    %dma_start3A_213 = tpu.memref_squeeze %dma_start3A_212 : memref<1x50x64xf32, #tpu.memory_space<hbm>> -> memref<50x64xf32, #tpu.memory_space<hbm>>
    %dma_start3A_214 = arith.constant 0 : i32
    %dma_start3A_215 = arith.constant 0 : i32
    %dma_start3A_216 = tpu.memref_slice %arg4[%add3A_206, %dma_start3A_214, %dma_start3A_215] : memref<16384x56x128xf32, #tpu.memory_space<hbm>> -> memref<1x50x64xf32, #tpu.memory_space<hbm>>
    %dma_start3A_217 = tpu.memref_squeeze %dma_start3A_216 : memref<1x50x64xf32, #tpu.memory_space<hbm>> -> memref<50x64xf32, #tpu.memory_space<hbm>>
    %dma_start3A_218 = arith.constant 500 : i32
    %dma_start3A_219 = arith.constant 0 : i32
    %dma_start3A_220 = tpu.memref_slice %arg6[%dma_start3A_218, %dma_start3A_219] : memref<800x64xf32, #tpu.memory_space<vmem>> -> memref<50x64xf32, #tpu.memory_space<vmem>>
    tpu.enqueue_dma source(%dma_start3A_220 : memref<50x64xf32, #tpu.memory_space<vmem>>) target(%dma_start3A_217 : memref<50x64xf32, #tpu.memory_space<hbm>>) target_semaphore(%arg10 : memref<!tpu.dma_semaphore, #tpu.memory_space<semaphore_mem>>)
    %add3A_221 = arith.constant 480 : i32
    %add3A_222 = arith.addi %mul3A_4, %add3A_221 : i32
    %add3A_223 = arith.constant 11 : i32
    %add3A_224 = arith.addi %add3A_222, %add3A_223 : i32
    %dma_start3A_225 = arith.constant 550 : i32
    %dma_start3A_226 = arith.constant 0 : i32
    %dma_start3A_227 = tpu.memref_slice %arg6[%dma_start3A_225, %dma_start3A_226] : memref<800x64xf32, #tpu.memory_space<vmem>> -> memref<50x64xf32, #tpu.memory_space<vmem>>
    %dma_start3A_228 = arith.constant 0 : i32
    %dma_start3A_229 = arith.constant 0 : i32
    %dma_start3A_230 = tpu.memref_slice %arg4[%add3A_224, %dma_start3A_228, %dma_start3A_229] : memref<16384x56x128xf32, #tpu.memory_space<hbm>> -> memref<1x50x64xf32, #tpu.memory_space<hbm>>
    %dma_start3A_231 = tpu.memref_squeeze %dma_start3A_230 : memref<1x50x64xf32, #tpu.memory_space<hbm>> -> memref<50x64xf32, #tpu.memory_space<hbm>>
    %dma_start3A_232 = arith.constant 0 : i32
    %dma_start3A_233 = arith.constant 0 : i32
    %dma_start3A_234 = tpu.memref_slice %arg4[%add3A_224, %dma_start3A_232, %dma_start3A_233] : memref<16384x56x128xf32, #tpu.memory_space<hbm>> -> memref<1x50x64xf32, #tpu.memory_space<hbm>>
    %dma_start3A_235 = tpu.memref_squeeze %dma_start3A_234 : memref<1x50x64xf32, #tpu.memory_space<hbm>> -> memref<50x64xf32, #tpu.memory_space<hbm>>
    %dma_start3A_236 = arith.constant 550 : i32
    %dma_start3A_237 = arith.constant 0 : i32
    %dma_start3A_238 = tpu.memref_slice %arg6[%dma_start3A_236, %dma_start3A_237] : memref<800x64xf32, #tpu.memory_space<vmem>> -> memref<50x64xf32, #tpu.memory_space<vmem>>
    tpu.enqueue_dma source(%dma_start3A_238 : memref<50x64xf32, #tpu.memory_space<vmem>>) target(%dma_start3A_235 : memref<50x64xf32, #tpu.memory_space<hbm>>) target_semaphore(%arg10 : memref<!tpu.dma_semaphore, #tpu.memory_space<semaphore_mem>>)
    %add3A_239 = arith.constant 480 : i32
    %add3A_240 = arith.addi %mul3A_4, %add3A_239 : i32
    %add3A_241 = arith.constant 12 : i32
    %add3A_242 = arith.addi %add3A_240, %add3A_241 : i32
    %dma_start3A_243 = arith.constant 600 : i32
    %dma_start3A_244 = arith.constant 0 : i32
    %dma_start3A_245 = tpu.memref_slice %arg6[%dma_start3A_243, %dma_start3A_244] : memref<800x64xf32, #tpu.memory_space<vmem>> -> memref<50x64xf32, #tpu.memory_space<vmem>>
    %dma_start3A_246 = arith.constant 0 : i32
    %dma_start3A_247 = arith.constant 0 : i32
    %dma_start3A_248 = tpu.memref_slice %arg4[%add3A_242, %dma_start3A_246, %dma_start3A_247] : memref<16384x56x128xf32, #tpu.memory_space<hbm>> -> memref<1x50x64xf32, #tpu.memory_space<hbm>>
    %dma_start3A_249 = tpu.memref_squeeze %dma_start3A_248 : memref<1x50x64xf32, #tpu.memory_space<hbm>> -> memref<50x64xf32, #tpu.memory_space<hbm>>
    %dma_start3A_250 = arith.constant 0 : i32
    %dma_start3A_251 = arith.constant 0 : i32
    %dma_start3A_252 = tpu.memref_slice %arg4[%add3A_242, %dma_start3A_250, %dma_start3A_251] : memref<16384x56x128xf32, #tpu.memory_space<hbm>> -> memref<1x50x64xf32, #tpu.memory_space<hbm>>
    %dma_start3A_253 = tpu.memref_squeeze %dma_start3A_252 : memref<1x50x64xf32, #tpu.memory_space<hbm>> -> memref<50x64xf32, #tpu.memory_space<hbm>>
    %dma_start3A_254 = arith.constant 600 : i32
    %dma_start3A_255 = arith.constant 0 : i32
    %dma_start3A_256 = tpu.memref_slice %arg6[%dma_start3A_254, %dma_start3A_255] : memref<800x64xf32, #tpu.memory_space<vmem>> -> memref<50x64xf32, #tpu.memory_space<vmem>>
    tpu.enqueue_dma source(%dma_start3A_256 : memref<50x64xf32, #tpu.memory_space<vmem>>) target(%dma_start3A_253 : memref<50x64xf32, #tpu.memory_space<hbm>>) target_semaphore(%arg10 : memref<!tpu.dma_semaphore, #tpu.memory_space<semaphore_mem>>)
    %add3A_257 = arith.constant 480 : i32
    %add3A_258 = arith.addi %mul3A_4, %add3A_257 : i32
    %add3A_259 = arith.constant 13 : i32
    %add3A_260 = arith.addi %add3A_258, %add3A_259 : i32
    %dma_start3A_261 = arith.constant 650 : i32
    %dma_start3A_262 = arith.constant 0 : i32
    %dma_start3A_263 = tpu.memref_slice %arg6[%dma_start3A_261, %dma_start3A_262] : memref<800x64xf32, #tpu.memory_space<vmem>> -> memref<50x64xf32, #tpu.memory_space<vmem>>
    %dma_start3A_264 = arith.constant 0 : i32
    %dma_start3A_265 = arith.constant 0 : i32
    %dma_start3A_266 = tpu.memref_slice %arg4[%add3A_260, %dma_start3A_264, %dma_start3A_265] : memref<16384x56x128xf32, #tpu.memory_space<hbm>> -> memref<1x50x64xf32, #tpu.memory_space<hbm>>
    %dma_start3A_267 = tpu.memref_squeeze %dma_start3A_266 : memref<1x50x64xf32, #tpu.memory_space<hbm>> -> memref<50x64xf32, #tpu.memory_space<hbm>>
    %dma_start3A_268 = arith.constant 0 : i32
    %dma_start3A_269 = arith.constant 0 : i32
    %dma_start3A_270 = tpu.memref_slice %arg4[%add3A_260, %dma_start3A_268, %dma_start3A_269] : memref<16384x56x128xf32, #tpu.memory_space<hbm>> -> memref<1x50x64xf32, #tpu.memory_space<hbm>>
    %dma_start3A_271 = tpu.memref_squeeze %dma_start3A_270 : memref<1x50x64xf32, #tpu.memory_space<hbm>> -> memref<50x64xf32, #tpu.memory_space<hbm>>
    %dma_start3A_272 = arith.constant 650 : i32
    %dma_start3A_273 = arith.constant 0 : i32
    %dma_start3A_274 = tpu.memref_slice %arg6[%dma_start3A_272, %dma_start3A_273] : memref<800x64xf32, #tpu.memory_space<vmem>> -> memref<50x64xf32, #tpu.memory_space<vmem>>
    tpu.enqueue_dma source(%dma_start3A_274 : memref<50x64xf32, #tpu.memory_space<vmem>>) target(%dma_start3A_271 : memref<50x64xf32, #tpu.memory_space<hbm>>) target_semaphore(%arg10 : memref<!tpu.dma_semaphore, #tpu.memory_space<semaphore_mem>>)
    %add3A_275 = arith.constant 480 : i32
    %add3A_276 = arith.addi %mul3A_4, %add3A_275 : i32
    %add3A_277 = arith.constant 14 : i32
    %add3A_278 = arith.addi %add3A_276, %add3A_277 : i32
    %dma_start3A_279 = arith.constant 700 : i32
    %dma_start3A_280 = arith.constant 0 : i32
    %dma_start3A_281 = tpu.memref_slice %arg6[%dma_start3A_279, %dma_start3A_280] : memref<800x64xf32, #tpu.memory_space<vmem>> -> memref<50x64xf32, #tpu.memory_space<vmem>>
    %dma_start3A_282 = arith.constant 0 : i32
    %dma_start3A_283 = arith.constant 0 : i32
    %dma_start3A_284 = tpu.memref_slice %arg4[%add3A_278, %dma_start3A_282, %dma_start3A_283] : memref<16384x56x128xf32, #tpu.memory_space<hbm>> -> memref<1x50x64xf32, #tpu.memory_space<hbm>>
    %dma_start3A_285 = tpu.memref_squeeze %dma_start3A_284 : memref<1x50x64xf32, #tpu.memory_space<hbm>> -> memref<50x64xf32, #tpu.memory_space<hbm>>
    %dma_start3A_286 = arith.constant 0 : i32
    %dma_start3A_287 = arith.constant 0 : i32
    %dma_start3A_288 = tpu.memref_slice %arg4[%add3A_278, %dma_start3A_286, %dma_start3A_287] : memref<16384x56x128xf32, #tpu.memory_space<hbm>> -> memref<1x50x64xf32, #tpu.memory_space<hbm>>
    %dma_start3A_289 = tpu.memref_squeeze %dma_start3A_288 : memref<1x50x64xf32, #tpu.memory_space<hbm>> -> memref<50x64xf32, #tpu.memory_space<hbm>>
    %dma_start3A_290 = arith.constant 700 : i32
    %dma_start3A_291 = arith.constant 0 : i32
    %dma_start3A_292 = tpu.memref_slice %arg6[%dma_start3A_290, %dma_start3A_291] : memref<800x64xf32, #tpu.memory_space<vmem>> -> memref<50x64xf32, #tpu.memory_space<vmem>>
    tpu.enqueue_dma source(%dma_start3A_292 : memref<50x64xf32, #tpu.memory_space<vmem>>) target(%dma_start3A_289 : memref<50x64xf32, #tpu.memory_space<hbm>>) target_semaphore(%arg10 : memref<!tpu.dma_semaphore, #tpu.memory_space<semaphore_mem>>)
    %add3A_293 = arith.constant 480 : i32
    %add3A_294 = arith.addi %mul3A_4, %add3A_293 : i32
    %add3A_295 = arith.constant 15 : i32
    %add3A_296 = arith.addi %add3A_294, %add3A_295 : i32
    %dma_start3A_297 = arith.constant 750 : i32
    %dma_start3A_298 = arith.constant 0 : i32
    %dma_start3A_299 = tpu.memref_slice %arg6[%dma_start3A_297, %dma_start3A_298] : memref<800x64xf32, #tpu.memory_space<vmem>> -> memref<50x64xf32, #tpu.memory_space<vmem>>
    %dma_start3A_300 = arith.constant 0 : i32
    %dma_start3A_301 = arith.constant 0 : i32
    %dma_start3A_302 = tpu.memref_slice %arg4[%add3A_296, %dma_start3A_300, %dma_start3A_301] : memref<16384x56x128xf32, #tpu.memory_space<hbm>> -> memref<1x50x64xf32, #tpu.memory_space<hbm>>
    %dma_start3A_303 = tpu.memref_squeeze %dma_start3A_302 : memref<1x50x64xf32, #tpu.memory_space<hbm>> -> memref<50x64xf32, #tpu.memory_space<hbm>>
    %dma_start3A_304 = arith.constant 0 : i32
    %dma_start3A_305 = arith.constant 0 : i32
    %dma_start3A_306 = tpu.memref_slice %arg4[%add3A_296, %dma_start3A_304, %dma_start3A_305] : memref<16384x56x128xf32, #tpu.memory_space<hbm>> -> memref<1x50x64xf32, #tpu.memory_space<hbm>>
    %dma_start3A_307 = tpu.memref_squeeze %dma_start3A_306 : memref<1x50x64xf32, #tpu.memory_space<hbm>> -> memref<50x64xf32, #tpu.memory_space<hbm>>
    %dma_start3A_308 = arith.constant 750 : i32
    %dma_start3A_309 = arith.constant 0 : i32
    %dma_start3A_310 = tpu.memref_slice %arg6[%dma_start3A_308, %dma_start3A_309] : memref<800x64xf32, #tpu.memory_space<vmem>> -> memref<50x64xf32, #tpu.memory_space<vmem>>
    tpu.enqueue_dma source(%dma_start3A_310 : memref<50x64xf32, #tpu.memory_space<vmem>>) target(%dma_start3A_307 : memref<50x64xf32, #tpu.memory_space<hbm>>) target_semaphore(%arg10 : memref<!tpu.dma_semaphore, #tpu.memory_space<semaphore_mem>>)
    %dma_wait3A_311 = arith.constant 24800 : i32
    %dma_wait3A_312 = tpu.memref_slice %arg5[%dma_wait3A_311] : memref<25600xi32, #tpu.memory_space<vmem>> -> memref<800xi32, #tpu.memory_space<vmem>>
    %dma_wait3A_313 = arith.constant 0 : i32
    %dma_wait3A_314 = arith.constant 0 : i32
    %dma_wait3A_315 = tpu.memref_slice %arg3[%dma_wait3A_313, %dma_wait3A_314] : memref<100000x64xf32, #tpu.memory_space<hbm>> -> memref<100000x64xf32, #tpu.memory_space<hbm>>
    tpu.wait_indirect_dma semaphore(%arg9 : memref<!tpu.dma_semaphore, #tpu.memory_space<semaphore_mem>>) src(%dma_wait3A_315 : memref<100000x64xf32, #tpu.memory_space<hbm>>) dst(%arg7 : memref<800x64xf32, #tpu.memory_space<vmem>>)
    %add3A_316 = arith.constant 496 : i32
    %add3A_317 = arith.addi %mul3A_4, %add3A_316 : i32
    %add3A_318 = arith.constant 0 : i32
    %add3A_319 = arith.addi %add3A_317, %add3A_318 : i32
    %dma_start3A_320 = arith.constant 0 : i32
    %dma_start3A_321 = arith.constant 0 : i32
    %dma_start3A_322 = tpu.memref_slice %arg7[%dma_start3A_320, %dma_start3A_321] : memref<800x64xf32, #tpu.memory_space<vmem>> -> memref<50x64xf32, #tpu.memory_space<vmem>>
    %dma_start3A_323 = arith.constant 0 : i32
    %dma_start3A_324 = arith.constant 0 : i32
    %dma_start3A_325 = tpu.memref_slice %arg4[%add3A_319, %dma_start3A_323, %dma_start3A_324] : memref<16384x56x128xf32, #tpu.memory_space<hbm>> -> memref<1x50x64xf32, #tpu.memory_space<hbm>>
    %dma_start3A_326 = tpu.memref_squeeze %dma_start3A_325 : memref<1x50x64xf32, #tpu.memory_space<hbm>> -> memref<50x64xf32, #tpu.memory_space<hbm>>
    %dma_start3A_327 = arith.constant 0 : i32
    %dma_start3A_328 = arith.constant 0 : i32
    %dma_start3A_329 = tpu.memref_slice %arg4[%add3A_319, %dma_start3A_327, %dma_start3A_328] : memref<16384x56x128xf32, #tpu.memory_space<hbm>> -> memref<1x50x64xf32, #tpu.memory_space<hbm>>
    %dma_start3A_330 = tpu.memref_squeeze %dma_start3A_329 : memref<1x50x64xf32, #tpu.memory_space<hbm>> -> memref<50x64xf32, #tpu.memory_space<hbm>>
    %dma_start3A_331 = arith.constant 0 : i32
    %dma_start3A_332 = arith.constant 0 : i32
    %dma_start3A_333 = tpu.memref_slice %arg7[%dma_start3A_331, %dma_start3A_332] : memref<800x64xf32, #tpu.memory_space<vmem>> -> memref<50x64xf32, #tpu.memory_space<vmem>>
    tpu.enqueue_dma source(%dma_start3A_333 : memref<50x64xf32, #tpu.memory_space<vmem>>) target(%dma_start3A_330 : memref<50x64xf32, #tpu.memory_space<hbm>>) target_semaphore(%arg11 : memref<!tpu.dma_semaphore, #tpu.memory_space<semaphore_mem>>)
    %add3A_334 = arith.constant 496 : i32
    %add3A_335 = arith.addi %mul3A_4, %add3A_334 : i32
    %add3A_336 = arith.constant 1 : i32
    %add3A_337 = arith.addi %add3A_335, %add3A_336 : i32
    %dma_start3A_338 = arith.constant 50 : i32
    %dma_start3A_339 = arith.constant 0 : i32
    %dma_start3A_340 = tpu.memref_slice %arg7[%dma_start3A_338, %dma_start3A_339] : memref<800x64xf32, #tpu.memory_space<vmem>> -> memref<50x64xf32, #tpu.memory_space<vmem>>
    %dma_start3A_341 = arith.constant 0 : i32
    %dma_start3A_342 = arith.constant 0 : i32
    %dma_start3A_343 = tpu.memref_slice %arg4[%add3A_337, %dma_start3A_341, %dma_start3A_342] : memref<16384x56x128xf32, #tpu.memory_space<hbm>> -> memref<1x50x64xf32, #tpu.memory_space<hbm>>
    %dma_start3A_344 = tpu.memref_squeeze %dma_start3A_343 : memref<1x50x64xf32, #tpu.memory_space<hbm>> -> memref<50x64xf32, #tpu.memory_space<hbm>>
    %dma_start3A_345 = arith.constant 0 : i32
    %dma_start3A_346 = arith.constant 0 : i32
    %dma_start3A_347 = tpu.memref_slice %arg4[%add3A_337, %dma_start3A_345, %dma_start3A_346] : memref<16384x56x128xf32, #tpu.memory_space<hbm>> -> memref<1x50x64xf32, #tpu.memory_space<hbm>>
    %dma_start3A_348 = tpu.memref_squeeze %dma_start3A_347 : memref<1x50x64xf32, #tpu.memory_space<hbm>> -> memref<50x64xf32, #tpu.memory_space<hbm>>
    %dma_start3A_349 = arith.constant 50 : i32
    %dma_start3A_350 = arith.constant 0 : i32
    %dma_start3A_351 = tpu.memref_slice %arg7[%dma_start3A_349, %dma_start3A_350] : memref<800x64xf32, #tpu.memory_space<vmem>> -> memref<50x64xf32, #tpu.memory_space<vmem>>
    tpu.enqueue_dma source(%dma_start3A_351 : memref<50x64xf32, #tpu.memory_space<vmem>>) target(%dma_start3A_348 : memref<50x64xf32, #tpu.memory_space<hbm>>) target_semaphore(%arg11 : memref<!tpu.dma_semaphore, #tpu.memory_space<semaphore_mem>>)
    %add3A_352 = arith.constant 496 : i32
    %add3A_353 = arith.addi %mul3A_4, %add3A_352 : i32
    %add3A_354 = arith.constant 2 : i32
    %add3A_355 = arith.addi %add3A_353, %add3A_354 : i32
    %dma_start3A_356 = arith.constant 100 : i32
    %dma_start3A_357 = arith.constant 0 : i32
    %dma_start3A_358 = tpu.memref_slice %arg7[%dma_start3A_356, %dma_start3A_357] : memref<800x64xf32, #tpu.memory_space<vmem>> -> memref<50x64xf32, #tpu.memory_space<vmem>>
    %dma_start3A_359 = arith.constant 0 : i32
    %dma_start3A_360 = arith.constant 0 : i32
    %dma_start3A_361 = tpu.memref_slice %arg4[%add3A_355, %dma_start3A_359, %dma_start3A_360] : memref<16384x56x128xf32, #tpu.memory_space<hbm>> -> memref<1x50x64xf32, #tpu.memory_space<hbm>>
    %dma_start3A_362 = tpu.memref_squeeze %dma_start3A_361 : memref<1x50x64xf32, #tpu.memory_space<hbm>> -> memref<50x64xf32, #tpu.memory_space<hbm>>
    %dma_start3A_363 = arith.constant 0 : i32
    %dma_start3A_364 = arith.constant 0 : i32
    %dma_start3A_365 = tpu.memref_slice %arg4[%add3A_355, %dma_start3A_363, %dma_start3A_364] : memref<16384x56x128xf32, #tpu.memory_space<hbm>> -> memref<1x50x64xf32, #tpu.memory_space<hbm>>
    %dma_start3A_366 = tpu.memref_squeeze %dma_start3A_365 : memref<1x50x64xf32, #tpu.memory_space<hbm>> -> memref<50x64xf32, #tpu.memory_space<hbm>>
    %dma_start3A_367 = arith.constant 100 : i32
    %dma_start3A_368 = arith.constant 0 : i32
    %dma_start3A_369 = tpu.memref_slice %arg7[%dma_start3A_367, %dma_start3A_368] : memref<800x64xf32, #tpu.memory_space<vmem>> -> memref<50x64xf32, #tpu.memory_space<vmem>>
    tpu.enqueue_dma source(%dma_start3A_369 : memref<50x64xf32, #tpu.memory_space<vmem>>) target(%dma_start3A_366 : memref<50x64xf32, #tpu.memory_space<hbm>>) target_semaphore(%arg11 : memref<!tpu.dma_semaphore, #tpu.memory_space<semaphore_mem>>)
    %add3A_370 = arith.constant 496 : i32
    %add3A_371 = arith.addi %mul3A_4, %add3A_370 : i32
    %add3A_372 = arith.constant 3 : i32
    %add3A_373 = arith.addi %add3A_371, %add3A_372 : i32
    %dma_start3A_374 = arith.constant 150 : i32
    %dma_start3A_375 = arith.constant 0 : i32
    %dma_start3A_376 = tpu.memref_slice %arg7[%dma_start3A_374, %dma_start3A_375] : memref<800x64xf32, #tpu.memory_space<vmem>> -> memref<50x64xf32, #tpu.memory_space<vmem>>
    %dma_start3A_377 = arith.constant 0 : i32
    %dma_start3A_378 = arith.constant 0 : i32
    %dma_start3A_379 = tpu.memref_slice %arg4[%add3A_373, %dma_start3A_377, %dma_start3A_378] : memref<16384x56x128xf32, #tpu.memory_space<hbm>> -> memref<1x50x64xf32, #tpu.memory_space<hbm>>
    %dma_start3A_380 = tpu.memref_squeeze %dma_start3A_379 : memref<1x50x64xf32, #tpu.memory_space<hbm>> -> memref<50x64xf32, #tpu.memory_space<hbm>>
    %dma_start3A_381 = arith.constant 0 : i32
    %dma_start3A_382 = arith.constant 0 : i32
    %dma_start3A_383 = tpu.memref_slice %arg4[%add3A_373, %dma_start3A_381, %dma_start3A_382] : memref<16384x56x128xf32, #tpu.memory_space<hbm>> -> memref<1x50x64xf32, #tpu.memory_space<hbm>>
    %dma_start3A_384 = tpu.memref_squeeze %dma_start3A_383 : memref<1x50x64xf32, #tpu.memory_space<hbm>> -> memref<50x64xf32, #tpu.memory_space<hbm>>
    %dma_start3A_385 = arith.constant 150 : i32
    %dma_start3A_386 = arith.constant 0 : i32
    %dma_start3A_387 = tpu.memref_slice %arg7[%dma_start3A_385, %dma_start3A_386] : memref<800x64xf32, #tpu.memory_space<vmem>> -> memref<50x64xf32, #tpu.memory_space<vmem>>
    tpu.enqueue_dma source(%dma_start3A_387 : memref<50x64xf32, #tpu.memory_space<vmem>>) target(%dma_start3A_384 : memref<50x64xf32, #tpu.memory_space<hbm>>) target_semaphore(%arg11 : memref<!tpu.dma_semaphore, #tpu.memory_space<semaphore_mem>>)
    %add3A_388 = arith.constant 496 : i32
    %add3A_389 = arith.addi %mul3A_4, %add3A_388 : i32
    %add3A_390 = arith.constant 4 : i32
    %add3A_391 = arith.addi %add3A_389, %add3A_390 : i32
    %dma_start3A_392 = arith.constant 200 : i32
    %dma_start3A_393 = arith.constant 0 : i32
    %dma_start3A_394 = tpu.memref_slice %arg7[%dma_start3A_392, %dma_start3A_393] : memref<800x64xf32, #tpu.memory_space<vmem>> -> memref<50x64xf32, #tpu.memory_space<vmem>>
    %dma_start3A_395 = arith.constant 0 : i32
    %dma_start3A_396 = arith.constant 0 : i32
    %dma_start3A_397 = tpu.memref_slice %arg4[%add3A_391, %dma_start3A_395, %dma_start3A_396] : memref<16384x56x128xf32, #tpu.memory_space<hbm>> -> memref<1x50x64xf32, #tpu.memory_space<hbm>>
    %dma_start3A_398 = tpu.memref_squeeze %dma_start3A_397 : memref<1x50x64xf32, #tpu.memory_space<hbm>> -> memref<50x64xf32, #tpu.memory_space<hbm>>
    %dma_start3A_399 = arith.constant 0 : i32
    %dma_start3A_400 = arith.constant 0 : i32
    %dma_start3A_401 = tpu.memref_slice %arg4[%add3A_391, %dma_start3A_399, %dma_start3A_400] : memref<16384x56x128xf32, #tpu.memory_space<hbm>> -> memref<1x50x64xf32, #tpu.memory_space<hbm>>
    %dma_start3A_402 = tpu.memref_squeeze %dma_start3A_401 : memref<1x50x64xf32, #tpu.memory_space<hbm>> -> memref<50x64xf32, #tpu.memory_space<hbm>>
    %dma_start3A_403 = arith.constant 200 : i32
    %dma_start3A_404 = arith.constant 0 : i32
    %dma_start3A_405 = tpu.memref_slice %arg7[%dma_start3A_403, %dma_start3A_404] : memref<800x64xf32, #tpu.memory_space<vmem>> -> memref<50x64xf32, #tpu.memory_space<vmem>>
    tpu.enqueue_dma source(%dma_start3A_405 : memref<50x64xf32, #tpu.memory_space<vmem>>) target(%dma_start3A_402 : memref<50x64xf32, #tpu.memory_space<hbm>>) target_semaphore(%arg11 : memref<!tpu.dma_semaphore, #tpu.memory_space<semaphore_mem>>)
    %add3A_406 = arith.constant 496 : i32
    %add3A_407 = arith.addi %mul3A_4, %add3A_406 : i32
    %add3A_408 = arith.constant 5 : i32
    %add3A_409 = arith.addi %add3A_407, %add3A_408 : i32
    %dma_start3A_410 = arith.constant 250 : i32
    %dma_start3A_411 = arith.constant 0 : i32
    %dma_start3A_412 = tpu.memref_slice %arg7[%dma_start3A_410, %dma_start3A_411] : memref<800x64xf32, #tpu.memory_space<vmem>> -> memref<50x64xf32, #tpu.memory_space<vmem>>
    %dma_start3A_413 = arith.constant 0 : i32
    %dma_start3A_414 = arith.constant 0 : i32
    %dma_start3A_415 = tpu.memref_slice %arg4[%add3A_409, %dma_start3A_413, %dma_start3A_414] : memref<16384x56x128xf32, #tpu.memory_space<hbm>> -> memref<1x50x64xf32, #tpu.memory_space<hbm>>
    %dma_start3A_416 = tpu.memref_squeeze %dma_start3A_415 : memref<1x50x64xf32, #tpu.memory_space<hbm>> -> memref<50x64xf32, #tpu.memory_space<hbm>>
    %dma_start3A_417 = arith.constant 0 : i32
    %dma_start3A_418 = arith.constant 0 : i32
    %dma_start3A_419 = tpu.memref_slice %arg4[%add3A_409, %dma_start3A_417, %dma_start3A_418] : memref<16384x56x128xf32, #tpu.memory_space<hbm>> -> memref<1x50x64xf32, #tpu.memory_space<hbm>>
    %dma_start3A_420 = tpu.memref_squeeze %dma_start3A_419 : memref<1x50x64xf32, #tpu.memory_space<hbm>> -> memref<50x64xf32, #tpu.memory_space<hbm>>
    %dma_start3A_421 = arith.constant 250 : i32
    %dma_start3A_422 = arith.constant 0 : i32
    %dma_start3A_423 = tpu.memref_slice %arg7[%dma_start3A_421, %dma_start3A_422] : memref<800x64xf32, #tpu.memory_space<vmem>> -> memref<50x64xf32, #tpu.memory_space<vmem>>
    tpu.enqueue_dma source(%dma_start3A_423 : memref<50x64xf32, #tpu.memory_space<vmem>>) target(%dma_start3A_420 : memref<50x64xf32, #tpu.memory_space<hbm>>) target_semaphore(%arg11 : memref<!tpu.dma_semaphore, #tpu.memory_space<semaphore_mem>>)
    %add3A_424 = arith.constant 496 : i32
    %add3A_425 = arith.addi %mul3A_4, %add3A_424 : i32
    %add3A_426 = arith.constant 6 : i32
    %add3A_427 = arith.addi %add3A_425, %add3A_426 : i32
    %dma_start3A_428 = arith.constant 300 : i32
    %dma_start3A_429 = arith.constant 0 : i32
    %dma_start3A_430 = tpu.memref_slice %arg7[%dma_start3A_428, %dma_start3A_429] : memref<800x64xf32, #tpu.memory_space<vmem>> -> memref<50x64xf32, #tpu.memory_space<vmem>>
    %dma_start3A_431 = arith.constant 0 : i32
    %dma_start3A_432 = arith.constant 0 : i32
    %dma_start3A_433 = tpu.memref_slice %arg4[%add3A_427, %dma_start3A_431, %dma_start3A_432] : memref<16384x56x128xf32, #tpu.memory_space<hbm>> -> memref<1x50x64xf32, #tpu.memory_space<hbm>>
    %dma_start3A_434 = tpu.memref_squeeze %dma_start3A_433 : memref<1x50x64xf32, #tpu.memory_space<hbm>> -> memref<50x64xf32, #tpu.memory_space<hbm>>
    %dma_start3A_435 = arith.constant 0 : i32
    %dma_start3A_436 = arith.constant 0 : i32
    %dma_start3A_437 = tpu.memref_slice %arg4[%add3A_427, %dma_start3A_435, %dma_start3A_436] : memref<16384x56x128xf32, #tpu.memory_space<hbm>> -> memref<1x50x64xf32, #tpu.memory_space<hbm>>
    %dma_start3A_438 = tpu.memref_squeeze %dma_start3A_437 : memref<1x50x64xf32, #tpu.memory_space<hbm>> -> memref<50x64xf32, #tpu.memory_space<hbm>>
    %dma_start3A_439 = arith.constant 300 : i32
    %dma_start3A_440 = arith.constant 0 : i32
    %dma_start3A_441 = tpu.memref_slice %arg7[%dma_start3A_439, %dma_start3A_440] : memref<800x64xf32, #tpu.memory_space<vmem>> -> memref<50x64xf32, #tpu.memory_space<vmem>>
    tpu.enqueue_dma source(%dma_start3A_441 : memref<50x64xf32, #tpu.memory_space<vmem>>) target(%dma_start3A_438 : memref<50x64xf32, #tpu.memory_space<hbm>>) target_semaphore(%arg11 : memref<!tpu.dma_semaphore, #tpu.memory_space<semaphore_mem>>)
    %add3A_442 = arith.constant 496 : i32
    %add3A_443 = arith.addi %mul3A_4, %add3A_442 : i32
    %add3A_444 = arith.constant 7 : i32
    %add3A_445 = arith.addi %add3A_443, %add3A_444 : i32
    %dma_start3A_446 = arith.constant 350 : i32
    %dma_start3A_447 = arith.constant 0 : i32
    %dma_start3A_448 = tpu.memref_slice %arg7[%dma_start3A_446, %dma_start3A_447] : memref<800x64xf32, #tpu.memory_space<vmem>> -> memref<50x64xf32, #tpu.memory_space<vmem>>
    %dma_start3A_449 = arith.constant 0 : i32
    %dma_start3A_450 = arith.constant 0 : i32
    %dma_start3A_451 = tpu.memref_slice %arg4[%add3A_445, %dma_start3A_449, %dma_start3A_450] : memref<16384x56x128xf32, #tpu.memory_space<hbm>> -> memref<1x50x64xf32, #tpu.memory_space<hbm>>
    %dma_start3A_452 = tpu.memref_squeeze %dma_start3A_451 : memref<1x50x64xf32, #tpu.memory_space<hbm>> -> memref<50x64xf32, #tpu.memory_space<hbm>>
    %dma_start3A_453 = arith.constant 0 : i32
    %dma_start3A_454 = arith.constant 0 : i32
    %dma_start3A_455 = tpu.memref_slice %arg4[%add3A_445, %dma_start3A_453, %dma_start3A_454] : memref<16384x56x128xf32, #tpu.memory_space<hbm>> -> memref<1x50x64xf32, #tpu.memory_space<hbm>>
    %dma_start3A_456 = tpu.memref_squeeze %dma_start3A_455 : memref<1x50x64xf32, #tpu.memory_space<hbm>> -> memref<50x64xf32, #tpu.memory_space<hbm>>
    %dma_start3A_457 = arith.constant 350 : i32
    %dma_start3A_458 = arith.constant 0 : i32
    %dma_start3A_459 = tpu.memref_slice %arg7[%dma_start3A_457, %dma_start3A_458] : memref<800x64xf32, #tpu.memory_space<vmem>> -> memref<50x64xf32, #tpu.memory_space<vmem>>
    tpu.enqueue_dma source(%dma_start3A_459 : memref<50x64xf32, #tpu.memory_space<vmem>>) target(%dma_start3A_456 : memref<50x64xf32, #tpu.memory_space<hbm>>) target_semaphore(%arg11 : memref<!tpu.dma_semaphore, #tpu.memory_space<semaphore_mem>>)
    %add3A_460 = arith.constant 496 : i32
    %add3A_461 = arith.addi %mul3A_4, %add3A_460 : i32
    %add3A_462 = arith.constant 8 : i32
    %add3A_463 = arith.addi %add3A_461, %add3A_462 : i32
    %dma_start3A_464 = arith.constant 400 : i32
    %dma_start3A_465 = arith.constant 0 : i32
    %dma_start3A_466 = tpu.memref_slice %arg7[%dma_start3A_464, %dma_start3A_465] : memref<800x64xf32, #tpu.memory_space<vmem>> -> memref<50x64xf32, #tpu.memory_space<vmem>>
    %dma_start3A_467 = arith.constant 0 : i32
    %dma_start3A_468 = arith.constant 0 : i32
    %dma_start3A_469 = tpu.memref_slice %arg4[%add3A_463, %dma_start3A_467, %dma_start3A_468] : memref<16384x56x128xf32, #tpu.memory_space<hbm>> -> memref<1x50x64xf32, #tpu.memory_space<hbm>>
    %dma_start3A_470 = tpu.memref_squeeze %dma_start3A_469 : memref<1x50x64xf32, #tpu.memory_space<hbm>> -> memref<50x64xf32, #tpu.memory_space<hbm>>
    %dma_start3A_471 = arith.constant 0 : i32
    %dma_start3A_472 = arith.constant 0 : i32
    %dma_start3A_473 = tpu.memref_slice %arg4[%add3A_463, %dma_start3A_471, %dma_start3A_472] : memref<16384x56x128xf32, #tpu.memory_space<hbm>> -> memref<1x50x64xf32, #tpu.memory_space<hbm>>
    %dma_start3A_474 = tpu.memref_squeeze %dma_start3A_473 : memref<1x50x64xf32, #tpu.memory_space<hbm>> -> memref<50x64xf32, #tpu.memory_space<hbm>>
    %dma_start3A_475 = arith.constant 400 : i32
    %dma_start3A_476 = arith.constant 0 : i32
    %dma_start3A_477 = tpu.memref_slice %arg7[%dma_start3A_475, %dma_start3A_476] : memref<800x64xf32, #tpu.memory_space<vmem>> -> memref<50x64xf32, #tpu.memory_space<vmem>>
    tpu.enqueue_dma source(%dma_start3A_477 : memref<50x64xf32, #tpu.memory_space<vmem>>) target(%dma_start3A_474 : memref<50x64xf32, #tpu.memory_space<hbm>>) target_semaphore(%arg11 : memref<!tpu.dma_semaphore, #tpu.memory_space<semaphore_mem>>)
    %add3A_478 = arith.constant 496 : i32
    %add3A_479 = arith.addi %mul3A_4, %add3A_478 : i32
    %add3A_480 = arith.constant 9 : i32
    %add3A_481 = arith.addi %add3A_479, %add3A_480 : i32
    %dma_start3A_482 = arith.constant 450 : i32
    %dma_start3A_483 = arith.constant 0 : i32
    %dma_start3A_484 = tpu.memref_slice %arg7[%dma_start3A_482, %dma_start3A_483] : memref<800x64xf32, #tpu.memory_space<vmem>> -> memref<50x64xf32, #tpu.memory_space<vmem>>
    %dma_start3A_485 = arith.constant 0 : i32
    %dma_start3A_486 = arith.constant 0 : i32
    %dma_start3A_487 = tpu.memref_slice %arg4[%add3A_481, %dma_start3A_485, %dma_start3A_486] : memref<16384x56x128xf32, #tpu.memory_space<hbm>> -> memref<1x50x64xf32, #tpu.memory_space<hbm>>
    %dma_start3A_488 = tpu.memref_squeeze %dma_start3A_487 : memref<1x50x64xf32, #tpu.memory_space<hbm>> -> memref<50x64xf32, #tpu.memory_space<hbm>>
    %dma_start3A_489 = arith.constant 0 : i32
    %dma_start3A_490 = arith.constant 0 : i32
    %dma_start3A_491 = tpu.memref_slice %arg4[%add3A_481, %dma_start3A_489, %dma_start3A_490] : memref<16384x56x128xf32, #tpu.memory_space<hbm>> -> memref<1x50x64xf32, #tpu.memory_space<hbm>>
    %dma_start3A_492 = tpu.memref_squeeze %dma_start3A_491 : memref<1x50x64xf32, #tpu.memory_space<hbm>> -> memref<50x64xf32, #tpu.memory_space<hbm>>
    %dma_start3A_493 = arith.constant 450 : i32
    %dma_start3A_494 = arith.constant 0 : i32
    %dma_start3A_495 = tpu.memref_slice %arg7[%dma_start3A_493, %dma_start3A_494] : memref<800x64xf32, #tpu.memory_space<vmem>> -> memref<50x64xf32, #tpu.memory_space<vmem>>
    tpu.enqueue_dma source(%dma_start3A_495 : memref<50x64xf32, #tpu.memory_space<vmem>>) target(%dma_start3A_492 : memref<50x64xf32, #tpu.memory_space<hbm>>) target_semaphore(%arg11 : memref<!tpu.dma_semaphore, #tpu.memory_space<semaphore_mem>>)
    %add3A_496 = arith.constant 496 : i32
    %add3A_497 = arith.addi %mul3A_4, %add3A_496 : i32
    %add3A_498 = arith.constant 10 : i32
    %add3A_499 = arith.addi %add3A_497, %add3A_498 : i32
    %dma_start3A_500 = arith.constant 500 : i32
    %dma_start3A_501 = arith.constant 0 : i32
    %dma_start3A_502 = tpu.memref_slice %arg7[%dma_start3A_500, %dma_start3A_501] : memref<800x64xf32, #tpu.memory_space<vmem>> -> memref<50x64xf32, #tpu.memory_space<vmem>>
    %dma_start3A_503 = arith.constant 0 : i32
    %dma_start3A_504 = arith.constant 0 : i32
    %dma_start3A_505 = tpu.memref_slice %arg4[%add3A_499, %dma_start3A_503, %dma_start3A_504] : memref<16384x56x128xf32, #tpu.memory_space<hbm>> -> memref<1x50x64xf32, #tpu.memory_space<hbm>>
    %dma_start3A_506 = tpu.memref_squeeze %dma_start3A_505 : memref<1x50x64xf32, #tpu.memory_space<hbm>> -> memref<50x64xf32, #tpu.memory_space<hbm>>
    %dma_start3A_507 = arith.constant 0 : i32
    %dma_start3A_508 = arith.constant 0 : i32
    %dma_start3A_509 = tpu.memref_slice %arg4[%add3A_499, %dma_start3A_507, %dma_start3A_508] : memref<16384x56x128xf32, #tpu.memory_space<hbm>> -> memref<1x50x64xf32, #tpu.memory_space<hbm>>
    %dma_start3A_510 = tpu.memref_squeeze %dma_start3A_509 : memref<1x50x64xf32, #tpu.memory_space<hbm>> -> memref<50x64xf32, #tpu.memory_space<hbm>>
    %dma_start3A_511 = arith.constant 500 : i32
    %dma_start3A_512 = arith.constant 0 : i32
    %dma_start3A_513 = tpu.memref_slice %arg7[%dma_start3A_511, %dma_start3A_512] : memref<800x64xf32, #tpu.memory_space<vmem>> -> memref<50x64xf32, #tpu.memory_space<vmem>>
    tpu.enqueue_dma source(%dma_start3A_513 : memref<50x64xf32, #tpu.memory_space<vmem>>) target(%dma_start3A_510 : memref<50x64xf32, #tpu.memory_space<hbm>>) target_semaphore(%arg11 : memref<!tpu.dma_semaphore, #tpu.memory_space<semaphore_mem>>)
    %add3A_514 = arith.constant 496 : i32
    %add3A_515 = arith.addi %mul3A_4, %add3A_514 : i32
    %add3A_516 = arith.constant 11 : i32
    %add3A_517 = arith.addi %add3A_515, %add3A_516 : i32
    %dma_start3A_518 = arith.constant 550 : i32
    %dma_start3A_519 = arith.constant 0 : i32
    %dma_start3A_520 = tpu.memref_slice %arg7[%dma_start3A_518, %dma_start3A_519] : memref<800x64xf32, #tpu.memory_space<vmem>> -> memref<50x64xf32, #tpu.memory_space<vmem>>
    %dma_start3A_521 = arith.constant 0 : i32
    %dma_start3A_522 = arith.constant 0 : i32
    %dma_start3A_523 = tpu.memref_slice %arg4[%add3A_517, %dma_start3A_521, %dma_start3A_522] : memref<16384x56x128xf32, #tpu.memory_space<hbm>> -> memref<1x50x64xf32, #tpu.memory_space<hbm>>
    %dma_start3A_524 = tpu.memref_squeeze %dma_start3A_523 : memref<1x50x64xf32, #tpu.memory_space<hbm>> -> memref<50x64xf32, #tpu.memory_space<hbm>>
    %dma_start3A_525 = arith.constant 0 : i32
    %dma_start3A_526 = arith.constant 0 : i32
    %dma_start3A_527 = tpu.memref_slice %arg4[%add3A_517, %dma_start3A_525, %dma_start3A_526] : memref<16384x56x128xf32, #tpu.memory_space<hbm>> -> memref<1x50x64xf32, #tpu.memory_space<hbm>>
    %dma_start3A_528 = tpu.memref_squeeze %dma_start3A_527 : memref<1x50x64xf32, #tpu.memory_space<hbm>> -> memref<50x64xf32, #tpu.memory_space<hbm>>
    %dma_start3A_529 = arith.constant 550 : i32
    %dma_start3A_530 = arith.constant 0 : i32
    %dma_start3A_531 = tpu.memref_slice %arg7[%dma_start3A_529, %dma_start3A_530] : memref<800x64xf32, #tpu.memory_space<vmem>> -> memref<50x64xf32, #tpu.memory_space<vmem>>
    tpu.enqueue_dma source(%dma_start3A_531 : memref<50x64xf32, #tpu.memory_space<vmem>>) target(%dma_start3A_528 : memref<50x64xf32, #tpu.memory_space<hbm>>) target_semaphore(%arg11 : memref<!tpu.dma_semaphore, #tpu.memory_space<semaphore_mem>>)
    %add3A_532 = arith.constant 496 : i32
    %add3A_533 = arith.addi %mul3A_4, %add3A_532 : i32
    %add3A_534 = arith.constant 12 : i32
    %add3A_535 = arith.addi %add3A_533, %add3A_534 : i32
    %dma_start3A_536 = arith.constant 600 : i32
    %dma_start3A_537 = arith.constant 0 : i32
    %dma_start3A_538 = tpu.memref_slice %arg7[%dma_start3A_536, %dma_start3A_537] : memref<800x64xf32, #tpu.memory_space<vmem>> -> memref<50x64xf32, #tpu.memory_space<vmem>>
    %dma_start3A_539 = arith.constant 0 : i32
    %dma_start3A_540 = arith.constant 0 : i32
    %dma_start3A_541 = tpu.memref_slice %arg4[%add3A_535, %dma_start3A_539, %dma_start3A_540] : memref<16384x56x128xf32, #tpu.memory_space<hbm>> -> memref<1x50x64xf32, #tpu.memory_space<hbm>>
    %dma_start3A_542 = tpu.memref_squeeze %dma_start3A_541 : memref<1x50x64xf32, #tpu.memory_space<hbm>> -> memref<50x64xf32, #tpu.memory_space<hbm>>
    %dma_start3A_543 = arith.constant 0 : i32
    %dma_start3A_544 = arith.constant 0 : i32
    %dma_start3A_545 = tpu.memref_slice %arg4[%add3A_535, %dma_start3A_543, %dma_start3A_544] : memref<16384x56x128xf32, #tpu.memory_space<hbm>> -> memref<1x50x64xf32, #tpu.memory_space<hbm>>
    %dma_start3A_546 = tpu.memref_squeeze %dma_start3A_545 : memref<1x50x64xf32, #tpu.memory_space<hbm>> -> memref<50x64xf32, #tpu.memory_space<hbm>>
    %dma_start3A_547 = arith.constant 600 : i32
    %dma_start3A_548 = arith.constant 0 : i32
    %dma_start3A_549 = tpu.memref_slice %arg7[%dma_start3A_547, %dma_start3A_548] : memref<800x64xf32, #tpu.memory_space<vmem>> -> memref<50x64xf32, #tpu.memory_space<vmem>>
    tpu.enqueue_dma source(%dma_start3A_549 : memref<50x64xf32, #tpu.memory_space<vmem>>) target(%dma_start3A_546 : memref<50x64xf32, #tpu.memory_space<hbm>>) target_semaphore(%arg11 : memref<!tpu.dma_semaphore, #tpu.memory_space<semaphore_mem>>)
    %add3A_550 = arith.constant 496 : i32
    %add3A_551 = arith.addi %mul3A_4, %add3A_550 : i32
    %add3A_552 = arith.constant 13 : i32
    %add3A_553 = arith.addi %add3A_551, %add3A_552 : i32
    %dma_start3A_554 = arith.constant 650 : i32
    %dma_start3A_555 = arith.constant 0 : i32
    %dma_start3A_556 = tpu.memref_slice %arg7[%dma_start3A_554, %dma_start3A_555] : memref<800x64xf32, #tpu.memory_space<vmem>> -> memref<50x64xf32, #tpu.memory_space<vmem>>
    %dma_start3A_557 = arith.constant 0 : i32
    %dma_start3A_558 = arith.constant 0 : i32
    %dma_start3A_559 = tpu.memref_slice %arg4[%add3A_553, %dma_start3A_557, %dma_start3A_558] : memref<16384x56x128xf32, #tpu.memory_space<hbm>> -> memref<1x50x64xf32, #tpu.memory_space<hbm>>
    %dma_start3A_560 = tpu.memref_squeeze %dma_start3A_559 : memref<1x50x64xf32, #tpu.memory_space<hbm>> -> memref<50x64xf32, #tpu.memory_space<hbm>>
    %dma_start3A_561 = arith.constant 0 : i32
    %dma_start3A_562 = arith.constant 0 : i32
    %dma_start3A_563 = tpu.memref_slice %arg4[%add3A_553, %dma_start3A_561, %dma_start3A_562] : memref<16384x56x128xf32, #tpu.memory_space<hbm>> -> memref<1x50x64xf32, #tpu.memory_space<hbm>>
    %dma_start3A_564 = tpu.memref_squeeze %dma_start3A_563 : memref<1x50x64xf32, #tpu.memory_space<hbm>> -> memref<50x64xf32, #tpu.memory_space<hbm>>
    %dma_start3A_565 = arith.constant 650 : i32
    %dma_start3A_566 = arith.constant 0 : i32
    %dma_start3A_567 = tpu.memref_slice %arg7[%dma_start3A_565, %dma_start3A_566] : memref<800x64xf32, #tpu.memory_space<vmem>> -> memref<50x64xf32, #tpu.memory_space<vmem>>
    tpu.enqueue_dma source(%dma_start3A_567 : memref<50x64xf32, #tpu.memory_space<vmem>>) target(%dma_start3A_564 : memref<50x64xf32, #tpu.memory_space<hbm>>) target_semaphore(%arg11 : memref<!tpu.dma_semaphore, #tpu.memory_space<semaphore_mem>>)
    %add3A_568 = arith.constant 496 : i32
    %add3A_569 = arith.addi %mul3A_4, %add3A_568 : i32
    %add3A_570 = arith.constant 14 : i32
    %add3A_571 = arith.addi %add3A_569, %add3A_570 : i32
    %dma_start3A_572 = arith.constant 700 : i32
    %dma_start3A_573 = arith.constant 0 : i32
    %dma_start3A_574 = tpu.memref_slice %arg7[%dma_start3A_572, %dma_start3A_573] : memref<800x64xf32, #tpu.memory_space<vmem>> -> memref<50x64xf32, #tpu.memory_space<vmem>>
    %dma_start3A_575 = arith.constant 0 : i32
    %dma_start3A_576 = arith.constant 0 : i32
    %dma_start3A_577 = tpu.memref_slice %arg4[%add3A_571, %dma_start3A_575, %dma_start3A_576] : memref<16384x56x128xf32, #tpu.memory_space<hbm>> -> memref<1x50x64xf32, #tpu.memory_space<hbm>>
    %dma_start3A_578 = tpu.memref_squeeze %dma_start3A_577 : memref<1x50x64xf32, #tpu.memory_space<hbm>> -> memref<50x64xf32, #tpu.memory_space<hbm>>
    %dma_start3A_579 = arith.constant 0 : i32
    %dma_start3A_580 = arith.constant 0 : i32
    %dma_start3A_581 = tpu.memref_slice %arg4[%add3A_571, %dma_start3A_579, %dma_start3A_580] : memref<16384x56x128xf32, #tpu.memory_space<hbm>> -> memref<1x50x64xf32, #tpu.memory_space<hbm>>
    %dma_start3A_582 = tpu.memref_squeeze %dma_start3A_581 : memref<1x50x64xf32, #tpu.memory_space<hbm>> -> memref<50x64xf32, #tpu.memory_space<hbm>>
    %dma_start3A_583 = arith.constant 700 : i32
    %dma_start3A_584 = arith.constant 0 : i32
    %dma_start3A_585 = tpu.memref_slice %arg7[%dma_start3A_583, %dma_start3A_584] : memref<800x64xf32, #tpu.memory_space<vmem>> -> memref<50x64xf32, #tpu.memory_space<vmem>>
    tpu.enqueue_dma source(%dma_start3A_585 : memref<50x64xf32, #tpu.memory_space<vmem>>) target(%dma_start3A_582 : memref<50x64xf32, #tpu.memory_space<hbm>>) target_semaphore(%arg11 : memref<!tpu.dma_semaphore, #tpu.memory_space<semaphore_mem>>)
    %add3A_586 = arith.constant 496 : i32
    %add3A_587 = arith.addi %mul3A_4, %add3A_586 : i32
    %add3A_588 = arith.constant 15 : i32
    %add3A_589 = arith.addi %add3A_587, %add3A_588 : i32
    %dma_start3A_590 = arith.constant 750 : i32
    %dma_start3A_591 = arith.constant 0 : i32
    %dma_start3A_592 = tpu.memref_slice %arg7[%dma_start3A_590, %dma_start3A_591] : memref<800x64xf32, #tpu.memory_space<vmem>> -> memref<50x64xf32, #tpu.memory_space<vmem>>
    %dma_start3A_593 = arith.constant 0 : i32
    %dma_start3A_594 = arith.constant 0 : i32
    %dma_start3A_595 = tpu.memref_slice %arg4[%add3A_589, %dma_start3A_593, %dma_start3A_594] : memref<16384x56x128xf32, #tpu.memory_space<hbm>> -> memref<1x50x64xf32, #tpu.memory_space<hbm>>
    %dma_start3A_596 = tpu.memref_squeeze %dma_start3A_595 : memref<1x50x64xf32, #tpu.memory_space<hbm>> -> memref<50x64xf32, #tpu.memory_space<hbm>>
    %dma_start3A_597 = arith.constant 0 : i32
    %dma_start3A_598 = arith.constant 0 : i32
    %dma_start3A_599 = tpu.memref_slice %arg4[%add3A_589, %dma_start3A_597, %dma_start3A_598] : memref<16384x56x128xf32, #tpu.memory_space<hbm>> -> memref<1x50x64xf32, #tpu.memory_space<hbm>>
    %dma_start3A_600 = tpu.memref_squeeze %dma_start3A_599 : memref<1x50x64xf32, #tpu.memory_space<hbm>> -> memref<50x64xf32, #tpu.memory_space<hbm>>
    %dma_start3A_601 = arith.constant 750 : i32
    %dma_start3A_602 = arith.constant 0 : i32
    %dma_start3A_603 = tpu.memref_slice %arg7[%dma_start3A_601, %dma_start3A_602] : memref<800x64xf32, #tpu.memory_space<vmem>> -> memref<50x64xf32, #tpu.memory_space<vmem>>
    tpu.enqueue_dma source(%dma_start3A_603 : memref<50x64xf32, #tpu.memory_space<vmem>>) target(%dma_start3A_600 : memref<50x64xf32, #tpu.memory_space<hbm>>) target_semaphore(%arg11 : memref<!tpu.dma_semaphore, #tpu.memory_space<semaphore_mem>>)
    %add3A_604 = arith.constant 480 : i32
    %add3A_605 = arith.addi %mul3A_4, %add3A_604 : i32
    %add3A_606 = arith.constant 0 : i32
    %add3A_607 = arith.addi %add3A_605, %add3A_606 : i32
    %dma_wait3A_608 = arith.constant 0 : i32
    %dma_wait3A_609 = arith.constant 0 : i32
    %dma_wait3A_610 = tpu.memref_slice %arg6[%dma_wait3A_608, %dma_wait3A_609] : memref<800x64xf32, #tpu.memory_space<vmem>> -> memref<50x64xf32, #tpu.memory_space<vmem>>
    %dma_wait3A_611 = arith.constant 0 : i32
    %dma_wait3A_612 = arith.constant 0 : i32
    %dma_wait3A_613 = tpu.memref_slice %arg4[%add3A_607, %dma_wait3A_611, %dma_wait3A_612] : memref<16384x56x128xf32, #tpu.memory_space<hbm>> -> memref<1x50x64xf32, #tpu.memory_space<hbm>>
    %dma_wait3A_614 = tpu.memref_squeeze %dma_wait3A_613 : memref<1x50x64xf32, #tpu.memory_space<hbm>> -> memref<50x64xf32, #tpu.memory_space<hbm>>
    %dma_wait3A_615 = arith.constant 0 : i32
    %dma_wait3A_616 = arith.constant 0 : i32
    %dma_wait3A_617 = tpu.memref_slice %arg4[%add3A_607, %dma_wait3A_615, %dma_wait3A_616] : memref<16384x56x128xf32, #tpu.memory_space<hbm>> -> memref<1x50x64xf32, #tpu.memory_space<hbm>>
    %dma_wait3A_618 = tpu.memref_squeeze %dma_wait3A_617 : memref<1x50x64xf32, #tpu.memory_space<hbm>> -> memref<50x64xf32, #tpu.memory_space<hbm>>
    %dma_wait3A_619 = arith.constant 0 : i32
    %dma_wait3A_620 = arith.constant 0 : i32
    %dma_wait3A_621 = tpu.memref_slice %arg6[%dma_wait3A_619, %dma_wait3A_620] : memref<800x64xf32, #tpu.memory_space<vmem>> -> memref<50x64xf32, #tpu.memory_space<vmem>>
    tpu.wait_dma2 semaphore(%arg10 : memref<!tpu.dma_semaphore, #tpu.memory_space<semaphore_mem>>) src(%dma_wait3A_621 : memref<50x64xf32, #tpu.memory_space<vmem>>) dst(%dma_wait3A_618 : memref<50x64xf32, #tpu.memory_space<hbm>>)
    %add3A_622 = arith.constant 480 : i32
    %add3A_623 = arith.addi %mul3A_4, %add3A_622 : i32
    %add3A_624 = arith.constant 1 : i32
    %add3A_625 = arith.addi %add3A_623, %add3A_624 : i32
    %dma_wait3A_626 = arith.constant 50 : i32
    %dma_wait3A_627 = arith.constant 0 : i32
    %dma_wait3A_628 = tpu.memref_slice %arg6[%dma_wait3A_626, %dma_wait3A_627] : memref<800x64xf32, #tpu.memory_space<vmem>> -> memref<50x64xf32, #tpu.memory_space<vmem>>
    %dma_wait3A_629 = arith.constant 0 : i32
    %dma_wait3A_630 = arith.constant 0 : i32
    %dma_wait3A_631 = tpu.memref_slice %arg4[%add3A_625, %dma_wait3A_629, %dma_wait3A_630] : memref<16384x56x128xf32, #tpu.memory_space<hbm>> -> memref<1x50x64xf32, #tpu.memory_space<hbm>>
    %dma_wait3A_632 = tpu.memref_squeeze %dma_wait3A_631 : memref<1x50x64xf32, #tpu.memory_space<hbm>> -> memref<50x64xf32, #tpu.memory_space<hbm>>
    %dma_wait3A_633 = arith.constant 0 : i32
    %dma_wait3A_634 = arith.constant 0 : i32
    %dma_wait3A_635 = tpu.memref_slice %arg4[%add3A_625, %dma_wait3A_633, %dma_wait3A_634] : memref<16384x56x128xf32, #tpu.memory_space<hbm>> -> memref<1x50x64xf32, #tpu.memory_space<hbm>>
    %dma_wait3A_636 = tpu.memref_squeeze %dma_wait3A_635 : memref<1x50x64xf32, #tpu.memory_space<hbm>> -> memref<50x64xf32, #tpu.memory_space<hbm>>
    %dma_wait3A_637 = arith.constant 50 : i32
    %dma_wait3A_638 = arith.constant 0 : i32
    %dma_wait3A_639 = tpu.memref_slice %arg6[%dma_wait3A_637, %dma_wait3A_638] : memref<800x64xf32, #tpu.memory_space<vmem>> -> memref<50x64xf32, #tpu.memory_space<vmem>>
    tpu.wait_dma2 semaphore(%arg10 : memref<!tpu.dma_semaphore, #tpu.memory_space<semaphore_mem>>) src(%dma_wait3A_639 : memref<50x64xf32, #tpu.memory_space<vmem>>) dst(%dma_wait3A_636 : memref<50x64xf32, #tpu.memory_space<hbm>>)
    %add3A_640 = arith.constant 480 : i32
    %add3A_641 = arith.addi %mul3A_4, %add3A_640 : i32
    %add3A_642 = arith.constant 2 : i32
    %add3A_643 = arith.addi %add3A_641, %add3A_642 : i32
    %dma_wait3A_644 = arith.constant 100 : i32
    %dma_wait3A_645 = arith.constant 0 : i32
    %dma_wait3A_646 = tpu.memref_slice %arg6[%dma_wait3A_644, %dma_wait3A_645] : memref<800x64xf32, #tpu.memory_space<vmem>> -> memref<50x64xf32, #tpu.memory_space<vmem>>
    %dma_wait3A_647 = arith.constant 0 : i32
    %dma_wait3A_648 = arith.constant 0 : i32
    %dma_wait3A_649 = tpu.memref_slice %arg4[%add3A_643, %dma_wait3A_647, %dma_wait3A_648] : memref<16384x56x128xf32, #tpu.memory_space<hbm>> -> memref<1x50x64xf32, #tpu.memory_space<hbm>>
    %dma_wait3A_650 = tpu.memref_squeeze %dma_wait3A_649 : memref<1x50x64xf32, #tpu.memory_space<hbm>> -> memref<50x64xf32, #tpu.memory_space<hbm>>
    %dma_wait3A_651 = arith.constant 0 : i32
    %dma_wait3A_652 = arith.constant 0 : i32
    %dma_wait3A_653 = tpu.memref_slice %arg4[%add3A_643, %dma_wait3A_651, %dma_wait3A_652] : memref<16384x56x128xf32, #tpu.memory_space<hbm>> -> memref<1x50x64xf32, #tpu.memory_space<hbm>>
    %dma_wait3A_654 = tpu.memref_squeeze %dma_wait3A_653 : memref<1x50x64xf32, #tpu.memory_space<hbm>> -> memref<50x64xf32, #tpu.memory_space<hbm>>
    %dma_wait3A_655 = arith.constant 100 : i32
    %dma_wait3A_656 = arith.constant 0 : i32
    %dma_wait3A_657 = tpu.memref_slice %arg6[%dma_wait3A_655, %dma_wait3A_656] : memref<800x64xf32, #tpu.memory_space<vmem>> -> memref<50x64xf32, #tpu.memory_space<vmem>>
    tpu.wait_dma2 semaphore(%arg10 : memref<!tpu.dma_semaphore, #tpu.memory_space<semaphore_mem>>) src(%dma_wait3A_657 : memref<50x64xf32, #tpu.memory_space<vmem>>) dst(%dma_wait3A_654 : memref<50x64xf32, #tpu.memory_space<hbm>>)
    %add3A_658 = arith.constant 480 : i32
    %add3A_659 = arith.addi %mul3A_4, %add3A_658 : i32
    %add3A_660 = arith.constant 3 : i32
    %add3A_661 = arith.addi %add3A_659, %add3A_660 : i32
    %dma_wait3A_662 = arith.constant 150 : i32
    %dma_wait3A_663 = arith.constant 0 : i32
    %dma_wait3A_664 = tpu.memref_slice %arg6[%dma_wait3A_662, %dma_wait3A_663] : memref<800x64xf32, #tpu.memory_space<vmem>> -> memref<50x64xf32, #tpu.memory_space<vmem>>
    %dma_wait3A_665 = arith.constant 0 : i32
    %dma_wait3A_666 = arith.constant 0 : i32
    %dma_wait3A_667 = tpu.memref_slice %arg4[%add3A_661, %dma_wait3A_665, %dma_wait3A_666] : memref<16384x56x128xf32, #tpu.memory_space<hbm>> -> memref<1x50x64xf32, #tpu.memory_space<hbm>>
    %dma_wait3A_668 = tpu.memref_squeeze %dma_wait3A_667 : memref<1x50x64xf32, #tpu.memory_space<hbm>> -> memref<50x64xf32, #tpu.memory_space<hbm>>
    %dma_wait3A_669 = arith.constant 0 : i32
    %dma_wait3A_670 = arith.constant 0 : i32
    %dma_wait3A_671 = tpu.memref_slice %arg4[%add3A_661, %dma_wait3A_669, %dma_wait3A_670] : memref<16384x56x128xf32, #tpu.memory_space<hbm>> -> memref<1x50x64xf32, #tpu.memory_space<hbm>>
    %dma_wait3A_672 = tpu.memref_squeeze %dma_wait3A_671 : memref<1x50x64xf32, #tpu.memory_space<hbm>> -> memref<50x64xf32, #tpu.memory_space<hbm>>
    %dma_wait3A_673 = arith.constant 150 : i32
    %dma_wait3A_674 = arith.constant 0 : i32
    %dma_wait3A_675 = tpu.memref_slice %arg6[%dma_wait3A_673, %dma_wait3A_674] : memref<800x64xf32, #tpu.memory_space<vmem>> -> memref<50x64xf32, #tpu.memory_space<vmem>>
    tpu.wait_dma2 semaphore(%arg10 : memref<!tpu.dma_semaphore, #tpu.memory_space<semaphore_mem>>) src(%dma_wait3A_675 : memref<50x64xf32, #tpu.memory_space<vmem>>) dst(%dma_wait3A_672 : memref<50x64xf32, #tpu.memory_space<hbm>>)
    %add3A_676 = arith.constant 480 : i32
    %add3A_677 = arith.addi %mul3A_4, %add3A_676 : i32
    %add3A_678 = arith.constant 4 : i32
    %add3A_679 = arith.addi %add3A_677, %add3A_678 : i32
    %dma_wait3A_680 = arith.constant 200 : i32
    %dma_wait3A_681 = arith.constant 0 : i32
    %dma_wait3A_682 = tpu.memref_slice %arg6[%dma_wait3A_680, %dma_wait3A_681] : memref<800x64xf32, #tpu.memory_space<vmem>> -> memref<50x64xf32, #tpu.memory_space<vmem>>
    %dma_wait3A_683 = arith.constant 0 : i32
    %dma_wait3A_684 = arith.constant 0 : i32
    %dma_wait3A_685 = tpu.memref_slice %arg4[%add3A_679, %dma_wait3A_683, %dma_wait3A_684] : memref<16384x56x128xf32, #tpu.memory_space<hbm>> -> memref<1x50x64xf32, #tpu.memory_space<hbm>>
    %dma_wait3A_686 = tpu.memref_squeeze %dma_wait3A_685 : memref<1x50x64xf32, #tpu.memory_space<hbm>> -> memref<50x64xf32, #tpu.memory_space<hbm>>
    %dma_wait3A_687 = arith.constant 0 : i32
    %dma_wait3A_688 = arith.constant 0 : i32
    %dma_wait3A_689 = tpu.memref_slice %arg4[%add3A_679, %dma_wait3A_687, %dma_wait3A_688] : memref<16384x56x128xf32, #tpu.memory_space<hbm>> -> memref<1x50x64xf32, #tpu.memory_space<hbm>>
    %dma_wait3A_690 = tpu.memref_squeeze %dma_wait3A_689 : memref<1x50x64xf32, #tpu.memory_space<hbm>> -> memref<50x64xf32, #tpu.memory_space<hbm>>
    %dma_wait3A_691 = arith.constant 200 : i32
    %dma_wait3A_692 = arith.constant 0 : i32
    %dma_wait3A_693 = tpu.memref_slice %arg6[%dma_wait3A_691, %dma_wait3A_692] : memref<800x64xf32, #tpu.memory_space<vmem>> -> memref<50x64xf32, #tpu.memory_space<vmem>>
    tpu.wait_dma2 semaphore(%arg10 : memref<!tpu.dma_semaphore, #tpu.memory_space<semaphore_mem>>) src(%dma_wait3A_693 : memref<50x64xf32, #tpu.memory_space<vmem>>) dst(%dma_wait3A_690 : memref<50x64xf32, #tpu.memory_space<hbm>>)
    %add3A_694 = arith.constant 480 : i32
    %add3A_695 = arith.addi %mul3A_4, %add3A_694 : i32
    %add3A_696 = arith.constant 5 : i32
    %add3A_697 = arith.addi %add3A_695, %add3A_696 : i32
    %dma_wait3A_698 = arith.constant 250 : i32
    %dma_wait3A_699 = arith.constant 0 : i32
    %dma_wait3A_700 = tpu.memref_slice %arg6[%dma_wait3A_698, %dma_wait3A_699] : memref<800x64xf32, #tpu.memory_space<vmem>> -> memref<50x64xf32, #tpu.memory_space<vmem>>
    %dma_wait3A_701 = arith.constant 0 : i32
    %dma_wait3A_702 = arith.constant 0 : i32
    %dma_wait3A_703 = tpu.memref_slice %arg4[%add3A_697, %dma_wait3A_701, %dma_wait3A_702] : memref<16384x56x128xf32, #tpu.memory_space<hbm>> -> memref<1x50x64xf32, #tpu.memory_space<hbm>>
    %dma_wait3A_704 = tpu.memref_squeeze %dma_wait3A_703 : memref<1x50x64xf32, #tpu.memory_space<hbm>> -> memref<50x64xf32, #tpu.memory_space<hbm>>
    %dma_wait3A_705 = arith.constant 0 : i32
    %dma_wait3A_706 = arith.constant 0 : i32
    %dma_wait3A_707 = tpu.memref_slice %arg4[%add3A_697, %dma_wait3A_705, %dma_wait3A_706] : memref<16384x56x128xf32, #tpu.memory_space<hbm>> -> memref<1x50x64xf32, #tpu.memory_space<hbm>>
    %dma_wait3A_708 = tpu.memref_squeeze %dma_wait3A_707 : memref<1x50x64xf32, #tpu.memory_space<hbm>> -> memref<50x64xf32, #tpu.memory_space<hbm>>
    %dma_wait3A_709 = arith.constant 250 : i32
    %dma_wait3A_710 = arith.constant 0 : i32
    %dma_wait3A_711 = tpu.memref_slice %arg6[%dma_wait3A_709, %dma_wait3A_710] : memref<800x64xf32, #tpu.memory_space<vmem>> -> memref<50x64xf32, #tpu.memory_space<vmem>>
    tpu.wait_dma2 semaphore(%arg10 : memref<!tpu.dma_semaphore, #tpu.memory_space<semaphore_mem>>) src(%dma_wait3A_711 : memref<50x64xf32, #tpu.memory_space<vmem>>) dst(%dma_wait3A_708 : memref<50x64xf32, #tpu.memory_space<hbm>>)
    %add3A_712 = arith.constant 480 : i32
    %add3A_713 = arith.addi %mul3A_4, %add3A_712 : i32
    %add3A_714 = arith.constant 6 : i32
    %add3A_715 = arith.addi %add3A_713, %add3A_714 : i32
    %dma_wait3A_716 = arith.constant 300 : i32
    %dma_wait3A_717 = arith.constant 0 : i32
    %dma_wait3A_718 = tpu.memref_slice %arg6[%dma_wait3A_716, %dma_wait3A_717] : memref<800x64xf32, #tpu.memory_space<vmem>> -> memref<50x64xf32, #tpu.memory_space<vmem>>
    %dma_wait3A_719 = arith.constant 0 : i32
    %dma_wait3A_720 = arith.constant 0 : i32
    %dma_wait3A_721 = tpu.memref_slice %arg4[%add3A_715, %dma_wait3A_719, %dma_wait3A_720] : memref<16384x56x128xf32, #tpu.memory_space<hbm>> -> memref<1x50x64xf32, #tpu.memory_space<hbm>>
    %dma_wait3A_722 = tpu.memref_squeeze %dma_wait3A_721 : memref<1x50x64xf32, #tpu.memory_space<hbm>> -> memref<50x64xf32, #tpu.memory_space<hbm>>
    %dma_wait3A_723 = arith.constant 0 : i32
    %dma_wait3A_724 = arith.constant 0 : i32
    %dma_wait3A_725 = tpu.memref_slice %arg4[%add3A_715, %dma_wait3A_723, %dma_wait3A_724] : memref<16384x56x128xf32, #tpu.memory_space<hbm>> -> memref<1x50x64xf32, #tpu.memory_space<hbm>>
    %dma_wait3A_726 = tpu.memref_squeeze %dma_wait3A_725 : memref<1x50x64xf32, #tpu.memory_space<hbm>> -> memref<50x64xf32, #tpu.memory_space<hbm>>
    %dma_wait3A_727 = arith.constant 300 : i32
    %dma_wait3A_728 = arith.constant 0 : i32
    %dma_wait3A_729 = tpu.memref_slice %arg6[%dma_wait3A_727, %dma_wait3A_728] : memref<800x64xf32, #tpu.memory_space<vmem>> -> memref<50x64xf32, #tpu.memory_space<vmem>>
    tpu.wait_dma2 semaphore(%arg10 : memref<!tpu.dma_semaphore, #tpu.memory_space<semaphore_mem>>) src(%dma_wait3A_729 : memref<50x64xf32, #tpu.memory_space<vmem>>) dst(%dma_wait3A_726 : memref<50x64xf32, #tpu.memory_space<hbm>>)
    %add3A_730 = arith.constant 480 : i32
    %add3A_731 = arith.addi %mul3A_4, %add3A_730 : i32
    %add3A_732 = arith.constant 7 : i32
    %add3A_733 = arith.addi %add3A_731, %add3A_732 : i32
    %dma_wait3A_734 = arith.constant 350 : i32
    %dma_wait3A_735 = arith.constant 0 : i32
    %dma_wait3A_736 = tpu.memref_slice %arg6[%dma_wait3A_734, %dma_wait3A_735] : memref<800x64xf32, #tpu.memory_space<vmem>> -> memref<50x64xf32, #tpu.memory_space<vmem>>
    %dma_wait3A_737 = arith.constant 0 : i32
    %dma_wait3A_738 = arith.constant 0 : i32
    %dma_wait3A_739 = tpu.memref_slice %arg4[%add3A_733, %dma_wait3A_737, %dma_wait3A_738] : memref<16384x56x128xf32, #tpu.memory_space<hbm>> -> memref<1x50x64xf32, #tpu.memory_space<hbm>>
    %dma_wait3A_740 = tpu.memref_squeeze %dma_wait3A_739 : memref<1x50x64xf32, #tpu.memory_space<hbm>> -> memref<50x64xf32, #tpu.memory_space<hbm>>
    %dma_wait3A_741 = arith.constant 0 : i32
    %dma_wait3A_742 = arith.constant 0 : i32
    %dma_wait3A_743 = tpu.memref_slice %arg4[%add3A_733, %dma_wait3A_741, %dma_wait3A_742] : memref<16384x56x128xf32, #tpu.memory_space<hbm>> -> memref<1x50x64xf32, #tpu.memory_space<hbm>>
    %dma_wait3A_744 = tpu.memref_squeeze %dma_wait3A_743 : memref<1x50x64xf32, #tpu.memory_space<hbm>> -> memref<50x64xf32, #tpu.memory_space<hbm>>
    %dma_wait3A_745 = arith.constant 350 : i32
    %dma_wait3A_746 = arith.constant 0 : i32
    %dma_wait3A_747 = tpu.memref_slice %arg6[%dma_wait3A_745, %dma_wait3A_746] : memref<800x64xf32, #tpu.memory_space<vmem>> -> memref<50x64xf32, #tpu.memory_space<vmem>>
    tpu.wait_dma2 semaphore(%arg10 : memref<!tpu.dma_semaphore, #tpu.memory_space<semaphore_mem>>) src(%dma_wait3A_747 : memref<50x64xf32, #tpu.memory_space<vmem>>) dst(%dma_wait3A_744 : memref<50x64xf32, #tpu.memory_space<hbm>>)
    %add3A_748 = arith.constant 480 : i32
    %add3A_749 = arith.addi %mul3A_4, %add3A_748 : i32
    %add3A_750 = arith.constant 8 : i32
    %add3A_751 = arith.addi %add3A_749, %add3A_750 : i32
    %dma_wait3A_752 = arith.constant 400 : i32
    %dma_wait3A_753 = arith.constant 0 : i32
    %dma_wait3A_754 = tpu.memref_slice %arg6[%dma_wait3A_752, %dma_wait3A_753] : memref<800x64xf32, #tpu.memory_space<vmem>> -> memref<50x64xf32, #tpu.memory_space<vmem>>
    %dma_wait3A_755 = arith.constant 0 : i32
    %dma_wait3A_756 = arith.constant 0 : i32
    %dma_wait3A_757 = tpu.memref_slice %arg4[%add3A_751, %dma_wait3A_755, %dma_wait3A_756] : memref<16384x56x128xf32, #tpu.memory_space<hbm>> -> memref<1x50x64xf32, #tpu.memory_space<hbm>>
    %dma_wait3A_758 = tpu.memref_squeeze %dma_wait3A_757 : memref<1x50x64xf32, #tpu.memory_space<hbm>> -> memref<50x64xf32, #tpu.memory_space<hbm>>
    %dma_wait3A_759 = arith.constant 0 : i32
    %dma_wait3A_760 = arith.constant 0 : i32
    %dma_wait3A_761 = tpu.memref_slice %arg4[%add3A_751, %dma_wait3A_759, %dma_wait3A_760] : memref<16384x56x128xf32, #tpu.memory_space<hbm>> -> memref<1x50x64xf32, #tpu.memory_space<hbm>>
    %dma_wait3A_762 = tpu.memref_squeeze %dma_wait3A_761 : memref<1x50x64xf32, #tpu.memory_space<hbm>> -> memref<50x64xf32, #tpu.memory_space<hbm>>
    %dma_wait3A_763 = arith.constant 400 : i32
    %dma_wait3A_764 = arith.constant 0 : i32
    %dma_wait3A_765 = tpu.memref_slice %arg6[%dma_wait3A_763, %dma_wait3A_764] : memref<800x64xf32, #tpu.memory_space<vmem>> -> memref<50x64xf32, #tpu.memory_space<vmem>>
    tpu.wait_dma2 semaphore(%arg10 : memref<!tpu.dma_semaphore, #tpu.memory_space<semaphore_mem>>) src(%dma_wait3A_765 : memref<50x64xf32, #tpu.memory_space<vmem>>) dst(%dma_wait3A_762 : memref<50x64xf32, #tpu.memory_space<hbm>>)
    %add3A_766 = arith.constant 480 : i32
    %add3A_767 = arith.addi %mul3A_4, %add3A_766 : i32
    %add3A_768 = arith.constant 9 : i32
    %add3A_769 = arith.addi %add3A_767, %add3A_768 : i32
    %dma_wait3A_770 = arith.constant 450 : i32
    %dma_wait3A_771 = arith.constant 0 : i32
    %dma_wait3A_772 = tpu.memref_slice %arg6[%dma_wait3A_770, %dma_wait3A_771] : memref<800x64xf32, #tpu.memory_space<vmem>> -> memref<50x64xf32, #tpu.memory_space<vmem>>
    %dma_wait3A_773 = arith.constant 0 : i32
    %dma_wait3A_774 = arith.constant 0 : i32
    %dma_wait3A_775 = tpu.memref_slice %arg4[%add3A_769, %dma_wait3A_773, %dma_wait3A_774] : memref<16384x56x128xf32, #tpu.memory_space<hbm>> -> memref<1x50x64xf32, #tpu.memory_space<hbm>>
    %dma_wait3A_776 = tpu.memref_squeeze %dma_wait3A_775 : memref<1x50x64xf32, #tpu.memory_space<hbm>> -> memref<50x64xf32, #tpu.memory_space<hbm>>
    %dma_wait3A_777 = arith.constant 0 : i32
    %dma_wait3A_778 = arith.constant 0 : i32
    %dma_wait3A_779 = tpu.memref_slice %arg4[%add3A_769, %dma_wait3A_777, %dma_wait3A_778] : memref<16384x56x128xf32, #tpu.memory_space<hbm>> -> memref<1x50x64xf32, #tpu.memory_space<hbm>>
    %dma_wait3A_780 = tpu.memref_squeeze %dma_wait3A_779 : memref<1x50x64xf32, #tpu.memory_space<hbm>> -> memref<50x64xf32, #tpu.memory_space<hbm>>
    %dma_wait3A_781 = arith.constant 450 : i32
    %dma_wait3A_782 = arith.constant 0 : i32
    %dma_wait3A_783 = tpu.memref_slice %arg6[%dma_wait3A_781, %dma_wait3A_782] : memref<800x64xf32, #tpu.memory_space<vmem>> -> memref<50x64xf32, #tpu.memory_space<vmem>>
    tpu.wait_dma2 semaphore(%arg10 : memref<!tpu.dma_semaphore, #tpu.memory_space<semaphore_mem>>) src(%dma_wait3A_783 : memref<50x64xf32, #tpu.memory_space<vmem>>) dst(%dma_wait3A_780 : memref<50x64xf32, #tpu.memory_space<hbm>>)
    %add3A_784 = arith.constant 480 : i32
    %add3A_785 = arith.addi %mul3A_4, %add3A_784 : i32
    %add3A_786 = arith.constant 10 : i32
    %add3A_787 = arith.addi %add3A_785, %add3A_786 : i32
    %dma_wait3A_788 = arith.constant 500 : i32
    %dma_wait3A_789 = arith.constant 0 : i32
    %dma_wait3A_790 = tpu.memref_slice %arg6[%dma_wait3A_788, %dma_wait3A_789] : memref<800x64xf32, #tpu.memory_space<vmem>> -> memref<50x64xf32, #tpu.memory_space<vmem>>
    %dma_wait3A_791 = arith.constant 0 : i32
    %dma_wait3A_792 = arith.constant 0 : i32
    %dma_wait3A_793 = tpu.memref_slice %arg4[%add3A_787, %dma_wait3A_791, %dma_wait3A_792] : memref<16384x56x128xf32, #tpu.memory_space<hbm>> -> memref<1x50x64xf32, #tpu.memory_space<hbm>>
    %dma_wait3A_794 = tpu.memref_squeeze %dma_wait3A_793 : memref<1x50x64xf32, #tpu.memory_space<hbm>> -> memref<50x64xf32, #tpu.memory_space<hbm>>
    %dma_wait3A_795 = arith.constant 0 : i32
    %dma_wait3A_796 = arith.constant 0 : i32
    %dma_wait3A_797 = tpu.memref_slice %arg4[%add3A_787, %dma_wait3A_795, %dma_wait3A_796] : memref<16384x56x128xf32, #tpu.memory_space<hbm>> -> memref<1x50x64xf32, #tpu.memory_space<hbm>>
    %dma_wait3A_798 = tpu.memref_squeeze %dma_wait3A_797 : memref<1x50x64xf32, #tpu.memory_space<hbm>> -> memref<50x64xf32, #tpu.memory_space<hbm>>
    %dma_wait3A_799 = arith.constant 500 : i32
    %dma_wait3A_800 = arith.constant 0 : i32
    %dma_wait3A_801 = tpu.memref_slice %arg6[%dma_wait3A_799, %dma_wait3A_800] : memref<800x64xf32, #tpu.memory_space<vmem>> -> memref<50x64xf32, #tpu.memory_space<vmem>>
    tpu.wait_dma2 semaphore(%arg10 : memref<!tpu.dma_semaphore, #tpu.memory_space<semaphore_mem>>) src(%dma_wait3A_801 : memref<50x64xf32, #tpu.memory_space<vmem>>) dst(%dma_wait3A_798 : memref<50x64xf32, #tpu.memory_space<hbm>>)
    %add3A_802 = arith.constant 480 : i32
    %add3A_803 = arith.addi %mul3A_4, %add3A_802 : i32
    %add3A_804 = arith.constant 11 : i32
    %add3A_805 = arith.addi %add3A_803, %add3A_804 : i32
    %dma_wait3A_806 = arith.constant 550 : i32
    %dma_wait3A_807 = arith.constant 0 : i32
    %dma_wait3A_808 = tpu.memref_slice %arg6[%dma_wait3A_806, %dma_wait3A_807] : memref<800x64xf32, #tpu.memory_space<vmem>> -> memref<50x64xf32, #tpu.memory_space<vmem>>
    %dma_wait3A_809 = arith.constant 0 : i32
    %dma_wait3A_810 = arith.constant 0 : i32
    %dma_wait3A_811 = tpu.memref_slice %arg4[%add3A_805, %dma_wait3A_809, %dma_wait3A_810] : memref<16384x56x128xf32, #tpu.memory_space<hbm>> -> memref<1x50x64xf32, #tpu.memory_space<hbm>>
    %dma_wait3A_812 = tpu.memref_squeeze %dma_wait3A_811 : memref<1x50x64xf32, #tpu.memory_space<hbm>> -> memref<50x64xf32, #tpu.memory_space<hbm>>
    %dma_wait3A_813 = arith.constant 0 : i32
    %dma_wait3A_814 = arith.constant 0 : i32
    %dma_wait3A_815 = tpu.memref_slice %arg4[%add3A_805, %dma_wait3A_813, %dma_wait3A_814] : memref<16384x56x128xf32, #tpu.memory_space<hbm>> -> memref<1x50x64xf32, #tpu.memory_space<hbm>>
    %dma_wait3A_816 = tpu.memref_squeeze %dma_wait3A_815 : memref<1x50x64xf32, #tpu.memory_space<hbm>> -> memref<50x64xf32, #tpu.memory_space<hbm>>
    %dma_wait3A_817 = arith.constant 550 : i32
    %dma_wait3A_818 = arith.constant 0 : i32
    %dma_wait3A_819 = tpu.memref_slice %arg6[%dma_wait3A_817, %dma_wait3A_818] : memref<800x64xf32, #tpu.memory_space<vmem>> -> memref<50x64xf32, #tpu.memory_space<vmem>>
    tpu.wait_dma2 semaphore(%arg10 : memref<!tpu.dma_semaphore, #tpu.memory_space<semaphore_mem>>) src(%dma_wait3A_819 : memref<50x64xf32, #tpu.memory_space<vmem>>) dst(%dma_wait3A_816 : memref<50x64xf32, #tpu.memory_space<hbm>>)
    %add3A_820 = arith.constant 480 : i32
    %add3A_821 = arith.addi %mul3A_4, %add3A_820 : i32
    %add3A_822 = arith.constant 12 : i32
    %add3A_823 = arith.addi %add3A_821, %add3A_822 : i32
    %dma_wait3A_824 = arith.constant 600 : i32
    %dma_wait3A_825 = arith.constant 0 : i32
    %dma_wait3A_826 = tpu.memref_slice %arg6[%dma_wait3A_824, %dma_wait3A_825] : memref<800x64xf32, #tpu.memory_space<vmem>> -> memref<50x64xf32, #tpu.memory_space<vmem>>
    %dma_wait3A_827 = arith.constant 0 : i32
    %dma_wait3A_828 = arith.constant 0 : i32
    %dma_wait3A_829 = tpu.memref_slice %arg4[%add3A_823, %dma_wait3A_827, %dma_wait3A_828] : memref<16384x56x128xf32, #tpu.memory_space<hbm>> -> memref<1x50x64xf32, #tpu.memory_space<hbm>>
    %dma_wait3A_830 = tpu.memref_squeeze %dma_wait3A_829 : memref<1x50x64xf32, #tpu.memory_space<hbm>> -> memref<50x64xf32, #tpu.memory_space<hbm>>
    %dma_wait3A_831 = arith.constant 0 : i32
    %dma_wait3A_832 = arith.constant 0 : i32
    %dma_wait3A_833 = tpu.memref_slice %arg4[%add3A_823, %dma_wait3A_831, %dma_wait3A_832] : memref<16384x56x128xf32, #tpu.memory_space<hbm>> -> memref<1x50x64xf32, #tpu.memory_space<hbm>>
    %dma_wait3A_834 = tpu.memref_squeeze %dma_wait3A_833 : memref<1x50x64xf32, #tpu.memory_space<hbm>> -> memref<50x64xf32, #tpu.memory_space<hbm>>
    %dma_wait3A_835 = arith.constant 600 : i32
    %dma_wait3A_836 = arith.constant 0 : i32
    %dma_wait3A_837 = tpu.memref_slice %arg6[%dma_wait3A_835, %dma_wait3A_836] : memref<800x64xf32, #tpu.memory_space<vmem>> -> memref<50x64xf32, #tpu.memory_space<vmem>>
    tpu.wait_dma2 semaphore(%arg10 : memref<!tpu.dma_semaphore, #tpu.memory_space<semaphore_mem>>) src(%dma_wait3A_837 : memref<50x64xf32, #tpu.memory_space<vmem>>) dst(%dma_wait3A_834 : memref<50x64xf32, #tpu.memory_space<hbm>>)
    %add3A_838 = arith.constant 480 : i32
    %add3A_839 = arith.addi %mul3A_4, %add3A_838 : i32
    %add3A_840 = arith.constant 13 : i32
    %add3A_841 = arith.addi %add3A_839, %add3A_840 : i32
    %dma_wait3A_842 = arith.constant 650 : i32
    %dma_wait3A_843 = arith.constant 0 : i32
    %dma_wait3A_844 = tpu.memref_slice %arg6[%dma_wait3A_842, %dma_wait3A_843] : memref<800x64xf32, #tpu.memory_space<vmem>> -> memref<50x64xf32, #tpu.memory_space<vmem>>
    %dma_wait3A_845 = arith.constant 0 : i32
    %dma_wait3A_846 = arith.constant 0 : i32
    %dma_wait3A_847 = tpu.memref_slice %arg4[%add3A_841, %dma_wait3A_845, %dma_wait3A_846] : memref<16384x56x128xf32, #tpu.memory_space<hbm>> -> memref<1x50x64xf32, #tpu.memory_space<hbm>>
    %dma_wait3A_848 = tpu.memref_squeeze %dma_wait3A_847 : memref<1x50x64xf32, #tpu.memory_space<hbm>> -> memref<50x64xf32, #tpu.memory_space<hbm>>
    %dma_wait3A_849 = arith.constant 0 : i32
    %dma_wait3A_850 = arith.constant 0 : i32
    %dma_wait3A_851 = tpu.memref_slice %arg4[%add3A_841, %dma_wait3A_849, %dma_wait3A_850] : memref<16384x56x128xf32, #tpu.memory_space<hbm>> -> memref<1x50x64xf32, #tpu.memory_space<hbm>>
    %dma_wait3A_852 = tpu.memref_squeeze %dma_wait3A_851 : memref<1x50x64xf32, #tpu.memory_space<hbm>> -> memref<50x64xf32, #tpu.memory_space<hbm>>
    %dma_wait3A_853 = arith.constant 650 : i32
    %dma_wait3A_854 = arith.constant 0 : i32
    %dma_wait3A_855 = tpu.memref_slice %arg6[%dma_wait3A_853, %dma_wait3A_854] : memref<800x64xf32, #tpu.memory_space<vmem>> -> memref<50x64xf32, #tpu.memory_space<vmem>>
    tpu.wait_dma2 semaphore(%arg10 : memref<!tpu.dma_semaphore, #tpu.memory_space<semaphore_mem>>) src(%dma_wait3A_855 : memref<50x64xf32, #tpu.memory_space<vmem>>) dst(%dma_wait3A_852 : memref<50x64xf32, #tpu.memory_space<hbm>>)
    %add3A_856 = arith.constant 480 : i32
    %add3A_857 = arith.addi %mul3A_4, %add3A_856 : i32
    %add3A_858 = arith.constant 14 : i32
    %add3A_859 = arith.addi %add3A_857, %add3A_858 : i32
    %dma_wait3A_860 = arith.constant 700 : i32
    %dma_wait3A_861 = arith.constant 0 : i32
    %dma_wait3A_862 = tpu.memref_slice %arg6[%dma_wait3A_860, %dma_wait3A_861] : memref<800x64xf32, #tpu.memory_space<vmem>> -> memref<50x64xf32, #tpu.memory_space<vmem>>
    %dma_wait3A_863 = arith.constant 0 : i32
    %dma_wait3A_864 = arith.constant 0 : i32
    %dma_wait3A_865 = tpu.memref_slice %arg4[%add3A_859, %dma_wait3A_863, %dma_wait3A_864] : memref<16384x56x128xf32, #tpu.memory_space<hbm>> -> memref<1x50x64xf32, #tpu.memory_space<hbm>>
    %dma_wait3A_866 = tpu.memref_squeeze %dma_wait3A_865 : memref<1x50x64xf32, #tpu.memory_space<hbm>> -> memref<50x64xf32, #tpu.memory_space<hbm>>
    %dma_wait3A_867 = arith.constant 0 : i32
    %dma_wait3A_868 = arith.constant 0 : i32
    %dma_wait3A_869 = tpu.memref_slice %arg4[%add3A_859, %dma_wait3A_867, %dma_wait3A_868] : memref<16384x56x128xf32, #tpu.memory_space<hbm>> -> memref<1x50x64xf32, #tpu.memory_space<hbm>>
    %dma_wait3A_870 = tpu.memref_squeeze %dma_wait3A_869 : memref<1x50x64xf32, #tpu.memory_space<hbm>> -> memref<50x64xf32, #tpu.memory_space<hbm>>
    %dma_wait3A_871 = arith.constant 700 : i32
    %dma_wait3A_872 = arith.constant 0 : i32
    %dma_wait3A_873 = tpu.memref_slice %arg6[%dma_wait3A_871, %dma_wait3A_872] : memref<800x64xf32, #tpu.memory_space<vmem>> -> memref<50x64xf32, #tpu.memory_space<vmem>>
    tpu.wait_dma2 semaphore(%arg10 : memref<!tpu.dma_semaphore, #tpu.memory_space<semaphore_mem>>) src(%dma_wait3A_873 : memref<50x64xf32, #tpu.memory_space<vmem>>) dst(%dma_wait3A_870 : memref<50x64xf32, #tpu.memory_space<hbm>>)
    %add3A_874 = arith.constant 480 : i32
    %add3A_875 = arith.addi %mul3A_4, %add3A_874 : i32
    %add3A_876 = arith.constant 15 : i32
    %add3A_877 = arith.addi %add3A_875, %add3A_876 : i32
    %dma_wait3A_878 = arith.constant 750 : i32
    %dma_wait3A_879 = arith.constant 0 : i32
    %dma_wait3A_880 = tpu.memref_slice %arg6[%dma_wait3A_878, %dma_wait3A_879] : memref<800x64xf32, #tpu.memory_space<vmem>> -> memref<50x64xf32, #tpu.memory_space<vmem>>
    %dma_wait3A_881 = arith.constant 0 : i32
    %dma_wait3A_882 = arith.constant 0 : i32
    %dma_wait3A_883 = tpu.memref_slice %arg4[%add3A_877, %dma_wait3A_881, %dma_wait3A_882] : memref<16384x56x128xf32, #tpu.memory_space<hbm>> -> memref<1x50x64xf32, #tpu.memory_space<hbm>>
    %dma_wait3A_884 = tpu.memref_squeeze %dma_wait3A_883 : memref<1x50x64xf32, #tpu.memory_space<hbm>> -> memref<50x64xf32, #tpu.memory_space<hbm>>
    %dma_wait3A_885 = arith.constant 0 : i32
    %dma_wait3A_886 = arith.constant 0 : i32
    %dma_wait3A_887 = tpu.memref_slice %arg4[%add3A_877, %dma_wait3A_885, %dma_wait3A_886] : memref<16384x56x128xf32, #tpu.memory_space<hbm>> -> memref<1x50x64xf32, #tpu.memory_space<hbm>>
    %dma_wait3A_888 = tpu.memref_squeeze %dma_wait3A_887 : memref<1x50x64xf32, #tpu.memory_space<hbm>> -> memref<50x64xf32, #tpu.memory_space<hbm>>
    %dma_wait3A_889 = arith.constant 750 : i32
    %dma_wait3A_890 = arith.constant 0 : i32
    %dma_wait3A_891 = tpu.memref_slice %arg6[%dma_wait3A_889, %dma_wait3A_890] : memref<800x64xf32, #tpu.memory_space<vmem>> -> memref<50x64xf32, #tpu.memory_space<vmem>>
    tpu.wait_dma2 semaphore(%arg10 : memref<!tpu.dma_semaphore, #tpu.memory_space<semaphore_mem>>) src(%dma_wait3A_891 : memref<50x64xf32, #tpu.memory_space<vmem>>) dst(%dma_wait3A_888 : memref<50x64xf32, #tpu.memory_space<hbm>>)
    %add3A_892 = arith.constant 496 : i32
    %add3A_893 = arith.addi %mul3A_4, %add3A_892 : i32
    %add3A_894 = arith.constant 0 : i32
    %add3A_895 = arith.addi %add3A_893, %add3A_894 : i32
    %dma_wait3A_896 = arith.constant 0 : i32
    %dma_wait3A_897 = arith.constant 0 : i32
    %dma_wait3A_898 = tpu.memref_slice %arg7[%dma_wait3A_896, %dma_wait3A_897] : memref<800x64xf32, #tpu.memory_space<vmem>> -> memref<50x64xf32, #tpu.memory_space<vmem>>
    %dma_wait3A_899 = arith.constant 0 : i32
    %dma_wait3A_900 = arith.constant 0 : i32
    %dma_wait3A_901 = tpu.memref_slice %arg4[%add3A_895, %dma_wait3A_899, %dma_wait3A_900] : memref<16384x56x128xf32, #tpu.memory_space<hbm>> -> memref<1x50x64xf32, #tpu.memory_space<hbm>>
    %dma_wait3A_902 = tpu.memref_squeeze %dma_wait3A_901 : memref<1x50x64xf32, #tpu.memory_space<hbm>> -> memref<50x64xf32, #tpu.memory_space<hbm>>
    %dma_wait3A_903 = arith.constant 0 : i32
    %dma_wait3A_904 = arith.constant 0 : i32
    %dma_wait3A_905 = tpu.memref_slice %arg4[%add3A_895, %dma_wait3A_903, %dma_wait3A_904] : memref<16384x56x128xf32, #tpu.memory_space<hbm>> -> memref<1x50x64xf32, #tpu.memory_space<hbm>>
    %dma_wait3A_906 = tpu.memref_squeeze %dma_wait3A_905 : memref<1x50x64xf32, #tpu.memory_space<hbm>> -> memref<50x64xf32, #tpu.memory_space<hbm>>
    %dma_wait3A_907 = arith.constant 0 : i32
    %dma_wait3A_908 = arith.constant 0 : i32
    %dma_wait3A_909 = tpu.memref_slice %arg7[%dma_wait3A_907, %dma_wait3A_908] : memref<800x64xf32, #tpu.memory_space<vmem>> -> memref<50x64xf32, #tpu.memory_space<vmem>>
    tpu.wait_dma2 semaphore(%arg11 : memref<!tpu.dma_semaphore, #tpu.memory_space<semaphore_mem>>) src(%dma_wait3A_909 : memref<50x64xf32, #tpu.memory_space<vmem>>) dst(%dma_wait3A_906 : memref<50x64xf32, #tpu.memory_space<hbm>>)
    %add3A_910 = arith.constant 496 : i32
    %add3A_911 = arith.addi %mul3A_4, %add3A_910 : i32
    %add3A_912 = arith.constant 1 : i32
    %add3A_913 = arith.addi %add3A_911, %add3A_912 : i32
    %dma_wait3A_914 = arith.constant 50 : i32
    %dma_wait3A_915 = arith.constant 0 : i32
    %dma_wait3A_916 = tpu.memref_slice %arg7[%dma_wait3A_914, %dma_wait3A_915] : memref<800x64xf32, #tpu.memory_space<vmem>> -> memref<50x64xf32, #tpu.memory_space<vmem>>
    %dma_wait3A_917 = arith.constant 0 : i32
    %dma_wait3A_918 = arith.constant 0 : i32
    %dma_wait3A_919 = tpu.memref_slice %arg4[%add3A_913, %dma_wait3A_917, %dma_wait3A_918] : memref<16384x56x128xf32, #tpu.memory_space<hbm>> -> memref<1x50x64xf32, #tpu.memory_space<hbm>>
    %dma_wait3A_920 = tpu.memref_squeeze %dma_wait3A_919 : memref<1x50x64xf32, #tpu.memory_space<hbm>> -> memref<50x64xf32, #tpu.memory_space<hbm>>
    %dma_wait3A_921 = arith.constant 0 : i32
    %dma_wait3A_922 = arith.constant 0 : i32
    %dma_wait3A_923 = tpu.memref_slice %arg4[%add3A_913, %dma_wait3A_921, %dma_wait3A_922] : memref<16384x56x128xf32, #tpu.memory_space<hbm>> -> memref<1x50x64xf32, #tpu.memory_space<hbm>>
    %dma_wait3A_924 = tpu.memref_squeeze %dma_wait3A_923 : memref<1x50x64xf32, #tpu.memory_space<hbm>> -> memref<50x64xf32, #tpu.memory_space<hbm>>
    %dma_wait3A_925 = arith.constant 50 : i32
    %dma_wait3A_926 = arith.constant 0 : i32
    %dma_wait3A_927 = tpu.memref_slice %arg7[%dma_wait3A_925, %dma_wait3A_926] : memref<800x64xf32, #tpu.memory_space<vmem>> -> memref<50x64xf32, #tpu.memory_space<vmem>>
    tpu.wait_dma2 semaphore(%arg11 : memref<!tpu.dma_semaphore, #tpu.memory_space<semaphore_mem>>) src(%dma_wait3A_927 : memref<50x64xf32, #tpu.memory_space<vmem>>) dst(%dma_wait3A_924 : memref<50x64xf32, #tpu.memory_space<hbm>>)
    %add3A_928 = arith.constant 496 : i32
    %add3A_929 = arith.addi %mul3A_4, %add3A_928 : i32
    %add3A_930 = arith.constant 2 : i32
    %add3A_931 = arith.addi %add3A_929, %add3A_930 : i32
    %dma_wait3A_932 = arith.constant 100 : i32
    %dma_wait3A_933 = arith.constant 0 : i32
    %dma_wait3A_934 = tpu.memref_slice %arg7[%dma_wait3A_932, %dma_wait3A_933] : memref<800x64xf32, #tpu.memory_space<vmem>> -> memref<50x64xf32, #tpu.memory_space<vmem>>
    %dma_wait3A_935 = arith.constant 0 : i32
    %dma_wait3A_936 = arith.constant 0 : i32
    %dma_wait3A_937 = tpu.memref_slice %arg4[%add3A_931, %dma_wait3A_935, %dma_wait3A_936] : memref<16384x56x128xf32, #tpu.memory_space<hbm>> -> memref<1x50x64xf32, #tpu.memory_space<hbm>>
    %dma_wait3A_938 = tpu.memref_squeeze %dma_wait3A_937 : memref<1x50x64xf32, #tpu.memory_space<hbm>> -> memref<50x64xf32, #tpu.memory_space<hbm>>
    %dma_wait3A_939 = arith.constant 0 : i32
    %dma_wait3A_940 = arith.constant 0 : i32
    %dma_wait3A_941 = tpu.memref_slice %arg4[%add3A_931, %dma_wait3A_939, %dma_wait3A_940] : memref<16384x56x128xf32, #tpu.memory_space<hbm>> -> memref<1x50x64xf32, #tpu.memory_space<hbm>>
    %dma_wait3A_942 = tpu.memref_squeeze %dma_wait3A_941 : memref<1x50x64xf32, #tpu.memory_space<hbm>> -> memref<50x64xf32, #tpu.memory_space<hbm>>
    %dma_wait3A_943 = arith.constant 100 : i32
    %dma_wait3A_944 = arith.constant 0 : i32
    %dma_wait3A_945 = tpu.memref_slice %arg7[%dma_wait3A_943, %dma_wait3A_944] : memref<800x64xf32, #tpu.memory_space<vmem>> -> memref<50x64xf32, #tpu.memory_space<vmem>>
    tpu.wait_dma2 semaphore(%arg11 : memref<!tpu.dma_semaphore, #tpu.memory_space<semaphore_mem>>) src(%dma_wait3A_945 : memref<50x64xf32, #tpu.memory_space<vmem>>) dst(%dma_wait3A_942 : memref<50x64xf32, #tpu.memory_space<hbm>>)
    %add3A_946 = arith.constant 496 : i32
    %add3A_947 = arith.addi %mul3A_4, %add3A_946 : i32
    %add3A_948 = arith.constant 3 : i32
    %add3A_949 = arith.addi %add3A_947, %add3A_948 : i32
    %dma_wait3A_950 = arith.constant 150 : i32
    %dma_wait3A_951 = arith.constant 0 : i32
    %dma_wait3A_952 = tpu.memref_slice %arg7[%dma_wait3A_950, %dma_wait3A_951] : memref<800x64xf32, #tpu.memory_space<vmem>> -> memref<50x64xf32, #tpu.memory_space<vmem>>
    %dma_wait3A_953 = arith.constant 0 : i32
    %dma_wait3A_954 = arith.constant 0 : i32
    %dma_wait3A_955 = tpu.memref_slice %arg4[%add3A_949, %dma_wait3A_953, %dma_wait3A_954] : memref<16384x56x128xf32, #tpu.memory_space<hbm>> -> memref<1x50x64xf32, #tpu.memory_space<hbm>>
    %dma_wait3A_956 = tpu.memref_squeeze %dma_wait3A_955 : memref<1x50x64xf32, #tpu.memory_space<hbm>> -> memref<50x64xf32, #tpu.memory_space<hbm>>
    %dma_wait3A_957 = arith.constant 0 : i32
    %dma_wait3A_958 = arith.constant 0 : i32
    %dma_wait3A_959 = tpu.memref_slice %arg4[%add3A_949, %dma_wait3A_957, %dma_wait3A_958] : memref<16384x56x128xf32, #tpu.memory_space<hbm>> -> memref<1x50x64xf32, #tpu.memory_space<hbm>>
    %dma_wait3A_960 = tpu.memref_squeeze %dma_wait3A_959 : memref<1x50x64xf32, #tpu.memory_space<hbm>> -> memref<50x64xf32, #tpu.memory_space<hbm>>
    %dma_wait3A_961 = arith.constant 150 : i32
    %dma_wait3A_962 = arith.constant 0 : i32
    %dma_wait3A_963 = tpu.memref_slice %arg7[%dma_wait3A_961, %dma_wait3A_962] : memref<800x64xf32, #tpu.memory_space<vmem>> -> memref<50x64xf32, #tpu.memory_space<vmem>>
    tpu.wait_dma2 semaphore(%arg11 : memref<!tpu.dma_semaphore, #tpu.memory_space<semaphore_mem>>) src(%dma_wait3A_963 : memref<50x64xf32, #tpu.memory_space<vmem>>) dst(%dma_wait3A_960 : memref<50x64xf32, #tpu.memory_space<hbm>>)
    %add3A_964 = arith.constant 496 : i32
    %add3A_965 = arith.addi %mul3A_4, %add3A_964 : i32
    %add3A_966 = arith.constant 4 : i32
    %add3A_967 = arith.addi %add3A_965, %add3A_966 : i32
    %dma_wait3A_968 = arith.constant 200 : i32
    %dma_wait3A_969 = arith.constant 0 : i32
    %dma_wait3A_970 = tpu.memref_slice %arg7[%dma_wait3A_968, %dma_wait3A_969] : memref<800x64xf32, #tpu.memory_space<vmem>> -> memref<50x64xf32, #tpu.memory_space<vmem>>
    %dma_wait3A_971 = arith.constant 0 : i32
    %dma_wait3A_972 = arith.constant 0 : i32
    %dma_wait3A_973 = tpu.memref_slice %arg4[%add3A_967, %dma_wait3A_971, %dma_wait3A_972] : memref<16384x56x128xf32, #tpu.memory_space<hbm>> -> memref<1x50x64xf32, #tpu.memory_space<hbm>>
    %dma_wait3A_974 = tpu.memref_squeeze %dma_wait3A_973 : memref<1x50x64xf32, #tpu.memory_space<hbm>> -> memref<50x64xf32, #tpu.memory_space<hbm>>
    %dma_wait3A_975 = arith.constant 0 : i32
    %dma_wait3A_976 = arith.constant 0 : i32
    %dma_wait3A_977 = tpu.memref_slice %arg4[%add3A_967, %dma_wait3A_975, %dma_wait3A_976] : memref<16384x56x128xf32, #tpu.memory_space<hbm>> -> memref<1x50x64xf32, #tpu.memory_space<hbm>>
    %dma_wait3A_978 = tpu.memref_squeeze %dma_wait3A_977 : memref<1x50x64xf32, #tpu.memory_space<hbm>> -> memref<50x64xf32, #tpu.memory_space<hbm>>
    %dma_wait3A_979 = arith.constant 200 : i32
    %dma_wait3A_980 = arith.constant 0 : i32
    %dma_wait3A_981 = tpu.memref_slice %arg7[%dma_wait3A_979, %dma_wait3A_980] : memref<800x64xf32, #tpu.memory_space<vmem>> -> memref<50x64xf32, #tpu.memory_space<vmem>>
    tpu.wait_dma2 semaphore(%arg11 : memref<!tpu.dma_semaphore, #tpu.memory_space<semaphore_mem>>) src(%dma_wait3A_981 : memref<50x64xf32, #tpu.memory_space<vmem>>) dst(%dma_wait3A_978 : memref<50x64xf32, #tpu.memory_space<hbm>>)
    %add3A_982 = arith.constant 496 : i32
    %add3A_983 = arith.addi %mul3A_4, %add3A_982 : i32
    %add3A_984 = arith.constant 5 : i32
    %add3A_985 = arith.addi %add3A_983, %add3A_984 : i32
    %dma_wait3A_986 = arith.constant 250 : i32
    %dma_wait3A_987 = arith.constant 0 : i32
    %dma_wait3A_988 = tpu.memref_slice %arg7[%dma_wait3A_986, %dma_wait3A_987] : memref<800x64xf32, #tpu.memory_space<vmem>> -> memref<50x64xf32, #tpu.memory_space<vmem>>
    %dma_wait3A_989 = arith.constant 0 : i32
    %dma_wait3A_990 = arith.constant 0 : i32
    %dma_wait3A_991 = tpu.memref_slice %arg4[%add3A_985, %dma_wait3A_989, %dma_wait3A_990] : memref<16384x56x128xf32, #tpu.memory_space<hbm>> -> memref<1x50x64xf32, #tpu.memory_space<hbm>>
    %dma_wait3A_992 = tpu.memref_squeeze %dma_wait3A_991 : memref<1x50x64xf32, #tpu.memory_space<hbm>> -> memref<50x64xf32, #tpu.memory_space<hbm>>
    %dma_wait3A_993 = arith.constant 0 : i32
    %dma_wait3A_994 = arith.constant 0 : i32
    %dma_wait3A_995 = tpu.memref_slice %arg4[%add3A_985, %dma_wait3A_993, %dma_wait3A_994] : memref<16384x56x128xf32, #tpu.memory_space<hbm>> -> memref<1x50x64xf32, #tpu.memory_space<hbm>>
    %dma_wait3A_996 = tpu.memref_squeeze %dma_wait3A_995 : memref<1x50x64xf32, #tpu.memory_space<hbm>> -> memref<50x64xf32, #tpu.memory_space<hbm>>
    %dma_wait3A_997 = arith.constant 250 : i32
    %dma_wait3A_998 = arith.constant 0 : i32
    %dma_wait3A_999 = tpu.memref_slice %arg7[%dma_wait3A_997, %dma_wait3A_998] : memref<800x64xf32, #tpu.memory_space<vmem>> -> memref<50x64xf32, #tpu.memory_space<vmem>>
    tpu.wait_dma2 semaphore(%arg11 : memref<!tpu.dma_semaphore, #tpu.memory_space<semaphore_mem>>) src(%dma_wait3A_999 : memref<50x64xf32, #tpu.memory_space<vmem>>) dst(%dma_wait3A_996 : memref<50x64xf32, #tpu.memory_space<hbm>>)
    %add3A_1000 = arith.constant 496 : i32
    %add3A_1001 = arith.addi %mul3A_4, %add3A_1000 : i32
    %add3A_1002 = arith.constant 6 : i32
    %add3A_1003 = arith.addi %add3A_1001, %add3A_1002 : i32
    %dma_wait3A_1004 = arith.constant 300 : i32
    %dma_wait3A_1005 = arith.constant 0 : i32
    %dma_wait3A_1006 = tpu.memref_slice %arg7[%dma_wait3A_1004, %dma_wait3A_1005] : memref<800x64xf32, #tpu.memory_space<vmem>> -> memref<50x64xf32, #tpu.memory_space<vmem>>
    %dma_wait3A_1007 = arith.constant 0 : i32
    %dma_wait3A_1008 = arith.constant 0 : i32
    %dma_wait3A_1009 = tpu.memref_slice %arg4[%add3A_1003, %dma_wait3A_1007, %dma_wait3A_1008] : memref<16384x56x128xf32, #tpu.memory_space<hbm>> -> memref<1x50x64xf32, #tpu.memory_space<hbm>>
    %dma_wait3A_1010 = tpu.memref_squeeze %dma_wait3A_1009 : memref<1x50x64xf32, #tpu.memory_space<hbm>> -> memref<50x64xf32, #tpu.memory_space<hbm>>
    %dma_wait3A_1011 = arith.constant 0 : i32
    %dma_wait3A_1012 = arith.constant 0 : i32
    %dma_wait3A_1013 = tpu.memref_slice %arg4[%add3A_1003, %dma_wait3A_1011, %dma_wait3A_1012] : memref<16384x56x128xf32, #tpu.memory_space<hbm>> -> memref<1x50x64xf32, #tpu.memory_space<hbm>>
    %dma_wait3A_1014 = tpu.memref_squeeze %dma_wait3A_1013 : memref<1x50x64xf32, #tpu.memory_space<hbm>> -> memref<50x64xf32, #tpu.memory_space<hbm>>
    %dma_wait3A_1015 = arith.constant 300 : i32
    %dma_wait3A_1016 = arith.constant 0 : i32
    %dma_wait3A_1017 = tpu.memref_slice %arg7[%dma_wait3A_1015, %dma_wait3A_1016] : memref<800x64xf32, #tpu.memory_space<vmem>> -> memref<50x64xf32, #tpu.memory_space<vmem>>
    tpu.wait_dma2 semaphore(%arg11 : memref<!tpu.dma_semaphore, #tpu.memory_space<semaphore_mem>>) src(%dma_wait3A_1017 : memref<50x64xf32, #tpu.memory_space<vmem>>) dst(%dma_wait3A_1014 : memref<50x64xf32, #tpu.memory_space<hbm>>)
    %add3A_1018 = arith.constant 496 : i32
    %add3A_1019 = arith.addi %mul3A_4, %add3A_1018 : i32
    %add3A_1020 = arith.constant 7 : i32
    %add3A_1021 = arith.addi %add3A_1019, %add3A_1020 : i32
    %dma_wait3A_1022 = arith.constant 350 : i32
    %dma_wait3A_1023 = arith.constant 0 : i32
    %dma_wait3A_1024 = tpu.memref_slice %arg7[%dma_wait3A_1022, %dma_wait3A_1023] : memref<800x64xf32, #tpu.memory_space<vmem>> -> memref<50x64xf32, #tpu.memory_space<vmem>>
    %dma_wait3A_1025 = arith.constant 0 : i32
    %dma_wait3A_1026 = arith.constant 0 : i32
    %dma_wait3A_1027 = tpu.memref_slice %arg4[%add3A_1021, %dma_wait3A_1025, %dma_wait3A_1026] : memref<16384x56x128xf32, #tpu.memory_space<hbm>> -> memref<1x50x64xf32, #tpu.memory_space<hbm>>
    %dma_wait3A_1028 = tpu.memref_squeeze %dma_wait3A_1027 : memref<1x50x64xf32, #tpu.memory_space<hbm>> -> memref<50x64xf32, #tpu.memory_space<hbm>>
    %dma_wait3A_1029 = arith.constant 0 : i32
    %dma_wait3A_1030 = arith.constant 0 : i32
    %dma_wait3A_1031 = tpu.memref_slice %arg4[%add3A_1021, %dma_wait3A_1029, %dma_wait3A_1030] : memref<16384x56x128xf32, #tpu.memory_space<hbm>> -> memref<1x50x64xf32, #tpu.memory_space<hbm>>
    %dma_wait3A_1032 = tpu.memref_squeeze %dma_wait3A_1031 : memref<1x50x64xf32, #tpu.memory_space<hbm>> -> memref<50x64xf32, #tpu.memory_space<hbm>>
    %dma_wait3A_1033 = arith.constant 350 : i32
    %dma_wait3A_1034 = arith.constant 0 : i32
    %dma_wait3A_1035 = tpu.memref_slice %arg7[%dma_wait3A_1033, %dma_wait3A_1034] : memref<800x64xf32, #tpu.memory_space<vmem>> -> memref<50x64xf32, #tpu.memory_space<vmem>>
    tpu.wait_dma2 semaphore(%arg11 : memref<!tpu.dma_semaphore, #tpu.memory_space<semaphore_mem>>) src(%dma_wait3A_1035 : memref<50x64xf32, #tpu.memory_space<vmem>>) dst(%dma_wait3A_1032 : memref<50x64xf32, #tpu.memory_space<hbm>>)
    %add3A_1036 = arith.constant 496 : i32
    %add3A_1037 = arith.addi %mul3A_4, %add3A_1036 : i32
    %add3A_1038 = arith.constant 8 : i32
    %add3A_1039 = arith.addi %add3A_1037, %add3A_1038 : i32
    %dma_wait3A_1040 = arith.constant 400 : i32
    %dma_wait3A_1041 = arith.constant 0 : i32
    %dma_wait3A_1042 = tpu.memref_slice %arg7[%dma_wait3A_1040, %dma_wait3A_1041] : memref<800x64xf32, #tpu.memory_space<vmem>> -> memref<50x64xf32, #tpu.memory_space<vmem>>
    %dma_wait3A_1043 = arith.constant 0 : i32
    %dma_wait3A_1044 = arith.constant 0 : i32
    %dma_wait3A_1045 = tpu.memref_slice %arg4[%add3A_1039, %dma_wait3A_1043, %dma_wait3A_1044] : memref<16384x56x128xf32, #tpu.memory_space<hbm>> -> memref<1x50x64xf32, #tpu.memory_space<hbm>>
    %dma_wait3A_1046 = tpu.memref_squeeze %dma_wait3A_1045 : memref<1x50x64xf32, #tpu.memory_space<hbm>> -> memref<50x64xf32, #tpu.memory_space<hbm>>
    %dma_wait3A_1047 = arith.constant 0 : i32
    %dma_wait3A_1048 = arith.constant 0 : i32
    %dma_wait3A_1049 = tpu.memref_slice %arg4[%add3A_1039, %dma_wait3A_1047, %dma_wait3A_1048] : memref<16384x56x128xf32, #tpu.memory_space<hbm>> -> memref<1x50x64xf32, #tpu.memory_space<hbm>>
    %dma_wait3A_1050 = tpu.memref_squeeze %dma_wait3A_1049 : memref<1x50x64xf32, #tpu.memory_space<hbm>> -> memref<50x64xf32, #tpu.memory_space<hbm>>
    %dma_wait3A_1051 = arith.constant 400 : i32
    %dma_wait3A_1052 = arith.constant 0 : i32
    %dma_wait3A_1053 = tpu.memref_slice %arg7[%dma_wait3A_1051, %dma_wait3A_1052] : memref<800x64xf32, #tpu.memory_space<vmem>> -> memref<50x64xf32, #tpu.memory_space<vmem>>
    tpu.wait_dma2 semaphore(%arg11 : memref<!tpu.dma_semaphore, #tpu.memory_space<semaphore_mem>>) src(%dma_wait3A_1053 : memref<50x64xf32, #tpu.memory_space<vmem>>) dst(%dma_wait3A_1050 : memref<50x64xf32, #tpu.memory_space<hbm>>)
    %add3A_1054 = arith.constant 496 : i32
    %add3A_1055 = arith.addi %mul3A_4, %add3A_1054 : i32
    %add3A_1056 = arith.constant 9 : i32
    %add3A_1057 = arith.addi %add3A_1055, %add3A_1056 : i32
    %dma_wait3A_1058 = arith.constant 450 : i32
    %dma_wait3A_1059 = arith.constant 0 : i32
    %dma_wait3A_1060 = tpu.memref_slice %arg7[%dma_wait3A_1058, %dma_wait3A_1059] : memref<800x64xf32, #tpu.memory_space<vmem>> -> memref<50x64xf32, #tpu.memory_space<vmem>>
    %dma_wait3A_1061 = arith.constant 0 : i32
    %dma_wait3A_1062 = arith.constant 0 : i32
    %dma_wait3A_1063 = tpu.memref_slice %arg4[%add3A_1057, %dma_wait3A_1061, %dma_wait3A_1062] : memref<16384x56x128xf32, #tpu.memory_space<hbm>> -> memref<1x50x64xf32, #tpu.memory_space<hbm>>
    %dma_wait3A_1064 = tpu.memref_squeeze %dma_wait3A_1063 : memref<1x50x64xf32, #tpu.memory_space<hbm>> -> memref<50x64xf32, #tpu.memory_space<hbm>>
    %dma_wait3A_1065 = arith.constant 0 : i32
    %dma_wait3A_1066 = arith.constant 0 : i32
    %dma_wait3A_1067 = tpu.memref_slice %arg4[%add3A_1057, %dma_wait3A_1065, %dma_wait3A_1066] : memref<16384x56x128xf32, #tpu.memory_space<hbm>> -> memref<1x50x64xf32, #tpu.memory_space<hbm>>
    %dma_wait3A_1068 = tpu.memref_squeeze %dma_wait3A_1067 : memref<1x50x64xf32, #tpu.memory_space<hbm>> -> memref<50x64xf32, #tpu.memory_space<hbm>>
    %dma_wait3A_1069 = arith.constant 450 : i32
    %dma_wait3A_1070 = arith.constant 0 : i32
    %dma_wait3A_1071 = tpu.memref_slice %arg7[%dma_wait3A_1069, %dma_wait3A_1070] : memref<800x64xf32, #tpu.memory_space<vmem>> -> memref<50x64xf32, #tpu.memory_space<vmem>>
    tpu.wait_dma2 semaphore(%arg11 : memref<!tpu.dma_semaphore, #tpu.memory_space<semaphore_mem>>) src(%dma_wait3A_1071 : memref<50x64xf32, #tpu.memory_space<vmem>>) dst(%dma_wait3A_1068 : memref<50x64xf32, #tpu.memory_space<hbm>>)
    %add3A_1072 = arith.constant 496 : i32
    %add3A_1073 = arith.addi %mul3A_4, %add3A_1072 : i32
    %add3A_1074 = arith.constant 10 : i32
    %add3A_1075 = arith.addi %add3A_1073, %add3A_1074 : i32
    %dma_wait3A_1076 = arith.constant 500 : i32
    %dma_wait3A_1077 = arith.constant 0 : i32
    %dma_wait3A_1078 = tpu.memref_slice %arg7[%dma_wait3A_1076, %dma_wait3A_1077] : memref<800x64xf32, #tpu.memory_space<vmem>> -> memref<50x64xf32, #tpu.memory_space<vmem>>
    %dma_wait3A_1079 = arith.constant 0 : i32
    %dma_wait3A_1080 = arith.constant 0 : i32
    %dma_wait3A_1081 = tpu.memref_slice %arg4[%add3A_1075, %dma_wait3A_1079, %dma_wait3A_1080] : memref<16384x56x128xf32, #tpu.memory_space<hbm>> -> memref<1x50x64xf32, #tpu.memory_space<hbm>>
    %dma_wait3A_1082 = tpu.memref_squeeze %dma_wait3A_1081 : memref<1x50x64xf32, #tpu.memory_space<hbm>> -> memref<50x64xf32, #tpu.memory_space<hbm>>
    %dma_wait3A_1083 = arith.constant 0 : i32
    %dma_wait3A_1084 = arith.constant 0 : i32
    %dma_wait3A_1085 = tpu.memref_slice %arg4[%add3A_1075, %dma_wait3A_1083, %dma_wait3A_1084] : memref<16384x56x128xf32, #tpu.memory_space<hbm>> -> memref<1x50x64xf32, #tpu.memory_space<hbm>>
    %dma_wait3A_1086 = tpu.memref_squeeze %dma_wait3A_1085 : memref<1x50x64xf32, #tpu.memory_space<hbm>> -> memref<50x64xf32, #tpu.memory_space<hbm>>
    %dma_wait3A_1087 = arith.constant 500 : i32
    %dma_wait3A_1088 = arith.constant 0 : i32
    %dma_wait3A_1089 = tpu.memref_slice %arg7[%dma_wait3A_1087, %dma_wait3A_1088] : memref<800x64xf32, #tpu.memory_space<vmem>> -> memref<50x64xf32, #tpu.memory_space<vmem>>
    tpu.wait_dma2 semaphore(%arg11 : memref<!tpu.dma_semaphore, #tpu.memory_space<semaphore_mem>>) src(%dma_wait3A_1089 : memref<50x64xf32, #tpu.memory_space<vmem>>) dst(%dma_wait3A_1086 : memref<50x64xf32, #tpu.memory_space<hbm>>)
    %add3A_1090 = arith.constant 496 : i32
    %add3A_1091 = arith.addi %mul3A_4, %add3A_1090 : i32
    %add3A_1092 = arith.constant 11 : i32
    %add3A_1093 = arith.addi %add3A_1091, %add3A_1092 : i32
    %dma_wait3A_1094 = arith.constant 550 : i32
    %dma_wait3A_1095 = arith.constant 0 : i32
    %dma_wait3A_1096 = tpu.memref_slice %arg7[%dma_wait3A_1094, %dma_wait3A_1095] : memref<800x64xf32, #tpu.memory_space<vmem>> -> memref<50x64xf32, #tpu.memory_space<vmem>>
    %dma_wait3A_1097 = arith.constant 0 : i32
    %dma_wait3A_1098 = arith.constant 0 : i32
    %dma_wait3A_1099 = tpu.memref_slice %arg4[%add3A_1093, %dma_wait3A_1097, %dma_wait3A_1098] : memref<16384x56x128xf32, #tpu.memory_space<hbm>> -> memref<1x50x64xf32, #tpu.memory_space<hbm>>
    %dma_wait3A_1100 = tpu.memref_squeeze %dma_wait3A_1099 : memref<1x50x64xf32, #tpu.memory_space<hbm>> -> memref<50x64xf32, #tpu.memory_space<hbm>>
    %dma_wait3A_1101 = arith.constant 0 : i32
    %dma_wait3A_1102 = arith.constant 0 : i32
    %dma_wait3A_1103 = tpu.memref_slice %arg4[%add3A_1093, %dma_wait3A_1101, %dma_wait3A_1102] : memref<16384x56x128xf32, #tpu.memory_space<hbm>> -> memref<1x50x64xf32, #tpu.memory_space<hbm>>
    %dma_wait3A_1104 = tpu.memref_squeeze %dma_wait3A_1103 : memref<1x50x64xf32, #tpu.memory_space<hbm>> -> memref<50x64xf32, #tpu.memory_space<hbm>>
    %dma_wait3A_1105 = arith.constant 550 : i32
    %dma_wait3A_1106 = arith.constant 0 : i32
    %dma_wait3A_1107 = tpu.memref_slice %arg7[%dma_wait3A_1105, %dma_wait3A_1106] : memref<800x64xf32, #tpu.memory_space<vmem>> -> memref<50x64xf32, #tpu.memory_space<vmem>>
    tpu.wait_dma2 semaphore(%arg11 : memref<!tpu.dma_semaphore, #tpu.memory_space<semaphore_mem>>) src(%dma_wait3A_1107 : memref<50x64xf32, #tpu.memory_space<vmem>>) dst(%dma_wait3A_1104 : memref<50x64xf32, #tpu.memory_space<hbm>>)
    %add3A_1108 = arith.constant 496 : i32
    %add3A_1109 = arith.addi %mul3A_4, %add3A_1108 : i32
    %add3A_1110 = arith.constant 12 : i32
    %add3A_1111 = arith.addi %add3A_1109, %add3A_1110 : i32
    %dma_wait3A_1112 = arith.constant 600 : i32
    %dma_wait3A_1113 = arith.constant 0 : i32
    %dma_wait3A_1114 = tpu.memref_slice %arg7[%dma_wait3A_1112, %dma_wait3A_1113] : memref<800x64xf32, #tpu.memory_space<vmem>> -> memref<50x64xf32, #tpu.memory_space<vmem>>
    %dma_wait3A_1115 = arith.constant 0 : i32
    %dma_wait3A_1116 = arith.constant 0 : i32
    %dma_wait3A_1117 = tpu.memref_slice %arg4[%add3A_1111, %dma_wait3A_1115, %dma_wait3A_1116] : memref<16384x56x128xf32, #tpu.memory_space<hbm>> -> memref<1x50x64xf32, #tpu.memory_space<hbm>>
    %dma_wait3A_1118 = tpu.memref_squeeze %dma_wait3A_1117 : memref<1x50x64xf32, #tpu.memory_space<hbm>> -> memref<50x64xf32, #tpu.memory_space<hbm>>
    %dma_wait3A_1119 = arith.constant 0 : i32
    %dma_wait3A_1120 = arith.constant 0 : i32
    %dma_wait3A_1121 = tpu.memref_slice %arg4[%add3A_1111, %dma_wait3A_1119, %dma_wait3A_1120] : memref<16384x56x128xf32, #tpu.memory_space<hbm>> -> memref<1x50x64xf32, #tpu.memory_space<hbm>>
    %dma_wait3A_1122 = tpu.memref_squeeze %dma_wait3A_1121 : memref<1x50x64xf32, #tpu.memory_space<hbm>> -> memref<50x64xf32, #tpu.memory_space<hbm>>
    %dma_wait3A_1123 = arith.constant 600 : i32
    %dma_wait3A_1124 = arith.constant 0 : i32
    %dma_wait3A_1125 = tpu.memref_slice %arg7[%dma_wait3A_1123, %dma_wait3A_1124] : memref<800x64xf32, #tpu.memory_space<vmem>> -> memref<50x64xf32, #tpu.memory_space<vmem>>
    tpu.wait_dma2 semaphore(%arg11 : memref<!tpu.dma_semaphore, #tpu.memory_space<semaphore_mem>>) src(%dma_wait3A_1125 : memref<50x64xf32, #tpu.memory_space<vmem>>) dst(%dma_wait3A_1122 : memref<50x64xf32, #tpu.memory_space<hbm>>)
    %add3A_1126 = arith.constant 496 : i32
    %add3A_1127 = arith.addi %mul3A_4, %add3A_1126 : i32
    %add3A_1128 = arith.constant 13 : i32
    %add3A_1129 = arith.addi %add3A_1127, %add3A_1128 : i32
    %dma_wait3A_1130 = arith.constant 650 : i32
    %dma_wait3A_1131 = arith.constant 0 : i32
    %dma_wait3A_1132 = tpu.memref_slice %arg7[%dma_wait3A_1130, %dma_wait3A_1131] : memref<800x64xf32, #tpu.memory_space<vmem>> -> memref<50x64xf32, #tpu.memory_space<vmem>>
    %dma_wait3A_1133 = arith.constant 0 : i32
    %dma_wait3A_1134 = arith.constant 0 : i32
    %dma_wait3A_1135 = tpu.memref_slice %arg4[%add3A_1129, %dma_wait3A_1133, %dma_wait3A_1134] : memref<16384x56x128xf32, #tpu.memory_space<hbm>> -> memref<1x50x64xf32, #tpu.memory_space<hbm>>
    %dma_wait3A_1136 = tpu.memref_squeeze %dma_wait3A_1135 : memref<1x50x64xf32, #tpu.memory_space<hbm>> -> memref<50x64xf32, #tpu.memory_space<hbm>>
    %dma_wait3A_1137 = arith.constant 0 : i32
    %dma_wait3A_1138 = arith.constant 0 : i32
    %dma_wait3A_1139 = tpu.memref_slice %arg4[%add3A_1129, %dma_wait3A_1137, %dma_wait3A_1138] : memref<16384x56x128xf32, #tpu.memory_space<hbm>> -> memref<1x50x64xf32, #tpu.memory_space<hbm>>
    %dma_wait3A_1140 = tpu.memref_squeeze %dma_wait3A_1139 : memref<1x50x64xf32, #tpu.memory_space<hbm>> -> memref<50x64xf32, #tpu.memory_space<hbm>>
    %dma_wait3A_1141 = arith.constant 650 : i32
    %dma_wait3A_1142 = arith.constant 0 : i32
    %dma_wait3A_1143 = tpu.memref_slice %arg7[%dma_wait3A_1141, %dma_wait3A_1142] : memref<800x64xf32, #tpu.memory_space<vmem>> -> memref<50x64xf32, #tpu.memory_space<vmem>>
    tpu.wait_dma2 semaphore(%arg11 : memref<!tpu.dma_semaphore, #tpu.memory_space<semaphore_mem>>) src(%dma_wait3A_1143 : memref<50x64xf32, #tpu.memory_space<vmem>>) dst(%dma_wait3A_1140 : memref<50x64xf32, #tpu.memory_space<hbm>>)
    %add3A_1144 = arith.constant 496 : i32
    %add3A_1145 = arith.addi %mul3A_4, %add3A_1144 : i32
    %add3A_1146 = arith.constant 14 : i32
    %add3A_1147 = arith.addi %add3A_1145, %add3A_1146 : i32
    %dma_wait3A_1148 = arith.constant 700 : i32
    %dma_wait3A_1149 = arith.constant 0 : i32
    %dma_wait3A_1150 = tpu.memref_slice %arg7[%dma_wait3A_1148, %dma_wait3A_1149] : memref<800x64xf32, #tpu.memory_space<vmem>> -> memref<50x64xf32, #tpu.memory_space<vmem>>
    %dma_wait3A_1151 = arith.constant 0 : i32
    %dma_wait3A_1152 = arith.constant 0 : i32
    %dma_wait3A_1153 = tpu.memref_slice %arg4[%add3A_1147, %dma_wait3A_1151, %dma_wait3A_1152] : memref<16384x56x128xf32, #tpu.memory_space<hbm>> -> memref<1x50x64xf32, #tpu.memory_space<hbm>>
    %dma_wait3A_1154 = tpu.memref_squeeze %dma_wait3A_1153 : memref<1x50x64xf32, #tpu.memory_space<hbm>> -> memref<50x64xf32, #tpu.memory_space<hbm>>
    %dma_wait3A_1155 = arith.constant 0 : i32
    %dma_wait3A_1156 = arith.constant 0 : i32
    %dma_wait3A_1157 = tpu.memref_slice %arg4[%add3A_1147, %dma_wait3A_1155, %dma_wait3A_1156] : memref<16384x56x128xf32, #tpu.memory_space<hbm>> -> memref<1x50x64xf32, #tpu.memory_space<hbm>>
    %dma_wait3A_1158 = tpu.memref_squeeze %dma_wait3A_1157 : memref<1x50x64xf32, #tpu.memory_space<hbm>> -> memref<50x64xf32, #tpu.memory_space<hbm>>
    %dma_wait3A_1159 = arith.constant 700 : i32
    %dma_wait3A_1160 = arith.constant 0 : i32
    %dma_wait3A_1161 = tpu.memref_slice %arg7[%dma_wait3A_1159, %dma_wait3A_1160] : memref<800x64xf32, #tpu.memory_space<vmem>> -> memref<50x64xf32, #tpu.memory_space<vmem>>
    tpu.wait_dma2 semaphore(%arg11 : memref<!tpu.dma_semaphore, #tpu.memory_space<semaphore_mem>>) src(%dma_wait3A_1161 : memref<50x64xf32, #tpu.memory_space<vmem>>) dst(%dma_wait3A_1158 : memref<50x64xf32, #tpu.memory_space<hbm>>)
    %add3A_1162 = arith.constant 496 : i32
    %add3A_1163 = arith.addi %mul3A_4, %add3A_1162 : i32
    %add3A_1164 = arith.constant 15 : i32
    %add3A_1165 = arith.addi %add3A_1163, %add3A_1164 : i32
    %dma_wait3A_1166 = arith.constant 750 : i32
    %dma_wait3A_1167 = arith.constant 0 : i32
    %dma_wait3A_1168 = tpu.memref_slice %arg7[%dma_wait3A_1166, %dma_wait3A_1167] : memref<800x64xf32, #tpu.memory_space<vmem>> -> memref<50x64xf32, #tpu.memory_space<vmem>>
    %dma_wait3A_1169 = arith.constant 0 : i32
    %dma_wait3A_1170 = arith.constant 0 : i32
    %dma_wait3A_1171 = tpu.memref_slice %arg4[%add3A_1165, %dma_wait3A_1169, %dma_wait3A_1170] : memref<16384x56x128xf32, #tpu.memory_space<hbm>> -> memref<1x50x64xf32, #tpu.memory_space<hbm>>
    %dma_wait3A_1172 = tpu.memref_squeeze %dma_wait3A_1171 : memref<1x50x64xf32, #tpu.memory_space<hbm>> -> memref<50x64xf32, #tpu.memory_space<hbm>>
    %dma_wait3A_1173 = arith.constant 0 : i32
    %dma_wait3A_1174 = arith.constant 0 : i32
    %dma_wait3A_1175 = tpu.memref_slice %arg4[%add3A_1165, %dma_wait3A_1173, %dma_wait3A_1174] : memref<16384x56x128xf32, #tpu.memory_space<hbm>> -> memref<1x50x64xf32, #tpu.memory_space<hbm>>
    %dma_wait3A_1176 = tpu.memref_squeeze %dma_wait3A_1175 : memref<1x50x64xf32, #tpu.memory_space<hbm>> -> memref<50x64xf32, #tpu.memory_space<hbm>>
    %dma_wait3A_1177 = arith.constant 750 : i32
    %dma_wait3A_1178 = arith.constant 0 : i32
    %dma_wait3A_1179 = tpu.memref_slice %arg7[%dma_wait3A_1177, %dma_wait3A_1178] : memref<800x64xf32, #tpu.memory_space<vmem>> -> memref<50x64xf32, #tpu.memory_space<vmem>>
    tpu.wait_dma2 semaphore(%arg11 : memref<!tpu.dma_semaphore, #tpu.memory_space<semaphore_mem>>) src(%dma_wait3A_1179 : memref<50x64xf32, #tpu.memory_space<vmem>>) dst(%dma_wait3A_1176 : memref<50x64xf32, #tpu.memory_space<hbm>>)
    return
  }
}

</mosaic_0001>

<sc_bundles>
// kernel: kernel.3.cloned.1.call-start
scs
__scs_entry_jumppad:
0x0: {  	(pc) =	sbr.rel $0x88, $3  }
0x1: {  	(tag) =	ssettag $0x0;
	lr =	simm.s32 $0x1  }
0x2: {  	[smem:$0x3F9F] =	sst lr;
	_ =	strace $0xD0000000  }
0x3: {  	_ = 	snop  }
0x4: {  	_ = 	snop  }
0x5: {  	_ = 	snop  }
0x6: {  	_ = 	snop  }
0x7: {  	_ = 	snop  }
__scs_overlays_trampoline_lowered:
0x8: {  	[smem:$0x3FAE] =	sst s0  }
0x9: {  	[smem:$0x3FAF] =	sst s1  }
0xa: {  	[smem:$0x3FB0] =	sst s2  }
0xb: {  	[smem:$0x3FB1] =	sst s3  }
0xc: {  	[smem:$0x3FB2] =	sst s4  }
0xd: {  	[smem:$0x3FB3] =	sst s5  }
0xe: {  	[smem:$0x3FB4] =	sst s6  }
0xf: {  	[smem:$0x3FB5] =	sst s7  }
0x10: {  	[smem:$0x3FB6] =	sst s8  }
0x11: {  	[smem:$0x3FB7] =	sst s9;
	s0 =	simm.s32 @!p0 $0x0  }
0x12: {  	s1 =	sld [smem:$0x3F9D];
	s0 =	simm.s32 @p0 $0x1  }
0x13: {  	[smem:$0x3FB8] =	sst s0;
	s0 =	simm.s32 @!p1 $0x0  }
0x14: {  	s2 =	sld [smem:$0x3F9C];
	s0 =	simm.s32 @p1 $0x1  }
0x15: {  	[smem:$0x3FB9] =	sst s0;
	s0 =	simm.s32 @!p2 $0x0  }
0x16: {  	s3 =	sld [smem:$0x3FDB];
	s0 =	simm.s32 @p2 $0x1  }
0x17: {  	s4 =	simm.s32 $0x1BF5;
	[smem:$0x3FBB] =	sst s0  }
0x18: {  	s0 =	sld [smem:$0x3F9E];
	_ =	swait.ge [sflag:s4], $0x0  }
0x19: {  	s7 =	sld [smem:$0x3F9F]  }
0x1a: {  	s8 =	sadd.s32 $0xFFFFE003, lr  }
0x1b: {  	s9 =	sadd.s32 $0xFFFFFEF7, lr;
	s5 =	simm.s32 $0xFFFFFFFF;
	p2 =	slt.u32 s8, $0xFFFFF086  }
0x1c: {  	p1 =	slt.u32 s9, $0xF7A;
	s5 =	simm.s32 @!p2 $0x0  }
0x1d: {  	s5 =	simm.s32 @p1 $0x1;
	p0 =	seq.s32 s7, s2  }
0x1e: {  	s7 =	smul.u32 @!p0 $0xF7A, s2;
	p2 =	seq.s32 @!p0 s5, $0x0  }
0x1f: {  	s9 =	smul.u32 $0xF7A, s1;
	s8 =	simm.s32 @!p0 $0x1BF5;
	p2 =	por !p2, p0  }
0x20: {  	[sflag:s8] =	ssyncset.s32 @!p0 $0xFFFFF086;
	s6 =	sadd.s32 @!p0 s3, s7;
	s7 =	simm.s32 @!p0 $0x108  }
0x21: {  	s3 =	sadd.s32 s3, s9;
	s6 =	sadd.s32 @!p0 $0x88, s6;
	s7 =	simm.s32 @p2 $0x1082  }
0x22: {  	[simem:s7], [sflag:s8] =	dma.local @!p0 [hbm:s6], $0xF7A  }
0x23: {  	s9 =	sor.u32 $0xD0000000, s2;
	s6 =	simm.s32 $0x108;
	_ =	swait.ge @!p0 [sflag:s8], $0x0  }
0x24: {  	s3 =	sadd.s32 $0x88, s3;
	s6 =	simm.s32 @!p1 $0x1082;
	[sflag:s4] =	ssyncset.s32 $0xFFFFF086  }
0x25: {  	[simem:s6], [sflag:s4] =	dma.local [hbm:s3], $0xF7A  }
0x26: {  	[smem:$0x3F9F] =	sst s1;
	(tag) =	ssettag s2;
	_ =	strace s9  }
0x27: {  	s1 =	sld [smem:$0x3FAF]  }
0x28: {  	s2 =	sld [smem:$0x3FB0]  }
0x29: {  	s4 =	sld [smem:$0x3FB2]  }
0x2a: {  	p0 =	seq.s32 s5, $0x0;
	s5 =	sld [smem:$0x3FB3]  }
0x2b: {  	s6 =	sld [smem:$0x3FB4]  }
0x2c: {  	s7 =	sld [smem:$0x3FB5]  }
0x2d: {  	s3 =	simm.s32 $0x108;
	s8 =	sld [smem:$0x3FB6]  }
0x2e: {  	s3 =	simm.s32 @!p0 $0x1082;
	s9 =	sld [smem:$0x3FB7]  }
0x2f: {  	lr =	sadd.s32 s0, s3;
	s0 =	sld [smem:$0x3FAE]  }
0x30: {  	s3 =	sld [smem:$0x3FB1]  }
0x31: {  	[smem:$0x3FBA] =	sst s10  }
0x32: {  	s10 =	sld [smem:$0x3FB8];
	_ =	sdelay $0x3  }
0x33: {  	p0 =	seq.s32 s10, $0x1;
	s10 =	sld [smem:$0x3FBA];
	_ =	sdelay $0x3  }
0x34: {  	[smem:$0x3FBA] =	sst s10  }
0x35: {  	s10 =	sld [smem:$0x3FB9];
	_ =	sdelay $0x3  }
0x36: {  	p1 =	seq.s32 s10, $0x1;
	s10 =	sld [smem:$0x3FBA];
	_ =	sdelay $0x3  }
0x37: {  	[smem:$0x3FBA] =	sst s10  }
0x38: {  	s10 =	sld [smem:$0x3FBB]  }
0x39: {  	_ = 	snop;
	(pc) =	sbr.ind lr, $3  }
0x3a: {  	_ = 	snop  }
0x3b: {  	_ = 	snop  }
0x3c: {  	p2 =	seq.s32 s10, $0x1;
	s10 =	sld [smem:$0x3FBA]  }
0x3d: {  	_ =	shalt  }
0x3e: {  	_ =	shalt  }
0x3f: {  	_ =	shalt  }
0x40: {  	_ =	shalt  }
0x41: {  	_ =	shalt  }
0x42: {  	_ =	shalt  }
0x43: {  	_ =	shalt  }
0x44: {  	_ =	shalt  }
0x45: {  	_ =	shalt  }
0x46: {  	_ =	shalt  }
0x47: {  	_ =	shalt  }
0x48: {  	_ =	shalt  }
0x49: {  	_ =	shalt  }
0x4a: {  	_ =	shalt  }
0x4b: {  	_ =	shalt  }
0x4c: {  	_ =	shalt  }
0x4d: {  	_ =	shalt  }
0x4e: {  	_ =	shalt  }
0x4f: {  	_ =	shalt  }
0x50: {  	_ =	shalt  }
0x51: {  	_ =	shalt  }
0x52: {  	_ =	shalt  }
0x53: {  	_ =	shalt  }
0x54: {  	_ =	shalt  }
0x55: {  	_ =	shalt  }
0x56: {  	_ =	shalt  }
0x57: {  	_ =	shalt  }
0x58: {  	_ =	shalt  }
0x59: {  	_ =	shalt  }
0x5a: {  	_ =	shalt  }
0x5b: {  	_ =	shalt  }
0x5c: {  	_ =	shalt  }
0x5d: {  	_ =	shalt  }
0x5e: {  	_ =	shalt  }
0x5f: {  	_ =	shalt  }
0x60: {  	_ =	shalt  }
0x61: {  	_ =	shalt  }
0x62: {  	_ =	shalt  }
0x63: {  	_ =	shalt  }
0x64: {  	_ =	shalt  }
0x65: {  	_ =	shalt  }
0x66: {  	_ =	shalt  }
0x67: {  	_ =	shalt  }
0x68: {  	_ =	shalt  }
0x69: {  	_ =	shalt  }
0x6a: {  	_ =	shalt  }
0x6b: {  	_ =	shalt  }
0x6c: {  	_ =	shalt  }
0x6d: {  	_ =	shalt  }
0x6e: {  	_ =	shalt  }
0x6f: {  	_ =	shalt  }
0x70: {  	_ =	shalt  }
0x71: {  	_ =	shalt  }
0x72: {  	_ =	shalt  }
0x73: {  	_ =	shalt  }
0x74: {  	_ =	shalt  }
0x75: {  	_ =	shalt  }
0x76: {  	_ =	shalt  }
0x77: {  	_ =	shalt  }
0x78: {  	_ =	shalt  }
0x79: {  	_ =	shalt  }
0x7a: {  	_ =	shalt  }
0x7b: {  	_ =	shalt  }
0x7c: {  	_ =	shalt  }
0x7d: {  	_ =	shalt  }
0x7e: {  	_ =	shalt  }
0x7f: {  	_ =	shalt  }
0x80: {  	_ =	shalt  }
0x81: {  	_ =	shalt  }
0x82: {  	_ =	shalt  }
0x83: {  	_ =	shalt  }
0x84: {  	_ =	shalt  }
0x85: {  	_ =	shalt  }
0x86: {  	_ =	shalt  }
0x87: {  	_ =	shalt  }
.Lfunc_end0:
.L_simem_size_0:
called_computation.1_lowered:
.L_overlay_start_0:
0x88: {  	s2 =	sld [smem:$0x3FD9]  }
0x89: {  	s3 =	sld [smem:$0x3FFE];
	_ =	sdelay $0x1  }
0x8a: {  	s1 =	srdreg.scid  }
0x8b: {  	s0 =	sand.u32 $0x1, s1  }
0x8c: {  	s16 =	sshll.u32 s0, $0xA;
	s2 =	sadd.s32 s3, s2  }
0x8d: {  	s2 =	sadd.s32 s2, s16  }
0x8e: {  	[smem:$0x3FC6] =	sst s2  }
0x8f: {  	_ = 	snop  }
0x90: {  	(tm) =	ssettm $0x1  }
0x91: {  	s17 =	sld [smem:$0x3FFB];
	_ =	sdelay $0x3  }
0x92: {  	_ =	strace s17  }
0x93: {  	s2 =	sld [smem:$0x3FFC];
	_ =	sdelay $0x3  }
0x94: {  	_ =	strace s2  }
0x95: {  	s2 =	sld [smem:$0x3FFD];
	_ =	sdelay $0x3  }
0x96: {  	_ =	strace s2  }
0x97: {  	_ =	strace $0x8FFFFFFF  }
0x98: {  	s18 =	sld [smem:$0x3FDB];
	_ =	sdelay $0x1  }
0x99: {  	s19 =	simm.s32 $_scs_section_size  }
0x9a: {  	s4 =	simm.s32 $_size__tile_overlayer_lowered;
	s5 =	simm.s32 $_tile_overlayer_lowered  }
0x9b: {  	s22 =	simm.s32 $0x1BFF;
	s21 =	sshll.u32 s5, $0x1;
	s2 =	sadd.s32 s19, s18  }
0x9c: {  	s6 =	simm.s32 $0x0;
	s20 =	sshll.u32 s4, $0x1;
	s4 =	sadd.s32 s21, s2  }
0x9d: {  	[timem:s6], [sflag:s22] =	dma.local [hbm:s4], s20  }
0x9e: {  	_ =	swait.ge [sflag:s22], s20  }
0x9f: {  	s3 =	ssub.s32 $0x0, s20;
	[sflag:s22] =	ssyncset.done $0x0  }
0xa0: {  	[sflag:s22] =	ssyncadd.s32 s3;
	_ =	sdelay $0x1  }
0xa1: {  	s23 =	simm.s32 $0x1B8B  }
0xa2: {  	_ =	swait.ge [sflag:s23], $0x1  }
0xa3: {  	[sflag:s23] =	ssyncset.done $0x0  }
0xa4: {  	s25 =	simm.s32 $0x1B8E;
	s24 =	sld [smem:$0x3FFE];
	[sflag:s23] =	ssyncadd.s32 $0xFFFFFFFF  }
0xa5: {  	s26 =	simm.s32 $execute0_lowered;
	[smem:$0x3FD2] =	sst s25  }
0xa6: {  	s4 =	sshll.u32 s26, $0x1;
	_ =	strace $0x80000046;
	[dreg:$0x1] =	wrdreg $0xFFFFFFFF  }
0xa7: {  	s28 =	simm.s32 $_size_execute0_lowered;
	s2 =	sadd.s32 s2, s4;
	[dreg:$0x0] =	wrdreg $0x0  }
0xa8: {  	s4 =	sshll.u32 s28, $0x1;
	[dreg:$0x2] =	wrdreg s2  }
0xa9: {  	[dreg:$0x3] =	wrdreg s4  }
0xaa: {  	[dreg:$0x4] =	wrdreg $0xC0  }
0xab: {  	_ =	task [dreg:s6], $0x5FFFF  }
0xac: {  	[dreg:$0x1] =	wrdreg $0xFFFFFFFF  }
0xad: {  	[dreg:$0x0] =	wrdreg $0x60  }
0xae: {  	[dreg:$0x2] =	wrdreg s24  }
0xaf: {  	[dreg:$0x3] =	wrdreg $0x9  }
0xb0: {  	_ =	task.clear_ibuf [dreg:s6], $0x4FFFF;
	_ =	strace $0x90000046  }
0xb1: {  	s29 =	simm.s32 $0x9;
	_ =	strace $0x80000048  }
0xb2: {  	_ =	swait.ge [sflag:s29], $0x1  }
0xb3: {  	[sflag:s29] =	ssyncadd.s32 $0xFFFFFFFF  }
0xb4: {  	_ =	strace $0x90000048  }
0xb5: {  	_ =	sfence  }
0xb6: {  	s30 =	sld [smem:$0x0];
	_ =	sdelay $0x2  }
0xb7: {  	s31 =	sshll.u32 s1, $0xD;
	s1 =	sshrl.u32 s1, $0x2  }
0xb8: {  	s3 =	sand.u32 $0x4000, s31;
	s1 =	sadd.s32 s1, s30  }
0xb9: {  	s0 =	sor.u32 s3, s0;
	s1 =	sshll.u32 s1, $0x11  }
0xba: {  	s0 =	sor.u32 s1, s0  }
0xbb: {  	s0 =	sadd.s32 $0x8F2B, s0  }
0xbc: {  	[sflag:s0] =	ssyncadd.remote.s32 $0x1  }
0xbd: {  	_ =	sfence.sel $0xFFFF  }
0xbe: {  	[dreg:$0x0] =	wrdreg $0xFFFFFFFF;
	(pc) =	sbr.abs _section_cstart, $3  }
0xbf: {  	[dreg:$0x1] =	wrdreg $0xFFFFFFFF  }
0xc0: {  	_ =	task.clear_ibuf [dreg:s6], $0x2FFFF;
	_ =	strace $0x9FFFFFFF  }
0xc1: {  	(tm) =	ssettm $0x7FFFFFFF  }
tec
execute0_lowered:
.L_overlay_start_1:
0x0: {  	(tag) =	ssettag $0x1  }
0x1: {  	s0 =	srdreg.scid;
	s9 =	stileid.u32  }
0x2: {  	s5 =	sand.u32 $0x1, s0;
	s7 =	sshll.u32 s9, $0x1  }
0x3: {  	s0 =	sor.u32 s5, s7  }
0x4: {  	s2 =	smul.u32 $0xC80, s0  }
0x5: {  	s1 =	rddreg [dreg:$0x0];
	s3 =	simm.s32 $0x0;
	s0 =	smul.u32 $0x380000, s0  }
0x6: {  	[smem:$0x7FF] =	sst s3  }
0x7: {  	s4 =	sadd.s32 s2, s1;
	s2 =	sadd.s32 $0xDCE00, s1;
	s0 =	sshrl.u32 s0, $0x3  }
0x8: {  	s3 =	sadd.s32 $0x19800, s1;
	s1 =	sadd.s32 s2, s0;
	s4 =	sadd.s32 $0x800, s4  }
0x9: {  	_ =	strace $0x80000047;
	[dreg:$0x1b] =	wrdreg s4;
	s8 =	sadd.s32 $0x69000, s1  }
0xa: {  	s10 =	sadd.s32 $0x69380, s1;
	[dreg:$0x1c] =	wrdreg s8  }
0xb: {  	s11 =	sadd.s32 $0x69700, s1;
	[dreg:$0x1d] =	wrdreg s10  }
0xc: {  	s13 =	sadd.s32 $0x69A80, s1;
	[dreg:$0x1e] =	wrdreg s11  }
0xd: {  	s14 =	sadd.s32 $0x69E00, s1;
	[dreg:$0x1f] =	wrdreg s13  }
0xe: {  	s31 =	simm.s32 $0x3;
	s16 =	sadd.s32 $0x6A180, s1;
	[smem:$0x7E1] =	sst s14  }
0xf: {  	s12 =	smul.u32 $0x700000, s9;
	s17 =	sadd.s32 $0x6A500, s1;
	[smem:$0x7E2] =	sst s16  }
0x10: {  	s6 =	ssub.s32 $0x2, s5;
	s18 =	sadd.s32 $0x6A880, s1;
	[smem:$0x7E3] =	sst s17  }
0x11: {  	s15 =	smul.u32 $0x380000, s5;
	s19 =	sadd.s32 $0x6AC00, s1;
	[smem:$0x7E4] =	sst s18  }
0x12: {  	s5 =	smul.u32 $0x70000, s5;
	s20 =	sadd.s32 $0x6AF80, s1;
	[smem:$0x7E5] =	sst s19  }
0x13: {  	s7 =	sshrl.u32 s6, $0x1;
	s21 =	sadd.s32 $0x6B300, s1;
	[smem:$0x7E6] =	sst s20  }
0x14: {  	s0 =	ssub.s32 s6, s7;
	s22 =	sadd.s32 $0x6B680, s1;
	[smem:$0x7E7] =	sst s21  }
0x15: {  	s4 =	sadd.s32 s15, s12;
	s24 =	sadd.s32 $0x6BA00, s1;
	[smem:$0x7E8] =	sst s22  }
0x16: {  	s0 =	smax.u32 s0, $0x1;
	s23 =	sor.u32 $0x36400, s4;
	[smem:$0x7E9] =	sst s24  }
0x17: {  	s25 =	sor.u32 $0x34800, s4;
	s8 =	sor.u32 $0x32C00, s4;
	s30 =	sor.u32 $0x31000, s4  }
0x18: {  	s10 =	sor.u32 $0x2F400, s4;
	s11 =	sor.u32 $0x2D800, s4;
	s15 =	sor.u32 $0x2BC00, s4  }
0x19: {  	s17 =	sor.u32 $0x2A000, s4;
	s18 =	sor.u32 $0x28400, s4;
	s22 =	sor.u32 $0x26800, s4  }
0x1a: {  	s24 =	sor.u32 $0x24C00, s4;
	[smem:$0x7FD] =	sst s0;
	s6 =	sshrl.u32 s23, $0x3  }
0x1b: {  	s7 =	sshrl.u32 s25, $0x3;
	s28 =	sshrl.u32 s8, $0x3;
	s8 =	sshrl.u32 s30, $0x3  }
0x1c: {  	s13 =	sshrl.u32 s11, $0x3;
	s16 =	sshrl.u32 s15, $0x3;
	s20 =	sshrl.u32 s18, $0x3  }
0x1d: {  	s23 =	sshrl.u32 s22, $0x3;
	s25 =	sor.u32 $0x23000, s4;
	s30 =	sor.u32 $0x21400, s4  }
0x1e: {  	s11 =	sadd.s32 $0x6BD80, s1;
	s15 =	sor.u32 $0x18800, s4;
	s22 =	sor.u32 $0x13400, s4  }
0x1f: {  	s6 =	sadd.s32 s6, s2;
	s26 =	sadd.s32 s7, s2;
	[smem:$0x7EA] =	sst s11  }
0x20: {  	s29 =	sadd.s32 s28, s2;
	s7 =	sshrl.u32 s10, $0x3;
	[dreg:$0x2] =	wrdreg s6  }
0x21: {  	s14 =	sadd.s32 s13, s2;
	s21 =	sadd.s32 s20, s2;
	[dreg:$0x3] =	wrdreg s26  }
0x22: {  	s28 =	sshrl.u32 s25, $0x3;
	s10 =	smul.u32 $0xE0000, s9;
	[dreg:$0x4] =	wrdreg s29  }
0x23: {  	s13 =	sor.u32 $0x1A400, s4;
	s9 =	sor.u32 $0xC400, s4;
	[dreg:$0x7] =	wrdreg s14  }
0x24: {  	s11 =	sor.u32 $0xA800, s4;
	s6 =	sadd.s32 s8, s2;
	[dreg:$0xa] =	wrdreg s21  }
0x25: {  	s12 =	sadd.s32 s7, s2;
	s7 =	sshrl.u32 s17, $0x3;
	[dreg:$0x5] =	wrdreg s6  }
0x26: {  	s29 =	sadd.s32 s28, s2;
	s14 =	sshrl.u32 s13, $0x3;
	[dreg:$0x6] =	wrdreg s12  }
0x27: {  	s17 =	sshrl.u32 s15, $0x3;
	s15 =	sadd.s32 $0x6C800, s1;
	[dreg:$0xd] =	wrdreg s29  }
0x28: {  	s21 =	sor.u32 $0x15000, s4;
	s6 =	sadd.s32 s16, s2;
	[smem:$0x7ED] =	sst s15  }
0x29: {  	s19 =	sadd.s32 s7, s2;
	s7 =	sshrl.u32 s24, $0x3;
	[dreg:$0x8] =	wrdreg s6  }
0x2a: {  	s12 =	sadd.s32 s10, s2;
	s16 =	sadd.s32 s14, s2;
	[dreg:$0x9] =	wrdreg s19  }
0x2b: {  	s18 =	sadd.s32 s17, s2;
	s24 =	sshrl.u32 s22, $0x3;
	[dreg:$0x10] =	wrdreg s16  }
0x2c: {  	s29 =	sor.u32 $0xFC00, s4;
	s14 =	sadd.s32 $0x6C480, s1;
	[dreg:$0x11] =	wrdreg s18  }
0x2d: {  	s10 =	sshrl.u32 s9, $0x3;
	s17 =	sadd.s32 $0x6CF00, s1;
	[smem:$0x7EC] =	sst s14  }
0x2e: {  	s22 =	sadd.s32 $0x6E080, s1;
	s9 =	simm.s32 $0x320;
	[smem:$0x7EF] =	sst s17  }
0x2f: {  	s15 =	simm.s32 $0x19000;
	s6 =	sadd.s32 s23, s2;
	[smem:$0x7F4] =	sst s22  }
0x30: {  	s26 =	sadd.s32 s7, s2;
	s7 =	sshrl.u32 s30, $0x3;
	[dreg:$0xb] =	wrdreg s6  }
0x31: {  	s5 =	sadd.s32 s5, s12;
	s19 =	sor.u32 $0x16C00, s4;
	[dreg:$0xc] =	wrdreg s26  }
0x32: {  	s25 =	sadd.s32 s24, s2;
	s30 =	sor.u32 $0xE000, s4;
	[dreg:$0xf] =	wrdreg s5  }
0x33: {  	s12 =	sadd.s32 $0x6C100, s1;
	s16 =	sadd.s32 $0x6CB80, s1;
	[dreg:$0x14] =	wrdreg s25  }
0x34: {  	s18 =	sadd.s32 $0x6D280, s1;
	s24 =	sadd.s32 $0x6E780, s1;
	[smem:$0x7EB] =	sst s12  }
0x35: {  	s14 =	simm.s32 $0x80;
	s17 =	simm.s32 $0x1A900;
	[smem:$0x7EE] =	sst s16  }
0x36: {  	s22 =	simm.s32 $0x1E780;
	s6 =	sadd.s32 s7, s2;
	[smem:$0x7F0] =	sst s18  }
0x37: {  	s20 =	sshrl.u32 s19, $0x3;
	s26 =	sor.u32 $0x11800, s4;
	[smem:$0x7F6] =	sst s24  }
0x38: {  	s7 =	sshrl.u32 s30, $0x3;
	s19 =	sadd.s32 $0x6D600, s1;
	[dreg:$0xe] =	wrdreg s6  }
0x39: {  	s4 =	sor.u32 $0x8C00, s4;
	s25 =	sadd.s32 $0x6EB00, s1;
	[smem:$0x7F1] =	sst s19  }
0x3a: {  	s30 =	sadd.s32 $0x6F900, s1;
	s12 =	simm.s32 $0x1;
	[smem:$0x7F7] =	sst s25  }
0x3b: {  	s16 =	simm.s32 $0x19C80;
	s5 =	sadd.s32 s20, s2;
	[smem:$0x7FB] =	sst s30  }
0x3c: {  	s18 =	simm.s32 $0x1B580;
	s8 =	sadd.s32 s7, s2;
	[dreg:$0x12] =	wrdreg s5  }
0x3d: {  	s6 =	sshrl.u32 s21, $0x3;
	s20 =	sadd.s32 $0x6D980, s1;
	[dreg:$0x17] =	wrdreg s8  }
0x3e: {  	s28 =	sshrl.u32 s26, $0x3;
	s21 =	sadd.s32 $0x6DD00, s1;
	[smem:$0x7F2] =	sst s20  }
0x3f: {  	s4 =	sshrl.u32 s4, $0x3;
	s26 =	sadd.s32 $0x6EE80, s1;
	[smem:$0x7F3] =	sst s21  }
0x40: {  	s7 =	simm.s32 $0x17700;
	s23 =	sadd.s32 s6, s2;
	[smem:$0x7F8] =	sst s26  }
0x41: {  	s19 =	simm.s32 $0x1C200;
	s5 =	sadd.s32 s28, s2;
	[dreg:$0x13] =	wrdreg s23  }
0x42: {  	s6 =	sshrl.u32 s29, $0x3;
	s28 =	sadd.s32 $0x6F200, s1;
	[dreg:$0x15] =	wrdreg s5  }
0x43: {  	s29 =	sadd.s32 $0x6F580, s1;
	s8 =	simm.s32 $0x18380;
	[smem:$0x7F9] =	sst s28  }
0x44: {  	s20 =	simm.s32 $0x1CE80;
	s6 =	sadd.s32 s6, s2;
	[smem:$0x7FA] =	sst s29  }
0x45: {  	s21 =	simm.s32 $0x1DB00;
	s5 =	sadd.s32 s10, s2;
	[dreg:$0x16] =	wrdreg s6  }
0x46: {  	s23 =	sadd.s32 $0x6E400, s1;
	s1 =	sadd.s32 $0x6FC80, s1;
	[dreg:$0x18] =	wrdreg s5  }
0x47: {  	s10 =	simm.s32 $0x6400;
	s6 =	sshrl.u32 s11, $0x3;
	[smem:$0x7F5] =	sst s23  }
0x48: {  	[smem:$0x7FC] =	sst s1;
	s11 =	simm.s32 $0x12C00;
	s1 =	simm.s32 $0x2  }
0x49: {  	s5 =	simm.s32 $0x15E00;
	s23 =	simm.s32 $0x4;
	s13 =	sadd.s32 s6, s2  }
0x4a: {  	s2 =	sadd.s32 s4, s2;
	s6 =	simm.s32 $0x16A80;
	[dreg:$0x19] =	wrdreg s13  }
0x4b: {  	[dreg:$0x1a] =	wrdreg s2;
	s13 =	simm.s32 $0x40;
	s2 =	simm.s32 $0x0  }
.LBB2_1:
0x4c: {  	[smem:$0x7E0] =	sst s2  }
0x4d: {  	s0 =	simm.s32 $0x0;
	s29 =	rddreg [dreg:$0x1b];
	s30 =	simm.s32 $0x5  }
0x4e: {  	[tilespmem:s0], [sflag:$0x5] =	stream.linear.gather [hbm4b:s29+s0], $0x6400, $0x38;
	[tilespmem:$0x1F400] =	vst v63  }
0x4f: {  	_ =	swait.ge [sflag:s30], $0x6400  }
0x50: {  	[sflag:s30] =	ssyncset.done $0x0  }
0x51: {  	[sflag:s30] =	ssyncadd.s32 $0xFFFF9C00  }
0x52: {  	[tilespmem:s10], [sflag:$0x1] =	stream.indirect.gather [hbm4b:s3+s9], $0x40, s0, s9, $0xb8;
	[tilespmem:$0x1F400] =	vst v63  }
0x53: {  	_ = 	snop  }
0x54: {  	[tilespmem:s11], [sflag:$0x2] =	stream.indirect.gather [hbm4b:s3+s9], $0x40, s9, s9, $0xb8;
	[tilespmem:$0x1F400] =	vst v63  }
0x55: {  	_ =	swait.ge [sflag:s12], $0xC800  }
0x56: {  	s24 =	rddreg [dreg:$0xf];
	[sflag:s12] =	ssyncset.done $0x0  }
0x57: {  	[sflag:s12] =	ssyncadd.s32 $0xFFFF3800;
	s24 =	sadd.s32 $0x0, s24  }
0x58: {  	[hbm4b:s24+s13] =	stream.strided.scatter [tilespmem:s10], [sflag:$0x3], $0xC80, s14, s13, $0x38;
	[tilespmem:$0x1F400] =	vst v63  }
0x59: {  	s4 =	simm.s32 $0x7080;
	s25 =	sadd.s32 $0x380, s24  }
0x5a: {  	[hbm4b:s25+s13] =	stream.strided.scatter [tilespmem:s4], [sflag:$0x3], $0xC80, s14, s13, $0x38;
	[tilespmem:$0x1F400] =	vst v63  }
0x5b: {  	s28 =	simm.s32 $0x7D00;
	s26 =	sadd.s32 $0x700, s24  }
0x5c: {  	[hbm4b:s26+s13] =	stream.strided.scatter [tilespmem:s28], [sflag:$0x3], $0xC80, s14, s13, $0x38;
	[tilespmem:$0x1F400] =	vst v63  }
0x5d: {  	s30 =	simm.s32 $0x8980;
	s29 =	sadd.s32 $0xA80, s24  }
0x5e: {  	[hbm4b:s29+s13] =	stream.strided.scatter [tilespmem:s30], [sflag:$0x3], $0xC80, s14, s13, $0x38;
	[tilespmem:$0x1F400] =	vst v63  }
0x5f: {  	s2 =	sadd.s32 $0xE00, s24;
	s4 =	simm.s32 $0x9600;
	s26 =	rddreg [dreg:$0x1a]  }
0x60: {  	[hbm4b:s2+s13] =	stream.strided.scatter [tilespmem:s4], [sflag:$0x3], $0xC80, s14, s13, $0x38;
	[tilespmem:$0x1F400] =	vst v63  }
0x61: {  	s28 =	rddreg [dreg:$0x19];
	s26 =	sadd.s32 $0x0, s26;
	s29 =	simm.s32 $0xA280  }
0x62: {  	[hbm4b:s26+s13] =	stream.strided.scatter [tilespmem:s29], [sflag:$0x3], $0xC80, s14, s13, $0x38;
	[tilespmem:$0x1F400] =	vst v63  }
0x63: {  	s25 =	sadd.s32 $0x0, s28;
	s30 =	rddreg [dreg:$0x18];
	s2 =	simm.s32 $0xAF00  }
0x64: {  	[hbm4b:s25+s13] =	stream.strided.scatter [tilespmem:s2], [sflag:$0x3], $0xC80, s14, s13, $0x38;
	[tilespmem:$0x1F400] =	vst v63  }
0x65: {  	s28 =	simm.s32 $0xBB80;
	s4 =	rddreg [dreg:$0x17];
	s26 =	sadd.s32 $0x0, s30  }
0x66: {  	[hbm4b:s26+s13] =	stream.strided.scatter [tilespmem:s28], [sflag:$0x3], $0xC80, s14, s13, $0x38;
	[tilespmem:$0x1F400] =	vst v63  }
0x67: {  	s29 =	rddreg [dreg:$0x16];
	s30 =	simm.s32 $0xC800;
	s25 =	sadd.s32 $0x0, s4  }
0x68: {  	[hbm4b:s25+s13] =	stream.strided.scatter [tilespmem:s30], [sflag:$0x3], $0xC80, s14, s13, $0x38;
	[tilespmem:$0x1F400] =	vst v63  }
0x69: {  	s2 =	rddreg [dreg:$0x15];
	s4 =	simm.s32 $0xD480;
	s26 =	sadd.s32 $0x0, s29  }
0x6a: {  	[hbm4b:s26+s13] =	stream.strided.scatter [tilespmem:s4], [sflag:$0x3], $0xC80, s14, s13, $0x38;
	[tilespmem:$0x1F400] =	vst v63  }
0x6b: {  	s28 =	rddreg [dreg:$0x14];
	s29 =	simm.s32 $0xE100;
	s25 =	sadd.s32 $0x0, s2  }
0x6c: {  	[hbm4b:s25+s13] =	stream.strided.scatter [tilespmem:s29], [sflag:$0x3], $0xC80, s14, s13, $0x38;
	[tilespmem:$0x1F400] =	vst v63  }
0x6d: {  	s30 =	rddreg [dreg:$0x13];
	s2 =	simm.s32 $0xED80;
	s26 =	sadd.s32 $0x0, s28  }
0x6e: {  	[hbm4b:s26+s13] =	stream.strided.scatter [tilespmem:s2], [sflag:$0x3], $0xC80, s14, s13, $0x38;
	[tilespmem:$0x1F400] =	vst v63  }
0x6f: {  	s4 =	rddreg [dreg:$0x12];
	s28 =	simm.s32 $0xFA00;
	s25 =	sadd.s32 $0x0, s30  }
0x70: {  	[hbm4b:s25+s13] =	stream.strided.scatter [tilespmem:s28], [sflag:$0x3], $0xC80, s14, s13, $0x38;
	[tilespmem:$0x1F400] =	vst v63  }
0x71: {  	s29 =	rddreg [dreg:$0x11];
	s30 =	simm.s32 $0x10680;
	s26 =	sadd.s32 $0x0, s4  }
0x72: {  	[hbm4b:s26+s13] =	stream.strided.scatter [tilespmem:s30], [sflag:$0x3], $0xC80, s14, s13, $0x38;
	[tilespmem:$0x1F400] =	vst v63  }
0x73: {  	s2 =	rddreg [dreg:$0x10];
	s4 =	simm.s32 $0x11300;
	s25 =	sadd.s32 $0x0, s29  }
0x74: {  	[hbm4b:s25+s13] =	stream.strided.scatter [tilespmem:s4], [sflag:$0x3], $0xC80, s14, s13, $0x38;
	[tilespmem:$0x1F400] =	vst v63  }
0x75: {  	s28 =	sadd.s32 $0x0, s2;
	s29 =	simm.s32 $0x11F80  }
0x76: {  	[hbm4b:s28+s13] =	stream.strided.scatter [tilespmem:s29], [sflag:$0x3], $0xC80, s14, s13, $0x38;
	[tilespmem:$0x1F400] =	vst v63  }
0x77: {  	_ =	swait.ge [sflag:s31], $0xC80  }
0x78: {  	[sflag:s31] =	ssyncset.done $0x0  }
0x79: {  	[sflag:s31] =	ssyncadd.s32 $0xFFFFF380  }
0x7a: {  	_ =	swait.ge [sflag:s31], $0xC80  }
0x7b: {  	[sflag:s31] =	ssyncset.done $0x0  }
0x7c: {  	[sflag:s31] =	ssyncadd.s32 $0xFFFFF380  }
0x7d: {  	_ =	swait.ge [sflag:s31], $0xC80  }
0x7e: {  	[sflag:s31] =	ssyncset.done $0x0  }
0x7f: {  	[sflag:s31] =	ssyncadd.s32 $0xFFFFF380  }
0x80: {  	_ =	swait.ge [sflag:s31], $0xC80  }
0x81: {  	[sflag:s31] =	ssyncset.done $0x0  }
0x82: {  	[sflag:s31] =	ssyncadd.s32 $0xFFFFF380  }
0x83: {  	_ =	swait.ge [sflag:s31], $0xC80  }
0x84: {  	[sflag:s31] =	ssyncset.done $0x0  }
0x85: {  	[sflag:s31] =	ssyncadd.s32 $0xFFFFF380  }
0x86: {  	_ =	swait.ge [sflag:s31], $0xC80  }
0x87: {  	[sflag:s31] =	ssyncset.done $0x0  }
0x88: {  	[sflag:s31] =	ssyncadd.s32 $0xFFFFF380  }
0x89: {  	_ =	swait.ge [sflag:s31], $0xC80  }
0x8a: {  	[sflag:s31] =	ssyncset.done $0x0  }
0x8b: {  	[sflag:s31] =	ssyncadd.s32 $0xFFFFF380  }
0x8c: {  	_ =	swait.ge [sflag:s31], $0xC80  }
0x8d: {  	[sflag:s31] =	ssyncset.done $0x0  }
0x8e: {  	[sflag:s31] =	ssyncadd.s32 $0xFFFFF380  }
0x8f: {  	_ =	swait.ge [sflag:s31], $0xC80  }
0x90: {  	[sflag:s31] =	ssyncset.done $0x0  }
0x91: {  	[sflag:s31] =	ssyncadd.s32 $0xFFFFF380  }
0x92: {  	_ =	swait.ge [sflag:s31], $0xC80  }
0x93: {  	[sflag:s31] =	ssyncset.done $0x0  }
0x94: {  	[sflag:s31] =	ssyncadd.s32 $0xFFFFF380  }
0x95: {  	_ =	swait.ge [sflag:s31], $0xC80  }
0x96: {  	[sflag:s31] =	ssyncset.done $0x0  }
0x97: {  	[sflag:s31] =	ssyncadd.s32 $0xFFFFF380  }
0x98: {  	_ =	swait.ge [sflag:s31], $0xC80  }
0x99: {  	[sflag:s31] =	ssyncset.done $0x0  }
0x9a: {  	[sflag:s31] =	ssyncadd.s32 $0xFFFFF380  }
0x9b: {  	_ =	swait.ge [sflag:s31], $0xC80  }
0x9c: {  	[sflag:s31] =	ssyncset.done $0x0  }
0x9d: {  	[sflag:s31] =	ssyncadd.s32 $0xFFFFF380  }
0x9e: {  	_ =	swait.ge [sflag:s31], $0xC80  }
0x9f: {  	[sflag:s31] =	ssyncset.done $0x0  }
0xa0: {  	[sflag:s31] =	ssyncadd.s32 $0xFFFFF380  }
0xa1: {  	_ =	swait.ge [sflag:s31], $0xC80  }
0xa2: {  	[sflag:s31] =	ssyncset.done $0x0  }
0xa3: {  	[sflag:s31] =	ssyncadd.s32 $0xFFFFF380  }
0xa4: {  	_ =	swait.ge [sflag:s31], $0xC80  }
0xa5: {  	[sflag:s31] =	ssyncset.done $0x0  }
0xa6: {  	s30 =	simm.s32 $0x640;
	[sflag:s31] =	ssyncadd.s32 $0xFFFFF380  }
0xa7: {  	[tilespmem:s10], [sflag:$0x1] =	stream.indirect.gather [hbm4b:s3+s9], $0x40, s30, s9, $0xb8;
	[tilespmem:$0x1F400] =	vst v63  }
0xa8: {  	_ =	swait.ge [sflag:s1], $0xC800  }
0xa9: {  	[sflag:s1] =	ssyncset.done $0x0  }
0xaa: {  	s0 =	sadd.s32 $0x3800, s24;
	[sflag:s1] =	ssyncadd.s32 $0xFFFF3800  }
0xab: {  	[hbm4b:s0+s13] =	stream.strided.scatter [tilespmem:s11], [sflag:$0x4], $0xC80, s14, s13, $0x38;
	[tilespmem:$0x1F400] =	vst v63  }
0xac: {  	s2 =	sadd.s32 $0x3B80, s24;
	s28 =	simm.s32 $0x13880  }
0xad: {  	[hbm4b:s2+s13] =	stream.strided.scatter [tilespmem:s28], [sflag:$0x4], $0xC80, s14, s13, $0x38;
	[tilespmem:$0x1F400] =	vst v63  }
0xae: {  	s24 =	sadd.s32 $0x3F00, s24;
	s30 =	simm.s32 $0x14500;
	s4 =	rddreg [dreg:$0xe]  }
0xaf: {  	[hbm4b:s24+s13] =	stream.strided.scatter [tilespmem:s30], [sflag:$0x4], $0xC80, s14, s13, $0x38;
	[tilespmem:$0x1F400] =	vst v63  }
0xb0: {  	s29 =	rddreg [dreg:$0xd];
	s0 =	sadd.s32 $0x0, s4;
	s4 =	simm.s32 $0x15180  }
0xb1: {  	[hbm4b:s0+s13] =	stream.strided.scatter [tilespmem:s4], [sflag:$0x4], $0xC80, s14, s13, $0x38;
	[tilespmem:$0x1F400] =	vst v63  }
0xb2: {  	s2 =	rddreg [dreg:$0xc];
	s28 =	sadd.s32 $0x0, s29  }
0xb3: {  	[hbm4b:s28+s13] =	stream.strided.scatter [tilespmem:s5], [sflag:$0x4], $0xC80, s14, s13, $0x38;
	[tilespmem:$0x1F400] =	vst v63  }
0xb4: {  	s29 =	rddreg [dreg:$0xb];
	s30 =	sadd.s32 $0x0, s2  }
0xb5: {  	[hbm4b:s30+s13] =	stream.strided.scatter [tilespmem:s6], [sflag:$0x4], $0xC80, s14, s13, $0x38;
	[tilespmem:$0x1F400] =	vst v63  }
0xb6: {  	s2 =	sadd.s32 $0x0, s29;
	s0 =	rddreg [dreg:$0xa]  }
0xb7: {  	[hbm4b:s2+s13] =	stream.strided.scatter [tilespmem:s7], [sflag:$0x4], $0xC80, s14, s13, $0x38;
	[tilespmem:$0x1F400] =	vst v63  }
0xb8: {  	s4 =	rddreg [dreg:$0x9];
	s28 =	sadd.s32 $0x0, s0  }
0xb9: {  	[hbm4b:s28+s13] =	stream.strided.scatter [tilespmem:s8], [sflag:$0x4], $0xC80, s14, s13, $0x38;
	[tilespmem:$0x1F400] =	vst v63  }
0xba: {  	s29 =	rddreg [dreg:$0x8];
	s30 =	sadd.s32 $0x0, s4  }
0xbb: {  	[hbm4b:s30+s13] =	stream.strided.scatter [tilespmem:s15], [sflag:$0x4], $0xC80, s14, s13, $0x38;
	[tilespmem:$0x1F400] =	vst v63  }
0xbc: {  	s0 =	rddreg [dreg:$0x7];
	s2 =	sadd.s32 $0x0, s29  }
0xbd: {  	[hbm4b:s2+s13] =	stream.strided.scatter [tilespmem:s16], [sflag:$0x4], $0xC80, s14, s13, $0x38;
	[tilespmem:$0x1F400] =	vst v63  }
0xbe: {  	s4 =	rddreg [dreg:$0x6];
	s28 =	sadd.s32 $0x0, s0  }
0xbf: {  	[hbm4b:s28+s13] =	stream.strided.scatter [tilespmem:s17], [sflag:$0x4], $0xC80, s14, s13, $0x38;
	[tilespmem:$0x1F400] =	vst v63  }
0xc0: {  	s29 =	rddreg [dreg:$0x5];
	s30 =	sadd.s32 $0x0, s4  }
0xc1: {  	[hbm4b:s30+s13] =	stream.strided.scatter [tilespmem:s18], [sflag:$0x4], $0xC80, s14, s13, $0x38;
	[tilespmem:$0x1F400] =	vst v63  }
0xc2: {  	s0 =	rddreg [dreg:$0x4];
	s2 =	sadd.s32 $0x0, s29  }
0xc3: {  	[hbm4b:s2+s13] =	stream.strided.scatter [tilespmem:s19], [sflag:$0x4], $0xC80, s14, s13, $0x38;
	[tilespmem:$0x1F400] =	vst v63  }
0xc4: {  	s26 =	sadd.s32 $0x0, s0;
	s4 =	rddreg [dreg:$0x3]  }
0xc5: {  	[hbm4b:s26+s13] =	stream.strided.scatter [tilespmem:s20], [sflag:$0x4], $0xC80, s14, s13, $0x38;
	[tilespmem:$0x1F400] =	vst v63  }
0xc6: {  	s29 =	sadd.s32 $0x0, s4;
	s28 =	rddreg [dreg:$0x2]  }
0xc7: {  	[hbm4b:s29+s13] =	stream.strided.scatter [tilespmem:s21], [sflag:$0x4], $0xC80, s14, s13, $0x38;
	[tilespmem:$0x1F400] =	vst v63  }
0xc8: {  	s30 =	sadd.s32 $0x0, s28  }
0xc9: {  	[hbm4b:s30+s13] =	stream.strided.scatter [tilespmem:s22], [sflag:$0x4], $0xC80, s14, s13, $0x38;
	[tilespmem:$0x1F400] =	vst v63  }
0xca: {  	_ =	swait.ge [sflag:s23], $0xC80  }
0xcb: {  	[sflag:s23] =	ssyncset.done $0x0  }
0xcc: {  	[sflag:s23] =	ssyncadd.s32 $0xFFFFF380  }
0xcd: {  	_ =	swait.ge [sflag:s23], $0xC80  }
0xce: {  	[sflag:s23] =	ssyncset.done $0x0  }
0xcf: {  	[sflag:s23] =	ssyncadd.s32 $0xFFFFF380  }
0xd0: {  	_ =	swait.ge [sflag:s23], $0xC80  }
0xd1: {  	[sflag:s23] =	ssyncset.done $0x0  }
0xd2: {  	[sflag:s23] =	ssyncadd.s32 $0xFFFFF380  }
0xd3: {  	_ =	swait.ge [sflag:s23], $0xC80  }
0xd4: {  	[sflag:s23] =	ssyncset.done $0x0  }
0xd5: {  	[sflag:s23] =	ssyncadd.s32 $0xFFFFF380  }
0xd6: {  	_ =	swait.ge [sflag:s23], $0xC80  }
0xd7: {  	[sflag:s23] =	ssyncset.done $0x0  }
0xd8: {  	[sflag:s23] =	ssyncadd.s32 $0xFFFFF380  }
0xd9: {  	_ =	swait.ge [sflag:s23], $0xC80  }
0xda: {  	[sflag:s23] =	ssyncset.done $0x0  }
0xdb: {  	[sflag:s23] =	ssyncadd.s32 $0xFFFFF380  }
0xdc: {  	_ =	swait.ge [sflag:s23], $0xC80  }
0xdd: {  	[sflag:s23] =	ssyncset.done $0x0  }
0xde: {  	[sflag:s23] =	ssyncadd.s32 $0xFFFFF380  }
0xdf: {  	_ =	swait.ge [sflag:s23], $0xC80  }
0xe0: {  	[sflag:s23] =	ssyncset.done $0x0  }
0xe1: {  	[sflag:s23] =	ssyncadd.s32 $0xFFFFF380  }
0xe2: {  	_ =	swait.ge [sflag:s23], $0xC80  }
0xe3: {  	[sflag:s23] =	ssyncset.done $0x0  }
0xe4: {  	[sflag:s23] =	ssyncadd.s32 $0xFFFFF380  }
0xe5: {  	_ =	swait.ge [sflag:s23], $0xC80  }
0xe6: {  	[sflag:s23] =	ssyncset.done $0x0  }
0xe7: {  	[sflag:s23] =	ssyncadd.s32 $0xFFFFF380  }
0xe8: {  	_ =	swait.ge [sflag:s23], $0xC80  }
0xe9: {  	[sflag:s23] =	ssyncset.done $0x0  }
0xea: {  	[sflag:s23] =	ssyncadd.s32 $0xFFFFF380  }
0xeb: {  	_ =	swait.ge [sflag:s23], $0xC80  }
0xec: {  	[sflag:s23] =	ssyncset.done $0x0  }
0xed: {  	[sflag:s23] =	ssyncadd.s32 $0xFFFFF380  }
0xee: {  	_ =	swait.ge [sflag:s23], $0xC80  }
0xef: {  	[sflag:s23] =	ssyncset.done $0x0  }
0xf0: {  	[sflag:s23] =	ssyncadd.s32 $0xFFFFF380  }
0xf1: {  	_ =	swait.ge [sflag:s23], $0xC80  }
0xf2: {  	[sflag:s23] =	ssyncset.done $0x0  }
0xf3: {  	[sflag:s23] =	ssyncadd.s32 $0xFFFFF380  }
0xf4: {  	_ =	swait.ge [sflag:s23], $0xC80  }
0xf5: {  	[sflag:s23] =	ssyncset.done $0x0  }
0xf6: {  	[sflag:s23] =	ssyncadd.s32 $0xFFFFF380  }
0xf7: {  	_ =	swait.ge [sflag:s23], $0xC80  }
0xf8: {  	s25 =	simm.s32 $0x7000;
	[sflag:s23] =	ssyncset.done $0x0  }
0xf9: {  	s24 =	simm.s32 $0x960;
	s26 =	simm.s32 $0xFA0;
	[sflag:s23] =	ssyncadd.s32 $0xFFFFF380  }
.LBB2_2:
0xfa: {  	[tilespmem:s11], [sflag:$0x2] =	stream.indirect.gather [hbm4b:s3+s9], $0x40, s24, s9, $0xb8;
	[tilespmem:$0x1F400] =	vst v63  }
0xfb: {  	_ =	swait.ge [sflag:s12], $0xC800  }
0xfc: {  	s28 =	smov.u32 s25;
	s29 =	rddreg [dreg:$0xf];
	[sflag:s12] =	ssyncset.done $0x0  }
0xfd: {  	[sflag:s12] =	ssyncadd.s32 $0xFFFF3800;
	s29 =	sadd.s32 s28, s29  }
0xfe: {  	[hbm4b:s29+s13] =	stream.strided.scatter [tilespmem:s10], [sflag:$0x3], $0xC80, s14, s13, $0x38;
	[tilespmem:$0x1F400] =	vst v63  }
0xff: {  	s0 =	simm.s32 $0x7080;
	s30 =	sadd.s32 $0x380, s29  }
0x100: {  	[hbm4b:s30+s13] =	stream.strided.scatter [tilespmem:s0], [sflag:$0x3], $0xC80, s14, s13, $0x38;
	[tilespmem:$0x1F400] =	vst v63  }
0x101: {  	s2 =	simm.s32 $0x7D00;
	s0 =	sadd.s32 $0x700, s29  }
0x102: {  	[hbm4b:s0+s13] =	stream.strided.scatter [tilespmem:s2], [sflag:$0x3], $0xC80, s14, s13, $0x38;
	[tilespmem:$0x1F400] =	vst v63  }
0x103: {  	s4 =	sadd.s32 $0xA80, s29;
	s2 =	simm.s32 $0x8980  }
0x104: {  	[hbm4b:s4+s13] =	stream.strided.scatter [tilespmem:s2], [sflag:$0x3], $0xC80, s14, s13, $0x38;
	[tilespmem:$0x1F400] =	vst v63  }
0x105: {  	s30 =	sadd.s32 $0xE00, s29;
	s0 =	rddreg [dreg:$0x1a];
	s4 =	simm.s32 $0x9600  }
0x106: {  	[hbm4b:s30+s13] =	stream.strided.scatter [tilespmem:s4], [sflag:$0x3], $0xC80, s14, s13, $0x38;
	[tilespmem:$0x1F400] =	vst v63  }
0x107: {  	s0 =	sadd.s32 s28, s0;
	s2 =	rddreg [dreg:$0x19];
	s4 =	simm.s32 $0xA280  }
0x108: {  	[hbm4b:s0+s13] =	stream.strided.scatter [tilespmem:s4], [sflag:$0x3], $0xC80, s14, s13, $0x38;
	[tilespmem:$0x1F400] =	vst v63  }
0x109: {  	s30 =	rddreg [dreg:$0x18];
	s0 =	sadd.s32 s28, s2;
	s4 =	simm.s32 $0xAF00  }
0x10a: {  	[hbm4b:s0+s13] =	stream.strided.scatter [tilespmem:s4], [sflag:$0x3], $0xC80, s14, s13, $0x38;
	[tilespmem:$0x1F400] =	vst v63  }
0x10b: {  	s2 =	rddreg [dreg:$0x17];
	s0 =	sadd.s32 s28, s30;
	s4 =	simm.s32 $0xBB80  }
0x10c: {  	[hbm4b:s0+s13] =	stream.strided.scatter [tilespmem:s4], [sflag:$0x3], $0xC80, s14, s13, $0x38;
	[tilespmem:$0x1F400] =	vst v63  }
0x10d: {  	s30 =	rddreg [dreg:$0x16];
	s0 =	sadd.s32 s28, s2;
	s4 =	simm.s32 $0xC800  }
0x10e: {  	[hbm4b:s0+s13] =	stream.strided.scatter [tilespmem:s4], [sflag:$0x3], $0xC80, s14, s13, $0x38;
	[tilespmem:$0x1F400] =	vst v63  }
0x10f: {  	s2 =	rddreg [dreg:$0x15];
	s0 =	sadd.s32 s28, s30;
	s4 =	simm.s32 $0xD480  }
0x110: {  	[hbm4b:s0+s13] =	stream.strided.scatter [tilespmem:s4], [sflag:$0x3], $0xC80, s14, s13, $0x38;
	[tilespmem:$0x1F400] =	vst v63  }
0x111: {  	s30 =	rddreg [dreg:$0x14];
	s0 =	sadd.s32 s28, s2;
	s4 =	simm.s32 $0xE100  }
0x112: {  	[hbm4b:s0+s13] =	stream.strided.scatter [tilespmem:s4], [sflag:$0x3], $0xC80, s14, s13, $0x38;
	[tilespmem:$0x1F400] =	vst v63  }
0x113: {  	s2 =	rddreg [dreg:$0x13];
	s0 =	sadd.s32 s28, s30;
	s4 =	simm.s32 $0xED80  }
0x114: {  	[hbm4b:s0+s13] =	stream.strided.scatter [tilespmem:s4], [sflag:$0x3], $0xC80, s14, s13, $0x38;
	[tilespmem:$0x1F400] =	vst v63  }
0x115: {  	s30 =	rddreg [dreg:$0x12];
	s0 =	sadd.s32 s28, s2;
	s4 =	simm.s32 $0xFA00  }
0x116: {  	[hbm4b:s0+s13] =	stream.strided.scatter [tilespmem:s4], [sflag:$0x3], $0xC80, s14, s13, $0x38;
	[tilespmem:$0x1F400] =	vst v63  }
0x117: {  	s2 =	rddreg [dreg:$0x11];
	s0 =	sadd.s32 s28, s30;
	s4 =	simm.s32 $0x10680  }
0x118: {  	[hbm4b:s0+s13] =	stream.strided.scatter [tilespmem:s4], [sflag:$0x3], $0xC80, s14, s13, $0x38;
	[tilespmem:$0x1F400] =	vst v63  }
0x119: {  	s2 =	sadd.s32 s28, s2;
	s30 =	rddreg [dreg:$0x10];
	s4 =	simm.s32 $0x11300  }
0x11a: {  	[hbm4b:s2+s13] =	stream.strided.scatter [tilespmem:s4], [sflag:$0x3], $0xC80, s14, s13, $0x38;
	[tilespmem:$0x1F400] =	vst v63  }
0x11b: {  	s2 =	sadd.s32 s28, s30;
	s4 =	simm.s32 $0x11F80  }
0x11c: {  	[hbm4b:s2+s13] =	stream.strided.scatter [tilespmem:s4], [sflag:$0x3], $0xC80, s14, s13, $0x38;
	[tilespmem:$0x1F400] =	vst v63  }
0x11d: {  	_ =	swait.ge [sflag:s31], $0xC80  }
0x11e: {  	[sflag:s31] =	ssyncset.done $0x0  }
0x11f: {  	[sflag:s31] =	ssyncadd.s32 $0xFFFFF380  }
0x120: {  	_ =	swait.ge [sflag:s31], $0xC80  }
0x121: {  	[sflag:s31] =	ssyncset.done $0x0  }
0x122: {  	[sflag:s31] =	ssyncadd.s32 $0xFFFFF380  }
0x123: {  	_ =	swait.ge [sflag:s31], $0xC80  }
0x124: {  	[sflag:s31] =	ssyncset.done $0x0  }
0x125: {  	[sflag:s31] =	ssyncadd.s32 $0xFFFFF380  }
0x126: {  	_ =	swait.ge [sflag:s31], $0xC80  }
0x127: {  	[sflag:s31] =	ssyncset.done $0x0  }
0x128: {  	[sflag:s31] =	ssyncadd.s32 $0xFFFFF380  }
0x129: {  	_ =	swait.ge [sflag:s31], $0xC80  }
0x12a: {  	[sflag:s31] =	ssyncset.done $0x0  }
0x12b: {  	[sflag:s31] =	ssyncadd.s32 $0xFFFFF380  }
0x12c: {  	_ =	swait.ge [sflag:s31], $0xC80  }
0x12d: {  	[sflag:s31] =	ssyncset.done $0x0  }
0x12e: {  	[sflag:s31] =	ssyncadd.s32 $0xFFFFF380  }
0x12f: {  	_ =	swait.ge [sflag:s31], $0xC80  }
0x130: {  	[sflag:s31] =	ssyncset.done $0x0  }
0x131: {  	[sflag:s31] =	ssyncadd.s32 $0xFFFFF380  }
0x132: {  	_ =	swait.ge [sflag:s31], $0xC80  }
0x133: {  	[sflag:s31] =	ssyncset.done $0x0  }
0x134: {  	[sflag:s31] =	ssyncadd.s32 $0xFFFFF380  }
0x135: {  	_ =	swait.ge [sflag:s31], $0xC80  }
0x136: {  	[sflag:s31] =	ssyncset.done $0x0  }
0x137: {  	[sflag:s31] =	ssyncadd.s32 $0xFFFFF380  }
0x138: {  	_ =	swait.ge [sflag:s31], $0xC80  }
0x139: {  	[sflag:s31] =	ssyncset.done $0x0  }
0x13a: {  	[sflag:s31] =	ssyncadd.s32 $0xFFFFF380  }
0x13b: {  	_ =	swait.ge [sflag:s31], $0xC80  }
0x13c: {  	[sflag:s31] =	ssyncset.done $0x0  }
0x13d: {  	[sflag:s31] =	ssyncadd.s32 $0xFFFFF380  }
0x13e: {  	_ =	swait.ge [sflag:s31], $0xC80  }
0x13f: {  	[sflag:s31] =	ssyncset.done $0x0  }
0x140: {  	[sflag:s31] =	ssyncadd.s32 $0xFFFFF380  }
0x141: {  	_ =	swait.ge [sflag:s31], $0xC80  }
0x142: {  	[sflag:s31] =	ssyncset.done $0x0  }
0x143: {  	[sflag:s31] =	ssyncadd.s32 $0xFFFFF380  }
0x144: {  	_ =	swait.ge [sflag:s31], $0xC80  }
0x145: {  	[sflag:s31] =	ssyncset.done $0x0  }
0x146: {  	[sflag:s31] =	ssyncadd.s32 $0xFFFFF380  }
0x147: {  	_ =	swait.ge [sflag:s31], $0xC80  }
0x148: {  	[sflag:s31] =	ssyncset.done $0x0  }
0x149: {  	[sflag:s31] =	ssyncadd.s32 $0xFFFFF380  }
0x14a: {  	_ =	swait.ge [sflag:s31], $0xC80  }
0x14b: {  	[sflag:s31] =	ssyncset.done $0x0  }
0x14c: {  	s30 =	sadd.s32 $0xFFFFFCE0, s26;
	[sflag:s31] =	ssyncadd.s32 $0xFFFFF380  }
0x14d: {  	[tilespmem:s10], [sflag:$0x1] =	stream.indirect.gather [hbm4b:s3+s9], $0x40, s30, s9, $0xb8;
	[tilespmem:$0x1F400] =	vst v63  }
0x14e: {  	_ =	swait.ge [sflag:s1], $0xC800  }
0x14f: {  	[sflag:s1] =	ssyncset.done $0x0  }
0x150: {  	s2 =	sadd.s32 $0x3800, s29;
	[sflag:s1] =	ssyncadd.s32 $0xFFFF3800  }
0x151: {  	[hbm4b:s2+s13] =	stream.strided.scatter [tilespmem:s11], [sflag:$0x4], $0xC80, s14, s13, $0x38;
	[tilespmem:$0x1F400] =	vst v63  }
0x152: {  	s4 =	sadd.s32 $0x3B80, s29;
	s30 =	simm.s32 $0x13880  }
0x153: {  	[hbm4b:s4+s13] =	stream.strided.scatter [tilespmem:s30], [sflag:$0x4], $0xC80, s14, s13, $0x38;
	[tilespmem:$0x1F400] =	vst v63  }
0x154: {  	s2 =	rddreg [dreg:$0xe];
	s4 =	sadd.s32 $0x3F00, s29;
	s30 =	simm.s32 $0x14500  }
0x155: {  	[hbm4b:s4+s13] =	stream.strided.scatter [tilespmem:s30], [sflag:$0x4], $0xC80, s14, s13, $0x38;
	[tilespmem:$0x1F400] =	vst v63  }
0x156: {  	s29 =	rddreg [dreg:$0xd];
	s4 =	sadd.s32 s28, s2;
	s30 =	simm.s32 $0x15180  }
0x157: {  	[hbm4b:s4+s13] =	stream.strided.scatter [tilespmem:s30], [sflag:$0x4], $0xC80, s14, s13, $0x38;
	[tilespmem:$0x1F400] =	vst v63  }
0x158: {  	s2 =	rddreg [dreg:$0xc];
	s4 =	sadd.s32 s28, s29  }
0x159: {  	[hbm4b:s4+s13] =	stream.strided.scatter [tilespmem:s5], [sflag:$0x4], $0xC80, s14, s13, $0x38;
	[tilespmem:$0x1F400] =	vst v63  }
0x15a: {  	s30 =	rddreg [dreg:$0xb];
	s4 =	sadd.s32 s28, s2  }
0x15b: {  	[hbm4b:s4+s13] =	stream.strided.scatter [tilespmem:s6], [sflag:$0x4], $0xC80, s14, s13, $0x38;
	[tilespmem:$0x1F400] =	vst v63  }
0x15c: {  	s30 =	sadd.s32 s28, s30;
	s2 =	rddreg [dreg:$0xa]  }
0x15d: {  	[hbm4b:s30+s13] =	stream.strided.scatter [tilespmem:s7], [sflag:$0x4], $0xC80, s14, s13, $0x38;
	[tilespmem:$0x1F400] =	vst v63  }
0x15e: {  	s4 =	rddreg [dreg:$0x9];
	s30 =	sadd.s32 s28, s2  }
0x15f: {  	[hbm4b:s30+s13] =	stream.strided.scatter [tilespmem:s8], [sflag:$0x4], $0xC80, s14, s13, $0x38;
	[tilespmem:$0x1F400] =	vst v63  }
0x160: {  	s4 =	sadd.s32 s28, s4;
	s2 =	rddreg [dreg:$0x8]  }
0x161: {  	[hbm4b:s4+s13] =	stream.strided.scatter [tilespmem:s15], [sflag:$0x4], $0xC80, s14, s13, $0x38;
	[tilespmem:$0x1F400] =	vst v63  }
0x162: {  	s30 =	rddreg [dreg:$0x7];
	s4 =	sadd.s32 s28, s2  }
0x163: {  	[hbm4b:s4+s13] =	stream.strided.scatter [tilespmem:s16], [sflag:$0x4], $0xC80, s14, s13, $0x38;
	[tilespmem:$0x1F400] =	vst v63  }
0x164: {  	s30 =	sadd.s32 s28, s30;
	s2 =	rddreg [dreg:$0x6]  }
0x165: {  	[hbm4b:s30+s13] =	stream.strided.scatter [tilespmem:s17], [sflag:$0x4], $0xC80, s14, s13, $0x38;
	[tilespmem:$0x1F400] =	vst v63  }
0x166: {  	s4 =	rddreg [dreg:$0x5];
	s30 =	sadd.s32 s28, s2  }
0x167: {  	[hbm4b:s30+s13] =	stream.strided.scatter [tilespmem:s18], [sflag:$0x4], $0xC80, s14, s13, $0x38;
	[tilespmem:$0x1F400] =	vst v63  }
0x168: {  	s4 =	sadd.s32 s28, s4;
	s2 =	rddreg [dreg:$0x4]  }
0x169: {  	[hbm4b:s4+s13] =	stream.strided.scatter [tilespmem:s19], [sflag:$0x4], $0xC80, s14, s13, $0x38;
	[tilespmem:$0x1F400] =	vst v63  }
0x16a: {  	s2 =	sadd.s32 s28, s2;
	s30 =	rddreg [dreg:$0x3]  }
0x16b: {  	[hbm4b:s2+s13] =	stream.strided.scatter [tilespmem:s20], [sflag:$0x4], $0xC80, s14, s13, $0x38;
	[tilespmem:$0x1F400] =	vst v63  }
0x16c: {  	s29 =	sadd.s32 s28, s30;
	s4 =	rddreg [dreg:$0x2]  }
0x16d: {  	[hbm4b:s29+s13] =	stream.strided.scatter [tilespmem:s21], [sflag:$0x4], $0xC80, s14, s13, $0x38;
	[tilespmem:$0x1F400] =	vst v63  }
0x16e: {  	s30 =	sadd.s32 s28, s4  }
0x16f: {  	[hbm4b:s30+s13] =	stream.strided.scatter [tilespmem:s22], [sflag:$0x4], $0xC80, s14, s13, $0x38;
	[tilespmem:$0x1F400] =	vst v63  }
0x170: {  	_ =	swait.ge [sflag:s23], $0xC80  }
0x171: {  	[sflag:s23] =	ssyncset.done $0x0  }
0x172: {  	[sflag:s23] =	ssyncadd.s32 $0xFFFFF380  }
0x173: {  	_ =	swait.ge [sflag:s23], $0xC80  }
0x174: {  	[sflag:s23] =	ssyncset.done $0x0  }
0x175: {  	[sflag:s23] =	ssyncadd.s32 $0xFFFFF380  }
0x176: {  	_ =	swait.ge [sflag:s23], $0xC80  }
0x177: {  	[sflag:s23] =	ssyncset.done $0x0  }
0x178: {  	[sflag:s23] =	ssyncadd.s32 $0xFFFFF380  }
0x179: {  	_ =	swait.ge [sflag:s23], $0xC80  }
0x17a: {  	[sflag:s23] =	ssyncset.done $0x0  }
0x17b: {  	[sflag:s23] =	ssyncadd.s32 $0xFFFFF380  }
0x17c: {  	_ =	swait.ge [sflag:s23], $0xC80  }
0x17d: {  	[sflag:s23] =	ssyncset.done $0x0  }
0x17e: {  	[sflag:s23] =	ssyncadd.s32 $0xFFFFF380  }
0x17f: {  	_ =	swait.ge [sflag:s23], $0xC80  }
0x180: {  	[sflag:s23] =	ssyncset.done $0x0  }
0x181: {  	[sflag:s23] =	ssyncadd.s32 $0xFFFFF380  }
0x182: {  	_ =	swait.ge [sflag:s23], $0xC80  }
0x183: {  	[sflag:s23] =	ssyncset.done $0x0  }
0x184: {  	[sflag:s23] =	ssyncadd.s32 $0xFFFFF380  }
0x185: {  	_ =	swait.ge [sflag:s23], $0xC80  }
0x186: {  	[sflag:s23] =	ssyncset.done $0x0  }
0x187: {  	[sflag:s23] =	ssyncadd.s32 $0xFFFFF380  }
0x188: {  	_ =	swait.ge [sflag:s23], $0xC80  }
0x189: {  	[sflag:s23] =	ssyncset.done $0x0  }
0x18a: {  	[sflag:s23] =	ssyncadd.s32 $0xFFFFF380  }
0x18b: {  	_ =	swait.ge [sflag:s23], $0xC80  }
0x18c: {  	[sflag:s23] =	ssyncset.done $0x0  }
0x18d: {  	[sflag:s23] =	ssyncadd.s32 $0xFFFFF380  }
0x18e: {  	_ =	swait.ge [sflag:s23], $0xC80  }
0x18f: {  	[sflag:s23] =	ssyncset.done $0x0  }
0x190: {  	[sflag:s23] =	ssyncadd.s32 $0xFFFFF380  }
0x191: {  	_ =	swait.ge [sflag:s23], $0xC80  }
0x192: {  	[sflag:s23] =	ssyncset.done $0x0  }
0x193: {  	[sflag:s23] =	ssyncadd.s32 $0xFFFFF380  }
0x194: {  	_ =	swait.ge [sflag:s23], $0xC80  }
0x195: {  	[sflag:s23] =	ssyncset.done $0x0  }
0x196: {  	[sflag:s23] =	ssyncadd.s32 $0xFFFFF380  }
0x197: {  	_ =	swait.ge [sflag:s23], $0xC80  }
0x198: {  	[sflag:s23] =	ssyncset.done $0x0  }
0x199: {  	[sflag:s23] =	ssyncadd.s32 $0xFFFFF380  }
0x19a: {  	p0 =	sne.s32 s25, $0x62000;
	_ =	swait.ge [sflag:s23], $0xC80  }
.Ltmp0:
0x19b: {  	[sflag:s23] =	ssyncset.done $0x0;
	(pc) =	sbr.rel @p0 .LBB2_2-.Ltmp0, $4  }
0x19c: {  	[sflag:s23] =	ssyncadd.s32 $0xFFFFF380  }
0x19d: {  	_ =	swait.ge [sflag:s23], $0xC80  }
0x19e: {  	s24 =	smov.u32 s26;
	[sflag:s23] =	ssyncset.done $0x0  }
0x19f: {  	s25 =	sadd.s32 $0x7000, s25;
	s26 =	sadd.s32 $0x640, s26;
	[sflag:s23] =	ssyncadd.s32 $0xFFFFF380  }
0x1a0: {  	[tilespmem:s11], [sflag:$0x2] =	stream.indirect.gather [hbm4b:s3+s9], $0x40, s24, s9, $0xb8;
	[tilespmem:$0x1F400] =	vst v63  }
0x1a1: {  	_ =	swait.ge [sflag:s12], $0xC800  }
0x1a2: {  	[sflag:s12] =	ssyncset.done $0x0;
	s0 =	rddreg [dreg:$0x1c]  }
0x1a3: {  	s28 =	rddreg [dreg:$0x1d];
	[sflag:s12] =	ssyncadd.s32 $0xFFFF3800  }
0x1a4: {  	[hbm4b:s0+s13] =	stream.strided.scatter [tilespmem:s10], [sflag:$0x3], $0xC80, s14, s13, $0x38;
	[tilespmem:$0x1F400] =	vst v63  }
0x1a5: {  	s2 =	simm.s32 $0x7080;
	s29 =	rddreg [dreg:$0x1e]  }
0x1a6: {  	[hbm4b:s28+s13] =	stream.strided.scatter [tilespmem:s2], [sflag:$0x3], $0xC80, s14, s13, $0x38;
	[tilespmem:$0x1F400] =	vst v63  }
0x1a7: {  	s30 =	simm.s32 $0x7D00;
	s24 =	sld [smem:$0x7E1]  }
0x1a8: {  	[hbm4b:s29+s13] =	stream.strided.scatter [tilespmem:s30], [sflag:$0x3], $0xC80, s14, s13, $0x38;
	[tilespmem:$0x1F400] =	vst v63  }
0x1a9: {  	s4 =	simm.s32 $0x8980;
	s2 =	rddreg [dreg:$0x1f]  }
0x1aa: {  	[hbm4b:s2+s13] =	stream.strided.scatter [tilespmem:s4], [sflag:$0x3], $0xC80, s14, s13, $0x38;
	[tilespmem:$0x1F400] =	vst v63  }
0x1ab: {  	s25 =	simm.s32 $0x9600;
	s26 =	sld [smem:$0x7E2]  }
0x1ac: {  	[hbm4b:s24+s13] =	stream.strided.scatter [tilespmem:s25], [sflag:$0x3], $0xC80, s14, s13, $0x38;
	[tilespmem:$0x1F400] =	vst v63  }
0x1ad: {  	s28 =	simm.s32 $0xA280;
	s29 =	sld [smem:$0x7E3]  }
0x1ae: {  	[hbm4b:s26+s13] =	stream.strided.scatter [tilespmem:s28], [sflag:$0x3], $0xC80, s14, s13, $0x38;
	[tilespmem:$0x1F400] =	vst v63  }
0x1af: {  	s30 =	simm.s32 $0xAF00;
	s2 =	sld [smem:$0x7E4]  }
0x1b0: {  	[hbm4b:s29+s13] =	stream.strided.scatter [tilespmem:s30], [sflag:$0x3], $0xC80, s14, s13, $0x38;
	[tilespmem:$0x1F400] =	vst v63  }
0x1b1: {  	s4 =	simm.s32 $0xBB80;
	s24 =	sld [smem:$0x7E5]  }
0x1b2: {  	[hbm4b:s2+s13] =	stream.strided.scatter [tilespmem:s4], [sflag:$0x3], $0xC80, s14, s13, $0x38;
	[tilespmem:$0x1F400] =	vst v63  }
0x1b3: {  	s25 =	simm.s32 $0xC800;
	s26 =	sld [smem:$0x7E6]  }
0x1b4: {  	[hbm4b:s24+s13] =	stream.strided.scatter [tilespmem:s25], [sflag:$0x3], $0xC80, s14, s13, $0x38;
	[tilespmem:$0x1F400] =	vst v63  }
0x1b5: {  	s28 =	simm.s32 $0xD480;
	s29 =	sld [smem:$0x7E7]  }
0x1b6: {  	[hbm4b:s26+s13] =	stream.strided.scatter [tilespmem:s28], [sflag:$0x3], $0xC80, s14, s13, $0x38;
	[tilespmem:$0x1F400] =	vst v63  }
0x1b7: {  	s30 =	simm.s32 $0xE100;
	s2 =	sld [smem:$0x7E8]  }
0x1b8: {  	[hbm4b:s29+s13] =	stream.strided.scatter [tilespmem:s30], [sflag:$0x3], $0xC80, s14, s13, $0x38;
	[tilespmem:$0x1F400] =	vst v63  }
0x1b9: {  	s4 =	simm.s32 $0xED80;
	s24 =	sld [smem:$0x7E9]  }
0x1ba: {  	[hbm4b:s2+s13] =	stream.strided.scatter [tilespmem:s4], [sflag:$0x3], $0xC80, s14, s13, $0x38;
	[tilespmem:$0x1F400] =	vst v63  }
0x1bb: {  	s25 =	simm.s32 $0xFA00;
	s26 =	sld [smem:$0x7EA]  }
0x1bc: {  	[hbm4b:s24+s13] =	stream.strided.scatter [tilespmem:s25], [sflag:$0x3], $0xC80, s14, s13, $0x38;
	[tilespmem:$0x1F400] =	vst v63  }
0x1bd: {  	s28 =	simm.s32 $0x10680;
	s29 =	sld [smem:$0x7EB]  }
0x1be: {  	[hbm4b:s26+s13] =	stream.strided.scatter [tilespmem:s28], [sflag:$0x3], $0xC80, s14, s13, $0x38;
	[tilespmem:$0x1F400] =	vst v63  }
0x1bf: {  	s30 =	simm.s32 $0x11300;
	s4 =	sld [smem:$0x7EC]  }
0x1c0: {  	[hbm4b:s29+s13] =	stream.strided.scatter [tilespmem:s30], [sflag:$0x3], $0xC80, s14, s13, $0x38;
	[tilespmem:$0x1F400] =	vst v63  }
0x1c1: {  	s24 =	simm.s32 $0x11F80  }
0x1c2: {  	[hbm4b:s4+s13] =	stream.strided.scatter [tilespmem:s24], [sflag:$0x3], $0xC80, s14, s13, $0x38;
	[tilespmem:$0x1F400] =	vst v63  }
0x1c3: {  	_ =	swait.ge [sflag:s1], $0xC800  }
0x1c4: {  	s25 =	sld [smem:$0x7ED]  }
0x1c5: {  	[sflag:s1] =	ssyncset.done $0x0  }
0x1c6: {  	s26 =	sld [smem:$0x7EE];
	[sflag:s1] =	ssyncadd.s32 $0xFFFF3800  }
0x1c7: {  	[hbm4b:s25+s13] =	stream.strided.scatter [tilespmem:s11], [sflag:$0x4], $0xC80, s14, s13, $0x38;
	[tilespmem:$0x1F400] =	vst v63  }
0x1c8: {  	s28 =	simm.s32 $0x13880;
	s29 =	sld [smem:$0x7EF]  }
0x1c9: {  	[hbm4b:s26+s13] =	stream.strided.scatter [tilespmem:s28], [sflag:$0x4], $0xC80, s14, s13, $0x38;
	[tilespmem:$0x1F400] =	vst v63  }
0x1ca: {  	s30 =	simm.s32 $0x14500;
	s2 =	sld [smem:$0x7F0]  }
0x1cb: {  	[hbm4b:s29+s13] =	stream.strided.scatter [tilespmem:s30], [sflag:$0x4], $0xC80, s14, s13, $0x38;
	[tilespmem:$0x1F400] =	vst v63  }
0x1cc: {  	s4 =	simm.s32 $0x15180;
	s24 =	sld [smem:$0x7F1]  }
0x1cd: {  	[hbm4b:s2+s13] =	stream.strided.scatter [tilespmem:s4], [sflag:$0x4], $0xC80, s14, s13, $0x38;
	[tilespmem:$0x1F400] =	vst v63  }
0x1ce: {  	s25 =	sld [smem:$0x7F2]  }
0x1cf: {  	[hbm4b:s24+s13] =	stream.strided.scatter [tilespmem:s5], [sflag:$0x4], $0xC80, s14, s13, $0x38;
	[tilespmem:$0x1F400] =	vst v63  }
0x1d0: {  	s26 =	sld [smem:$0x7F3]  }
0x1d1: {  	[hbm4b:s25+s13] =	stream.strided.scatter [tilespmem:s6], [sflag:$0x4], $0xC80, s14, s13, $0x38;
	[tilespmem:$0x1F400] =	vst v63  }
0x1d2: {  	s28 =	sld [smem:$0x7F4]  }
0x1d3: {  	[hbm4b:s26+s13] =	stream.strided.scatter [tilespmem:s7], [sflag:$0x4], $0xC80, s14, s13, $0x38;
	[tilespmem:$0x1F400] =	vst v63  }
0x1d4: {  	s29 =	sld [smem:$0x7F5]  }
0x1d5: {  	[hbm4b:s28+s13] =	stream.strided.scatter [tilespmem:s8], [sflag:$0x4], $0xC80, s14, s13, $0x38;
	[tilespmem:$0x1F400] =	vst v63  }
0x1d6: {  	s30 =	sld [smem:$0x7F6]  }
0x1d7: {  	[hbm4b:s29+s13] =	stream.strided.scatter [tilespmem:s15], [sflag:$0x4], $0xC80, s14, s13, $0x38;
	[tilespmem:$0x1F400] =	vst v63  }
0x1d8: {  	s2 =	sld [smem:$0x7F7]  }
0x1d9: {  	[hbm4b:s30+s13] =	stream.strided.scatter [tilespmem:s16], [sflag:$0x4], $0xC80, s14, s13, $0x38;
	[tilespmem:$0x1F400] =	vst v63  }
0x1da: {  	s4 =	sld [smem:$0x7F8]  }
0x1db: {  	[hbm4b:s2+s13] =	stream.strided.scatter [tilespmem:s17], [sflag:$0x4], $0xC80, s14, s13, $0x38;
	[tilespmem:$0x1F400] =	vst v63  }
0x1dc: {  	s24 =	sld [smem:$0x7F9]  }
0x1dd: {  	[hbm4b:s4+s13] =	stream.strided.scatter [tilespmem:s18], [sflag:$0x4], $0xC80, s14, s13, $0x38;
	[tilespmem:$0x1F400] =	vst v63  }
0x1de: {  	s25 =	sld [smem:$0x7FA]  }
0x1df: {  	[hbm4b:s24+s13] =	stream.strided.scatter [tilespmem:s19], [sflag:$0x4], $0xC80, s14, s13, $0x38;
	[tilespmem:$0x1F400] =	vst v63  }
0x1e0: {  	s26 =	sld [smem:$0x7FB]  }
0x1e1: {  	[hbm4b:s25+s13] =	stream.strided.scatter [tilespmem:s20], [sflag:$0x4], $0xC80, s14, s13, $0x38;
	[tilespmem:$0x1F400] =	vst v63  }
0x1e2: {  	s28 =	sld [smem:$0x7FC]  }
0x1e3: {  	[hbm4b:s26+s13] =	stream.strided.scatter [tilespmem:s21], [sflag:$0x4], $0xC80, s14, s13, $0x38;
	[tilespmem:$0x1F400] =	vst v63  }
0x1e4: {  	_ = 	snop  }
0x1e5: {  	[hbm4b:s28+s13] =	stream.strided.scatter [tilespmem:s22], [sflag:$0x4], $0xC80, s14, s13, $0x38;
	[tilespmem:$0x1F400] =	vst v63  }
0x1e6: {  	_ =	swait.ge [sflag:s31], $0xC80  }
0x1e7: {  	[sflag:s31] =	ssyncset.done $0x0  }
0x1e8: {  	[sflag:s31] =	ssyncadd.s32 $0xFFFFF380  }
0x1e9: {  	_ =	swait.ge [sflag:s31], $0xC80  }
0x1ea: {  	[sflag:s31] =	ssyncset.done $0x0  }
0x1eb: {  	[sflag:s31] =	ssyncadd.s32 $0xFFFFF380  }
0x1ec: {  	_ =	swait.ge [sflag:s31], $0xC80  }
0x1ed: {  	[sflag:s31] =	ssyncset.done $0x0  }
0x1ee: {  	[sflag:s31] =	ssyncadd.s32 $0xFFFFF380  }
0x1ef: {  	_ =	swait.ge [sflag:s31], $0xC80  }
0x1f0: {  	[sflag:s31] =	ssyncset.done $0x0  }
0x1f1: {  	[sflag:s31] =	ssyncadd.s32 $0xFFFFF380  }
0x1f2: {  	_ =	swait.ge [sflag:s31], $0xC80  }
0x1f3: {  	[sflag:s31] =	ssyncset.done $0x0  }
0x1f4: {  	[sflag:s31] =	ssyncadd.s32 $0xFFFFF380  }
0x1f5: {  	_ =	swait.ge [sflag:s31], $0xC80  }
0x1f6: {  	[sflag:s31] =	ssyncset.done $0x0  }
0x1f7: {  	[sflag:s31] =	ssyncadd.s32 $0xFFFFF380  }
0x1f8: {  	_ =	swait.ge [sflag:s31], $0xC80  }
0x1f9: {  	[sflag:s31] =	ssyncset.done $0x0  }
0x1fa: {  	[sflag:s31] =	ssyncadd.s32 $0xFFFFF380  }
0x1fb: {  	_ =	swait.ge [sflag:s31], $0xC80  }
0x1fc: {  	[sflag:s31] =	ssyncset.done $0x0  }
0x1fd: {  	[sflag:s31] =	ssyncadd.s32 $0xFFFFF380  }
0x1fe: {  	_ =	swait.ge [sflag:s31], $0xC80  }
0x1ff: {  	[sflag:s31] =	ssyncset.done $0x0  }
0x200: {  	[sflag:s31] =	ssyncadd.s32 $0xFFFFF380  }
0x201: {  	_ =	swait.ge [sflag:s31], $0xC80  }
0x202: {  	[sflag:s31] =	ssyncset.done $0x0  }
0x203: {  	[sflag:s31] =	ssyncadd.s32 $0xFFFFF380  }
0x204: {  	_ =	swait.ge [sflag:s31], $0xC80  }
0x205: {  	[sflag:s31] =	ssyncset.done $0x0  }
0x206: {  	[sflag:s31] =	ssyncadd.s32 $0xFFFFF380  }
0x207: {  	_ =	swait.ge [sflag:s31], $0xC80  }
0x208: {  	[sflag:s31] =	ssyncset.done $0x0  }
0x209: {  	[sflag:s31] =	ssyncadd.s32 $0xFFFFF380  }
0x20a: {  	_ =	swait.ge [sflag:s31], $0xC80  }
0x20b: {  	[sflag:s31] =	ssyncset.done $0x0  }
0x20c: {  	[sflag:s31] =	ssyncadd.s32 $0xFFFFF380  }
0x20d: {  	_ =	swait.ge [sflag:s31], $0xC80  }
0x20e: {  	[sflag:s31] =	ssyncset.done $0x0  }
0x20f: {  	[sflag:s31] =	ssyncadd.s32 $0xFFFFF380  }
0x210: {  	_ =	swait.ge [sflag:s31], $0xC80  }
0x211: {  	[sflag:s31] =	ssyncset.done $0x0  }
0x212: {  	[sflag:s31] =	ssyncadd.s32 $0xFFFFF380  }
0x213: {  	_ =	swait.ge [sflag:s31], $0xC80  }
0x214: {  	[sflag:s31] =	ssyncset.done $0x0  }
0x215: {  	[sflag:s31] =	ssyncadd.s32 $0xFFFFF380  }
0x216: {  	_ =	swait.ge [sflag:s23], $0xC80  }
0x217: {  	[sflag:s23] =	ssyncset.done $0x0  }
0x218: {  	[sflag:s23] =	ssyncadd.s32 $0xFFFFF380  }
0x219: {  	_ =	swait.ge [sflag:s23], $0xC80  }
0x21a: {  	[sflag:s23] =	ssyncset.done $0x0  }
0x21b: {  	[sflag:s23] =	ssyncadd.s32 $0xFFFFF380  }
0x21c: {  	_ =	swait.ge [sflag:s23], $0xC80  }
0x21d: {  	[sflag:s23] =	ssyncset.done $0x0  }
0x21e: {  	[sflag:s23] =	ssyncadd.s32 $0xFFFFF380  }
0x21f: {  	_ =	swait.ge [sflag:s23], $0xC80  }
0x220: {  	[sflag:s23] =	ssyncset.done $0x0  }
0x221: {  	[sflag:s23] =	ssyncadd.s32 $0xFFFFF380  }
0x222: {  	_ =	swait.ge [sflag:s23], $0xC80  }
0x223: {  	[sflag:s23] =	ssyncset.done $0x0  }
0x224: {  	[sflag:s23] =	ssyncadd.s32 $0xFFFFF380  }
0x225: {  	_ =	swait.ge [sflag:s23], $0xC80  }
0x226: {  	[sflag:s23] =	ssyncset.done $0x0  }
0x227: {  	[sflag:s23] =	ssyncadd.s32 $0xFFFFF380  }
0x228: {  	_ =	swait.ge [sflag:s23], $0xC80  }
0x229: {  	[sflag:s23] =	ssyncset.done $0x0  }
0x22a: {  	[sflag:s23] =	ssyncadd.s32 $0xFFFFF380  }
0x22b: {  	_ =	swait.ge [sflag:s23], $0xC80  }
0x22c: {  	[sflag:s23] =	ssyncset.done $0x0  }
0x22d: {  	[sflag:s23] =	ssyncadd.s32 $0xFFFFF380  }
0x22e: {  	_ =	swait.ge [sflag:s23], $0xC80  }
0x22f: {  	[sflag:s23] =	ssyncset.done $0x0  }
0x230: {  	[sflag:s23] =	ssyncadd.s32 $0xFFFFF380  }
0x231: {  	_ =	swait.ge [sflag:s23], $0xC80  }
0x232: {  	[sflag:s23] =	ssyncset.done $0x0  }
0x233: {  	[sflag:s23] =	ssyncadd.s32 $0xFFFFF380  }
0x234: {  	_ =	swait.ge [sflag:s23], $0xC80  }
0x235: {  	[sflag:s23] =	ssyncset.done $0x0  }
0x236: {  	[sflag:s23] =	ssyncadd.s32 $0xFFFFF380  }
0x237: {  	_ =	swait.ge [sflag:s23], $0xC80  }
0x238: {  	[sflag:s23] =	ssyncset.done $0x0  }
0x239: {  	[sflag:s23] =	ssyncadd.s32 $0xFFFFF380  }
0x23a: {  	_ =	swait.ge [sflag:s23], $0xC80  }
0x23b: {  	[sflag:s23] =	ssyncset.done $0x0  }
0x23c: {  	[sflag:s23] =	ssyncadd.s32 $0xFFFFF380  }
0x23d: {  	_ =	swait.ge [sflag:s23], $0xC80  }
0x23e: {  	[sflag:s23] =	ssyncset.done $0x0  }
0x23f: {  	[sflag:s23] =	ssyncadd.s32 $0xFFFFF380  }
0x240: {  	_ =	swait.ge [sflag:s23], $0xC80  }
0x241: {  	[sflag:s23] =	ssyncset.done $0x0  }
0x242: {  	[sflag:s23] =	ssyncadd.s32 $0xFFFFF380  }
0x243: {  	_ =	swait.ge [sflag:s23], $0xC80  }
0x244: {  	s29 =	sld [smem:$0x7E0]  }
0x245: {  	s30 =	sld [smem:$0x7FD];
	_ =	sdelay $0x1  }
0x246: {  	s2 =	sadd.s32 $0x1, s29  }
0x247: {  	p0 =	sne.s32 s2, s30  }
.Ltmp1:
0x248: {  	_ = 	snop;
	(pc) =	sbr.rel @p0 .LBB2_1-.Ltmp1, $3  }
0x249: {  	_ =	sdelay $0x1  }
0x24a: {  	[sflag:s23] =	ssyncset.done $0x0  }
0x24b: {  	[sflag:s23] =	ssyncadd.s32 $0xFFFFF380  }
0x24c: {  	_ =	sfence.sel $0x180000  }
0x24d: {  	[bflag:$0x0] =	sbarrier.arrive $0xFFFF  }
0x24e: {  	_ =	strace $0x90000047  }
0x24f: {  	s0 =	stileid.u32;
	[bflag:$0x2] =	sbarrier.arrive $0xFFFF  }
0x250: {  	p0 =	sne.s32 s0, $0x0;
	s0 =	rddreg [dreg:$0x1]  }
0x251: {  	s0 =	sadd.s32 @!p0 $0x100000, s0  }
0x252: {  	[sflag:s0] =	ssyncadd.tile.s32 @!p0 $0x1;
	_ =	shalt  }
.Lfunc_end2:
_tile_overlayer_lowered:
.L_overlay_start_2:
0x253: {  	(tag) =	ssettag $0x2  }
0x254: {  	s0 =	rddreg [dreg:$0x0];
	s2 =	stileid.u32  }
0x255: {  	s1 =	rddreg [dreg:$0x1];
	p0 =	sne.s32 s2, $0x0  }
0x256: {  	s3 =	rddreg [dreg:$0x2];
	[bflag:$0x3] =	sbarrier.arrive $0xFFFF;
	s2 =	simm.s32 @!p0 $0x1C05  }
0x257: {  	[timem:s3], [sflag:s2] =	dma.local @!p0 [hbm:s0], s1  }
0x258: {  	s0 =	simm.s32 @!p0 $0x5  }
0x259: {  	_ =	swait.ge @!p0 [sflag:s0], s1  }
0x25a: {  	s1 =	ssub.s32 @!p0 $0x0, s1;
	[sflag:s0] =	ssyncset.done @!p0 $0x0  }
0x25b: {  	[sflag:s0] =	ssyncadd.s32 @!p0 s1  }
0x25c: {  	[bflag:$0x3] =	sbarrier.arrive $0xFFFF  }
0x25d: {  	_ =	shalt  }

// kernel: sparse-core-data-format-call.cloned.1.call-start
scs
called_computation_lowered:
.L_overlay_start_0:
0x0: {  	s2 =	sld [smem:$0x3FD9]  }
0x1: {  	s3 =	sld [smem:$0x3FFE];
	_ =	sdelay $0x1  }
0x2: {  	s1 =	srdreg.scid  }
0x3: {  	s0 =	sand.u32 $0x1, s1  }
0x4: {  	s18 =	sshll.u32 s0, $0xA;
	s2 =	sadd.s32 s3, s2  }
0x5: {  	s2 =	sadd.s32 s2, s18  }
0x6: {  	[smem:$0x3FC6] =	sst s2  }
0x7: {  	_ = 	snop  }
0x8: {  	s2 =	sld [smem:$0x3FD0];
	(tm) =	ssettm $0x1  }
0x9: {  	s19 =	sld [smem:$0x3FFB];
	_ =	sdelay $0x3  }
0xa: {  	_ =	strace s19  }
0xb: {  	s3 =	sld [smem:$0x3FFC];
	_ =	sdelay $0x3  }
0xc: {  	_ =	strace s3  }
0xd: {  	s3 =	sld [smem:$0x3FFD];
	_ =	sdelay $0x3  }
0xe: {  	_ =	strace s3  }
0xf: {  	_ =	strace $0x8FFFFFFF  }
0x10: {  	s20 =	sld [smem:$0x3FDB];
	_ =	sdelay $0x1  }
0x11: {  	s4 =	simm.s32 $_scs_section_size  }
0x12: {  	s5 =	simm.s32 $_size__tile_overlayer_lowered;
	s6 =	simm.s32 $_tile_overlayer_lowered  }
0x13: {  	s23 =	simm.s32 $0x1BFF;
	s22 =	sshll.u32 s6, $0x1;
	s3 =	sadd.s32 s4, s20  }
0x14: {  	s7 =	simm.s32 $0x0;
	s21 =	sshll.u32 s5, $0x1;
	s5 =	sadd.s32 s22, s3  }
0x15: {  	[timem:s7], [sflag:s23] =	dma.local [hbm:s5], s21  }
0x16: {  	_ =	swait.ge [sflag:s23], s21  }
0x17: {  	s4 =	ssub.s32 $0x0, s21;
	[sflag:s23] =	ssyncset.done $0x0  }
0x18: {  	[sflag:s23] =	ssyncadd.s32 s4;
	_ =	sdelay $0x1  }
0x19: {  	s24 =	simm.s32 $0x1B8B  }
0x1a: {  	_ =	swait.ge [sflag:s24], $0x1  }
0x1b: {  	[sflag:s24] =	ssyncset.done $0x0  }
0x1c: {  	s26 =	simm.s32 $0x1B8E;
	s25 =	sld [smem:$0x3FFE];
	[sflag:s24] =	ssyncadd.s32 $0xFFFFFFFF  }
0x1d: {  	s27 =	simm.s32 $execute0_lowered;
	[smem:$0x3FD2] =	sst s26  }
0x1e: {  	s5 =	sshll.u32 s27, $0x1;
	_ =	strace $0x80000049;
	[dreg:$0x1] =	wrdreg $0xFFFFFFFF  }
0x1f: {  	s28 =	simm.s32 $_size_execute0_lowered;
	s3 =	sadd.s32 s3, s5;
	[dreg:$0x0] =	wrdreg $0x0  }
0x20: {  	s5 =	sshll.u32 s28, $0x1;
	[dreg:$0x2] =	wrdreg s3  }
0x21: {  	[dreg:$0x3] =	wrdreg s5  }
0x22: {  	[dreg:$0x4] =	wrdreg $0xC0  }
0x23: {  	_ =	task [dreg:s7], $0x5FFFF  }
0x24: {  	[dreg:$0x1] =	wrdreg $0xFFFFFFFF  }
0x25: {  	[dreg:$0x0] =	wrdreg $0x60  }
0x26: {  	[dreg:$0x2] =	wrdreg s25  }
0x27: {  	[dreg:$0x3] =	wrdreg s2  }
0x28: {  	[dreg:$0x4] =	wrdreg $0x9  }
0x29: {  	_ =	task.clear_ibuf [dreg:s7], $0x5FFFF;
	_ =	strace $0x90000049  }
0x2a: {  	s29 =	simm.s32 $0x9;
	_ =	strace $0x8000004B  }
0x2b: {  	_ =	swait.ge [sflag:s29], $0x1  }
0x2c: {  	[sflag:s29] =	ssyncadd.s32 $0xFFFFFFFF  }
0x2d: {  	_ =	strace $0x9000004B  }
0x2e: {  	_ =	sfence  }
0x2f: {  	s30 =	sld [smem:$0x0];
	_ =	sdelay $0x2  }
0x30: {  	s31 =	sshll.u32 s1, $0xD;
	s1 =	sshrl.u32 s1, $0x2  }
0x31: {  	s3 =	sand.u32 $0x4000, s31;
	s1 =	sadd.s32 s1, s30  }
0x32: {  	s0 =	sor.u32 s3, s0;
	s1 =	sshll.u32 s1, $0x11  }
0x33: {  	s0 =	sor.u32 s1, s0  }
0x34: {  	s0 =	sadd.s32 $0x8F2B, s0  }
0x35: {  	[sflag:s0] =	ssyncadd.remote.s32 $0x1  }
0x36: {  	_ =	sfence.sel $0xFFFF  }
0x37: {  	[dreg:$0x0] =	wrdreg $0xFFFFFFFF;
	(pc) =	sbr.abs _section_cstart, $3  }
0x38: {  	[dreg:$0x1] =	wrdreg $0xFFFFFFFF  }
0x39: {  	_ =	task.clear_ibuf [dreg:s7], $0x2FFFF;
	_ =	strace $0x9FFFFFFF  }
0x3a: {  	(tm) =	ssettm $0x7FFFFFFF  }
0x3b: {  	_ =	shalt  }
tec
execute0_lowered:
.L_overlay_start_1:
0x0: {  	(tag) =	ssettag $0x1  }
0x1: {  	s0 =	srdreg.scid  }
0x2: {  	s1 =	sshll.u32 s0, $0x4  }
0x3: {  	s0 =	stileid.u32;
	s1 =	sand.u32 $0x10, s1  }
0x4: {  	s1 =	sor.u32 s0, s1  }
0x5: {  	s6 =	rddreg [dreg:$0x0];
	s4 =	simm.s32 $0x1;
	s2 =	sshll.u32 s1, $0x7  }
0x6: {  	s7 =	simm.s32 $0x2;
	s12 =	simm.s32 $0x0;
	s1 =	ssub.s32 $0x4000, s2  }
0x7: {  	s8 =	simm.s32 $0x20000;
	s13 =	simm.s32 $0x0;
	s3 =	sand.u32 $0xF80, s1  }
0x8: {  	s9 =	simm.s32 $0x0;
	s5 =	sshrl.u32 s1, $0xC;
	p0 =	sne.s32 s3, $0x0  }
.Ltmp0:
0x9: {  	s1 =	rddreg [dreg:$0x2];
	s4 =	simm.s32 @!p0 $0x0;
	(pc) =	sbr.rel .LBB1_1-.Ltmp0, $4  }
0xa: {  	s11 =	simm.s32 $0x0;
	s3 =	rddreg [dreg:$0x1];
	s5 =	sadd.s32 s4, s5  }
0xb: {  	_ =	strace $0x8000004A;
	s4 =	simm.s32 $0x1;
	s5 =	smul.u32 $0x32, s5  }
0xc: {  	s6 =	sadd.s32 $0xDCE00, s6;
	s10 =	smov.u32 s2;
	[sflag:s4] =	ssyncpa.u1 $0x0  }
0xd: {  	p0 =	por $0x0, $0x0;
	[sflag:s7] =	ssyncpa.u1 $0x0;
	s7 =	sor.u32 $0x1, s5  }
.LBB1_4:
0xe: {  	s16 =	sshll.u32 s13, $0x3;
	s17 =	sand.u32 $0x78, s13  }
0xf: {  	s30 =	sand.u32 $0x1F800, s13;
	s12 =	sshll.u32 s12, $0x11;
	s16 =	sand.u32 $0x3C00, s16  }
0x10: {  	[tilespmem:s15+$0x810 ss:$0x81] =	vst.msk $0xffff, v2;
	s31 =	sand.u32 $0x7, s13;
	s16 =	sor.u32 s17, s16;
	s17 =	sadd.s32 s3, s30  }
0x11: {  	[tilespmem:s15+$0x1020 ss:$0x81] =	vst.msk $0xffff, v0;
	s13 =	sshll.u32 s31, $0x12;
	s12 =	sadd.s32 s12, s17;
	s16 =	sshrl.u32 s16, $0x3  }
0x12: {  	[tilespmem:s15+$0x0 ss:$0x81] =	vst.msk $0xffff, v1;
	s13 =	sor.u32 $0x400, s13;
	s12 =	sadd.s32 s16, s12  }
0x13: {  	[hbm4b:s12+s13] =	stream.strided.scatter [tilespmem:s14], [sflag:$0x2], $0x2000, s8, s13, $0x20;
	[tilespmem:$0x8080] =	vst v63  }
.LBB1_5:
0x14: {  	s14 =	sadd.s32 $0x1, s9  }
0x15: {  	s12 =	sadd.s32 $0x1000, s10;
	s16 =	smov.u32 s10;
	p2 =	sgt.s32 s14, $0x31  }
0x16: {  	s16 =	smov.u32 @p2 s12  }
0x17: {  	s14 =	simm.s32 @p2 $0x0;
	p2 =	sgt.s32 s16, $0x3FFF  }
0x18: {  	s16 =	smov.u32 @p2 s2;
	p2 =	sne.s32 s11, s7  }
.Ltmp1:
0x19: {  	p1 =	slt.u32 s11, $0x2;
	(pc) =	sbr.rel @!p2 .LBB1_6-.Ltmp1, $4  }
0x1a: {  	s15 =	simm.s32 @!p1 $0x2  }
0x1b: {  	s13 =	smov.u32 s10;
	p0 =	por !p0, !p0;
	_ =	swait.ge @!p1 [sflag:s15], $0x2000  }
0x1c: {  	s12 =	smov.u32 s9;
	[sflag:s15] =	ssyncset.done @!p1 $0x0;
	s9 =	smov.u32 s14  }
0x1d: {  	s11 =	sadd.s32 $0x1, s11;
	[sflag:s15] =	ssyncadd.s32 @!p1 $0xFFFFE000;
	s10 =	smov.u32 s16  }
.LBB1_1:
0x1e: {  	p1 =	sge.u32 s11, s5  }
0x1f: {  	s14 =	sand.u32 @!p1 $0x1FFFFFF, s9  }
0x20: {  	s15 =	smulhi.u32 @!p1 $0x4924925, s14;
	_ =	sdelay $0x1  }
0x21: {  	s15 =	smul.u32 @!p1 $0x38, s15  }
0x22: {  	s16 =	sxor.u32 @!p1 $0xFFFFFFFF, s11;
	s17 =	smul.u32 @!p1 $0x380, s10  }
0x23: {  	s31 =	sadd.s32 $0xFFFFFFFF, s11;
	s16 =	sshll.u32 @!p1 s16, $0xD;
	s14 =	ssub.s32 @!p1 s14, s15  }
0x24: {  	s15 =	sand.u32 @!p1 $0x2000, s16;
	s16 =	sadd.s32 @!p1 s6, s17;
	s14 =	sshll.u32 @!p1 s14, $0x4  }
0x25: {  	s17 =	simm.s32 @!p1 $0x1C00;
	s14 =	sadd.s32 @!p1 s14, s16;
	s16 =	simm.s32 @!p1 $0x40  }
0x26: {  	[tilespmem:s15], [sflag:$0x1] =	stream.strided.gather @!p1 [hbm4b:s14+s16], $0x2000, s17, s16, $0x38;
	[tilespmem:$0x8080] =	vst v63  }
0x27: {  	p1 =	sge.u32 s31, s5  }
.Ltmp2:
0x28: {  	_ = 	snop;
	(pc) =	sbr.rel @p1 .LBB1_5-.Ltmp2, $1  }
0x29: {  	_ =	sdelay $0x3  }
0x2a: {  	s14 =	simm.s32 $0x1  }
0x2b: {  	_ =	swait.ge [sflag:s4], $0x2000;
	s14 =	simm.s32 @!p0 $0x0  }
0x2c: {  	[sflag:s4] =	ssyncset.done $0x0;
	s15 =	sshll.u32 s14, $0xD  }
0x2d: {  	[sflag:s4] =	ssyncadd.s32 $0xFFFFE000;
	s18 =	sor.u32 $0x20, s15  }
0x2e: {  	s14 =	smul.u32 $0x8100, s14;
	v3 =	vld [tilespmem:s18+$0x10]  }
0x2f: {  	s30 =	sand.u32 $0x1, s11;
	v2 =	vld [tilespmem:s18+$0xFFFFFFF0]  }
0x30: {  	s15 =	smul.u32 $0x8100, s30;
	s14 =	sshrl.u32 s14, $0x2;
	v0 =	vld [tilespmem:s18+$0x0]  }
0x31: {  	v1 =	vld [tilespmem:s18+$0xFFFFFFE0];
	s16 =	sor.u32 $0x4000, s14  }
0x32: {  	s31 =	sshrl.u32 s15, $0x2;
	s15 =	sadd.s32 $0x0, s16  }
0x33: {  	s17 =	simm.s32 $0x4;
	s18 =	sadd.s32 $0x40, s18;
	s14 =	sor.u32 $0x4000, s31;
	[tilespmem:s15+$0x1830 ss:$0x81] =	vst.msk $0xffff, v3  }
.LBB1_3:
0x34: {  	v3 =	vld [tilespmem:s18+$0x10];
	p1 =	sne.s32 s17, $0x1FC;
	[tilespmem:s15+$0x810 ss:$0x81] =	vst.msk $0xffff, v2;
	s19 =	smov.u32 s17;
	s17 =	sadd.s32 $0x4, s17  }
.Ltmp3:
0x35: {  	v2 =	vld [tilespmem:s18+$0xFFFFFFF0];
	[tilespmem:s15+$0x1020 ss:$0x81] =	vst.msk $0xffff, v0;
	(pc) =	sbr.rel @p1 .LBB1_3-.Ltmp3, $4  }
0x36: {  	v0 =	vld [tilespmem:s18+$0x0];
	[tilespmem:s15+$0x0 ss:$0x81] =	vst.msk $0xffff, v1  }
0x37: {  	s15 =	sshra.s32 s19, $0x2;
	v1 =	vld [tilespmem:s18+$0xFFFFFFE0]  }
0x38: {  	s15 =	sadd.s32 s15, s16  }
0x39: {  	s18 =	sadd.s32 $0x40, s18;
	[tilespmem:s15+$0x1830 ss:$0x81] =	vst.msk $0xffff, v3  }
.Ltmp4:
0x3a: {  	_ = 	snop;
	(pc) =	sbr.rel .LBB1_4-.Ltmp4, $1  }
0x3b: {  	_ =	sdelay $0x3  }
.LBB1_6:
0x3c: {  	_ =	sfence.sel $0x180000  }
0x3d: {  	s2 =	simm.s32 $0x1;
	[bflag:$0x0] =	sbarrier.arrive $0xFFFF  }
0x3e: {  	s31 =	simm.s32 $0x2;
	[sflag:s2] =	ssyncpa.u1 $0x1  }
0x3f: {  	[sflag:s31] =	ssyncpa.u1 $0x1  }
0x40: {  	p0 =	sne.s32 s0, $0x0;
	_ =	strace $0x9000004A  }
0x41: {  	s0 =	sadd.s32 @!p0 $0x100000, s1;
	[bflag:$0x2] =	sbarrier.arrive $0xFFFF  }
0x42: {  	[sflag:s0] =	ssyncadd.tile.s32 @!p0 $0x1;
	_ =	shalt  }
.Lfunc_end1:
_tile_overlayer_lowered:
.L_overlay_start_2:
0x43: {  	(tag) =	ssettag $0x2  }
0x44: {  	s0 =	rddreg [dreg:$0x0];
	s2 =	stileid.u32  }
0x45: {  	s1 =	rddreg [dreg:$0x1];
	p0 =	sne.s32 s2, $0x0  }
0x46: {  	s3 =	rddreg [dreg:$0x2];
	[bflag:$0x3] =	sbarrier.arrive $0xFFFF;
	s2 =	simm.s32 @!p0 $0x1C01  }
0x47: {  	[timem:s3], [sflag:s2] =	dma.local @!p0 [hbm:s0], s1  }
0x48: {  	s0 =	simm.s32 @!p0 $0x1  }
0x49: {  	_ =	swait.ge @!p0 [sflag:s0], s1  }
0x4a: {  	s1 =	ssub.s32 @!p0 $0x0, s1;
	[sflag:s0] =	ssyncset.done @!p0 $0x0  }
0x4b: {  	[sflag:s0] =	ssyncadd.s32 @!p0 s1  }
0x4c: {  	[bflag:$0x3] =	sbarrier.arrive $0xFFFF  }
0x4d: {  	_ =	shalt  }

</sc_bundles>
